<compile_context>
chip_gen: v7x
topology: tpu7x:2x2x1
jax: 0.10.2.dev20260603
libtpu: 0.0.44.dev20260713+nightly
codegen_flags: <defaults>
</compile_context>

<pallas_src>
import functools

import jax
import jax.numpy as jnp
from jax import lax
from jax.experimental import pallas as pl
from jax.experimental.pallas import tpu as pltpu
from jax.experimental.pallas import tpu_sc as plsc

N = 10000
NP = 10240
E = 320000
D = 128
HID = 128
C = 64
HD = D // 2

NC = 2
NT = 16
EPT = E // NT
KB = 80
NB = EPT // KB
NCH = 5
CH = NB // NCH
RPT = NP // NT
ZR = 8
DEG_CHUNK = 2 * E // (NC * NT)

_mesh = plsc.VectorSubcoreMesh(core_axis_name="c", subcore_axis_name="s")


@functools.partial(
    pl.kernel,
    mesh=_mesh,
    out_type=jax.ShapeDtypeStruct((NC * NT * N,), jnp.float32),
    scratch_types=[
        pltpu.VMEM((DEG_CHUNK,), jnp.int32),
        pltpu.VMEM((N,), jnp.float32),
    ],
    compiler_params=pltpu.CompilerParams(needs_layout_passes=False),
)
def _deg_kernel(idx_hbm, out_hbm, idxv, cnt):
    c = lax.axis_index("c")
    s = lax.axis_index("s")
    w = c * NT + s
    pltpu.sync_copy(
        idx_hbm.at[pl.ds(pl.multiple_of(w * DEG_CHUNK, 8), DEG_CHUNK)], idxv)
    z16 = jnp.zeros((16,), jnp.float32)
    ones16 = jnp.ones((16,), jnp.float32)

    def zbody(i, carry):
        cnt[pl.ds(i * 16, 16)] = z16
        return carry

    lax.fori_loop(0, N // 16, zbody, 0)

    def body(i, carry):
        iv = idxv[pl.ds(i * 16, 16)]
        plsc.addupdate_scatter(cnt, [iv], ones16)
        return carry

    lax.fori_loop(0, DEG_CHUNK // 16, body, 0)
    pltpu.sync_copy(cnt, out_hbm.at[pl.ds(pl.multiple_of(w * N, 8), N)])


@functools.partial(
    pl.kernel,
    mesh=_mesh,
    out_type=[
        jax.ShapeDtypeStruct((NP, HD), jnp.float32),
        jax.ShapeDtypeStruct((NP, HD), jnp.float32),
    ],
    scratch_types=[
        pltpu.VMEM((CH, KB), jnp.int32),
        pltpu.VMEM((CH, KB), jnp.int32),
        pltpu.VMEM((2, KB, HD), jnp.float32),
        pltpu.VMEM((ZR, HD), jnp.float32),
        pltpu.VMEM_SHARED((NP, HD), jnp.float32),
        pltpu.SemaphoreType.DMA,
        pltpu.SemaphoreType.DMA,
        pltpu.SemaphoreType.DMA,
        pltpu.SemaphoreType.DMA,
    ],
    compiler_params=pltpu.CompilerParams(use_tc_tiling_on_sc=False),
)
def _prop_kernel(srcb, dstb, qlo, qhi, slo, shi,
                 srcv, dstv, rows, zv, acc, sem0, sem1, sem2, sem3):
    c = lax.axis_index("c")
    s = lax.axis_index("s")

    z16 = jnp.zeros((16,), jnp.float32)
    for r in range(ZR):
        for cc in range(HD // 16):
            zv[r, cc * 16:(cc + 1) * 16] = z16

    def zcopy(j, carry):
        pltpu.sync_copy(
            zv, acc.at[pl.ds(pl.multiple_of(s * RPT + j * ZR, 8), ZR)])
        return carry

    lax.fori_loop(0, RPT // ZR, zcopy, 0)
    plsc.subcore_barrier()

    sems = (sem0, sem1)
    ssems = (sem2, sem3)

    def run_edges(q, out):
        def gather(b, slot):
            return pltpu.make_async_copy(
                q.at[srcv.at[b]], rows.at[slot], sems[slot])

        def scatter(b, slot):
            return pltpu.make_async_copy(
                rows.at[slot], acc.at[dstv.at[b]], ssems[slot])

        def chunk_body(ch, carry):
            cb = pl.multiple_of(ch * CH, 2)
            pltpu.sync_copy(srcb.at[s, pl.ds(cb, CH)], srcv)
            pltpu.sync_copy(dstb.at[s, pl.ds(cb, CH)], dstv)
            gather(0, 0).start()

            def pair_body(g, carry2):
                for j in range(2):
                    b = g * 2 + j
                    nxt = b + 1

                    @pl.when(nxt < CH)
                    def _():
                        @pl.when(b >= 1)
                        def _():
                            scatter(0, 1 - j).wait()

                        gather(nxt, 1 - j).start()

                    gather(0, j).wait()
                    scatter(b, j).start(add=True)
                return carry2

            lax.fori_loop(0, CH // 2, pair_body, 0)
            scatter(0, 0).wait()
            scatter(0, 1).wait()
            return carry

        lax.fori_loop(0, NCH, chunk_body, 0)
        plsc.subcore_barrier()
        base = pl.multiple_of(s * RPT, 8)
        pltpu.sync_copy(acc.at[pl.ds(base, RPT)], out.at[pl.ds(base, RPT)])

    @pl.when(c == 0)
    def _():
        run_edges(qlo, slo)

    @pl.when(c == 1)
    def _():
        run_edges(qhi, shi)


def _dinv_body(degp_ref, dinv_ref, dinv2_ref):
    deg = jnp.sum(degp_ref[...], axis=0)
    dv = lax.rsqrt(jnp.clip(deg, 1.0, None))
    dinv_ref[...] = dv
    dinv2_ref[...] = dv * dv


_dinv_kernel = pl.pallas_call(
    _dinv_body,
    out_shape=[jax.ShapeDtypeStruct((N,), jnp.float32)] * 2,
)

BR = 2000


def _scale_x_body(x_ref, dv_ref, qlo_ref, qhi_ref):
    q = x_ref[...] * dv_ref[...]
    qlo_ref[...] = q[:, :HD]
    qhi_ref[...] = q[:, HD:]


_scale_x = pl.pallas_call(
    _scale_x_body,
    grid=(N // BR,),
    in_specs=[
        pl.BlockSpec((BR, D), lambda i: (i, 0)),
        pl.BlockSpec((BR, 1), lambda i: (i, 0)),
    ],
    out_specs=[pl.BlockSpec((BR, HD), lambda i: (i, 0))] * 2,
    out_shape=[jax.ShapeDtypeStruct((N, HD), jnp.float32)] * 2,
)


def _scale_s_body(sl_ref, sh_ref, dv2_ref, qlo_ref, qhi_ref):
    dv2 = dv2_ref[...]
    qlo_ref[...] = sl_ref[...] * dv2
    qhi_ref[...] = sh_ref[...] * dv2


_scale_s = pl.pallas_call(
    _scale_s_body,
    grid=(N // BR,),
    in_specs=[
        pl.BlockSpec((BR, HD), lambda i: (i, 0)),
        pl.BlockSpec((BR, HD), lambda i: (i, 0)),
        pl.BlockSpec((BR, 1), lambda i: (i, 0)),
    ],
    out_specs=[pl.BlockSpec((BR, HD), lambda i: (i, 0))] * 2,
    out_shape=[jax.ShapeDtypeStruct((N, HD), jnp.float32)] * 2,
)


def _final_body(s1l, s1h, s2l, s2h, s3l, s3h, dv_ref,
                w1_ref, w2_ref, w3_ref, wd_ref, bd_ref, out_ref):
    dv = dv_ref[...]

    def head(sl, sh, w_ref, wd0):
        h = jnp.dot(sl[...] * dv, w_ref[:HD, :],
                    preferred_element_type=jnp.float32,
                    precision=lax.Precision.HIGHEST)
        h += jnp.dot(sh[...] * dv, w_ref[HD:, :],
                     preferred_element_type=jnp.float32,
                     precision=lax.Precision.HIGHEST)
        h = jnp.maximum(h, 0.0)
        return jnp.dot(h, wd_ref[wd0:wd0 + HID, :],
                       preferred_element_type=jnp.float32,
                       precision=lax.Precision.HIGHEST)

    out = head(s1l, s1h, w1_ref, 0)
    out += head(s2l, s2h, w2_ref, HID)
    out += head(s3l, s3h, w3_ref, 2 * HID)
    out_ref[...] = out + bd_ref[...]


_final_kernel = pl.pallas_call(
    _final_body,
    grid=(N // BR,),
    in_specs=[pl.BlockSpec((BR, HD), lambda i: (i, 0))] * 6 + [
        pl.BlockSpec((BR, 1), lambda i: (i, 0)),
        pl.BlockSpec((D, HID), lambda i: (0, 0)),
        pl.BlockSpec((D, HID), lambda i: (0, 0)),
        pl.BlockSpec((D, HID), lambda i: (0, 0)),
        pl.BlockSpec((3 * HID, C), lambda i: (0, 0)),
        pl.BlockSpec((1, C), lambda i: (0, 0)),
    ],
    out_specs=pl.BlockSpec((BR, C), lambda i: (i, 0)),
    out_shape=jax.ShapeDtypeStruct((N, C), jnp.float32),
)


def kernel(x, edge_index, W1, W2, W3, Wd, bd):
    src = edge_index[0]
    dst = edge_index[1]
    allidx = jnp.concatenate([src, dst])
    srcb = src.reshape(NT, NB, KB)
    dstb = dst.reshape(NT, NB, KB)

    degp = _deg_kernel(allidx).reshape(NC * NT, N)
    dinv, dinv2 = _dinv_kernel(degp)
    dinv_c = dinv.reshape(N, 1)
    dinv2_c = dinv2.reshape(N, 1)

    q0l, q0h = _scale_x(x, dinv_c)
    s1l, s1h = _prop_kernel(srcb, dstb, q0l, q0h)
    q1l, q1h = _scale_s(s1l, s1h, dinv2_c)
    s2l, s2h = _prop_kernel(srcb, dstb, q1l, q1h)
    q2l, q2h = _scale_s(s2l, s2h, dinv2_c)
    s3l, s3h = _prop_kernel(srcb, dstb, q2l, q2h)

    return _final_kernel(s1l, s1h, s2l, s2h, s3l, s3h, dinv_c,
                         W1, W2, W3, Wd, bd.reshape(1, C))

# --- scband reference (transcript-rebuilt; emitter-appended) ---
"""Pipeline reference for scband-hogcn-49873160241363 (READ-ONLY COPY).

The authoritative reference and input builder live on the scoring server;
editing this copy changes nothing except your own understanding.
"""

import jax, jax.numpy as jnp
import numpy as np

N = 10000
E = 320000
D = 128
HID = 128
C = 64


def setup_inputs(seed: int = 0) -> dict:
    key = jax.random.key(seed)
    ks = jax.random.split(key, 8)
    x = jax.random.normal(ks[0], (N, D), dtype=jnp.float32)
    edge_index = jax.random.randint(ks[1], (2, E), 0, N, dtype=jnp.int32)
    s1 = 1.0 / np.sqrt(D)
    W1 = jax.random.normal(ks[2], (D, HID), dtype=jnp.float32) * s1
    W2 = jax.random.normal(ks[3], (D, HID), dtype=jnp.float32) * s1
    W3 = jax.random.normal(ks[4], (D, HID), dtype=jnp.float32) * s1
    Wd = jax.random.normal(ks[5], (3 * HID, C), dtype=jnp.float32) * (1.0 / np.sqrt(3 * HID))
    bd = jnp.zeros((C,), dtype=jnp.float32)
    return {"x": x, "edge_index": edge_index, "W1": W1, "W2": W2, "W3": W3, "Wd": Wd, "bd": bd}


def reference(x, edge_index, W1, W2, W3, Wd, bd):
    src = edge_index[0]
    dst = edge_index[1]
    # symmetric normalization D^{-1/2} A D^{-1/2}
    ones = jnp.ones((E,), dtype=jnp.float32)
    deg = jnp.zeros((N,), dtype=jnp.float32).at[dst].add(ones)
    deg = deg + jnp.zeros((N,), dtype=jnp.float32).at[src].add(ones)
    deg_inv_sqrt = 1.0 / jnp.sqrt(jnp.clip(deg, 1.0, None))
    norm = deg_inv_sqrt[src] * deg_inv_sqrt[dst]

    def prop(h):
        msgs = h[src] * norm[:, None]
        return jax.ops.segment_sum(msgs, dst, num_segments=N)

    # higher_order_gcl(feats, A, layers[i-1], order=i) == relu(A^i X W_i)
    h1 = jax.nn.relu(prop(x @ W1))
    h2 = jax.nn.relu(prop(prop(x @ W2)))
    h3 = jax.nn.relu(prop(prop(prop(x @ W3))))
    gcl = jnp.concatenate([h1, h2, h3], axis=1)
    logits = gcl @ Wd + bd
    return logits

if __name__ == "__main__":
    import jax
    _d = setup_inputs()
    print(jax.jit(kernel)(*tuple(_d.values())))

</pallas_src>

<mosaic_0001>
#map = affine_map<(d0, d1) -> (0, 0, 0)>
#map1 = affine_map<(d0, d1) -> (0, 0)>
module attributes {stable_mosaic.version = 14 : i64} {
  func.func @_prop_kernel(%arg0: i32, %arg1: i32, %arg2: memref<16x250x80xi32, #tpu.memory_space<hbm>>, %arg3: memref<16x250x80xi32, #tpu.memory_space<hbm>>, %arg4: memref<10000x64xf32, #tpu.memory_space<hbm>>, %arg5: memref<10000x64xf32, #tpu.memory_space<hbm>>, %arg6: memref<10240x64xf32, #tpu.memory_space<hbm>>, %arg7: memref<10240x64xf32, #tpu.memory_space<hbm>>, %arg8: memref<50x80xi32, #tpu.memory_space<vmem>>, %arg9: memref<50x80xi32, #tpu.memory_space<vmem>>, %arg10: memref<2x80x64xf32, #tpu.memory_space<vmem>>, %arg11: memref<8x64xf32, #tpu.memory_space<vmem>>, %arg12: memref<10240x64xf32, #tpu.memory_space<vmem_shared>>, %arg13: memref<!tpu.dma_semaphore, #tpu.memory_space<semaphore_mem>>, %arg14: memref<!tpu.dma_semaphore, #tpu.memory_space<semaphore_mem>>, %arg15: memref<!tpu.dma_semaphore, #tpu.memory_space<semaphore_mem>>, %arg16: memref<!tpu.dma_semaphore, #tpu.memory_space<semaphore_mem>>) attributes {dimension_semantics = [#tpu.dimension_semantics<core_parallel>, #tpu.dimension_semantics<subcore_parallel>], iteration_bounds = array<i64: 2, 16>, scalar_prefetch = 0 : i64, scratch_operands = 9 : i64, tpu.core_type = #tpu.core_type<sc_vector_subcore>, window_params = [{transform_indices = #map}, {transform_indices = #map}, {transform_indices = #map1}, {transform_indices = #map1}, {transform_indices = #map1}, {transform_indices = #map1}]} {
    %broadcast_in_dim3A = arith.constant 0.000000e+00 : f32
    %broadcast_in_dim3A_0 = vector.broadcast %broadcast_in_dim3A : f32 to vector<16xf32>
    %swap3A = arith.constant 0 : i32
    %swap3A_1 = arith.index_cast %swap3A : i32 to index
    %swap3A_2 = arith.constant 0 : index
    %swap3A_3 = tpu.vector_load %arg11[%swap3A_1, %swap3A_2] {strides = array<i32>} : memref<8x64xf32, #tpu.memory_space<vmem>>, vector<1x16xf32>,
    %swap3A_4 = vector.shape_cast %swap3A_3 : vector<1x16xf32> to vector<16xf32>
    %swap3A_5 = vector.shape_cast %broadcast_in_dim3A_0 : vector<16xf32> to vector<1x16xf32>
    tpu.vector_store %arg11[%swap3A_1, %swap3A_2], %swap3A_5 {strides = array<i32>} : memref<8x64xf32, #tpu.memory_space<vmem>>, vector<1x16xf32>,
    %swap3A_6 = arith.constant 0 : i32
    %swap3A_7 = arith.index_cast %swap3A_6 : i32 to index
    %swap3A_8 = arith.constant 16 : index
    %swap3A_9 = tpu.vector_load %arg11[%swap3A_7, %swap3A_8] {strides = array<i32>} : memref<8x64xf32, #tpu.memory_space<vmem>>, vector<1x16xf32>,
    %swap3A_10 = vector.shape_cast %swap3A_9 : vector<1x16xf32> to vector<16xf32>
    %swap3A_11 = vector.shape_cast %broadcast_in_dim3A_0 : vector<16xf32> to vector<1x16xf32>
    tpu.vector_store %arg11[%swap3A_7, %swap3A_8], %swap3A_11 {strides = array<i32>} : memref<8x64xf32, #tpu.memory_space<vmem>>, vector<1x16xf32>,
    %swap3A_12 = arith.constant 0 : i32
    %swap3A_13 = arith.index_cast %swap3A_12 : i32 to index
    %swap3A_14 = arith.constant 32 : index
    %swap3A_15 = tpu.vector_load %arg11[%swap3A_13, %swap3A_14] {strides = array<i32>} : memref<8x64xf32, #tpu.memory_space<vmem>>, vector<1x16xf32>,
    %swap3A_16 = vector.shape_cast %swap3A_15 : vector<1x16xf32> to vector<16xf32>
    %swap3A_17 = vector.shape_cast %broadcast_in_dim3A_0 : vector<16xf32> to vector<1x16xf32>
    tpu.vector_store %arg11[%swap3A_13, %swap3A_14], %swap3A_17 {strides = array<i32>} : memref<8x64xf32, #tpu.memory_space<vmem>>, vector<1x16xf32>,
    %swap3A_18 = arith.constant 0 : i32
    %swap3A_19 = arith.index_cast %swap3A_18 : i32 to index
    %swap3A_20 = arith.constant 48 : index
    %swap3A_21 = tpu.vector_load %arg11[%swap3A_19, %swap3A_20] {strides = array<i32>} : memref<8x64xf32, #tpu.memory_space<vmem>>, vector<1x16xf32>,
    %swap3A_22 = vector.shape_cast %swap3A_21 : vector<1x16xf32> to vector<16xf32>
    %swap3A_23 = vector.shape_cast %broadcast_in_dim3A_0 : vector<16xf32> to vector<1x16xf32>
    tpu.vector_store %arg11[%swap3A_19, %swap3A_20], %swap3A_23 {strides = array<i32>} : memref<8x64xf32, #tpu.memory_space<vmem>>, vector<1x16xf32>,
    %swap3A_24 = arith.constant 1 : i32
    %swap3A_25 = arith.index_cast %swap3A_24 : i32 to index
    %swap3A_26 = arith.constant 0 : index
    %swap3A_27 = tpu.vector_load %arg11[%swap3A_25, %swap3A_26] {strides = array<i32>} : memref<8x64xf32, #tpu.memory_space<vmem>>, vector<1x16xf32>,
    %swap3A_28 = vector.shape_cast %swap3A_27 : vector<1x16xf32> to vector<16xf32>
    %swap3A_29 = vector.shape_cast %broadcast_in_dim3A_0 : vector<16xf32> to vector<1x16xf32>
    tpu.vector_store %arg11[%swap3A_25, %swap3A_26], %swap3A_29 {strides = array<i32>} : memref<8x64xf32, #tpu.memory_space<vmem>>, vector<1x16xf32>,
    %swap3A_30 = arith.constant 1 : i32
    %swap3A_31 = arith.index_cast %swap3A_30 : i32 to index
    %swap3A_32 = arith.constant 16 : index
    %swap3A_33 = tpu.vector_load %arg11[%swap3A_31, %swap3A_32] {strides = array<i32>} : memref<8x64xf32, #tpu.memory_space<vmem>>, vector<1x16xf32>,
    %swap3A_34 = vector.shape_cast %swap3A_33 : vector<1x16xf32> to vector<16xf32>
    %swap3A_35 = vector.shape_cast %broadcast_in_dim3A_0 : vector<16xf32> to vector<1x16xf32>
    tpu.vector_store %arg11[%swap3A_31, %swap3A_32], %swap3A_35 {strides = array<i32>} : memref<8x64xf32, #tpu.memory_space<vmem>>, vector<1x16xf32>,
    %swap3A_36 = arith.constant 1 : i32
    %swap3A_37 = arith.index_cast %swap3A_36 : i32 to index
    %swap3A_38 = arith.constant 32 : index
    %swap3A_39 = tpu.vector_load %arg11[%swap3A_37, %swap3A_38] {strides = array<i32>} : memref<8x64xf32, #tpu.memory_space<vmem>>, vector<1x16xf32>,
    %swap3A_40 = vector.shape_cast %swap3A_39 : vector<1x16xf32> to vector<16xf32>
    %swap3A_41 = vector.shape_cast %broadcast_in_dim3A_0 : vector<16xf32> to vector<1x16xf32>
    tpu.vector_store %arg11[%swap3A_37, %swap3A_38], %swap3A_41 {strides = array<i32>} : memref<8x64xf32, #tpu.memory_space<vmem>>, vector<1x16xf32>,
    %swap3A_42 = arith.constant 1 : i32
    %swap3A_43 = arith.index_cast %swap3A_42 : i32 to index
    %swap3A_44 = arith.constant 48 : index
    %swap3A_45 = tpu.vector_load %arg11[%swap3A_43, %swap3A_44] {strides = array<i32>} : memref<8x64xf32, #tpu.memory_space<vmem>>, vector<1x16xf32>,
    %swap3A_46 = vector.shape_cast %swap3A_45 : vector<1x16xf32> to vector<16xf32>
    %swap3A_47 = vector.shape_cast %broadcast_in_dim3A_0 : vector<16xf32> to vector<1x16xf32>
    tpu.vector_store %arg11[%swap3A_43, %swap3A_44], %swap3A_47 {strides = array<i32>} : memref<8x64xf32, #tpu.memory_space<vmem>>, vector<1x16xf32>,
    %swap3A_48 = arith.constant 2 : i32
    %swap3A_49 = arith.index_cast %swap3A_48 : i32 to index
    %swap3A_50 = arith.constant 0 : index
    %swap3A_51 = tpu.vector_load %arg11[%swap3A_49, %swap3A_50] {strides = array<i32>} : memref<8x64xf32, #tpu.memory_space<vmem>>, vector<1x16xf32>,
    %swap3A_52 = vector.shape_cast %swap3A_51 : vector<1x16xf32> to vector<16xf32>
    %swap3A_53 = vector.shape_cast %broadcast_in_dim3A_0 : vector<16xf32> to vector<1x16xf32>
    tpu.vector_store %arg11[%swap3A_49, %swap3A_50], %swap3A_53 {strides = array<i32>} : memref<8x64xf32, #tpu.memory_space<vmem>>, vector<1x16xf32>,
    %swap3A_54 = arith.constant 2 : i32
    %swap3A_55 = arith.index_cast %swap3A_54 : i32 to index
    %swap3A_56 = arith.constant 16 : index
    %swap3A_57 = tpu.vector_load %arg11[%swap3A_55, %swap3A_56] {strides = array<i32>} : memref<8x64xf32, #tpu.memory_space<vmem>>, vector<1x16xf32>,
    %swap3A_58 = vector.shape_cast %swap3A_57 : vector<1x16xf32> to vector<16xf32>
    %swap3A_59 = vector.shape_cast %broadcast_in_dim3A_0 : vector<16xf32> to vector<1x16xf32>
    tpu.vector_store %arg11[%swap3A_55, %swap3A_56], %swap3A_59 {strides = array<i32>} : memref<8x64xf32, #tpu.memory_space<vmem>>, vector<1x16xf32>,
    %swap3A_60 = arith.constant 2 : i32
    %swap3A_61 = arith.index_cast %swap3A_60 : i32 to index
    %swap3A_62 = arith.constant 32 : index
    %swap3A_63 = tpu.vector_load %arg11[%swap3A_61, %swap3A_62] {strides = array<i32>} : memref<8x64xf32, #tpu.memory_space<vmem>>, vector<1x16xf32>,
    %swap3A_64 = vector.shape_cast %swap3A_63 : vector<1x16xf32> to vector<16xf32>
    %swap3A_65 = vector.shape_cast %broadcast_in_dim3A_0 : vector<16xf32> to vector<1x16xf32>
    tpu.vector_store %arg11[%swap3A_61, %swap3A_62], %swap3A_65 {strides = array<i32>} : memref<8x64xf32, #tpu.memory_space<vmem>>, vector<1x16xf32>,
    %swap3A_66 = arith.constant 2 : i32
    %swap3A_67 = arith.index_cast %swap3A_66 : i32 to index
    %swap3A_68 = arith.constant 48 : index
    %swap3A_69 = tpu.vector_load %arg11[%swap3A_67, %swap3A_68] {strides = array<i32>} : memref<8x64xf32, #tpu.memory_space<vmem>>, vector<1x16xf32>,
    %swap3A_70 = vector.shape_cast %swap3A_69 : vector<1x16xf32> to vector<16xf32>
    %swap3A_71 = vector.shape_cast %broadcast_in_dim3A_0 : vector<16xf32> to vector<1x16xf32>
    tpu.vector_store %arg11[%swap3A_67, %swap3A_68], %swap3A_71 {strides = array<i32>} : memref<8x64xf32, #tpu.memory_space<vmem>>, vector<1x16xf32>,
    %swap3A_72 = arith.constant 3 : i32
    %swap3A_73 = arith.index_cast %swap3A_72 : i32 to index
    %swap3A_74 = arith.constant 0 : index
    %swap3A_75 = tpu.vector_load %arg11[%swap3A_73, %swap3A_74] {strides = array<i32>} : memref<8x64xf32, #tpu.memory_space<vmem>>, vector<1x16xf32>,
    %swap3A_76 = vector.shape_cast %swap3A_75 : vector<1x16xf32> to vector<16xf32>
    %swap3A_77 = vector.shape_cast %broadcast_in_dim3A_0 : vector<16xf32> to vector<1x16xf32>
    tpu.vector_store %arg11[%swap3A_73, %swap3A_74], %swap3A_77 {strides = array<i32>} : memref<8x64xf32, #tpu.memory_space<vmem>>, vector<1x16xf32>,
    %swap3A_78 = arith.constant 3 : i32
    %swap3A_79 = arith.index_cast %swap3A_78 : i32 to index
    %swap3A_80 = arith.constant 16 : index
    %swap3A_81 = tpu.vector_load %arg11[%swap3A_79, %swap3A_80] {strides = array<i32>} : memref<8x64xf32, #tpu.memory_space<vmem>>, vector<1x16xf32>,
    %swap3A_82 = vector.shape_cast %swap3A_81 : vector<1x16xf32> to vector<16xf32>
    %swap3A_83 = vector.shape_cast %broadcast_in_dim3A_0 : vector<16xf32> to vector<1x16xf32>
    tpu.vector_store %arg11[%swap3A_79, %swap3A_80], %swap3A_83 {strides = array<i32>} : memref<8x64xf32, #tpu.memory_space<vmem>>, vector<1x16xf32>,
    %swap3A_84 = arith.constant 3 : i32
    %swap3A_85 = arith.index_cast %swap3A_84 : i32 to index
    %swap3A_86 = arith.constant 32 : index
    %swap3A_87 = tpu.vector_load %arg11[%swap3A_85, %swap3A_86] {strides = array<i32>} : memref<8x64xf32, #tpu.memory_space<vmem>>, vector<1x16xf32>,
    %swap3A_88 = vector.shape_cast %swap3A_87 : vector<1x16xf32> to vector<16xf32>
    %swap3A_89 = vector.shape_cast %broadcast_in_dim3A_0 : vector<16xf32> to vector<1x16xf32>
    tpu.vector_store %arg11[%swap3A_85, %swap3A_86], %swap3A_89 {strides = array<i32>} : memref<8x64xf32, #tpu.memory_space<vmem>>, vector<1x16xf32>,
    %swap3A_90 = arith.constant 3 : i32
    %swap3A_91 = arith.index_cast %swap3A_90 : i32 to index
    %swap3A_92 = arith.constant 48 : index
    %swap3A_93 = tpu.vector_load %arg11[%swap3A_91, %swap3A_92] {strides = array<i32>} : memref<8x64xf32, #tpu.memory_space<vmem>>, vector<1x16xf32>,
    %swap3A_94 = vector.shape_cast %swap3A_93 : vector<1x16xf32> to vector<16xf32>
    %swap3A_95 = vector.shape_cast %broadcast_in_dim3A_0 : vector<16xf32> to vector<1x16xf32>
    tpu.vector_store %arg11[%swap3A_91, %swap3A_92], %swap3A_95 {strides = array<i32>} : memref<8x64xf32, #tpu.memory_space<vmem>>, vector<1x16xf32>,
    %swap3A_96 = arith.constant 4 : i32
    %swap3A_97 = arith.index_cast %swap3A_96 : i32 to index
    %swap3A_98 = arith.constant 0 : index
    %swap3A_99 = tpu.vector_load %arg11[%swap3A_97, %swap3A_98] {strides = array<i32>} : memref<8x64xf32, #tpu.memory_space<vmem>>, vector<1x16xf32>,
    %swap3A_100 = vector.shape_cast %swap3A_99 : vector<1x16xf32> to vector<16xf32>
    %swap3A_101 = vector.shape_cast %broadcast_in_dim3A_0 : vector<16xf32> to vector<1x16xf32>
    tpu.vector_store %arg11[%swap3A_97, %swap3A_98], %swap3A_101 {strides = array<i32>} : memref<8x64xf32, #tpu.memory_space<vmem>>, vector<1x16xf32>,
    %swap3A_102 = arith.constant 4 : i32
    %swap3A_103 = arith.index_cast %swap3A_102 : i32 to index
    %swap3A_104 = arith.constant 16 : index
    %swap3A_105 = tpu.vector_load %arg11[%swap3A_103, %swap3A_104] {strides = array<i32>} : memref<8x64xf32, #tpu.memory_space<vmem>>, vector<1x16xf32>,
    %swap3A_106 = vector.shape_cast %swap3A_105 : vector<1x16xf32> to vector<16xf32>
    %swap3A_107 = vector.shape_cast %broadcast_in_dim3A_0 : vector<16xf32> to vector<1x16xf32>
    tpu.vector_store %arg11[%swap3A_103, %swap3A_104], %swap3A_107 {strides = array<i32>} : memref<8x64xf32, #tpu.memory_space<vmem>>, vector<1x16xf32>,
    %swap3A_108 = arith.constant 4 : i32
    %swap3A_109 = arith.index_cast %swap3A_108 : i32 to index
    %swap3A_110 = arith.constant 32 : index
    %swap3A_111 = tpu.vector_load %arg11[%swap3A_109, %swap3A_110] {strides = array<i32>} : memref<8x64xf32, #tpu.memory_space<vmem>>, vector<1x16xf32>,
    %swap3A_112 = vector.shape_cast %swap3A_111 : vector<1x16xf32> to vector<16xf32>
    %swap3A_113 = vector.shape_cast %broadcast_in_dim3A_0 : vector<16xf32> to vector<1x16xf32>
    tpu.vector_store %arg11[%swap3A_109, %swap3A_110], %swap3A_113 {strides = array<i32>} : memref<8x64xf32, #tpu.memory_space<vmem>>, vector<1x16xf32>,
    %swap3A_114 = arith.constant 4 : i32
    %swap3A_115 = arith.index_cast %swap3A_114 : i32 to index
    %swap3A_116 = arith.constant 48 : index
    %swap3A_117 = tpu.vector_load %arg11[%swap3A_115, %swap3A_116] {strides = array<i32>} : memref<8x64xf32, #tpu.memory_space<vmem>>, vector<1x16xf32>,
    %swap3A_118 = vector.shape_cast %swap3A_117 : vector<1x16xf32> to vector<16xf32>
    %swap3A_119 = vector.shape_cast %broadcast_in_dim3A_0 : vector<16xf32> to vector<1x16xf32>
    tpu.vector_store %arg11[%swap3A_115, %swap3A_116], %swap3A_119 {strides = array<i32>} : memref<8x64xf32, #tpu.memory_space<vmem>>, vector<1x16xf32>,
    %swap3A_120 = arith.constant 5 : i32
    %swap3A_121 = arith.index_cast %swap3A_120 : i32 to index
    %swap3A_122 = arith.constant 0 : index
    %swap3A_123 = tpu.vector_load %arg11[%swap3A_121, %swap3A_122] {strides = array<i32>} : memref<8x64xf32, #tpu.memory_space<vmem>>, vector<1x16xf32>,
    %swap3A_124 = vector.shape_cast %swap3A_123 : vector<1x16xf32> to vector<16xf32>
    %swap3A_125 = vector.shape_cast %broadcast_in_dim3A_0 : vector<16xf32> to vector<1x16xf32>
    tpu.vector_store %arg11[%swap3A_121, %swap3A_122], %swap3A_125 {strides = array<i32>} : memref<8x64xf32, #tpu.memory_space<vmem>>, vector<1x16xf32>,
    %swap3A_126 = arith.constant 5 : i32
    %swap3A_127 = arith.index_cast %swap3A_126 : i32 to index
    %swap3A_128 = arith.constant 16 : index
    %swap3A_129 = tpu.vector_load %arg11[%swap3A_127, %swap3A_128] {strides = array<i32>} : memref<8x64xf32, #tpu.memory_space<vmem>>, vector<1x16xf32>,
    %swap3A_130 = vector.shape_cast %swap3A_129 : vector<1x16xf32> to vector<16xf32>
    %swap3A_131 = vector.shape_cast %broadcast_in_dim3A_0 : vector<16xf32> to vector<1x16xf32>
    tpu.vector_store %arg11[%swap3A_127, %swap3A_128], %swap3A_131 {strides = array<i32>} : memref<8x64xf32, #tpu.memory_space<vmem>>, vector<1x16xf32>,
    %swap3A_132 = arith.constant 5 : i32
    %swap3A_133 = arith.index_cast %swap3A_132 : i32 to index
    %swap3A_134 = arith.constant 32 : index
    %swap3A_135 = tpu.vector_load %arg11[%swap3A_133, %swap3A_134] {strides = array<i32>} : memref<8x64xf32, #tpu.memory_space<vmem>>, vector<1x16xf32>,
    %swap3A_136 = vector.shape_cast %swap3A_135 : vector<1x16xf32> to vector<16xf32>
    %swap3A_137 = vector.shape_cast %broadcast_in_dim3A_0 : vector<16xf32> to vector<1x16xf32>
    tpu.vector_store %arg11[%swap3A_133, %swap3A_134], %swap3A_137 {strides = array<i32>} : memref<8x64xf32, #tpu.memory_space<vmem>>, vector<1x16xf32>,
    %swap3A_138 = arith.constant 5 : i32
    %swap3A_139 = arith.index_cast %swap3A_138 : i32 to index
    %swap3A_140 = arith.constant 48 : index
    %swap3A_141 = tpu.vector_load %arg11[%swap3A_139, %swap3A_140] {strides = array<i32>} : memref<8x64xf32, #tpu.memory_space<vmem>>, vector<1x16xf32>,
    %swap3A_142 = vector.shape_cast %swap3A_141 : vector<1x16xf32> to vector<16xf32>
    %swap3A_143 = vector.shape_cast %broadcast_in_dim3A_0 : vector<16xf32> to vector<1x16xf32>
    tpu.vector_store %arg11[%swap3A_139, %swap3A_140], %swap3A_143 {strides = array<i32>} : memref<8x64xf32, #tpu.memory_space<vmem>>, vector<1x16xf32>,
    %swap3A_144 = arith.constant 6 : i32
    %swap3A_145 = arith.index_cast %swap3A_144 : i32 to index
    %swap3A_146 = arith.constant 0 : index
    %swap3A_147 = tpu.vector_load %arg11[%swap3A_145, %swap3A_146] {strides = array<i32>} : memref<8x64xf32, #tpu.memory_space<vmem>>, vector<1x16xf32>,
    %swap3A_148 = vector.shape_cast %swap3A_147 : vector<1x16xf32> to vector<16xf32>
    %swap3A_149 = vector.shape_cast %broadcast_in_dim3A_0 : vector<16xf32> to vector<1x16xf32>
    tpu.vector_store %arg11[%swap3A_145, %swap3A_146], %swap3A_149 {strides = array<i32>} : memref<8x64xf32, #tpu.memory_space<vmem>>, vector<1x16xf32>,
    %swap3A_150 = arith.constant 6 : i32
    %swap3A_151 = arith.index_cast %swap3A_150 : i32 to index
    %swap3A_152 = arith.constant 16 : index
    %swap3A_153 = tpu.vector_load %arg11[%swap3A_151, %swap3A_152] {strides = array<i32>} : memref<8x64xf32, #tpu.memory_space<vmem>>, vector<1x16xf32>,
    %swap3A_154 = vector.shape_cast %swap3A_153 : vector<1x16xf32> to vector<16xf32>
    %swap3A_155 = vector.shape_cast %broadcast_in_dim3A_0 : vector<16xf32> to vector<1x16xf32>
    tpu.vector_store %arg11[%swap3A_151, %swap3A_152], %swap3A_155 {strides = array<i32>} : memref<8x64xf32, #tpu.memory_space<vmem>>, vector<1x16xf32>,
    %swap3A_156 = arith.constant 6 : i32
    %swap3A_157 = arith.index_cast %swap3A_156 : i32 to index
    %swap3A_158 = arith.constant 32 : index
    %swap3A_159 = tpu.vector_load %arg11[%swap3A_157, %swap3A_158] {strides = array<i32>} : memref<8x64xf32, #tpu.memory_space<vmem>>, vector<1x16xf32>,
    %swap3A_160 = vector.shape_cast %swap3A_159 : vector<1x16xf32> to vector<16xf32>
    %swap3A_161 = vector.shape_cast %broadcast_in_dim3A_0 : vector<16xf32> to vector<1x16xf32>
    tpu.vector_store %arg11[%swap3A_157, %swap3A_158], %swap3A_161 {strides = array<i32>} : memref<8x64xf32, #tpu.memory_space<vmem>>, vector<1x16xf32>,
    %swap3A_162 = arith.constant 6 : i32
    %swap3A_163 = arith.index_cast %swap3A_162 : i32 to index
    %swap3A_164 = arith.constant 48 : index
    %swap3A_165 = tpu.vector_load %arg11[%swap3A_163, %swap3A_164] {strides = array<i32>} : memref<8x64xf32, #tpu.memory_space<vmem>>, vector<1x16xf32>,
    %swap3A_166 = vector.shape_cast %swap3A_165 : vector<1x16xf32> to vector<16xf32>
    %swap3A_167 = vector.shape_cast %broadcast_in_dim3A_0 : vector<16xf32> to vector<1x16xf32>
    tpu.vector_store %arg11[%swap3A_163, %swap3A_164], %swap3A_167 {strides = array<i32>} : memref<8x64xf32, #tpu.memory_space<vmem>>, vector<1x16xf32>,
    %swap3A_168 = arith.constant 7 : i32
    %swap3A_169 = arith.index_cast %swap3A_168 : i32 to index
    %swap3A_170 = arith.constant 0 : index
    %swap3A_171 = tpu.vector_load %arg11[%swap3A_169, %swap3A_170] {strides = array<i32>} : memref<8x64xf32, #tpu.memory_space<vmem>>, vector<1x16xf32>,
    %swap3A_172 = vector.shape_cast %swap3A_171 : vector<1x16xf32> to vector<16xf32>
    %swap3A_173 = vector.shape_cast %broadcast_in_dim3A_0 : vector<16xf32> to vector<1x16xf32>
    tpu.vector_store %arg11[%swap3A_169, %swap3A_170], %swap3A_173 {strides = array<i32>} : memref<8x64xf32, #tpu.memory_space<vmem>>, vector<1x16xf32>,
    %swap3A_174 = arith.constant 7 : i32
    %swap3A_175 = arith.index_cast %swap3A_174 : i32 to index
    %swap3A_176 = arith.constant 16 : index
    %swap3A_177 = tpu.vector_load %arg11[%swap3A_175, %swap3A_176] {strides = array<i32>} : memref<8x64xf32, #tpu.memory_space<vmem>>, vector<1x16xf32>,
    %swap3A_178 = vector.shape_cast %swap3A_177 : vector<1x16xf32> to vector<16xf32>
    %swap3A_179 = vector.shape_cast %broadcast_in_dim3A_0 : vector<16xf32> to vector<1x16xf32>
    tpu.vector_store %arg11[%swap3A_175, %swap3A_176], %swap3A_179 {strides = array<i32>} : memref<8x64xf32, #tpu.memory_space<vmem>>, vector<1x16xf32>,
    %swap3A_180 = arith.constant 7 : i32
    %swap3A_181 = arith.index_cast %swap3A_180 : i32 to index
    %swap3A_182 = arith.constant 32 : index
    %swap3A_183 = tpu.vector_load %arg11[%swap3A_181, %swap3A_182] {strides = array<i32>} : memref<8x64xf32, #tpu.memory_space<vmem>>, vector<1x16xf32>,
    %swap3A_184 = vector.shape_cast %swap3A_183 : vector<1x16xf32> to vector<16xf32>
    %swap3A_185 = vector.shape_cast %broadcast_in_dim3A_0 : vector<16xf32> to vector<1x16xf32>
    tpu.vector_store %arg11[%swap3A_181, %swap3A_182], %swap3A_185 {strides = array<i32>} : memref<8x64xf32, #tpu.memory_space<vmem>>, vector<1x16xf32>,
    %swap3A_186 = arith.constant 7 : i32
    %swap3A_187 = arith.index_cast %swap3A_186 : i32 to index
    %swap3A_188 = arith.constant 48 : index
    %swap3A_189 = tpu.vector_load %arg11[%swap3A_187, %swap3A_188] {strides = array<i32>} : memref<8x64xf32, #tpu.memory_space<vmem>>, vector<1x16xf32>,
    %swap3A_190 = vector.shape_cast %swap3A_189 : vector<1x16xf32> to vector<16xf32>
    %swap3A_191 = vector.shape_cast %broadcast_in_dim3A_0 : vector<16xf32> to vector<1x16xf32>
    tpu.vector_store %arg11[%swap3A_187, %swap3A_188], %swap3A_191 {strides = array<i32>} : memref<8x64xf32, #tpu.memory_space<vmem>>, vector<1x16xf32>,
    %scan3A = arith.constant 0 : i32
    %scan3A_192 = arith.constant 0 : i32
    %scan3A_193 = arith.constant 80 : i32
    %scan3A_194 = arith.addi %scan3A_192, %scan3A_193 : i32
    %scan3A_195 = arith.constant 1 : i32
    scf.for %scan3A_204 = %scan3A_192 to %scan3A_194 step %scan3A_195  : i32 {
      %mul3A = arith.constant 640 : i32
      %mul3A_205 = arith.muli %arg1, %mul3A : i32
      %mul3A_206 = arith.constant 8 : i32
      %mul3A_207 = arith.muli %scan3A_204, %mul3A_206 : i32
      %add3A = arith.addi %mul3A_205, %mul3A_207 : i32
      %multiple_of3A = tpu.assume_multiple %add3A, 8 : i32
      "tpu.region"() ({
        %run_scoped3A = tpu.sem_alloc : memref<!tpu.dma_semaphore, #tpu.memory_space<semaphore_mem>>
        %dma_start3A = arith.constant 0 : i32
        %dma_start3A_208 = tpu.memref_slice %arg12[%multiple_of3A, %dma_start3A] : memref<10240x64xf32, #tpu.memory_space<vmem_shared>> -> memref<8x64xf32, #tpu.memory_space<vmem_shared>>
        %dma_start3A_209 = arith.constant 0 : i32
        %dma_start3A_210 = tpu.memref_slice %arg12[%multiple_of3A, %dma_start3A_209] : memref<10240x64xf32, #tpu.memory_space<vmem_shared>> -> memref<8x64xf32, #tpu.memory_space<vmem_shared>>
        tpu.enqueue_dma source(%arg11 : memref<8x64xf32, #tpu.memory_space<vmem>>) target(%dma_start3A_210 : memref<8x64xf32, #tpu.memory_space<vmem_shared>>) target_semaphore(%run_scoped3A : memref<!tpu.dma_semaphore, #tpu.memory_space<semaphore_mem>>)
        %dma_wait3A = arith.constant 0 : i32
        %dma_wait3A_211 = tpu.memref_slice %arg12[%multiple_of3A, %dma_wait3A] : memref<10240x64xf32, #tpu.memory_space<vmem_shared>> -> memref<8x64xf32, #tpu.memory_space<vmem_shared>>
        %dma_wait3A_212 = arith.constant 0 : i32
        %dma_wait3A_213 = tpu.memref_slice %arg12[%multiple_of3A, %dma_wait3A_212] : memref<10240x64xf32, #tpu.memory_space<vmem_shared>> -> memref<8x64xf32, #tpu.memory_space<vmem_shared>>
        tpu.wait_dma2 semaphore(%run_scoped3A : memref<!tpu.dma_semaphore, #tpu.memory_space<semaphore_mem>>) src(%arg11 : memref<8x64xf32, #tpu.memory_space<vmem>>) dst(%dma_wait3A_213 : memref<8x64xf32, #tpu.memory_space<vmem_shared>>)
        tpu.yield
      }) : () -> ()
    }
    %scan3A_196 = arith.constant 80 : i32
    %barrier3A = arith.constant 0 : index
    tpu.barrier barrier_id(%barrier3A)
    %eq3A = arith.constant 0 : i32
    %eq3A_197 = arith.cmpi eq, %arg0, %eq3A : i32
    %convert_element_type3A = arith.extui %eq3A_197 : i1 to i32
    %cond3A = arith.constant 0 : i32
    %cond3A_198 = arith.cmpi ne, %convert_element_type3A, %cond3A : i32
    scf.if %cond3A_198 {
      %scan3A_204 = arith.constant 0 : i32
      %scan3A_205 = arith.constant 0 : i32
      %scan3A_206 = arith.constant 5 : i32
      %scan3A_207 = arith.addi %scan3A_205, %scan3A_206 : i32
      %scan3A_208 = arith.constant 1 : i32
      scf.for %scan3A_212 = %scan3A_205 to %scan3A_207 step %scan3A_208  : i32 {
        %mul3A_213 = arith.constant 50 : i32
        %mul3A_214 = arith.muli %scan3A_212, %mul3A_213 : i32
        %multiple_of3A_215 = tpu.assume_multiple %mul3A_214, 2 : i32
        "tpu.region"() ({
          %run_scoped3A = tpu.sem_alloc : memref<!tpu.dma_semaphore, #tpu.memory_space<semaphore_mem>>
          %dma_start3A_256 = arith.constant 0 : i32
          %dma_start3A_257 = tpu.memref_slice %arg2[%arg1, %multiple_of3A_215, %dma_start3A_256] : memref<16x250x80xi32, #tpu.memory_space<hbm>> -> memref<1x50x80xi32, #tpu.memory_space<hbm>>
          %dma_start3A_258 = tpu.memref_squeeze %dma_start3A_257 : memref<1x50x80xi32, #tpu.memory_space<hbm>> -> memref<50x80xi32, #tpu.memory_space<hbm>>
          %dma_start3A_259 = arith.constant 0 : i32
          %dma_start3A_260 = tpu.memref_slice %arg2[%arg1, %multiple_of3A_215, %dma_start3A_259] : memref<16x250x80xi32, #tpu.memory_space<hbm>> -> memref<1x50x80xi32, #tpu.memory_space<hbm>>
          %dma_start3A_261 = tpu.memref_squeeze %dma_start3A_260 : memref<1x50x80xi32, #tpu.memory_space<hbm>> -> memref<50x80xi32, #tpu.memory_space<hbm>>
          tpu.enqueue_dma source(%dma_start3A_261 : memref<50x80xi32, #tpu.memory_space<hbm>>) target(%arg8 : memref<50x80xi32, #tpu.memory_space<vmem>>) target_semaphore(%run_scoped3A : memref<!tpu.dma_semaphore, #tpu.memory_space<semaphore_mem>>)
          %dma_wait3A_262 = arith.constant 0 : i32
          %dma_wait3A_263 = tpu.memref_slice %arg2[%arg1, %multiple_of3A_215, %dma_wait3A_262] : memref<16x250x80xi32, #tpu.memory_space<hbm>> -> memref<1x50x80xi32, #tpu.memory_space<hbm>>
          %dma_wait3A_264 = tpu.memref_squeeze %dma_wait3A_263 : memref<1x50x80xi32, #tpu.memory_space<hbm>> -> memref<50x80xi32, #tpu.memory_space<hbm>>
          %dma_wait3A_265 = arith.constant 0 : i32
          %dma_wait3A_266 = tpu.memref_slice %arg2[%arg1, %multiple_of3A_215, %dma_wait3A_265] : memref<16x250x80xi32, #tpu.memory_space<hbm>> -> memref<1x50x80xi32, #tpu.memory_space<hbm>>
          %dma_wait3A_267 = tpu.memref_squeeze %dma_wait3A_266 : memref<1x50x80xi32, #tpu.memory_space<hbm>> -> memref<50x80xi32, #tpu.memory_space<hbm>>
          tpu.wait_dma2 semaphore(%run_scoped3A : memref<!tpu.dma_semaphore, #tpu.memory_space<semaphore_mem>>) src(%dma_wait3A_267 : memref<50x80xi32, #tpu.memory_space<hbm>>) dst(%arg8 : memref<50x80xi32, #tpu.memory_space<vmem>>)
          tpu.yield
        }) : () -> ()
        "tpu.region"() ({
          %run_scoped3A = tpu.sem_alloc : memref<!tpu.dma_semaphore, #tpu.memory_space<semaphore_mem>>
          %dma_start3A_256 = arith.constant 0 : i32
          %dma_start3A_257 = tpu.memref_slice %arg3[%arg1, %multiple_of3A_215, %dma_start3A_256] : memref<16x250x80xi32, #tpu.memory_space<hbm>> -> memref<1x50x80xi32, #tpu.memory_space<hbm>>
          %dma_start3A_258 = tpu.memref_squeeze %dma_start3A_257 : memref<1x50x80xi32, #tpu.memory_space<hbm>> -> memref<50x80xi32, #tpu.memory_space<hbm>>
          %dma_start3A_259 = arith.constant 0 : i32
          %dma_start3A_260 = tpu.memref_slice %arg3[%arg1, %multiple_of3A_215, %dma_start3A_259] : memref<16x250x80xi32, #tpu.memory_space<hbm>> -> memref<1x50x80xi32, #tpu.memory_space<hbm>>
          %dma_start3A_261 = tpu.memref_squeeze %dma_start3A_260 : memref<1x50x80xi32, #tpu.memory_space<hbm>> -> memref<50x80xi32, #tpu.memory_space<hbm>>
          tpu.enqueue_dma source(%dma_start3A_261 : memref<50x80xi32, #tpu.memory_space<hbm>>) target(%arg9 : memref<50x80xi32, #tpu.memory_space<vmem>>) target_semaphore(%run_scoped3A : memref<!tpu.dma_semaphore, #tpu.memory_space<semaphore_mem>>)
          %dma_wait3A_262 = arith.constant 0 : i32
          %dma_wait3A_263 = tpu.memref_slice %arg3[%arg1, %multiple_of3A_215, %dma_wait3A_262] : memref<16x250x80xi32, #tpu.memory_space<hbm>> -> memref<1x50x80xi32, #tpu.memory_space<hbm>>
          %dma_wait3A_264 = tpu.memref_squeeze %dma_wait3A_263 : memref<1x50x80xi32, #tpu.memory_space<hbm>> -> memref<50x80xi32, #tpu.memory_space<hbm>>
          %dma_wait3A_265 = arith.constant 0 : i32
          %dma_wait3A_266 = tpu.memref_slice %arg3[%arg1, %multiple_of3A_215, %dma_wait3A_265] : memref<16x250x80xi32, #tpu.memory_space<hbm>> -> memref<1x50x80xi32, #tpu.memory_space<hbm>>
          %dma_wait3A_267 = tpu.memref_squeeze %dma_wait3A_266 : memref<1x50x80xi32, #tpu.memory_space<hbm>> -> memref<50x80xi32, #tpu.memory_space<hbm>>
          tpu.wait_dma2 semaphore(%run_scoped3A : memref<!tpu.dma_semaphore, #tpu.memory_space<semaphore_mem>>) src(%dma_wait3A_267 : memref<50x80xi32, #tpu.memory_space<hbm>>) dst(%arg9 : memref<50x80xi32, #tpu.memory_space<vmem>>)
          tpu.yield
        }) : () -> ()
        %dma_start3A = arith.constant 0 : i32
        %dma_start3A_216 = arith.constant 0 : i32
        %dma_start3A_217 = arith.constant 0 : i32
        %dma_start3A_218 = arith.constant 0 : i32
        %dma_start3A_219 = tpu.memref_slice %arg10[%dma_start3A_216, %dma_start3A_217, %dma_start3A_218] : memref<2x80x64xf32, #tpu.memory_space<vmem>> -> memref<1x80x64xf32, #tpu.memory_space<vmem>>
        %dma_start3A_220 = tpu.memref_squeeze %dma_start3A_219 : memref<1x80x64xf32, #tpu.memory_space<vmem>> -> memref<80x64xf32, #tpu.memory_space<vmem>>
        %dma_start3A_221 = arith.constant 0 : i32
        %dma_start3A_222 = tpu.memref_slice %arg8[%dma_start3A, %dma_start3A_221] : memref<50x80xi32, #tpu.memory_space<vmem>> -> memref<1x80xi32, #tpu.memory_space<vmem>>
        %dma_start3A_223 = tpu.memref_squeeze %dma_start3A_222 : memref<1x80xi32, #tpu.memory_space<vmem>> -> memref<80xi32, #tpu.memory_space<vmem>>
        %dma_start3A_224 = arith.constant 0 : i32
        %dma_start3A_225 = arith.constant 0 : i32
        %dma_start3A_226 = tpu.memref_slice %arg4[%dma_start3A_224, %dma_start3A_225] : memref<10000x64xf32, #tpu.memory_space<hbm>> -> memref<10000x64xf32, #tpu.memory_space<hbm>>
        tpu.enqueue_indirect_dma source(%dma_start3A_226 : memref<10000x64xf32, #tpu.memory_space<hbm>>) target(%dma_start3A_220 : memref<80x64xf32, #tpu.memory_space<vmem>>) offsets(%dma_start3A_223 : memref<80xi32, #tpu.memory_space<vmem>>) semaphore(%arg13 : memref<!tpu.dma_semaphore, #tpu.memory_space<semaphore_mem>>)
        %scan3A_227 = arith.constant 0 : i32
        %scan3A_228 = arith.constant 0 : i32
        %scan3A_229 = arith.constant 25 : i32
        %scan3A_230 = arith.addi %scan3A_228, %scan3A_229 : i32
        %scan3A_231 = arith.constant 1 : i32
        scf.for %scan3A_256 = %scan3A_228 to %scan3A_230 step %scan3A_231  : i32 {
          %mul3A_257 = arith.constant 2 : i32
          %mul3A_258 = arith.muli %scan3A_256, %mul3A_257 : i32
          %add3A = arith.constant 0 : i32
          %add3A_259 = arith.addi %mul3A_258, %add3A : i32
          %add3A_260 = arith.constant 1 : i32
          %add3A_261 = arith.addi %add3A_259, %add3A_260 : i32
          %lt3A = arith.constant 50 : i32
          %lt3A_262 = arith.cmpi slt, %add3A_261, %lt3A : i32
          %convert_element_type3A_263 = arith.extui %lt3A_262 : i1 to i32
          %cond3A_264 = arith.constant 0 : i32
          %cond3A_265 = arith.cmpi ne, %convert_element_type3A_263, %cond3A_264 : i32
          scf.if %cond3A_265 {
            %ge3A = arith.constant 1 : i32
            %ge3A_323 = arith.cmpi sge, %add3A_259, %ge3A : i32
            %convert_element_type3A_324 = arith.extui %ge3A_323 : i1 to i32
            %cond3A_325 = arith.constant 0 : i32
            %cond3A_326 = arith.cmpi ne, %convert_element_type3A_324, %cond3A_325 : i32
            scf.if %cond3A_326 {
              %dma_wait3A_338 = arith.constant 1 : i32
              %dma_wait3A_339 = arith.constant 0 : i32
              %dma_wait3A_340 = arith.constant 0 : i32
              %dma_wait3A_341 = arith.constant 0 : i32
              %dma_wait3A_342 = tpu.memref_slice %arg10[%dma_wait3A_338, %dma_wait3A_340, %dma_wait3A_341] : memref<2x80x64xf32, #tpu.memory_space<vmem>> -> memref<1x80x64xf32, #tpu.memory_space<vmem>>
              %dma_wait3A_343 = tpu.memref_squeeze %dma_wait3A_342 : memref<1x80x64xf32, #tpu.memory_space<vmem>> -> memref<80x64xf32, #tpu.memory_space<vmem>>
              %dma_wait3A_344 = arith.constant 0 : i32
              %dma_wait3A_345 = tpu.memref_slice %arg9[%dma_wait3A_339, %dma_wait3A_344] : memref<50x80xi32, #tpu.memory_space<vmem>> -> memref<1x80xi32, #tpu.memory_space<vmem>>
              %dma_wait3A_346 = tpu.memref_squeeze %dma_wait3A_345 : memref<1x80xi32, #tpu.memory_space<vmem>> -> memref<80xi32, #tpu.memory_space<vmem>>
              %dma_wait3A_347 = arith.constant 0 : i32
              %dma_wait3A_348 = arith.constant 0 : i32
              %dma_wait3A_349 = tpu.memref_slice %arg12[%dma_wait3A_347, %dma_wait3A_348] : memref<10240x64xf32, #tpu.memory_space<vmem_shared>> -> memref<10240x64xf32, #tpu.memory_space<vmem_shared>>
              tpu.wait_indirect_dma semaphore(%arg16 : memref<!tpu.dma_semaphore, #tpu.memory_space<semaphore_mem>>) src(%dma_wait3A_343 : memref<80x64xf32, #tpu.memory_space<vmem>>) dst(%dma_wait3A_349 : memref<10240x64xf32, #tpu.memory_space<vmem_shared>>)
            } else {
            }
            %dma_start3A_327 = arith.constant 1 : i32
            %dma_start3A_328 = arith.constant 0 : i32
            %dma_start3A_329 = arith.constant 0 : i32
            %dma_start3A_330 = tpu.memref_slice %arg10[%dma_start3A_327, %dma_start3A_328, %dma_start3A_329] : memref<2x80x64xf32, #tpu.memory_space<vmem>> -> memref<1x80x64xf32, #tpu.memory_space<vmem>>
            %dma_start3A_331 = tpu.memref_squeeze %dma_start3A_330 : memref<1x80x64xf32, #tpu.memory_space<vmem>> -> memref<80x64xf32, #tpu.memory_space<vmem>>
            %dma_start3A_332 = arith.constant 0 : i32
            %dma_start3A_333 = tpu.memref_slice %arg8[%add3A_261, %dma_start3A_332] : memref<50x80xi32, #tpu.memory_space<vmem>> -> memref<1x80xi32, #tpu.memory_space<vmem>>
            %dma_start3A_334 = tpu.memref_squeeze %dma_start3A_333 : memref<1x80xi32, #tpu.memory_space<vmem>> -> memref<80xi32, #tpu.memory_space<vmem>>
            %dma_start3A_335 = arith.constant 0 : i32
            %dma_start3A_336 = arith.constant 0 : i32
            %dma_start3A_337 = tpu.memref_slice %arg4[%dma_start3A_335, %dma_start3A_336] : memref<10000x64xf32, #tpu.memory_space<hbm>> -> memref<10000x64xf32, #tpu.memory_space<hbm>>
            tpu.enqueue_indirect_dma source(%dma_start3A_337 : memref<10000x64xf32, #tpu.memory_space<hbm>>) target(%dma_start3A_331 : memref<80x64xf32, #tpu.memory_space<vmem>>) offsets(%dma_start3A_334 : memref<80xi32, #tpu.memory_space<vmem>>) semaphore(%arg14 : memref<!tpu.dma_semaphore, #tpu.memory_space<semaphore_mem>>)
          } else {
          }
          %dma_wait3A_266 = arith.constant 0 : i32
          %dma_wait3A_267 = arith.constant 0 : i32
          %dma_wait3A_268 = arith.constant 0 : i32
          %dma_wait3A_269 = arith.constant 0 : i32
          %dma_wait3A_270 = tpu.memref_slice %arg10[%dma_wait3A_267, %dma_wait3A_268, %dma_wait3A_269] : memref<2x80x64xf32, #tpu.memory_space<vmem>> -> memref<1x80x64xf32, #tpu.memory_space<vmem>>
          %dma_wait3A_271 = tpu.memref_squeeze %dma_wait3A_270 : memref<1x80x64xf32, #tpu.memory_space<vmem>> -> memref<80x64xf32, #tpu.memory_space<vmem>>
          %dma_wait3A_272 = arith.constant 0 : i32
          %dma_wait3A_273 = tpu.memref_slice %arg8[%dma_wait3A_266, %dma_wait3A_272] : memref<50x80xi32, #tpu.memory_space<vmem>> -> memref<1x80xi32, #tpu.memory_space<vmem>>
          %dma_wait3A_274 = tpu.memref_squeeze %dma_wait3A_273 : memref<1x80xi32, #tpu.memory_space<vmem>> -> memref<80xi32, #tpu.memory_space<vmem>>
          %dma_wait3A_275 = arith.constant 0 : i32
          %dma_wait3A_276 = arith.constant 0 : i32
          %dma_wait3A_277 = tpu.memref_slice %arg4[%dma_wait3A_275, %dma_wait3A_276] : memref<10000x64xf32, #tpu.memory_space<hbm>> -> memref<10000x64xf32, #tpu.memory_space<hbm>>
          tpu.wait_indirect_dma semaphore(%arg13 : memref<!tpu.dma_semaphore, #tpu.memory_space<semaphore_mem>>) src(%dma_wait3A_277 : memref<10000x64xf32, #tpu.memory_space<hbm>>) dst(%dma_wait3A_271 : memref<80x64xf32, #tpu.memory_space<vmem>>)
          %dma_start3A_278 = arith.constant 0 : i32
          %dma_start3A_279 = arith.constant 0 : i32
          %dma_start3A_280 = arith.constant 0 : i32
          %dma_start3A_281 = tpu.memref_slice %arg10[%dma_start3A_278, %dma_start3A_279, %dma_start3A_280] : memref<2x80x64xf32, #tpu.memory_space<vmem>> -> memref<1x80x64xf32, #tpu.memory_space<vmem>>
          %dma_start3A_282 = tpu.memref_squeeze %dma_start3A_281 : memref<1x80x64xf32, #tpu.memory_space<vmem>> -> memref<80x64xf32, #tpu.memory_space<vmem>>
          %dma_start3A_283 = arith.constant 0 : i32
          %dma_start3A_284 = tpu.memref_slice %arg9[%add3A_259, %dma_start3A_283] : memref<50x80xi32, #tpu.memory_space<vmem>> -> memref<1x80xi32, #tpu.memory_space<vmem>>
          %dma_start3A_285 = tpu.memref_squeeze %dma_start3A_284 : memref<1x80xi32, #tpu.memory_space<vmem>> -> memref<80xi32, #tpu.memory_space<vmem>>
          %dma_start3A_286 = arith.constant 0 : i32
          %dma_start3A_287 = arith.constant 0 : i32
          %dma_start3A_288 = tpu.memref_slice %arg12[%dma_start3A_286, %dma_start3A_287] : memref<10240x64xf32, #tpu.memory_space<vmem_shared>> -> memref<10240x64xf32, #tpu.memory_space<vmem_shared>>
          tpu.enqueue_indirect_dma source(%dma_start3A_282 : memref<80x64xf32, #tpu.memory_space<vmem>>) target(%dma_start3A_288 : memref<10240x64xf32, #tpu.memory_space<vmem_shared>>) offsets(%dma_start3A_285 : memref<80xi32, #tpu.memory_space<vmem>>) semaphore(%arg15 : memref<!tpu.dma_semaphore, #tpu.memory_space<semaphore_mem>>) {add = true}
          %mul3A_289 = arith.constant 2 : i32
          %mul3A_290 = arith.muli %scan3A_256, %mul3A_289 : i32
          %add3A_291 = arith.constant 1 : i32
          %add3A_292 = arith.addi %mul3A_290, %add3A_291 : i32
          %add3A_293 = arith.constant 1 : i32
          %add3A_294 = arith.addi %add3A_292, %add3A_293 : i32
          %lt3A_295 = arith.constant 50 : i32
          %lt3A_296 = arith.cmpi slt, %add3A_294, %lt3A_295 : i32
          %convert_element_type3A_297 = arith.extui %lt3A_296 : i1 to i32
          %cond3A_298 = arith.constant 0 : i32
          %cond3A_299 = arith.cmpi ne, %convert_element_type3A_297, %cond3A_298 : i32
          scf.if %cond3A_299 {
            %ge3A = arith.constant 1 : i32
            %ge3A_323 = arith.cmpi sge, %add3A_292, %ge3A : i32
            %convert_element_type3A_324 = arith.extui %ge3A_323 : i1 to i32
            %cond3A_325 = arith.constant 0 : i32
            %cond3A_326 = arith.cmpi ne, %convert_element_type3A_324, %cond3A_325 : i32
            scf.if %cond3A_326 {
              %dma_wait3A_338 = arith.constant 0 : i32
              %dma_wait3A_339 = arith.constant 0 : i32
              %dma_wait3A_340 = arith.constant 0 : i32
              %dma_wait3A_341 = arith.constant 0 : i32
              %dma_wait3A_342 = tpu.memref_slice %arg10[%dma_wait3A_338, %dma_wait3A_340, %dma_wait3A_341] : memref<2x80x64xf32, #tpu.memory_space<vmem>> -> memref<1x80x64xf32, #tpu.memory_space<vmem>>
              %dma_wait3A_343 = tpu.memref_squeeze %dma_wait3A_342 : memref<1x80x64xf32, #tpu.memory_space<vmem>> -> memref<80x64xf32, #tpu.memory_space<vmem>>
              %dma_wait3A_344 = arith.constant 0 : i32
              %dma_wait3A_345 = tpu.memref_slice %arg9[%dma_wait3A_339, %dma_wait3A_344] : memref<50x80xi32, #tpu.memory_space<vmem>> -> memref<1x80xi32, #tpu.memory_space<vmem>>
              %dma_wait3A_346 = tpu.memref_squeeze %dma_wait3A_345 : memref<1x80xi32, #tpu.memory_space<vmem>> -> memref<80xi32, #tpu.memory_space<vmem>>
              %dma_wait3A_347 = arith.constant 0 : i32
              %dma_wait3A_348 = arith.constant 0 : i32
              %dma_wait3A_349 = tpu.memref_slice %arg12[%dma_wait3A_347, %dma_wait3A_348] : memref<10240x64xf32, #tpu.memory_space<vmem_shared>> -> memref<10240x64xf32, #tpu.memory_space<vmem_shared>>
              tpu.wait_indirect_dma semaphore(%arg15 : memref<!tpu.dma_semaphore, #tpu.memory_space<semaphore_mem>>) src(%dma_wait3A_343 : memref<80x64xf32, #tpu.memory_space<vmem>>) dst(%dma_wait3A_349 : memref<10240x64xf32, #tpu.memory_space<vmem_shared>>)
            } else {
            }
            %dma_start3A_327 = arith.constant 0 : i32
            %dma_start3A_328 = arith.constant 0 : i32
            %dma_start3A_329 = arith.constant 0 : i32
            %dma_start3A_330 = tpu.memref_slice %arg10[%dma_start3A_327, %dma_start3A_328, %dma_start3A_329] : memref<2x80x64xf32, #tpu.memory_space<vmem>> -> memref<1x80x64xf32, #tpu.memory_space<vmem>>
            %dma_start3A_331 = tpu.memref_squeeze %dma_start3A_330 : memref<1x80x64xf32, #tpu.memory_space<vmem>> -> memref<80x64xf32, #tpu.memory_space<vmem>>
            %dma_start3A_332 = arith.constant 0 : i32
            %dma_start3A_333 = tpu.memref_slice %arg8[%add3A_294, %dma_start3A_332] : memref<50x80xi32, #tpu.memory_space<vmem>> -> memref<1x80xi32, #tpu.memory_space<vmem>>
            %dma_start3A_334 = tpu.memref_squeeze %dma_start3A_333 : memref<1x80xi32, #tpu.memory_space<vmem>> -> memref<80xi32, #tpu.memory_space<vmem>>
            %dma_start3A_335 = arith.constant 0 : i32
            %dma_start3A_336 = arith.constant 0 : i32
            %dma_start3A_337 = tpu.memref_slice %arg4[%dma_start3A_335, %dma_start3A_336] : memref<10000x64xf32, #tpu.memory_space<hbm>> -> memref<10000x64xf32, #tpu.memory_space<hbm>>
            tpu.enqueue_indirect_dma source(%dma_start3A_337 : memref<10000x64xf32, #tpu.memory_space<hbm>>) target(%dma_start3A_331 : memref<80x64xf32, #tpu.memory_space<vmem>>) offsets(%dma_start3A_334 : memref<80xi32, #tpu.memory_space<vmem>>) semaphore(%arg13 : memref<!tpu.dma_semaphore, #tpu.memory_space<semaphore_mem>>)
          } else {
          }
          %dma_wait3A_300 = arith.constant 0 : i32
          %dma_wait3A_301 = arith.constant 1 : i32
          %dma_wait3A_302 = arith.constant 0 : i32
          %dma_wait3A_303 = arith.constant 0 : i32
          %dma_wait3A_304 = tpu.memref_slice %arg10[%dma_wait3A_301, %dma_wait3A_302, %dma_wait3A_303] : memref<2x80x64xf32, #tpu.memory_space<vmem>> -> memref<1x80x64xf32, #tpu.memory_space<vmem>>
          %dma_wait3A_305 = tpu.memref_squeeze %dma_wait3A_304 : memref<1x80x64xf32, #tpu.memory_space<vmem>> -> memref<80x64xf32, #tpu.memory_space<vmem>>
          %dma_wait3A_306 = arith.constant 0 : i32
          %dma_wait3A_307 = tpu.memref_slice %arg8[%dma_wait3A_300, %dma_wait3A_306] : memref<50x80xi32, #tpu.memory_space<vmem>> -> memref<1x80xi32, #tpu.memory_space<vmem>>
          %dma_wait3A_308 = tpu.memref_squeeze %dma_wait3A_307 : memref<1x80xi32, #tpu.memory_space<vmem>> -> memref<80xi32, #tpu.memory_space<vmem>>
          %dma_wait3A_309 = arith.constant 0 : i32
          %dma_wait3A_310 = arith.constant 0 : i32
          %dma_wait3A_311 = tpu.memref_slice %arg4[%dma_wait3A_309, %dma_wait3A_310] : memref<10000x64xf32, #tpu.memory_space<hbm>> -> memref<10000x64xf32, #tpu.memory_space<hbm>>
          tpu.wait_indirect_dma semaphore(%arg14 : memref<!tpu.dma_semaphore, #tpu.memory_space<semaphore_mem>>) src(%dma_wait3A_311 : memref<10000x64xf32, #tpu.memory_space<hbm>>) dst(%dma_wait3A_305 : memref<80x64xf32, #tpu.memory_space<vmem>>)
          %dma_start3A_312 = arith.constant 1 : i32
          %dma_start3A_313 = arith.constant 0 : i32
          %dma_start3A_314 = arith.constant 0 : i32
          %dma_start3A_315 = tpu.memref_slice %arg10[%dma_start3A_312, %dma_start3A_313, %dma_start3A_314] : memref<2x80x64xf32, #tpu.memory_space<vmem>> -> memref<1x80x64xf32, #tpu.memory_space<vmem>>
          %dma_start3A_316 = tpu.memref_squeeze %dma_start3A_315 : memref<1x80x64xf32, #tpu.memory_space<vmem>> -> memref<80x64xf32, #tpu.memory_space<vmem>>
          %dma_start3A_317 = arith.constant 0 : i32
          %dma_start3A_318 = tpu.memref_slice %arg9[%add3A_292, %dma_start3A_317] : memref<50x80xi32, #tpu.memory_space<vmem>> -> memref<1x80xi32, #tpu.memory_space<vmem>>
          %dma_start3A_319 = tpu.memref_squeeze %dma_start3A_318 : memref<1x80xi32, #tpu.memory_space<vmem>> -> memref<80xi32, #tpu.memory_space<vmem>>
          %dma_start3A_320 = arith.constant 0 : i32
          %dma_start3A_321 = arith.constant 0 : i32
          %dma_start3A_322 = tpu.memref_slice %arg12[%dma_start3A_320, %dma_start3A_321] : memref<10240x64xf32, #tpu.memory_space<vmem_shared>> -> memref<10240x64xf32, #tpu.memory_space<vmem_shared>>
          tpu.enqueue_indirect_dma source(%dma_start3A_316 : memref<80x64xf32, #tpu.memory_space<vmem>>) target(%dma_start3A_322 : memref<10240x64xf32, #tpu.memory_space<vmem_shared>>) offsets(%dma_start3A_319 : memref<80xi32, #tpu.memory_space<vmem>>) semaphore(%arg16 : memref<!tpu.dma_semaphore, #tpu.memory_space<semaphore_mem>>) {add = true}
        }
        %scan3A_232 = arith.constant 25 : i32
        %dma_wait3A = arith.constant 0 : i32
        %dma_wait3A_233 = arith.constant 0 : i32
        %dma_wait3A_234 = arith.constant 0 : i32
        %dma_wait3A_235 = arith.constant 0 : i32
        %dma_wait3A_236 = tpu.memref_slice %arg10[%dma_wait3A, %dma_wait3A_234, %dma_wait3A_235] : memref<2x80x64xf32, #tpu.memory_space<vmem>> -> memref<1x80x64xf32, #tpu.memory_space<vmem>>
        %dma_wait3A_237 = tpu.memref_squeeze %dma_wait3A_236 : memref<1x80x64xf32, #tpu.memory_space<vmem>> -> memref<80x64xf32, #tpu.memory_space<vmem>>
        %dma_wait3A_238 = arith.constant 0 : i32
        %dma_wait3A_239 = tpu.memref_slice %arg9[%dma_wait3A_233, %dma_wait3A_238] : memref<50x80xi32, #tpu.memory_space<vmem>> -> memref<1x80xi32, #tpu.memory_space<vmem>>
        %dma_wait3A_240 = tpu.memref_squeeze %dma_wait3A_239 : memref<1x80xi32, #tpu.memory_space<vmem>> -> memref<80xi32, #tpu.memory_space<vmem>>
        %dma_wait3A_241 = arith.constant 0 : i32
        %dma_wait3A_242 = arith.constant 0 : i32
        %dma_wait3A_243 = tpu.memref_slice %arg12[%dma_wait3A_241, %dma_wait3A_242] : memref<10240x64xf32, #tpu.memory_space<vmem_shared>> -> memref<10240x64xf32, #tpu.memory_space<vmem_shared>>
        tpu.wait_indirect_dma semaphore(%arg15 : memref<!tpu.dma_semaphore, #tpu.memory_space<semaphore_mem>>) src(%dma_wait3A_237 : memref<80x64xf32, #tpu.memory_space<vmem>>) dst(%dma_wait3A_243 : memref<10240x64xf32, #tpu.memory_space<vmem_shared>>)
        %dma_wait3A_244 = arith.constant 1 : i32
        %dma_wait3A_245 = arith.constant 0 : i32
        %dma_wait3A_246 = arith.constant 0 : i32
        %dma_wait3A_247 = arith.constant 0 : i32
        %dma_wait3A_248 = tpu.memref_slice %arg10[%dma_wait3A_244, %dma_wait3A_246, %dma_wait3A_247] : memref<2x80x64xf32, #tpu.memory_space<vmem>> -> memref<1x80x64xf32, #tpu.memory_space<vmem>>
        %dma_wait3A_249 = tpu.memref_squeeze %dma_wait3A_248 : memref<1x80x64xf32, #tpu.memory_space<vmem>> -> memref<80x64xf32, #tpu.memory_space<vmem>>
        %dma_wait3A_250 = arith.constant 0 : i32
        %dma_wait3A_251 = tpu.memref_slice %arg9[%dma_wait3A_245, %dma_wait3A_250] : memref<50x80xi32, #tpu.memory_space<vmem>> -> memref<1x80xi32, #tpu.memory_space<vmem>>
        %dma_wait3A_252 = tpu.memref_squeeze %dma_wait3A_251 : memref<1x80xi32, #tpu.memory_space<vmem>> -> memref<80xi32, #tpu.memory_space<vmem>>
        %dma_wait3A_253 = arith.constant 0 : i32
        %dma_wait3A_254 = arith.constant 0 : i32
        %dma_wait3A_255 = tpu.memref_slice %arg12[%dma_wait3A_253, %dma_wait3A_254] : memref<10240x64xf32, #tpu.memory_space<vmem_shared>> -> memref<10240x64xf32, #tpu.memory_space<vmem_shared>>
        tpu.wait_indirect_dma semaphore(%arg16 : memref<!tpu.dma_semaphore, #tpu.memory_space<semaphore_mem>>) src(%dma_wait3A_249 : memref<80x64xf32, #tpu.memory_space<vmem>>) dst(%dma_wait3A_255 : memref<10240x64xf32, #tpu.memory_space<vmem_shared>>)
      }
      %scan3A_209 = arith.constant 5 : i32
      %barrier3A_210 = arith.constant 0 : index
      tpu.barrier barrier_id(%barrier3A_210)
      %mul3A = arith.constant 640 : i32
      %mul3A_211 = arith.muli %arg1, %mul3A : i32
      %multiple_of3A = tpu.assume_multiple %mul3A_211, 8 : i32
      "tpu.region"() ({
        %run_scoped3A = tpu.sem_alloc : memref<!tpu.dma_semaphore, #tpu.memory_space<semaphore_mem>>
        %dma_start3A = arith.constant 0 : i32
        %dma_start3A_212 = tpu.memref_slice %arg6[%multiple_of3A, %dma_start3A] : memref<10240x64xf32, #tpu.memory_space<hbm>> -> memref<640x64xf32, #tpu.memory_space<hbm>>
        %dma_start3A_213 = arith.constant 0 : i32
        %dma_start3A_214 = tpu.memref_slice %arg12[%multiple_of3A, %dma_start3A_213] : memref<10240x64xf32, #tpu.memory_space<vmem_shared>> -> memref<640x64xf32, #tpu.memory_space<vmem_shared>>
        tpu.enqueue_dma source(%dma_start3A_214 : memref<640x64xf32, #tpu.memory_space<vmem_shared>>) target(%dma_start3A_212 : memref<640x64xf32, #tpu.memory_space<hbm>>) target_semaphore(%run_scoped3A : memref<!tpu.dma_semaphore, #tpu.memory_space<semaphore_mem>>)
        %dma_wait3A = arith.constant 0 : i32
        %dma_wait3A_215 = tpu.memref_slice %arg6[%multiple_of3A, %dma_wait3A] : memref<10240x64xf32, #tpu.memory_space<hbm>> -> memref<640x64xf32, #tpu.memory_space<hbm>>
        %dma_wait3A_216 = arith.constant 0 : i32
        %dma_wait3A_217 = tpu.memref_slice %arg12[%multiple_of3A, %dma_wait3A_216] : memref<10240x64xf32, #tpu.memory_space<vmem_shared>> -> memref<640x64xf32, #tpu.memory_space<vmem_shared>>
        tpu.wait_dma2 semaphore(%run_scoped3A : memref<!tpu.dma_semaphore, #tpu.memory_space<semaphore_mem>>) src(%dma_wait3A_217 : memref<640x64xf32, #tpu.memory_space<vmem_shared>>) dst(%dma_wait3A_215 : memref<640x64xf32, #tpu.memory_space<hbm>>)
        tpu.yield
      }) : () -> ()
    } else {
    }
    %eq3A_199 = arith.constant 1 : i32
    %eq3A_200 = arith.cmpi eq, %arg0, %eq3A_199 : i32
    %convert_element_type3A_201 = arith.extui %eq3A_200 : i1 to i32
    %cond3A_202 = arith.constant 0 : i32
    %cond3A_203 = arith.cmpi ne, %convert_element_type3A_201, %cond3A_202 : i32
    scf.if %cond3A_203 {
      %scan3A_204 = arith.constant 0 : i32
      %scan3A_205 = arith.constant 0 : i32
      %scan3A_206 = arith.constant 5 : i32
      %scan3A_207 = arith.addi %scan3A_205, %scan3A_206 : i32
      %scan3A_208 = arith.constant 1 : i32
      scf.for %scan3A_212 = %scan3A_205 to %scan3A_207 step %scan3A_208  : i32 {
        %mul3A_213 = arith.constant 50 : i32
        %mul3A_214 = arith.muli %scan3A_212, %mul3A_213 : i32
        %multiple_of3A_215 = tpu.assume_multiple %mul3A_214, 2 : i32
        "tpu.region"() ({
          %run_scoped3A = tpu.sem_alloc : memref<!tpu.dma_semaphore, #tpu.memory_space<semaphore_mem>>
          %dma_start3A_256 = arith.constant 0 : i32
          %dma_start3A_257 = tpu.memref_slice %arg2[%arg1, %multiple_of3A_215, %dma_start3A_256] : memref<16x250x80xi32, #tpu.memory_space<hbm>> -> memref<1x50x80xi32, #tpu.memory_space<hbm>>
          %dma_start3A_258 = tpu.memref_squeeze %dma_start3A_257 : memref<1x50x80xi32, #tpu.memory_space<hbm>> -> memref<50x80xi32, #tpu.memory_space<hbm>>
          %dma_start3A_259 = arith.constant 0 : i32
          %dma_start3A_260 = tpu.memref_slice %arg2[%arg1, %multiple_of3A_215, %dma_start3A_259] : memref<16x250x80xi32, #tpu.memory_space<hbm>> -> memref<1x50x80xi32, #tpu.memory_space<hbm>>
          %dma_start3A_261 = tpu.memref_squeeze %dma_start3A_260 : memref<1x50x80xi32, #tpu.memory_space<hbm>> -> memref<50x80xi32, #tpu.memory_space<hbm>>
          tpu.enqueue_dma source(%dma_start3A_261 : memref<50x80xi32, #tpu.memory_space<hbm>>) target(%arg8 : memref<50x80xi32, #tpu.memory_space<vmem>>) target_semaphore(%run_scoped3A : memref<!tpu.dma_semaphore, #tpu.memory_space<semaphore_mem>>)
          %dma_wait3A_262 = arith.constant 0 : i32
          %dma_wait3A_263 = tpu.memref_slice %arg2[%arg1, %multiple_of3A_215, %dma_wait3A_262] : memref<16x250x80xi32, #tpu.memory_space<hbm>> -> memref<1x50x80xi32, #tpu.memory_space<hbm>>
          %dma_wait3A_264 = tpu.memref_squeeze %dma_wait3A_263 : memref<1x50x80xi32, #tpu.memory_space<hbm>> -> memref<50x80xi32, #tpu.memory_space<hbm>>
          %dma_wait3A_265 = arith.constant 0 : i32
          %dma_wait3A_266 = tpu.memref_slice %arg2[%arg1, %multiple_of3A_215, %dma_wait3A_265] : memref<16x250x80xi32, #tpu.memory_space<hbm>> -> memref<1x50x80xi32, #tpu.memory_space<hbm>>
          %dma_wait3A_267 = tpu.memref_squeeze %dma_wait3A_266 : memref<1x50x80xi32, #tpu.memory_space<hbm>> -> memref<50x80xi32, #tpu.memory_space<hbm>>
          tpu.wait_dma2 semaphore(%run_scoped3A : memref<!tpu.dma_semaphore, #tpu.memory_space<semaphore_mem>>) src(%dma_wait3A_267 : memref<50x80xi32, #tpu.memory_space<hbm>>) dst(%arg8 : memref<50x80xi32, #tpu.memory_space<vmem>>)
          tpu.yield
        }) : () -> ()
        "tpu.region"() ({
          %run_scoped3A = tpu.sem_alloc : memref<!tpu.dma_semaphore, #tpu.memory_space<semaphore_mem>>
          %dma_start3A_256 = arith.constant 0 : i32
          %dma_start3A_257 = tpu.memref_slice %arg3[%arg1, %multiple_of3A_215, %dma_start3A_256] : memref<16x250x80xi32, #tpu.memory_space<hbm>> -> memref<1x50x80xi32, #tpu.memory_space<hbm>>
          %dma_start3A_258 = tpu.memref_squeeze %dma_start3A_257 : memref<1x50x80xi32, #tpu.memory_space<hbm>> -> memref<50x80xi32, #tpu.memory_space<hbm>>
          %dma_start3A_259 = arith.constant 0 : i32
          %dma_start3A_260 = tpu.memref_slice %arg3[%arg1, %multiple_of3A_215, %dma_start3A_259] : memref<16x250x80xi32, #tpu.memory_space<hbm>> -> memref<1x50x80xi32, #tpu.memory_space<hbm>>
          %dma_start3A_261 = tpu.memref_squeeze %dma_start3A_260 : memref<1x50x80xi32, #tpu.memory_space<hbm>> -> memref<50x80xi32, #tpu.memory_space<hbm>>
          tpu.enqueue_dma source(%dma_start3A_261 : memref<50x80xi32, #tpu.memory_space<hbm>>) target(%arg9 : memref<50x80xi32, #tpu.memory_space<vmem>>) target_semaphore(%run_scoped3A : memref<!tpu.dma_semaphore, #tpu.memory_space<semaphore_mem>>)
          %dma_wait3A_262 = arith.constant 0 : i32
          %dma_wait3A_263 = tpu.memref_slice %arg3[%arg1, %multiple_of3A_215, %dma_wait3A_262] : memref<16x250x80xi32, #tpu.memory_space<hbm>> -> memref<1x50x80xi32, #tpu.memory_space<hbm>>
          %dma_wait3A_264 = tpu.memref_squeeze %dma_wait3A_263 : memref<1x50x80xi32, #tpu.memory_space<hbm>> -> memref<50x80xi32, #tpu.memory_space<hbm>>
          %dma_wait3A_265 = arith.constant 0 : i32
          %dma_wait3A_266 = tpu.memref_slice %arg3[%arg1, %multiple_of3A_215, %dma_wait3A_265] : memref<16x250x80xi32, #tpu.memory_space<hbm>> -> memref<1x50x80xi32, #tpu.memory_space<hbm>>
          %dma_wait3A_267 = tpu.memref_squeeze %dma_wait3A_266 : memref<1x50x80xi32, #tpu.memory_space<hbm>> -> memref<50x80xi32, #tpu.memory_space<hbm>>
          tpu.wait_dma2 semaphore(%run_scoped3A : memref<!tpu.dma_semaphore, #tpu.memory_space<semaphore_mem>>) src(%dma_wait3A_267 : memref<50x80xi32, #tpu.memory_space<hbm>>) dst(%arg9 : memref<50x80xi32, #tpu.memory_space<vmem>>)
          tpu.yield
        }) : () -> ()
        %dma_start3A = arith.constant 0 : i32
        %dma_start3A_216 = arith.constant 0 : i32
        %dma_start3A_217 = arith.constant 0 : i32
        %dma_start3A_218 = arith.constant 0 : i32
        %dma_start3A_219 = tpu.memref_slice %arg10[%dma_start3A_216, %dma_start3A_217, %dma_start3A_218] : memref<2x80x64xf32, #tpu.memory_space<vmem>> -> memref<1x80x64xf32, #tpu.memory_space<vmem>>
        %dma_start3A_220 = tpu.memref_squeeze %dma_start3A_219 : memref<1x80x64xf32, #tpu.memory_space<vmem>> -> memref<80x64xf32, #tpu.memory_space<vmem>>
        %dma_start3A_221 = arith.constant 0 : i32
        %dma_start3A_222 = tpu.memref_slice %arg8[%dma_start3A, %dma_start3A_221] : memref<50x80xi32, #tpu.memory_space<vmem>> -> memref<1x80xi32, #tpu.memory_space<vmem>>
        %dma_start3A_223 = tpu.memref_squeeze %dma_start3A_222 : memref<1x80xi32, #tpu.memory_space<vmem>> -> memref<80xi32, #tpu.memory_space<vmem>>
        %dma_start3A_224 = arith.constant 0 : i32
        %dma_start3A_225 = arith.constant 0 : i32
        %dma_start3A_226 = tpu.memref_slice %arg5[%dma_start3A_224, %dma_start3A_225] : memref<10000x64xf32, #tpu.memory_space<hbm>> -> memref<10000x64xf32, #tpu.memory_space<hbm>>
        tpu.enqueue_indirect_dma source(%dma_start3A_226 : memref<10000x64xf32, #tpu.memory_space<hbm>>) target(%dma_start3A_220 : memref<80x64xf32, #tpu.memory_space<vmem>>) offsets(%dma_start3A_223 : memref<80xi32, #tpu.memory_space<vmem>>) semaphore(%arg13 : memref<!tpu.dma_semaphore, #tpu.memory_space<semaphore_mem>>)
        %scan3A_227 = arith.constant 0 : i32
        %scan3A_228 = arith.constant 0 : i32
        %scan3A_229 = arith.constant 25 : i32
        %scan3A_230 = arith.addi %scan3A_228, %scan3A_229 : i32
        %scan3A_231 = arith.constant 1 : i32
        scf.for %scan3A_256 = %scan3A_228 to %scan3A_230 step %scan3A_231  : i32 {
          %mul3A_257 = arith.constant 2 : i32
          %mul3A_258 = arith.muli %scan3A_256, %mul3A_257 : i32
          %add3A = arith.constant 0 : i32
          %add3A_259 = arith.addi %mul3A_258, %add3A : i32
          %add3A_260 = arith.constant 1 : i32
          %add3A_261 = arith.addi %add3A_259, %add3A_260 : i32
          %lt3A = arith.constant 50 : i32
          %lt3A_262 = arith.cmpi slt, %add3A_261, %lt3A : i32
          %convert_element_type3A_263 = arith.extui %lt3A_262 : i1 to i32
          %cond3A_264 = arith.constant 0 : i32
          %cond3A_265 = arith.cmpi ne, %convert_element_type3A_263, %cond3A_264 : i32
          scf.if %cond3A_265 {
            %ge3A = arith.constant 1 : i32
            %ge3A_323 = arith.cmpi sge, %add3A_259, %ge3A : i32
            %convert_element_type3A_324 = arith.extui %ge3A_323 : i1 to i32
            %cond3A_325 = arith.constant 0 : i32
            %cond3A_326 = arith.cmpi ne, %convert_element_type3A_324, %cond3A_325 : i32
            scf.if %cond3A_326 {
              %dma_wait3A_338 = arith.constant 1 : i32
              %dma_wait3A_339 = arith.constant 0 : i32
              %dma_wait3A_340 = arith.constant 0 : i32
              %dma_wait3A_341 = arith.constant 0 : i32
              %dma_wait3A_342 = tpu.memref_slice %arg10[%dma_wait3A_338, %dma_wait3A_340, %dma_wait3A_341] : memref<2x80x64xf32, #tpu.memory_space<vmem>> -> memref<1x80x64xf32, #tpu.memory_space<vmem>>
              %dma_wait3A_343 = tpu.memref_squeeze %dma_wait3A_342 : memref<1x80x64xf32, #tpu.memory_space<vmem>> -> memref<80x64xf32, #tpu.memory_space<vmem>>
              %dma_wait3A_344 = arith.constant 0 : i32
              %dma_wait3A_345 = tpu.memref_slice %arg9[%dma_wait3A_339, %dma_wait3A_344] : memref<50x80xi32, #tpu.memory_space<vmem>> -> memref<1x80xi32, #tpu.memory_space<vmem>>
              %dma_wait3A_346 = tpu.memref_squeeze %dma_wait3A_345 : memref<1x80xi32, #tpu.memory_space<vmem>> -> memref<80xi32, #tpu.memory_space<vmem>>
              %dma_wait3A_347 = arith.constant 0 : i32
              %dma_wait3A_348 = arith.constant 0 : i32
              %dma_wait3A_349 = tpu.memref_slice %arg12[%dma_wait3A_347, %dma_wait3A_348] : memref<10240x64xf32, #tpu.memory_space<vmem_shared>> -> memref<10240x64xf32, #tpu.memory_space<vmem_shared>>
              tpu.wait_indirect_dma semaphore(%arg16 : memref<!tpu.dma_semaphore, #tpu.memory_space<semaphore_mem>>) src(%dma_wait3A_343 : memref<80x64xf32, #tpu.memory_space<vmem>>) dst(%dma_wait3A_349 : memref<10240x64xf32, #tpu.memory_space<vmem_shared>>)
            } else {
            }
            %dma_start3A_327 = arith.constant 1 : i32
            %dma_start3A_328 = arith.constant 0 : i32
            %dma_start3A_329 = arith.constant 0 : i32
            %dma_start3A_330 = tpu.memref_slice %arg10[%dma_start3A_327, %dma_start3A_328, %dma_start3A_329] : memref<2x80x64xf32, #tpu.memory_space<vmem>> -> memref<1x80x64xf32, #tpu.memory_space<vmem>>
            %dma_start3A_331 = tpu.memref_squeeze %dma_start3A_330 : memref<1x80x64xf32, #tpu.memory_space<vmem>> -> memref<80x64xf32, #tpu.memory_space<vmem>>
            %dma_start3A_332 = arith.constant 0 : i32
            %dma_start3A_333 = tpu.memref_slice %arg8[%add3A_261, %dma_start3A_332] : memref<50x80xi32, #tpu.memory_space<vmem>> -> memref<1x80xi32, #tpu.memory_space<vmem>>
            %dma_start3A_334 = tpu.memref_squeeze %dma_start3A_333 : memref<1x80xi32, #tpu.memory_space<vmem>> -> memref<80xi32, #tpu.memory_space<vmem>>
            %dma_start3A_335 = arith.constant 0 : i32
            %dma_start3A_336 = arith.constant 0 : i32
            %dma_start3A_337 = tpu.memref_slice %arg5[%dma_start3A_335, %dma_start3A_336] : memref<10000x64xf32, #tpu.memory_space<hbm>> -> memref<10000x64xf32, #tpu.memory_space<hbm>>
            tpu.enqueue_indirect_dma source(%dma_start3A_337 : memref<10000x64xf32, #tpu.memory_space<hbm>>) target(%dma_start3A_331 : memref<80x64xf32, #tpu.memory_space<vmem>>) offsets(%dma_start3A_334 : memref<80xi32, #tpu.memory_space<vmem>>) semaphore(%arg14 : memref<!tpu.dma_semaphore, #tpu.memory_space<semaphore_mem>>)
          } else {
          }
          %dma_wait3A_266 = arith.constant 0 : i32
          %dma_wait3A_267 = arith.constant 0 : i32
          %dma_wait3A_268 = arith.constant 0 : i32
          %dma_wait3A_269 = arith.constant 0 : i32
          %dma_wait3A_270 = tpu.memref_slice %arg10[%dma_wait3A_267, %dma_wait3A_268, %dma_wait3A_269] : memref<2x80x64xf32, #tpu.memory_space<vmem>> -> memref<1x80x64xf32, #tpu.memory_space<vmem>>
          %dma_wait3A_271 = tpu.memref_squeeze %dma_wait3A_270 : memref<1x80x64xf32, #tpu.memory_space<vmem>> -> memref<80x64xf32, #tpu.memory_space<vmem>>
          %dma_wait3A_272 = arith.constant 0 : i32
          %dma_wait3A_273 = tpu.memref_slice %arg8[%dma_wait3A_266, %dma_wait3A_272] : memref<50x80xi32, #tpu.memory_space<vmem>> -> memref<1x80xi32, #tpu.memory_space<vmem>>
          %dma_wait3A_274 = tpu.memref_squeeze %dma_wait3A_273 : memref<1x80xi32, #tpu.memory_space<vmem>> -> memref<80xi32, #tpu.memory_space<vmem>>
          %dma_wait3A_275 = arith.constant 0 : i32
          %dma_wait3A_276 = arith.constant 0 : i32
          %dma_wait3A_277 = tpu.memref_slice %arg5[%dma_wait3A_275, %dma_wait3A_276] : memref<10000x64xf32, #tpu.memory_space<hbm>> -> memref<10000x64xf32, #tpu.memory_space<hbm>>
          tpu.wait_indirect_dma semaphore(%arg13 : memref<!tpu.dma_semaphore, #tpu.memory_space<semaphore_mem>>) src(%dma_wait3A_277 : memref<10000x64xf32, #tpu.memory_space<hbm>>) dst(%dma_wait3A_271 : memref<80x64xf32, #tpu.memory_space<vmem>>)
          %dma_start3A_278 = arith.constant 0 : i32
          %dma_start3A_279 = arith.constant 0 : i32
          %dma_start3A_280 = arith.constant 0 : i32
          %dma_start3A_281 = tpu.memref_slice %arg10[%dma_start3A_278, %dma_start3A_279, %dma_start3A_280] : memref<2x80x64xf32, #tpu.memory_space<vmem>> -> memref<1x80x64xf32, #tpu.memory_space<vmem>>
          %dma_start3A_282 = tpu.memref_squeeze %dma_start3A_281 : memref<1x80x64xf32, #tpu.memory_space<vmem>> -> memref<80x64xf32, #tpu.memory_space<vmem>>
          %dma_start3A_283 = arith.constant 0 : i32
          %dma_start3A_284 = tpu.memref_slice %arg9[%add3A_259, %dma_start3A_283] : memref<50x80xi32, #tpu.memory_space<vmem>> -> memref<1x80xi32, #tpu.memory_space<vmem>>
          %dma_start3A_285 = tpu.memref_squeeze %dma_start3A_284 : memref<1x80xi32, #tpu.memory_space<vmem>> -> memref<80xi32, #tpu.memory_space<vmem>>
          %dma_start3A_286 = arith.constant 0 : i32
          %dma_start3A_287 = arith.constant 0 : i32
          %dma_start3A_288 = tpu.memref_slice %arg12[%dma_start3A_286, %dma_start3A_287] : memref<10240x64xf32, #tpu.memory_space<vmem_shared>> -> memref<10240x64xf32, #tpu.memory_space<vmem_shared>>
          tpu.enqueue_indirect_dma source(%dma_start3A_282 : memref<80x64xf32, #tpu.memory_space<vmem>>) target(%dma_start3A_288 : memref<10240x64xf32, #tpu.memory_space<vmem_shared>>) offsets(%dma_start3A_285 : memref<80xi32, #tpu.memory_space<vmem>>) semaphore(%arg15 : memref<!tpu.dma_semaphore, #tpu.memory_space<semaphore_mem>>) {add = true}
          %mul3A_289 = arith.constant 2 : i32
          %mul3A_290 = arith.muli %scan3A_256, %mul3A_289 : i32
          %add3A_291 = arith.constant 1 : i32
          %add3A_292 = arith.addi %mul3A_290, %add3A_291 : i32
          %add3A_293 = arith.constant 1 : i32
          %add3A_294 = arith.addi %add3A_292, %add3A_293 : i32
          %lt3A_295 = arith.constant 50 : i32
          %lt3A_296 = arith.cmpi slt, %add3A_294, %lt3A_295 : i32
          %convert_element_type3A_297 = arith.extui %lt3A_296 : i1 to i32
          %cond3A_298 = arith.constant 0 : i32
          %cond3A_299 = arith.cmpi ne, %convert_element_type3A_297, %cond3A_298 : i32
          scf.if %cond3A_299 {
            %ge3A = arith.constant 1 : i32
            %ge3A_323 = arith.cmpi sge, %add3A_292, %ge3A : i32
            %convert_element_type3A_324 = arith.extui %ge3A_323 : i1 to i32
            %cond3A_325 = arith.constant 0 : i32
            %cond3A_326 = arith.cmpi ne, %convert_element_type3A_324, %cond3A_325 : i32
            scf.if %cond3A_326 {
              %dma_wait3A_338 = arith.constant 0 : i32
              %dma_wait3A_339 = arith.constant 0 : i32
              %dma_wait3A_340 = arith.constant 0 : i32
              %dma_wait3A_341 = arith.constant 0 : i32
              %dma_wait3A_342 = tpu.memref_slice %arg10[%dma_wait3A_338, %dma_wait3A_340, %dma_wait3A_341] : memref<2x80x64xf32, #tpu.memory_space<vmem>> -> memref<1x80x64xf32, #tpu.memory_space<vmem>>
              %dma_wait3A_343 = tpu.memref_squeeze %dma_wait3A_342 : memref<1x80x64xf32, #tpu.memory_space<vmem>> -> memref<80x64xf32, #tpu.memory_space<vmem>>
              %dma_wait3A_344 = arith.constant 0 : i32
              %dma_wait3A_345 = tpu.memref_slice %arg9[%dma_wait3A_339, %dma_wait3A_344] : memref<50x80xi32, #tpu.memory_space<vmem>> -> memref<1x80xi32, #tpu.memory_space<vmem>>
              %dma_wait3A_346 = tpu.memref_squeeze %dma_wait3A_345 : memref<1x80xi32, #tpu.memory_space<vmem>> -> memref<80xi32, #tpu.memory_space<vmem>>
              %dma_wait3A_347 = arith.constant 0 : i32
              %dma_wait3A_348 = arith.constant 0 : i32
              %dma_wait3A_349 = tpu.memref_slice %arg12[%dma_wait3A_347, %dma_wait3A_348] : memref<10240x64xf32, #tpu.memory_space<vmem_shared>> -> memref<10240x64xf32, #tpu.memory_space<vmem_shared>>
              tpu.wait_indirect_dma semaphore(%arg15 : memref<!tpu.dma_semaphore, #tpu.memory_space<semaphore_mem>>) src(%dma_wait3A_343 : memref<80x64xf32, #tpu.memory_space<vmem>>) dst(%dma_wait3A_349 : memref<10240x64xf32, #tpu.memory_space<vmem_shared>>)
            } else {
            }
            %dma_start3A_327 = arith.constant 0 : i32
            %dma_start3A_328 = arith.constant 0 : i32
            %dma_start3A_329 = arith.constant 0 : i32
            %dma_start3A_330 = tpu.memref_slice %arg10[%dma_start3A_327, %dma_start3A_328, %dma_start3A_329] : memref<2x80x64xf32, #tpu.memory_space<vmem>> -> memref<1x80x64xf32, #tpu.memory_space<vmem>>
            %dma_start3A_331 = tpu.memref_squeeze %dma_start3A_330 : memref<1x80x64xf32, #tpu.memory_space<vmem>> -> memref<80x64xf32, #tpu.memory_space<vmem>>
            %dma_start3A_332 = arith.constant 0 : i32
            %dma_start3A_333 = tpu.memref_slice %arg8[%add3A_294, %dma_start3A_332] : memref<50x80xi32, #tpu.memory_space<vmem>> -> memref<1x80xi32, #tpu.memory_space<vmem>>
            %dma_start3A_334 = tpu.memref_squeeze %dma_start3A_333 : memref<1x80xi32, #tpu.memory_space<vmem>> -> memref<80xi32, #tpu.memory_space<vmem>>
            %dma_start3A_335 = arith.constant 0 : i32
            %dma_start3A_336 = arith.constant 0 : i32
            %dma_start3A_337 = tpu.memref_slice %arg5[%dma_start3A_335, %dma_start3A_336] : memref<10000x64xf32, #tpu.memory_space<hbm>> -> memref<10000x64xf32, #tpu.memory_space<hbm>>
            tpu.enqueue_indirect_dma source(%dma_start3A_337 : memref<10000x64xf32, #tpu.memory_space<hbm>>) target(%dma_start3A_331 : memref<80x64xf32, #tpu.memory_space<vmem>>) offsets(%dma_start3A_334 : memref<80xi32, #tpu.memory_space<vmem>>) semaphore(%arg13 : memref<!tpu.dma_semaphore, #tpu.memory_space<semaphore_mem>>)
          } else {
          }
          %dma_wait3A_300 = arith.constant 0 : i32
          %dma_wait3A_301 = arith.constant 1 : i32
          %dma_wait3A_302 = arith.constant 0 : i32
          %dma_wait3A_303 = arith.constant 0 : i32
          %dma_wait3A_304 = tpu.memref_slice %arg10[%dma_wait3A_301, %dma_wait3A_302, %dma_wait3A_303] : memref<2x80x64xf32, #tpu.memory_space<vmem>> -> memref<1x80x64xf32, #tpu.memory_space<vmem>>
          %dma_wait3A_305 = tpu.memref_squeeze %dma_wait3A_304 : memref<1x80x64xf32, #tpu.memory_space<vmem>> -> memref<80x64xf32, #tpu.memory_space<vmem>>
          %dma_wait3A_306 = arith.constant 0 : i32
          %dma_wait3A_307 = tpu.memref_slice %arg8[%dma_wait3A_300, %dma_wait3A_306] : memref<50x80xi32, #tpu.memory_space<vmem>> -> memref<1x80xi32, #tpu.memory_space<vmem>>
          %dma_wait3A_308 = tpu.memref_squeeze %dma_wait3A_307 : memref<1x80xi32, #tpu.memory_space<vmem>> -> memref<80xi32, #tpu.memory_space<vmem>>
          %dma_wait3A_309 = arith.constant 0 : i32
          %dma_wait3A_310 = arith.constant 0 : i32
          %dma_wait3A_311 = tpu.memref_slice %arg5[%dma_wait3A_309, %dma_wait3A_310] : memref<10000x64xf32, #tpu.memory_space<hbm>> -> memref<10000x64xf32, #tpu.memory_space<hbm>>
          tpu.wait_indirect_dma semaphore(%arg14 : memref<!tpu.dma_semaphore, #tpu.memory_space<semaphore_mem>>) src(%dma_wait3A_311 : memref<10000x64xf32, #tpu.memory_space<hbm>>) dst(%dma_wait3A_305 : memref<80x64xf32, #tpu.memory_space<vmem>>)
          %dma_start3A_312 = arith.constant 1 : i32
          %dma_start3A_313 = arith.constant 0 : i32
          %dma_start3A_314 = arith.constant 0 : i32
          %dma_start3A_315 = tpu.memref_slice %arg10[%dma_start3A_312, %dma_start3A_313, %dma_start3A_314] : memref<2x80x64xf32, #tpu.memory_space<vmem>> -> memref<1x80x64xf32, #tpu.memory_space<vmem>>
          %dma_start3A_316 = tpu.memref_squeeze %dma_start3A_315 : memref<1x80x64xf32, #tpu.memory_space<vmem>> -> memref<80x64xf32, #tpu.memory_space<vmem>>
          %dma_start3A_317 = arith.constant 0 : i32
          %dma_start3A_318 = tpu.memref_slice %arg9[%add3A_292, %dma_start3A_317] : memref<50x80xi32, #tpu.memory_space<vmem>> -> memref<1x80xi32, #tpu.memory_space<vmem>>
          %dma_start3A_319 = tpu.memref_squeeze %dma_start3A_318 : memref<1x80xi32, #tpu.memory_space<vmem>> -> memref<80xi32, #tpu.memory_space<vmem>>
          %dma_start3A_320 = arith.constant 0 : i32
          %dma_start3A_321 = arith.constant 0 : i32
          %dma_start3A_322 = tpu.memref_slice %arg12[%dma_start3A_320, %dma_start3A_321] : memref<10240x64xf32, #tpu.memory_space<vmem_shared>> -> memref<10240x64xf32, #tpu.memory_space<vmem_shared>>
          tpu.enqueue_indirect_dma source(%dma_start3A_316 : memref<80x64xf32, #tpu.memory_space<vmem>>) target(%dma_start3A_322 : memref<10240x64xf32, #tpu.memory_space<vmem_shared>>) offsets(%dma_start3A_319 : memref<80xi32, #tpu.memory_space<vmem>>) semaphore(%arg16 : memref<!tpu.dma_semaphore, #tpu.memory_space<semaphore_mem>>) {add = true}
        }
        %scan3A_232 = arith.constant 25 : i32
        %dma_wait3A = arith.constant 0 : i32
        %dma_wait3A_233 = arith.constant 0 : i32
        %dma_wait3A_234 = arith.constant 0 : i32
        %dma_wait3A_235 = arith.constant 0 : i32
        %dma_wait3A_236 = tpu.memref_slice %arg10[%dma_wait3A, %dma_wait3A_234, %dma_wait3A_235] : memref<2x80x64xf32, #tpu.memory_space<vmem>> -> memref<1x80x64xf32, #tpu.memory_space<vmem>>
        %dma_wait3A_237 = tpu.memref_squeeze %dma_wait3A_236 : memref<1x80x64xf32, #tpu.memory_space<vmem>> -> memref<80x64xf32, #tpu.memory_space<vmem>>
        %dma_wait3A_238 = arith.constant 0 : i32
        %dma_wait3A_239 = tpu.memref_slice %arg9[%dma_wait3A_233, %dma_wait3A_238] : memref<50x80xi32, #tpu.memory_space<vmem>> -> memref<1x80xi32, #tpu.memory_space<vmem>>
        %dma_wait3A_240 = tpu.memref_squeeze %dma_wait3A_239 : memref<1x80xi32, #tpu.memory_space<vmem>> -> memref<80xi32, #tpu.memory_space<vmem>>
        %dma_wait3A_241 = arith.constant 0 : i32
        %dma_wait3A_242 = arith.constant 0 : i32
        %dma_wait3A_243 = tpu.memref_slice %arg12[%dma_wait3A_241, %dma_wait3A_242] : memref<10240x64xf32, #tpu.memory_space<vmem_shared>> -> memref<10240x64xf32, #tpu.memory_space<vmem_shared>>
        tpu.wait_indirect_dma semaphore(%arg15 : memref<!tpu.dma_semaphore, #tpu.memory_space<semaphore_mem>>) src(%dma_wait3A_237 : memref<80x64xf32, #tpu.memory_space<vmem>>) dst(%dma_wait3A_243 : memref<10240x64xf32, #tpu.memory_space<vmem_shared>>)
        %dma_wait3A_244 = arith.constant 1 : i32
        %dma_wait3A_245 = arith.constant 0 : i32
        %dma_wait3A_246 = arith.constant 0 : i32
        %dma_wait3A_247 = arith.constant 0 : i32
        %dma_wait3A_248 = tpu.memref_slice %arg10[%dma_wait3A_244, %dma_wait3A_246, %dma_wait3A_247] : memref<2x80x64xf32, #tpu.memory_space<vmem>> -> memref<1x80x64xf32, #tpu.memory_space<vmem>>
        %dma_wait3A_249 = tpu.memref_squeeze %dma_wait3A_248 : memref<1x80x64xf32, #tpu.memory_space<vmem>> -> memref<80x64xf32, #tpu.memory_space<vmem>>
        %dma_wait3A_250 = arith.constant 0 : i32
        %dma_wait3A_251 = tpu.memref_slice %arg9[%dma_wait3A_245, %dma_wait3A_250] : memref<50x80xi32, #tpu.memory_space<vmem>> -> memref<1x80xi32, #tpu.memory_space<vmem>>
        %dma_wait3A_252 = tpu.memref_squeeze %dma_wait3A_251 : memref<1x80xi32, #tpu.memory_space<vmem>> -> memref<80xi32, #tpu.memory_space<vmem>>
        %dma_wait3A_253 = arith.constant 0 : i32
        %dma_wait3A_254 = arith.constant 0 : i32
        %dma_wait3A_255 = tpu.memref_slice %arg12[%dma_wait3A_253, %dma_wait3A_254] : memref<10240x64xf32, #tpu.memory_space<vmem_shared>> -> memref<10240x64xf32, #tpu.memory_space<vmem_shared>>
        tpu.wait_indirect_dma semaphore(%arg16 : memref<!tpu.dma_semaphore, #tpu.memory_space<semaphore_mem>>) src(%dma_wait3A_249 : memref<80x64xf32, #tpu.memory_space<vmem>>) dst(%dma_wait3A_255 : memref<10240x64xf32, #tpu.memory_space<vmem_shared>>)
      }
      %scan3A_209 = arith.constant 5 : i32
      %barrier3A_210 = arith.constant 0 : index
      tpu.barrier barrier_id(%barrier3A_210)
      %mul3A = arith.constant 640 : i32
      %mul3A_211 = arith.muli %arg1, %mul3A : i32
      %multiple_of3A = tpu.assume_multiple %mul3A_211, 8 : i32
      "tpu.region"() ({
        %run_scoped3A = tpu.sem_alloc : memref<!tpu.dma_semaphore, #tpu.memory_space<semaphore_mem>>
        %dma_start3A = arith.constant 0 : i32
        %dma_start3A_212 = tpu.memref_slice %arg7[%multiple_of3A, %dma_start3A] : memref<10240x64xf32, #tpu.memory_space<hbm>> -> memref<640x64xf32, #tpu.memory_space<hbm>>
        %dma_start3A_213 = arith.constant 0 : i32
        %dma_start3A_214 = tpu.memref_slice %arg12[%multiple_of3A, %dma_start3A_213] : memref<10240x64xf32, #tpu.memory_space<vmem_shared>> -> memref<640x64xf32, #tpu.memory_space<vmem_shared>>
        tpu.enqueue_dma source(%dma_start3A_214 : memref<640x64xf32, #tpu.memory_space<vmem_shared>>) target(%dma_start3A_212 : memref<640x64xf32, #tpu.memory_space<hbm>>) target_semaphore(%run_scoped3A : memref<!tpu.dma_semaphore, #tpu.memory_space<semaphore_mem>>)
        %dma_wait3A = arith.constant 0 : i32
        %dma_wait3A_215 = tpu.memref_slice %arg7[%multiple_of3A, %dma_wait3A] : memref<10240x64xf32, #tpu.memory_space<hbm>> -> memref<640x64xf32, #tpu.memory_space<hbm>>
        %dma_wait3A_216 = arith.constant 0 : i32
        %dma_wait3A_217 = tpu.memref_slice %arg12[%multiple_of3A, %dma_wait3A_216] : memref<10240x64xf32, #tpu.memory_space<vmem_shared>> -> memref<640x64xf32, #tpu.memory_space<vmem_shared>>
        tpu.wait_dma2 semaphore(%run_scoped3A : memref<!tpu.dma_semaphore, #tpu.memory_space<semaphore_mem>>) src(%dma_wait3A_217 : memref<640x64xf32, #tpu.memory_space<vmem_shared>>) dst(%dma_wait3A_215 : memref<640x64xf32, #tpu.memory_space<hbm>>)
        tpu.yield
      }) : () -> ()
    } else {
    }
    return
  }
}

#map = affine_map<(d0, d1) -> (0)>
module attributes {stable_mosaic.version = 14 : i64} {
  func.func @_deg_kernel(%arg0: i32, %arg1: i32, %arg2: memref<640000xi32, #tpu.memory_space<hbm>>, %arg3: memref<320000xf32, #tpu.memory_space<hbm>>, %arg4: memref<20000xi32, #tpu.memory_space<vmem>>, %arg5: memref<10000xf32, #tpu.memory_space<vmem>>) attributes {dimension_semantics = [#tpu.dimension_semantics<core_parallel>, #tpu.dimension_semantics<subcore_parallel>], iteration_bounds = array<i64: 2, 16>, scalar_prefetch = 0 : i64, scratch_operands = 2 : i64, tpu.core_type = #tpu.core_type<sc_vector_subcore>, window_params = [{transform_indices = #map}, {transform_indices = #map}]} {
    %mul3A = arith.constant 16 : i32
    %mul3A_0 = arith.muli %arg0, %mul3A : i32
    %add3A = arith.addi %mul3A_0, %arg1 : i32
    %mul3A_1 = arith.constant 20000 : i32
    %mul3A_2 = arith.muli %add3A, %mul3A_1 : i32
    %multiple_of3A = tpu.assume_multiple %mul3A_2, 8 : i32
    "tpu.region"() ({
      %run_scoped3A = tpu.sem_alloc : memref<!tpu.dma_semaphore, #tpu.memory_space<semaphore_mem>>
      %dma_start3A = tpu.memref_slice %arg2[%multiple_of3A] : memref<640000xi32, #tpu.memory_space<hbm>> -> memref<20000xi32, #tpu.memory_space<hbm>>
      %dma_start3A_20 = tpu.memref_slice %arg2[%multiple_of3A] : memref<640000xi32, #tpu.memory_space<hbm>> -> memref<20000xi32, #tpu.memory_space<hbm>>
      tpu.enqueue_dma source(%dma_start3A_20 : memref<20000xi32, #tpu.memory_space<hbm>>) target(%arg4 : memref<20000xi32, #tpu.memory_space<vmem>>) target_semaphore(%run_scoped3A : memref<!tpu.dma_semaphore, #tpu.memory_space<semaphore_mem>>)
      %dma_wait3A = tpu.memref_slice %arg2[%multiple_of3A] : memref<640000xi32, #tpu.memory_space<hbm>> -> memref<20000xi32, #tpu.memory_space<hbm>>
      %dma_wait3A_21 = tpu.memref_slice %arg2[%multiple_of3A] : memref<640000xi32, #tpu.memory_space<hbm>> -> memref<20000xi32, #tpu.memory_space<hbm>>
      tpu.wait_dma2 semaphore(%run_scoped3A : memref<!tpu.dma_semaphore, #tpu.memory_space<semaphore_mem>>) src(%dma_wait3A_21 : memref<20000xi32, #tpu.memory_space<hbm>>) dst(%arg4 : memref<20000xi32, #tpu.memory_space<vmem>>)
      tpu.yield
    }) : () -> ()
    %broadcast_in_dim3A = arith.constant 0.000000e+00 : f32
    %broadcast_in_dim3A_3 = vector.broadcast %broadcast_in_dim3A : f32 to vector<16xf32>
    %broadcast_in_dim3A_4 = arith.constant 1.000000e+00 : f32
    %broadcast_in_dim3A_5 = vector.broadcast %broadcast_in_dim3A_4 : f32 to vector<16xf32>
    %scan3A = arith.constant 0 : i32
    %scan3A_6 = arith.constant 0 : i32
    %scan3A_7 = arith.constant 625 : i32
    %scan3A_8 = arith.addi %scan3A_6, %scan3A_7 : i32
    %scan3A_9 = arith.constant 1 : i32
    scf.for %scan3A_20 = %scan3A_6 to %scan3A_8 step %scan3A_9  : i32 {
      %mul3A_21 = arith.constant 16 : i32
      %mul3A_22 = arith.muli %scan3A_20, %mul3A_21 : i32
      %swap3A = arith.index_cast %mul3A_22 : i32 to index
      %swap3A_23 = tpu.vector_load %arg5[%swap3A] {strides = array<i32>} : memref<10000xf32, #tpu.memory_space<vmem>>, vector<16xf32>,
      tpu.vector_store %arg5[%swap3A], %broadcast_in_dim3A_3 {strides = array<i32>} : memref<10000xf32, #tpu.memory_space<vmem>>, vector<16xf32>,
    }
    %scan3A_10 = arith.constant 625 : i32
    %scan3A_11 = arith.constant 0 : i32
    %scan3A_12 = arith.constant 0 : i32
    %scan3A_13 = arith.constant 1250 : i32
    %scan3A_14 = arith.addi %scan3A_12, %scan3A_13 : i32
    %scan3A_15 = arith.constant 1 : i32
    scf.for %scan3A_20 = %scan3A_12 to %scan3A_14 step %scan3A_15  : i32 {
      %mul3A_21 = arith.constant 16 : i32
      %mul3A_22 = arith.muli %scan3A_20, %mul3A_21 : i32
      %get3A = arith.index_cast %mul3A_22 : i32 to index
      %get3A_23 = tpu.vector_load %arg4[%get3A] {strides = array<i32>} : memref<20000xi32, #tpu.memory_space<vmem>>, vector<16xi32>,
      tpu.vector_store_idx %arg5[%get3A_23], %broadcast_in_dim3A_5 {add = true} : memref<10000xf32, #tpu.memory_space<vmem>>[vector<16xi32>], vector<16xf32>,
    }
    %scan3A_16 = arith.constant 1250 : i32
    %mul3A_17 = arith.constant 10000 : i32
    %mul3A_18 = arith.muli %add3A, %mul3A_17 : i32
    %multiple_of3A_19 = tpu.assume_multiple %mul3A_18, 8 : i32
    "tpu.region"() ({
      %run_scoped3A = tpu.sem_alloc : memref<!tpu.dma_semaphore, #tpu.memory_space<semaphore_mem>>
      %dma_start3A = tpu.memref_slice %arg3[%multiple_of3A_19] : memref<320000xf32, #tpu.memory_space<hbm>> -> memref<10000xf32, #tpu.memory_space<hbm>>
      %dma_start3A_20 = tpu.memref_slice %arg3[%multiple_of3A_19] : memref<320000xf32, #tpu.memory_space<hbm>> -> memref<10000xf32, #tpu.memory_space<hbm>>
      tpu.enqueue_dma source(%arg5 : memref<10000xf32, #tpu.memory_space<vmem>>) target(%dma_start3A_20 : memref<10000xf32, #tpu.memory_space<hbm>>) target_semaphore(%run_scoped3A : memref<!tpu.dma_semaphore, #tpu.memory_space<semaphore_mem>>)
      %dma_wait3A = tpu.memref_slice %arg3[%multiple_of3A_19] : memref<320000xf32, #tpu.memory_space<hbm>> -> memref<10000xf32, #tpu.memory_space<hbm>>
      %dma_wait3A_21 = tpu.memref_slice %arg3[%multiple_of3A_19] : memref<320000xf32, #tpu.memory_space<hbm>> -> memref<10000xf32, #tpu.memory_space<hbm>>
      tpu.wait_dma2 semaphore(%run_scoped3A : memref<!tpu.dma_semaphore, #tpu.memory_space<semaphore_mem>>) src(%arg5 : memref<10000xf32, #tpu.memory_space<vmem>>) dst(%dma_wait3A_21 : memref<10000xf32, #tpu.memory_space<hbm>>)
      tpu.yield
    }) : () -> ()
    return
  }
}

#map = affine_map<(d0, d1) -> (0, 0, 0)>
#map1 = affine_map<(d0, d1) -> (0, 0)>
module attributes {stable_mosaic.version = 14 : i64} {
  func.func @_prop_kernel(%arg0: i32, %arg1: i32, %arg2: memref<16x250x80xi32, #tpu.memory_space<hbm>>, %arg3: memref<16x250x80xi32, #tpu.memory_space<hbm>>, %arg4: memref<10000x64xf32, #tpu.memory_space<hbm>>, %arg5: memref<10000x64xf32, #tpu.memory_space<hbm>>, %arg6: memref<10240x64xf32, #tpu.memory_space<hbm>>, %arg7: memref<10240x64xf32, #tpu.memory_space<hbm>>, %arg8: memref<50x80xi32, #tpu.memory_space<vmem>>, %arg9: memref<50x80xi32, #tpu.memory_space<vmem>>, %arg10: memref<2x80x64xf32, #tpu.memory_space<vmem>>, %arg11: memref<8x64xf32, #tpu.memory_space<vmem>>, %arg12: memref<10240x64xf32, #tpu.memory_space<vmem_shared>>, %arg13: memref<!tpu.dma_semaphore, #tpu.memory_space<semaphore_mem>>, %arg14: memref<!tpu.dma_semaphore, #tpu.memory_space<semaphore_mem>>, %arg15: memref<!tpu.dma_semaphore, #tpu.memory_space<semaphore_mem>>, %arg16: memref<!tpu.dma_semaphore, #tpu.memory_space<semaphore_mem>>) attributes {dimension_semantics = [#tpu.dimension_semantics<core_parallel>, #tpu.dimension_semantics<subcore_parallel>], iteration_bounds = array<i64: 2, 16>, scalar_prefetch = 0 : i64, scratch_operands = 9 : i64, tpu.core_type = #tpu.core_type<sc_vector_subcore>, window_params = [{transform_indices = #map}, {transform_indices = #map}, {transform_indices = #map1}, {transform_indices = #map1}, {transform_indices = #map1}, {transform_indices = #map1}]} {
    %broadcast_in_dim3A = arith.constant 0.000000e+00 : f32
    %broadcast_in_dim3A_0 = vector.broadcast %broadcast_in_dim3A : f32 to vector<16xf32>
    %swap3A = arith.constant 0 : i32
    %swap3A_1 = arith.index_cast %swap3A : i32 to index
    %swap3A_2 = arith.constant 0 : index
    %swap3A_3 = tpu.vector_load %arg11[%swap3A_1, %swap3A_2] {strides = array<i32>} : memref<8x64xf32, #tpu.memory_space<vmem>>, vector<1x16xf32>,
    %swap3A_4 = vector.shape_cast %swap3A_3 : vector<1x16xf32> to vector<16xf32>
    %swap3A_5 = vector.shape_cast %broadcast_in_dim3A_0 : vector<16xf32> to vector<1x16xf32>
    tpu.vector_store %arg11[%swap3A_1, %swap3A_2], %swap3A_5 {strides = array<i32>} : memref<8x64xf32, #tpu.memory_space<vmem>>, vector<1x16xf32>,
    %swap3A_6 = arith.constant 0 : i32
    %swap3A_7 = arith.index_cast %swap3A_6 : i32 to index
    %swap3A_8 = arith.constant 16 : index
    %swap3A_9 = tpu.vector_load %arg11[%swap3A_7, %swap3A_8] {strides = array<i32>} : memref<8x64xf32, #tpu.memory_space<vmem>>, vector<1x16xf32>,
    %swap3A_10 = vector.shape_cast %swap3A_9 : vector<1x16xf32> to vector<16xf32>
    %swap3A_11 = vector.shape_cast %broadcast_in_dim3A_0 : vector<16xf32> to vector<1x16xf32>
    tpu.vector_store %arg11[%swap3A_7, %swap3A_8], %swap3A_11 {strides = array<i32>} : memref<8x64xf32, #tpu.memory_space<vmem>>, vector<1x16xf32>,
    %swap3A_12 = arith.constant 0 : i32
    %swap3A_13 = arith.index_cast %swap3A_12 : i32 to index
    %swap3A_14 = arith.constant 32 : index
    %swap3A_15 = tpu.vector_load %arg11[%swap3A_13, %swap3A_14] {strides = array<i32>} : memref<8x64xf32, #tpu.memory_space<vmem>>, vector<1x16xf32>,
    %swap3A_16 = vector.shape_cast %swap3A_15 : vector<1x16xf32> to vector<16xf32>
    %swap3A_17 = vector.shape_cast %broadcast_in_dim3A_0 : vector<16xf32> to vector<1x16xf32>
    tpu.vector_store %arg11[%swap3A_13, %swap3A_14], %swap3A_17 {strides = array<i32>} : memref<8x64xf32, #tpu.memory_space<vmem>>, vector<1x16xf32>,
    %swap3A_18 = arith.constant 0 : i32
    %swap3A_19 = arith.index_cast %swap3A_18 : i32 to index
    %swap3A_20 = arith.constant 48 : index
    %swap3A_21 = tpu.vector_load %arg11[%swap3A_19, %swap3A_20] {strides = array<i32>} : memref<8x64xf32, #tpu.memory_space<vmem>>, vector<1x16xf32>,
    %swap3A_22 = vector.shape_cast %swap3A_21 : vector<1x16xf32> to vector<16xf32>
    %swap3A_23 = vector.shape_cast %broadcast_in_dim3A_0 : vector<16xf32> to vector<1x16xf32>
    tpu.vector_store %arg11[%swap3A_19, %swap3A_20], %swap3A_23 {strides = array<i32>} : memref<8x64xf32, #tpu.memory_space<vmem>>, vector<1x16xf32>,
    %swap3A_24 = arith.constant 1 : i32
    %swap3A_25 = arith.index_cast %swap3A_24 : i32 to index
    %swap3A_26 = arith.constant 0 : index
    %swap3A_27 = tpu.vector_load %arg11[%swap3A_25, %swap3A_26] {strides = array<i32>} : memref<8x64xf32, #tpu.memory_space<vmem>>, vector<1x16xf32>,
    %swap3A_28 = vector.shape_cast %swap3A_27 : vector<1x16xf32> to vector<16xf32>
    %swap3A_29 = vector.shape_cast %broadcast_in_dim3A_0 : vector<16xf32> to vector<1x16xf32>
    tpu.vector_store %arg11[%swap3A_25, %swap3A_26], %swap3A_29 {strides = array<i32>} : memref<8x64xf32, #tpu.memory_space<vmem>>, vector<1x16xf32>,
    %swap3A_30 = arith.constant 1 : i32
    %swap3A_31 = arith.index_cast %swap3A_30 : i32 to index
    %swap3A_32 = arith.constant 16 : index
    %swap3A_33 = tpu.vector_load %arg11[%swap3A_31, %swap3A_32] {strides = array<i32>} : memref<8x64xf32, #tpu.memory_space<vmem>>, vector<1x16xf32>,
    %swap3A_34 = vector.shape_cast %swap3A_33 : vector<1x16xf32> to vector<16xf32>
    %swap3A_35 = vector.shape_cast %broadcast_in_dim3A_0 : vector<16xf32> to vector<1x16xf32>
    tpu.vector_store %arg11[%swap3A_31, %swap3A_32], %swap3A_35 {strides = array<i32>} : memref<8x64xf32, #tpu.memory_space<vmem>>, vector<1x16xf32>,
    %swap3A_36 = arith.constant 1 : i32
    %swap3A_37 = arith.index_cast %swap3A_36 : i32 to index
    %swap3A_38 = arith.constant 32 : index
    %swap3A_39 = tpu.vector_load %arg11[%swap3A_37, %swap3A_38] {strides = array<i32>} : memref<8x64xf32, #tpu.memory_space<vmem>>, vector<1x16xf32>,
    %swap3A_40 = vector.shape_cast %swap3A_39 : vector<1x16xf32> to vector<16xf32>
    %swap3A_41 = vector.shape_cast %broadcast_in_dim3A_0 : vector<16xf32> to vector<1x16xf32>
    tpu.vector_store %arg11[%swap3A_37, %swap3A_38], %swap3A_41 {strides = array<i32>} : memref<8x64xf32, #tpu.memory_space<vmem>>, vector<1x16xf32>,
    %swap3A_42 = arith.constant 1 : i32
    %swap3A_43 = arith.index_cast %swap3A_42 : i32 to index
    %swap3A_44 = arith.constant 48 : index
    %swap3A_45 = tpu.vector_load %arg11[%swap3A_43, %swap3A_44] {strides = array<i32>} : memref<8x64xf32, #tpu.memory_space<vmem>>, vector<1x16xf32>,
    %swap3A_46 = vector.shape_cast %swap3A_45 : vector<1x16xf32> to vector<16xf32>
    %swap3A_47 = vector.shape_cast %broadcast_in_dim3A_0 : vector<16xf32> to vector<1x16xf32>
    tpu.vector_store %arg11[%swap3A_43, %swap3A_44], %swap3A_47 {strides = array<i32>} : memref<8x64xf32, #tpu.memory_space<vmem>>, vector<1x16xf32>,
    %swap3A_48 = arith.constant 2 : i32
    %swap3A_49 = arith.index_cast %swap3A_48 : i32 to index
    %swap3A_50 = arith.constant 0 : index
    %swap3A_51 = tpu.vector_load %arg11[%swap3A_49, %swap3A_50] {strides = array<i32>} : memref<8x64xf32, #tpu.memory_space<vmem>>, vector<1x16xf32>,
    %swap3A_52 = vector.shape_cast %swap3A_51 : vector<1x16xf32> to vector<16xf32>
    %swap3A_53 = vector.shape_cast %broadcast_in_dim3A_0 : vector<16xf32> to vector<1x16xf32>
    tpu.vector_store %arg11[%swap3A_49, %swap3A_50], %swap3A_53 {strides = array<i32>} : memref<8x64xf32, #tpu.memory_space<vmem>>, vector<1x16xf32>,
    %swap3A_54 = arith.constant 2 : i32
    %swap3A_55 = arith.index_cast %swap3A_54 : i32 to index
    %swap3A_56 = arith.constant 16 : index
    %swap3A_57 = tpu.vector_load %arg11[%swap3A_55, %swap3A_56] {strides = array<i32>} : memref<8x64xf32, #tpu.memory_space<vmem>>, vector<1x16xf32>,
    %swap3A_58 = vector.shape_cast %swap3A_57 : vector<1x16xf32> to vector<16xf32>
    %swap3A_59 = vector.shape_cast %broadcast_in_dim3A_0 : vector<16xf32> to vector<1x16xf32>
    tpu.vector_store %arg11[%swap3A_55, %swap3A_56], %swap3A_59 {strides = array<i32>} : memref<8x64xf32, #tpu.memory_space<vmem>>, vector<1x16xf32>,
    %swap3A_60 = arith.constant 2 : i32
    %swap3A_61 = arith.index_cast %swap3A_60 : i32 to index
    %swap3A_62 = arith.constant 32 : index
    %swap3A_63 = tpu.vector_load %arg11[%swap3A_61, %swap3A_62] {strides = array<i32>} : memref<8x64xf32, #tpu.memory_space<vmem>>, vector<1x16xf32>,
    %swap3A_64 = vector.shape_cast %swap3A_63 : vector<1x16xf32> to vector<16xf32>
    %swap3A_65 = vector.shape_cast %broadcast_in_dim3A_0 : vector<16xf32> to vector<1x16xf32>
    tpu.vector_store %arg11[%swap3A_61, %swap3A_62], %swap3A_65 {strides = array<i32>} : memref<8x64xf32, #tpu.memory_space<vmem>>, vector<1x16xf32>,
    %swap3A_66 = arith.constant 2 : i32
    %swap3A_67 = arith.index_cast %swap3A_66 : i32 to index
    %swap3A_68 = arith.constant 48 : index
    %swap3A_69 = tpu.vector_load %arg11[%swap3A_67, %swap3A_68] {strides = array<i32>} : memref<8x64xf32, #tpu.memory_space<vmem>>, vector<1x16xf32>,
    %swap3A_70 = vector.shape_cast %swap3A_69 : vector<1x16xf32> to vector<16xf32>
    %swap3A_71 = vector.shape_cast %broadcast_in_dim3A_0 : vector<16xf32> to vector<1x16xf32>
    tpu.vector_store %arg11[%swap3A_67, %swap3A_68], %swap3A_71 {strides = array<i32>} : memref<8x64xf32, #tpu.memory_space<vmem>>, vector<1x16xf32>,
    %swap3A_72 = arith.constant 3 : i32
    %swap3A_73 = arith.index_cast %swap3A_72 : i32 to index
    %swap3A_74 = arith.constant 0 : index
    %swap3A_75 = tpu.vector_load %arg11[%swap3A_73, %swap3A_74] {strides = array<i32>} : memref<8x64xf32, #tpu.memory_space<vmem>>, vector<1x16xf32>,
    %swap3A_76 = vector.shape_cast %swap3A_75 : vector<1x16xf32> to vector<16xf32>
    %swap3A_77 = vector.shape_cast %broadcast_in_dim3A_0 : vector<16xf32> to vector<1x16xf32>
    tpu.vector_store %arg11[%swap3A_73, %swap3A_74], %swap3A_77 {strides = array<i32>} : memref<8x64xf32, #tpu.memory_space<vmem>>, vector<1x16xf32>,
    %swap3A_78 = arith.constant 3 : i32
    %swap3A_79 = arith.index_cast %swap3A_78 : i32 to index
    %swap3A_80 = arith.constant 16 : index
    %swap3A_81 = tpu.vector_load %arg11[%swap3A_79, %swap3A_80] {strides = array<i32>} : memref<8x64xf32, #tpu.memory_space<vmem>>, vector<1x16xf32>,
    %swap3A_82 = vector.shape_cast %swap3A_81 : vector<1x16xf32> to vector<16xf32>
    %swap3A_83 = vector.shape_cast %broadcast_in_dim3A_0 : vector<16xf32> to vector<1x16xf32>
    tpu.vector_store %arg11[%swap3A_79, %swap3A_80], %swap3A_83 {strides = array<i32>} : memref<8x64xf32, #tpu.memory_space<vmem>>, vector<1x16xf32>,
    %swap3A_84 = arith.constant 3 : i32
    %swap3A_85 = arith.index_cast %swap3A_84 : i32 to index
    %swap3A_86 = arith.constant 32 : index
    %swap3A_87 = tpu.vector_load %arg11[%swap3A_85, %swap3A_86] {strides = array<i32>} : memref<8x64xf32, #tpu.memory_space<vmem>>, vector<1x16xf32>,
    %swap3A_88 = vector.shape_cast %swap3A_87 : vector<1x16xf32> to vector<16xf32>
    %swap3A_89 = vector.shape_cast %broadcast_in_dim3A_0 : vector<16xf32> to vector<1x16xf32>
    tpu.vector_store %arg11[%swap3A_85, %swap3A_86], %swap3A_89 {strides = array<i32>} : memref<8x64xf32, #tpu.memory_space<vmem>>, vector<1x16xf32>,
    %swap3A_90 = arith.constant 3 : i32
    %swap3A_91 = arith.index_cast %swap3A_90 : i32 to index
    %swap3A_92 = arith.constant 48 : index
    %swap3A_93 = tpu.vector_load %arg11[%swap3A_91, %swap3A_92] {strides = array<i32>} : memref<8x64xf32, #tpu.memory_space<vmem>>, vector<1x16xf32>,
    %swap3A_94 = vector.shape_cast %swap3A_93 : vector<1x16xf32> to vector<16xf32>
    %swap3A_95 = vector.shape_cast %broadcast_in_dim3A_0 : vector<16xf32> to vector<1x16xf32>
    tpu.vector_store %arg11[%swap3A_91, %swap3A_92], %swap3A_95 {strides = array<i32>} : memref<8x64xf32, #tpu.memory_space<vmem>>, vector<1x16xf32>,
    %swap3A_96 = arith.constant 4 : i32
    %swap3A_97 = arith.index_cast %swap3A_96 : i32 to index
    %swap3A_98 = arith.constant 0 : index
    %swap3A_99 = tpu.vector_load %arg11[%swap3A_97, %swap3A_98] {strides = array<i32>} : memref<8x64xf32, #tpu.memory_space<vmem>>, vector<1x16xf32>,
    %swap3A_100 = vector.shape_cast %swap3A_99 : vector<1x16xf32> to vector<16xf32>
    %swap3A_101 = vector.shape_cast %broadcast_in_dim3A_0 : vector<16xf32> to vector<1x16xf32>
    tpu.vector_store %arg11[%swap3A_97, %swap3A_98], %swap3A_101 {strides = array<i32>} : memref<8x64xf32, #tpu.memory_space<vmem>>, vector<1x16xf32>,
    %swap3A_102 = arith.constant 4 : i32
    %swap3A_103 = arith.index_cast %swap3A_102 : i32 to index
    %swap3A_104 = arith.constant 16 : index
    %swap3A_105 = tpu.vector_load %arg11[%swap3A_103, %swap3A_104] {strides = array<i32>} : memref<8x64xf32, #tpu.memory_space<vmem>>, vector<1x16xf32>,
    %swap3A_106 = vector.shape_cast %swap3A_105 : vector<1x16xf32> to vector<16xf32>
    %swap3A_107 = vector.shape_cast %broadcast_in_dim3A_0 : vector<16xf32> to vector<1x16xf32>
    tpu.vector_store %arg11[%swap3A_103, %swap3A_104], %swap3A_107 {strides = array<i32>} : memref<8x64xf32, #tpu.memory_space<vmem>>, vector<1x16xf32>,
    %swap3A_108 = arith.constant 4 : i32
    %swap3A_109 = arith.index_cast %swap3A_108 : i32 to index
    %swap3A_110 = arith.constant 32 : index
    %swap3A_111 = tpu.vector_load %arg11[%swap3A_109, %swap3A_110] {strides = array<i32>} : memref<8x64xf32, #tpu.memory_space<vmem>>, vector<1x16xf32>,
    %swap3A_112 = vector.shape_cast %swap3A_111 : vector<1x16xf32> to vector<16xf32>
    %swap3A_113 = vector.shape_cast %broadcast_in_dim3A_0 : vector<16xf32> to vector<1x16xf32>
    tpu.vector_store %arg11[%swap3A_109, %swap3A_110], %swap3A_113 {strides = array<i32>} : memref<8x64xf32, #tpu.memory_space<vmem>>, vector<1x16xf32>,
    %swap3A_114 = arith.constant 4 : i32
    %swap3A_115 = arith.index_cast %swap3A_114 : i32 to index
    %swap3A_116 = arith.constant 48 : index
    %swap3A_117 = tpu.vector_load %arg11[%swap3A_115, %swap3A_116] {strides = array<i32>} : memref<8x64xf32, #tpu.memory_space<vmem>>, vector<1x16xf32>,
    %swap3A_118 = vector.shape_cast %swap3A_117 : vector<1x16xf32> to vector<16xf32>
    %swap3A_119 = vector.shape_cast %broadcast_in_dim3A_0 : vector<16xf32> to vector<1x16xf32>
    tpu.vector_store %arg11[%swap3A_115, %swap3A_116], %swap3A_119 {strides = array<i32>} : memref<8x64xf32, #tpu.memory_space<vmem>>, vector<1x16xf32>,
    %swap3A_120 = arith.constant 5 : i32
    %swap3A_121 = arith.index_cast %swap3A_120 : i32 to index
    %swap3A_122 = arith.constant 0 : index
    %swap3A_123 = tpu.vector_load %arg11[%swap3A_121, %swap3A_122] {strides = array<i32>} : memref<8x64xf32, #tpu.memory_space<vmem>>, vector<1x16xf32>,
    %swap3A_124 = vector.shape_cast %swap3A_123 : vector<1x16xf32> to vector<16xf32>
    %swap3A_125 = vector.shape_cast %broadcast_in_dim3A_0 : vector<16xf32> to vector<1x16xf32>
    tpu.vector_store %arg11[%swap3A_121, %swap3A_122], %swap3A_125 {strides = array<i32>} : memref<8x64xf32, #tpu.memory_space<vmem>>, vector<1x16xf32>,
    %swap3A_126 = arith.constant 5 : i32
    %swap3A_127 = arith.index_cast %swap3A_126 : i32 to index
    %swap3A_128 = arith.constant 16 : index
    %swap3A_129 = tpu.vector_load %arg11[%swap3A_127, %swap3A_128] {strides = array<i32>} : memref<8x64xf32, #tpu.memory_space<vmem>>, vector<1x16xf32>,
    %swap3A_130 = vector.shape_cast %swap3A_129 : vector<1x16xf32> to vector<16xf32>
    %swap3A_131 = vector.shape_cast %broadcast_in_dim3A_0 : vector<16xf32> to vector<1x16xf32>
    tpu.vector_store %arg11[%swap3A_127, %swap3A_128], %swap3A_131 {strides = array<i32>} : memref<8x64xf32, #tpu.memory_space<vmem>>, vector<1x16xf32>,
    %swap3A_132 = arith.constant 5 : i32
    %swap3A_133 = arith.index_cast %swap3A_132 : i32 to index
    %swap3A_134 = arith.constant 32 : index
    %swap3A_135 = tpu.vector_load %arg11[%swap3A_133, %swap3A_134] {strides = array<i32>} : memref<8x64xf32, #tpu.memory_space<vmem>>, vector<1x16xf32>,
    %swap3A_136 = vector.shape_cast %swap3A_135 : vector<1x16xf32> to vector<16xf32>
    %swap3A_137 = vector.shape_cast %broadcast_in_dim3A_0 : vector<16xf32> to vector<1x16xf32>
    tpu.vector_store %arg11[%swap3A_133, %swap3A_134], %swap3A_137 {strides = array<i32>} : memref<8x64xf32, #tpu.memory_space<vmem>>, vector<1x16xf32>,
    %swap3A_138 = arith.constant 5 : i32
    %swap3A_139 = arith.index_cast %swap3A_138 : i32 to index
    %swap3A_140 = arith.constant 48 : index
    %swap3A_141 = tpu.vector_load %arg11[%swap3A_139, %swap3A_140] {strides = array<i32>} : memref<8x64xf32, #tpu.memory_space<vmem>>, vector<1x16xf32>,
    %swap3A_142 = vector.shape_cast %swap3A_141 : vector<1x16xf32> to vector<16xf32>
    %swap3A_143 = vector.shape_cast %broadcast_in_dim3A_0 : vector<16xf32> to vector<1x16xf32>
    tpu.vector_store %arg11[%swap3A_139, %swap3A_140], %swap3A_143 {strides = array<i32>} : memref<8x64xf32, #tpu.memory_space<vmem>>, vector<1x16xf32>,
    %swap3A_144 = arith.constant 6 : i32
    %swap3A_145 = arith.index_cast %swap3A_144 : i32 to index
    %swap3A_146 = arith.constant 0 : index
    %swap3A_147 = tpu.vector_load %arg11[%swap3A_145, %swap3A_146] {strides = array<i32>} : memref<8x64xf32, #tpu.memory_space<vmem>>, vector<1x16xf32>,
    %swap3A_148 = vector.shape_cast %swap3A_147 : vector<1x16xf32> to vector<16xf32>
    %swap3A_149 = vector.shape_cast %broadcast_in_dim3A_0 : vector<16xf32> to vector<1x16xf32>
    tpu.vector_store %arg11[%swap3A_145, %swap3A_146], %swap3A_149 {strides = array<i32>} : memref<8x64xf32, #tpu.memory_space<vmem>>, vector<1x16xf32>,
    %swap3A_150 = arith.constant 6 : i32
    %swap3A_151 = arith.index_cast %swap3A_150 : i32 to index
    %swap3A_152 = arith.constant 16 : index
    %swap3A_153 = tpu.vector_load %arg11[%swap3A_151, %swap3A_152] {strides = array<i32>} : memref<8x64xf32, #tpu.memory_space<vmem>>, vector<1x16xf32>,
    %swap3A_154 = vector.shape_cast %swap3A_153 : vector<1x16xf32> to vector<16xf32>
    %swap3A_155 = vector.shape_cast %broadcast_in_dim3A_0 : vector<16xf32> to vector<1x16xf32>
    tpu.vector_store %arg11[%swap3A_151, %swap3A_152], %swap3A_155 {strides = array<i32>} : memref<8x64xf32, #tpu.memory_space<vmem>>, vector<1x16xf32>,
    %swap3A_156 = arith.constant 6 : i32
    %swap3A_157 = arith.index_cast %swap3A_156 : i32 to index
    %swap3A_158 = arith.constant 32 : index
    %swap3A_159 = tpu.vector_load %arg11[%swap3A_157, %swap3A_158] {strides = array<i32>} : memref<8x64xf32, #tpu.memory_space<vmem>>, vector<1x16xf32>,
    %swap3A_160 = vector.shape_cast %swap3A_159 : vector<1x16xf32> to vector<16xf32>
    %swap3A_161 = vector.shape_cast %broadcast_in_dim3A_0 : vector<16xf32> to vector<1x16xf32>
    tpu.vector_store %arg11[%swap3A_157, %swap3A_158], %swap3A_161 {strides = array<i32>} : memref<8x64xf32, #tpu.memory_space<vmem>>, vector<1x16xf32>,
    %swap3A_162 = arith.constant 6 : i32
    %swap3A_163 = arith.index_cast %swap3A_162 : i32 to index
    %swap3A_164 = arith.constant 48 : index
    %swap3A_165 = tpu.vector_load %arg11[%swap3A_163, %swap3A_164] {strides = array<i32>} : memref<8x64xf32, #tpu.memory_space<vmem>>, vector<1x16xf32>,
    %swap3A_166 = vector.shape_cast %swap3A_165 : vector<1x16xf32> to vector<16xf32>
    %swap3A_167 = vector.shape_cast %broadcast_in_dim3A_0 : vector<16xf32> to vector<1x16xf32>
    tpu.vector_store %arg11[%swap3A_163, %swap3A_164], %swap3A_167 {strides = array<i32>} : memref<8x64xf32, #tpu.memory_space<vmem>>, vector<1x16xf32>,
    %swap3A_168 = arith.constant 7 : i32
    %swap3A_169 = arith.index_cast %swap3A_168 : i32 to index
    %swap3A_170 = arith.constant 0 : index
    %swap3A_171 = tpu.vector_load %arg11[%swap3A_169, %swap3A_170] {strides = array<i32>} : memref<8x64xf32, #tpu.memory_space<vmem>>, vector<1x16xf32>,
    %swap3A_172 = vector.shape_cast %swap3A_171 : vector<1x16xf32> to vector<16xf32>
    %swap3A_173 = vector.shape_cast %broadcast_in_dim3A_0 : vector<16xf32> to vector<1x16xf32>
    tpu.vector_store %arg11[%swap3A_169, %swap3A_170], %swap3A_173 {strides = array<i32>} : memref<8x64xf32, #tpu.memory_space<vmem>>, vector<1x16xf32>,
    %swap3A_174 = arith.constant 7 : i32
    %swap3A_175 = arith.index_cast %swap3A_174 : i32 to index
    %swap3A_176 = arith.constant 16 : index
    %swap3A_177 = tpu.vector_load %arg11[%swap3A_175, %swap3A_176] {strides = array<i32>} : memref<8x64xf32, #tpu.memory_space<vmem>>, vector<1x16xf32>,
    %swap3A_178 = vector.shape_cast %swap3A_177 : vector<1x16xf32> to vector<16xf32>
    %swap3A_179 = vector.shape_cast %broadcast_in_dim3A_0 : vector<16xf32> to vector<1x16xf32>
    tpu.vector_store %arg11[%swap3A_175, %swap3A_176], %swap3A_179 {strides = array<i32>} : memref<8x64xf32, #tpu.memory_space<vmem>>, vector<1x16xf32>,
    %swap3A_180 = arith.constant 7 : i32
    %swap3A_181 = arith.index_cast %swap3A_180 : i32 to index
    %swap3A_182 = arith.constant 32 : index
    %swap3A_183 = tpu.vector_load %arg11[%swap3A_181, %swap3A_182] {strides = array<i32>} : memref<8x64xf32, #tpu.memory_space<vmem>>, vector<1x16xf32>,
    %swap3A_184 = vector.shape_cast %swap3A_183 : vector<1x16xf32> to vector<16xf32>
    %swap3A_185 = vector.shape_cast %broadcast_in_dim3A_0 : vector<16xf32> to vector<1x16xf32>
    tpu.vector_store %arg11[%swap3A_181, %swap3A_182], %swap3A_185 {strides = array<i32>} : memref<8x64xf32, #tpu.memory_space<vmem>>, vector<1x16xf32>,
    %swap3A_186 = arith.constant 7 : i32
    %swap3A_187 = arith.index_cast %swap3A_186 : i32 to index
    %swap3A_188 = arith.constant 48 : index
    %swap3A_189 = tpu.vector_load %arg11[%swap3A_187, %swap3A_188] {strides = array<i32>} : memref<8x64xf32, #tpu.memory_space<vmem>>, vector<1x16xf32>,
    %swap3A_190 = vector.shape_cast %swap3A_189 : vector<1x16xf32> to vector<16xf32>
    %swap3A_191 = vector.shape_cast %broadcast_in_dim3A_0 : vector<16xf32> to vector<1x16xf32>
    tpu.vector_store %arg11[%swap3A_187, %swap3A_188], %swap3A_191 {strides = array<i32>} : memref<8x64xf32, #tpu.memory_space<vmem>>, vector<1x16xf32>,
    %scan3A = arith.constant 0 : i32
    %scan3A_192 = arith.constant 0 : i32
    %scan3A_193 = arith.constant 80 : i32
    %scan3A_194 = arith.addi %scan3A_192, %scan3A_193 : i32
    %scan3A_195 = arith.constant 1 : i32
    scf.for %scan3A_204 = %scan3A_192 to %scan3A_194 step %scan3A_195  : i32 {
      %mul3A = arith.constant 640 : i32
      %mul3A_205 = arith.muli %arg1, %mul3A : i32
      %mul3A_206 = arith.constant 8 : i32
      %mul3A_207 = arith.muli %scan3A_204, %mul3A_206 : i32
      %add3A = arith.addi %mul3A_205, %mul3A_207 : i32
      %multiple_of3A = tpu.assume_multiple %add3A, 8 : i32
      "tpu.region"() ({
        %run_scoped3A = tpu.sem_alloc : memref<!tpu.dma_semaphore, #tpu.memory_space<semaphore_mem>>
        %dma_start3A = arith.constant 0 : i32
        %dma_start3A_208 = tpu.memref_slice %arg12[%multiple_of3A, %dma_start3A] : memref<10240x64xf32, #tpu.memory_space<vmem_shared>> -> memref<8x64xf32, #tpu.memory_space<vmem_shared>>
        %dma_start3A_209 = arith.constant 0 : i32
        %dma_start3A_210 = tpu.memref_slice %arg12[%multiple_of3A, %dma_start3A_209] : memref<10240x64xf32, #tpu.memory_space<vmem_shared>> -> memref<8x64xf32, #tpu.memory_space<vmem_shared>>
        tpu.enqueue_dma source(%arg11 : memref<8x64xf32, #tpu.memory_space<vmem>>) target(%dma_start3A_210 : memref<8x64xf32, #tpu.memory_space<vmem_shared>>) target_semaphore(%run_scoped3A : memref<!tpu.dma_semaphore, #tpu.memory_space<semaphore_mem>>)
        %dma_wait3A = arith.constant 0 : i32
        %dma_wait3A_211 = tpu.memref_slice %arg12[%multiple_of3A, %dma_wait3A] : memref<10240x64xf32, #tpu.memory_space<vmem_shared>> -> memref<8x64xf32, #tpu.memory_space<vmem_shared>>
        %dma_wait3A_212 = arith.constant 0 : i32
        %dma_wait3A_213 = tpu.memref_slice %arg12[%multiple_of3A, %dma_wait3A_212] : memref<10240x64xf32, #tpu.memory_space<vmem_shared>> -> memref<8x64xf32, #tpu.memory_space<vmem_shared>>
        tpu.wait_dma2 semaphore(%run_scoped3A : memref<!tpu.dma_semaphore, #tpu.memory_space<semaphore_mem>>) src(%arg11 : memref<8x64xf32, #tpu.memory_space<vmem>>) dst(%dma_wait3A_213 : memref<8x64xf32, #tpu.memory_space<vmem_shared>>)
        tpu.yield
      }) : () -> ()
    }
    %scan3A_196 = arith.constant 80 : i32
    %barrier3A = arith.constant 0 : index
    tpu.barrier barrier_id(%barrier3A)
    %eq3A = arith.constant 0 : i32
    %eq3A_197 = arith.cmpi eq, %arg0, %eq3A : i32
    %convert_element_type3A = arith.extui %eq3A_197 : i1 to i32
    %cond3A = arith.constant 0 : i32
    %cond3A_198 = arith.cmpi ne, %convert_element_type3A, %cond3A : i32
    scf.if %cond3A_198 {
      %scan3A_204 = arith.constant 0 : i32
      %scan3A_205 = arith.constant 0 : i32
      %scan3A_206 = arith.constant 5 : i32
      %scan3A_207 = arith.addi %scan3A_205, %scan3A_206 : i32
      %scan3A_208 = arith.constant 1 : i32
      scf.for %scan3A_212 = %scan3A_205 to %scan3A_207 step %scan3A_208  : i32 {
        %mul3A_213 = arith.constant 50 : i32
        %mul3A_214 = arith.muli %scan3A_212, %mul3A_213 : i32
        %multiple_of3A_215 = tpu.assume_multiple %mul3A_214, 2 : i32
        "tpu.region"() ({
          %run_scoped3A = tpu.sem_alloc : memref<!tpu.dma_semaphore, #tpu.memory_space<semaphore_mem>>
          %dma_start3A_256 = arith.constant 0 : i32
          %dma_start3A_257 = tpu.memref_slice %arg2[%arg1, %multiple_of3A_215, %dma_start3A_256] : memref<16x250x80xi32, #tpu.memory_space<hbm>> -> memref<1x50x80xi32, #tpu.memory_space<hbm>>
          %dma_start3A_258 = tpu.memref_squeeze %dma_start3A_257 : memref<1x50x80xi32, #tpu.memory_space<hbm>> -> memref<50x80xi32, #tpu.memory_space<hbm>>
          %dma_start3A_259 = arith.constant 0 : i32
          %dma_start3A_260 = tpu.memref_slice %arg2[%arg1, %multiple_of3A_215, %dma_start3A_259] : memref<16x250x80xi32, #tpu.memory_space<hbm>> -> memref<1x50x80xi32, #tpu.memory_space<hbm>>
          %dma_start3A_261 = tpu.memref_squeeze %dma_start3A_260 : memref<1x50x80xi32, #tpu.memory_space<hbm>> -> memref<50x80xi32, #tpu.memory_space<hbm>>
          tpu.enqueue_dma source(%dma_start3A_261 : memref<50x80xi32, #tpu.memory_space<hbm>>) target(%arg8 : memref<50x80xi32, #tpu.memory_space<vmem>>) target_semaphore(%run_scoped3A : memref<!tpu.dma_semaphore, #tpu.memory_space<semaphore_mem>>)
          %dma_wait3A_262 = arith.constant 0 : i32
          %dma_wait3A_263 = tpu.memref_slice %arg2[%arg1, %multiple_of3A_215, %dma_wait3A_262] : memref<16x250x80xi32, #tpu.memory_space<hbm>> -> memref<1x50x80xi32, #tpu.memory_space<hbm>>
          %dma_wait3A_264 = tpu.memref_squeeze %dma_wait3A_263 : memref<1x50x80xi32, #tpu.memory_space<hbm>> -> memref<50x80xi32, #tpu.memory_space<hbm>>
          %dma_wait3A_265 = arith.constant 0 : i32
          %dma_wait3A_266 = tpu.memref_slice %arg2[%arg1, %multiple_of3A_215, %dma_wait3A_265] : memref<16x250x80xi32, #tpu.memory_space<hbm>> -> memref<1x50x80xi32, #tpu.memory_space<hbm>>
          %dma_wait3A_267 = tpu.memref_squeeze %dma_wait3A_266 : memref<1x50x80xi32, #tpu.memory_space<hbm>> -> memref<50x80xi32, #tpu.memory_space<hbm>>
          tpu.wait_dma2 semaphore(%run_scoped3A : memref<!tpu.dma_semaphore, #tpu.memory_space<semaphore_mem>>) src(%dma_wait3A_267 : memref<50x80xi32, #tpu.memory_space<hbm>>) dst(%arg8 : memref<50x80xi32, #tpu.memory_space<vmem>>)
          tpu.yield
        }) : () -> ()
        "tpu.region"() ({
          %run_scoped3A = tpu.sem_alloc : memref<!tpu.dma_semaphore, #tpu.memory_space<semaphore_mem>>
          %dma_start3A_256 = arith.constant 0 : i32
          %dma_start3A_257 = tpu.memref_slice %arg3[%arg1, %multiple_of3A_215, %dma_start3A_256] : memref<16x250x80xi32, #tpu.memory_space<hbm>> -> memref<1x50x80xi32, #tpu.memory_space<hbm>>
          %dma_start3A_258 = tpu.memref_squeeze %dma_start3A_257 : memref<1x50x80xi32, #tpu.memory_space<hbm>> -> memref<50x80xi32, #tpu.memory_space<hbm>>
          %dma_start3A_259 = arith.constant 0 : i32
          %dma_start3A_260 = tpu.memref_slice %arg3[%arg1, %multiple_of3A_215, %dma_start3A_259] : memref<16x250x80xi32, #tpu.memory_space<hbm>> -> memref<1x50x80xi32, #tpu.memory_space<hbm>>
          %dma_start3A_261 = tpu.memref_squeeze %dma_start3A_260 : memref<1x50x80xi32, #tpu.memory_space<hbm>> -> memref<50x80xi32, #tpu.memory_space<hbm>>
          tpu.enqueue_dma source(%dma_start3A_261 : memref<50x80xi32, #tpu.memory_space<hbm>>) target(%arg9 : memref<50x80xi32, #tpu.memory_space<vmem>>) target_semaphore(%run_scoped3A : memref<!tpu.dma_semaphore, #tpu.memory_space<semaphore_mem>>)
          %dma_wait3A_262 = arith.constant 0 : i32
          %dma_wait3A_263 = tpu.memref_slice %arg3[%arg1, %multiple_of3A_215, %dma_wait3A_262] : memref<16x250x80xi32, #tpu.memory_space<hbm>> -> memref<1x50x80xi32, #tpu.memory_space<hbm>>
          %dma_wait3A_264 = tpu.memref_squeeze %dma_wait3A_263 : memref<1x50x80xi32, #tpu.memory_space<hbm>> -> memref<50x80xi32, #tpu.memory_space<hbm>>
          %dma_wait3A_265 = arith.constant 0 : i32
          %dma_wait3A_266 = tpu.memref_slice %arg3[%arg1, %multiple_of3A_215, %dma_wait3A_265] : memref<16x250x80xi32, #tpu.memory_space<hbm>> -> memref<1x50x80xi32, #tpu.memory_space<hbm>>
          %dma_wait3A_267 = tpu.memref_squeeze %dma_wait3A_266 : memref<1x50x80xi32, #tpu.memory_space<hbm>> -> memref<50x80xi32, #tpu.memory_space<hbm>>
          tpu.wait_dma2 semaphore(%run_scoped3A : memref<!tpu.dma_semaphore, #tpu.memory_space<semaphore_mem>>) src(%dma_wait3A_267 : memref<50x80xi32, #tpu.memory_space<hbm>>) dst(%arg9 : memref<50x80xi32, #tpu.memory_space<vmem>>)
          tpu.yield
        }) : () -> ()
        %dma_start3A = arith.constant 0 : i32
        %dma_start3A_216 = arith.constant 0 : i32
        %dma_start3A_217 = arith.constant 0 : i32
        %dma_start3A_218 = arith.constant 0 : i32
        %dma_start3A_219 = tpu.memref_slice %arg10[%dma_start3A_216, %dma_start3A_217, %dma_start3A_218] : memref<2x80x64xf32, #tpu.memory_space<vmem>> -> memref<1x80x64xf32, #tpu.memory_space<vmem>>
        %dma_start3A_220 = tpu.memref_squeeze %dma_start3A_219 : memref<1x80x64xf32, #tpu.memory_space<vmem>> -> memref<80x64xf32, #tpu.memory_space<vmem>>
        %dma_start3A_221 = arith.constant 0 : i32
        %dma_start3A_222 = tpu.memref_slice %arg8[%dma_start3A, %dma_start3A_221] : memref<50x80xi32, #tpu.memory_space<vmem>> -> memref<1x80xi32, #tpu.memory_space<vmem>>
        %dma_start3A_223 = tpu.memref_squeeze %dma_start3A_222 : memref<1x80xi32, #tpu.memory_space<vmem>> -> memref<80xi32, #tpu.memory_space<vmem>>
        %dma_start3A_224 = arith.constant 0 : i32
        %dma_start3A_225 = arith.constant 0 : i32
        %dma_start3A_226 = tpu.memref_slice %arg4[%dma_start3A_224, %dma_start3A_225] : memref<10000x64xf32, #tpu.memory_space<hbm>> -> memref<10000x64xf32, #tpu.memory_space<hbm>>
        tpu.enqueue_indirect_dma source(%dma_start3A_226 : memref<10000x64xf32, #tpu.memory_space<hbm>>) target(%dma_start3A_220 : memref<80x64xf32, #tpu.memory_space<vmem>>) offsets(%dma_start3A_223 : memref<80xi32, #tpu.memory_space<vmem>>) semaphore(%arg13 : memref<!tpu.dma_semaphore, #tpu.memory_space<semaphore_mem>>)
        %scan3A_227 = arith.constant 0 : i32
        %scan3A_228 = arith.constant 0 : i32
        %scan3A_229 = arith.constant 25 : i32
        %scan3A_230 = arith.addi %scan3A_228, %scan3A_229 : i32
        %scan3A_231 = arith.constant 1 : i32
        scf.for %scan3A_256 = %scan3A_228 to %scan3A_230 step %scan3A_231  : i32 {
          %mul3A_257 = arith.constant 2 : i32
          %mul3A_258 = arith.muli %scan3A_256, %mul3A_257 : i32
          %add3A = arith.constant 0 : i32
          %add3A_259 = arith.addi %mul3A_258, %add3A : i32
          %add3A_260 = arith.constant 1 : i32
          %add3A_261 = arith.addi %add3A_259, %add3A_260 : i32
          %lt3A = arith.constant 50 : i32
          %lt3A_262 = arith.cmpi slt, %add3A_261, %lt3A : i32
          %convert_element_type3A_263 = arith.extui %lt3A_262 : i1 to i32
          %cond3A_264 = arith.constant 0 : i32
          %cond3A_265 = arith.cmpi ne, %convert_element_type3A_263, %cond3A_264 : i32
          scf.if %cond3A_265 {
            %ge3A = arith.constant 1 : i32
            %ge3A_323 = arith.cmpi sge, %add3A_259, %ge3A : i32
            %convert_element_type3A_324 = arith.extui %ge3A_323 : i1 to i32
            %cond3A_325 = arith.constant 0 : i32
            %cond3A_326 = arith.cmpi ne, %convert_element_type3A_324, %cond3A_325 : i32
            scf.if %cond3A_326 {
              %dma_wait3A_338 = arith.constant 1 : i32
              %dma_wait3A_339 = arith.constant 0 : i32
              %dma_wait3A_340 = arith.constant 0 : i32
              %dma_wait3A_341 = arith.constant 0 : i32
              %dma_wait3A_342 = tpu.memref_slice %arg10[%dma_wait3A_338, %dma_wait3A_340, %dma_wait3A_341] : memref<2x80x64xf32, #tpu.memory_space<vmem>> -> memref<1x80x64xf32, #tpu.memory_space<vmem>>
              %dma_wait3A_343 = tpu.memref_squeeze %dma_wait3A_342 : memref<1x80x64xf32, #tpu.memory_space<vmem>> -> memref<80x64xf32, #tpu.memory_space<vmem>>
              %dma_wait3A_344 = arith.constant 0 : i32
              %dma_wait3A_345 = tpu.memref_slice %arg9[%dma_wait3A_339, %dma_wait3A_344] : memref<50x80xi32, #tpu.memory_space<vmem>> -> memref<1x80xi32, #tpu.memory_space<vmem>>
              %dma_wait3A_346 = tpu.memref_squeeze %dma_wait3A_345 : memref<1x80xi32, #tpu.memory_space<vmem>> -> memref<80xi32, #tpu.memory_space<vmem>>
              %dma_wait3A_347 = arith.constant 0 : i32
              %dma_wait3A_348 = arith.constant 0 : i32
              %dma_wait3A_349 = tpu.memref_slice %arg12[%dma_wait3A_347, %dma_wait3A_348] : memref<10240x64xf32, #tpu.memory_space<vmem_shared>> -> memref<10240x64xf32, #tpu.memory_space<vmem_shared>>
              tpu.wait_indirect_dma semaphore(%arg16 : memref<!tpu.dma_semaphore, #tpu.memory_space<semaphore_mem>>) src(%dma_wait3A_343 : memref<80x64xf32, #tpu.memory_space<vmem>>) dst(%dma_wait3A_349 : memref<10240x64xf32, #tpu.memory_space<vmem_shared>>)
            } else {
            }
            %dma_start3A_327 = arith.constant 1 : i32
            %dma_start3A_328 = arith.constant 0 : i32
            %dma_start3A_329 = arith.constant 0 : i32
            %dma_start3A_330 = tpu.memref_slice %arg10[%dma_start3A_327, %dma_start3A_328, %dma_start3A_329] : memref<2x80x64xf32, #tpu.memory_space<vmem>> -> memref<1x80x64xf32, #tpu.memory_space<vmem>>
            %dma_start3A_331 = tpu.memref_squeeze %dma_start3A_330 : memref<1x80x64xf32, #tpu.memory_space<vmem>> -> memref<80x64xf32, #tpu.memory_space<vmem>>
            %dma_start3A_332 = arith.constant 0 : i32
            %dma_start3A_333 = tpu.memref_slice %arg8[%add3A_261, %dma_start3A_332] : memref<50x80xi32, #tpu.memory_space<vmem>> -> memref<1x80xi32, #tpu.memory_space<vmem>>
            %dma_start3A_334 = tpu.memref_squeeze %dma_start3A_333 : memref<1x80xi32, #tpu.memory_space<vmem>> -> memref<80xi32, #tpu.memory_space<vmem>>
            %dma_start3A_335 = arith.constant 0 : i32
            %dma_start3A_336 = arith.constant 0 : i32
            %dma_start3A_337 = tpu.memref_slice %arg4[%dma_start3A_335, %dma_start3A_336] : memref<10000x64xf32, #tpu.memory_space<hbm>> -> memref<10000x64xf32, #tpu.memory_space<hbm>>
            tpu.enqueue_indirect_dma source(%dma_start3A_337 : memref<10000x64xf32, #tpu.memory_space<hbm>>) target(%dma_start3A_331 : memref<80x64xf32, #tpu.memory_space<vmem>>) offsets(%dma_start3A_334 : memref<80xi32, #tpu.memory_space<vmem>>) semaphore(%arg14 : memref<!tpu.dma_semaphore, #tpu.memory_space<semaphore_mem>>)
          } else {
          }
          %dma_wait3A_266 = arith.constant 0 : i32
          %dma_wait3A_267 = arith.constant 0 : i32
          %dma_wait3A_268 = arith.constant 0 : i32
          %dma_wait3A_269 = arith.constant 0 : i32
          %dma_wait3A_270 = tpu.memref_slice %arg10[%dma_wait3A_267, %dma_wait3A_268, %dma_wait3A_269] : memref<2x80x64xf32, #tpu.memory_space<vmem>> -> memref<1x80x64xf32, #tpu.memory_space<vmem>>
          %dma_wait3A_271 = tpu.memref_squeeze %dma_wait3A_270 : memref<1x80x64xf32, #tpu.memory_space<vmem>> -> memref<80x64xf32, #tpu.memory_space<vmem>>
          %dma_wait3A_272 = arith.constant 0 : i32
          %dma_wait3A_273 = tpu.memref_slice %arg8[%dma_wait3A_266, %dma_wait3A_272] : memref<50x80xi32, #tpu.memory_space<vmem>> -> memref<1x80xi32, #tpu.memory_space<vmem>>
          %dma_wait3A_274 = tpu.memref_squeeze %dma_wait3A_273 : memref<1x80xi32, #tpu.memory_space<vmem>> -> memref<80xi32, #tpu.memory_space<vmem>>
          %dma_wait3A_275 = arith.constant 0 : i32
          %dma_wait3A_276 = arith.constant 0 : i32
          %dma_wait3A_277 = tpu.memref_slice %arg4[%dma_wait3A_275, %dma_wait3A_276] : memref<10000x64xf32, #tpu.memory_space<hbm>> -> memref<10000x64xf32, #tpu.memory_space<hbm>>
          tpu.wait_indirect_dma semaphore(%arg13 : memref<!tpu.dma_semaphore, #tpu.memory_space<semaphore_mem>>) src(%dma_wait3A_277 : memref<10000x64xf32, #tpu.memory_space<hbm>>) dst(%dma_wait3A_271 : memref<80x64xf32, #tpu.memory_space<vmem>>)
          %dma_start3A_278 = arith.constant 0 : i32
          %dma_start3A_279 = arith.constant 0 : i32
          %dma_start3A_280 = arith.constant 0 : i32
          %dma_start3A_281 = tpu.memref_slice %arg10[%dma_start3A_278, %dma_start3A_279, %dma_start3A_280] : memref<2x80x64xf32, #tpu.memory_space<vmem>> -> memref<1x80x64xf32, #tpu.memory_space<vmem>>
          %dma_start3A_282 = tpu.memref_squeeze %dma_start3A_281 : memref<1x80x64xf32, #tpu.memory_space<vmem>> -> memref<80x64xf32, #tpu.memory_space<vmem>>
          %dma_start3A_283 = arith.constant 0 : i32
          %dma_start3A_284 = tpu.memref_slice %arg9[%add3A_259, %dma_start3A_283] : memref<50x80xi32, #tpu.memory_space<vmem>> -> memref<1x80xi32, #tpu.memory_space<vmem>>
          %dma_start3A_285 = tpu.memref_squeeze %dma_start3A_284 : memref<1x80xi32, #tpu.memory_space<vmem>> -> memref<80xi32, #tpu.memory_space<vmem>>
          %dma_start3A_286 = arith.constant 0 : i32
          %dma_start3A_287 = arith.constant 0 : i32
          %dma_start3A_288 = tpu.memref_slice %arg12[%dma_start3A_286, %dma_start3A_287] : memref<10240x64xf32, #tpu.memory_space<vmem_shared>> -> memref<10240x64xf32, #tpu.memory_space<vmem_shared>>
          tpu.enqueue_indirect_dma source(%dma_start3A_282 : memref<80x64xf32, #tpu.memory_space<vmem>>) target(%dma_start3A_288 : memref<10240x64xf32, #tpu.memory_space<vmem_shared>>) offsets(%dma_start3A_285 : memref<80xi32, #tpu.memory_space<vmem>>) semaphore(%arg15 : memref<!tpu.dma_semaphore, #tpu.memory_space<semaphore_mem>>) {add = true}
          %mul3A_289 = arith.constant 2 : i32
          %mul3A_290 = arith.muli %scan3A_256, %mul3A_289 : i32
          %add3A_291 = arith.constant 1 : i32
          %add3A_292 = arith.addi %mul3A_290, %add3A_291 : i32
          %add3A_293 = arith.constant 1 : i32
          %add3A_294 = arith.addi %add3A_292, %add3A_293 : i32
          %lt3A_295 = arith.constant 50 : i32
          %lt3A_296 = arith.cmpi slt, %add3A_294, %lt3A_295 : i32
          %convert_element_type3A_297 = arith.extui %lt3A_296 : i1 to i32
          %cond3A_298 = arith.constant 0 : i32
          %cond3A_299 = arith.cmpi ne, %convert_element_type3A_297, %cond3A_298 : i32
          scf.if %cond3A_299 {
            %ge3A = arith.constant 1 : i32
            %ge3A_323 = arith.cmpi sge, %add3A_292, %ge3A : i32
            %convert_element_type3A_324 = arith.extui %ge3A_323 : i1 to i32
            %cond3A_325 = arith.constant 0 : i32
            %cond3A_326 = arith.cmpi ne, %convert_element_type3A_324, %cond3A_325 : i32
            scf.if %cond3A_326 {
              %dma_wait3A_338 = arith.constant 0 : i32
              %dma_wait3A_339 = arith.constant 0 : i32
              %dma_wait3A_340 = arith.constant 0 : i32
              %dma_wait3A_341 = arith.constant 0 : i32
              %dma_wait3A_342 = tpu.memref_slice %arg10[%dma_wait3A_338, %dma_wait3A_340, %dma_wait3A_341] : memref<2x80x64xf32, #tpu.memory_space<vmem>> -> memref<1x80x64xf32, #tpu.memory_space<vmem>>
              %dma_wait3A_343 = tpu.memref_squeeze %dma_wait3A_342 : memref<1x80x64xf32, #tpu.memory_space<vmem>> -> memref<80x64xf32, #tpu.memory_space<vmem>>
              %dma_wait3A_344 = arith.constant 0 : i32
              %dma_wait3A_345 = tpu.memref_slice %arg9[%dma_wait3A_339, %dma_wait3A_344] : memref<50x80xi32, #tpu.memory_space<vmem>> -> memref<1x80xi32, #tpu.memory_space<vmem>>
              %dma_wait3A_346 = tpu.memref_squeeze %dma_wait3A_345 : memref<1x80xi32, #tpu.memory_space<vmem>> -> memref<80xi32, #tpu.memory_space<vmem>>
              %dma_wait3A_347 = arith.constant 0 : i32
              %dma_wait3A_348 = arith.constant 0 : i32
              %dma_wait3A_349 = tpu.memref_slice %arg12[%dma_wait3A_347, %dma_wait3A_348] : memref<10240x64xf32, #tpu.memory_space<vmem_shared>> -> memref<10240x64xf32, #tpu.memory_space<vmem_shared>>
              tpu.wait_indirect_dma semaphore(%arg15 : memref<!tpu.dma_semaphore, #tpu.memory_space<semaphore_mem>>) src(%dma_wait3A_343 : memref<80x64xf32, #tpu.memory_space<vmem>>) dst(%dma_wait3A_349 : memref<10240x64xf32, #tpu.memory_space<vmem_shared>>)
            } else {
            }
            %dma_start3A_327 = arith.constant 0 : i32
            %dma_start3A_328 = arith.constant 0 : i32
            %dma_start3A_329 = arith.constant 0 : i32
            %dma_start3A_330 = tpu.memref_slice %arg10[%dma_start3A_327, %dma_start3A_328, %dma_start3A_329] : memref<2x80x64xf32, #tpu.memory_space<vmem>> -> memref<1x80x64xf32, #tpu.memory_space<vmem>>
            %dma_start3A_331 = tpu.memref_squeeze %dma_start3A_330 : memref<1x80x64xf32, #tpu.memory_space<vmem>> -> memref<80x64xf32, #tpu.memory_space<vmem>>
            %dma_start3A_332 = arith.constant 0 : i32
            %dma_start3A_333 = tpu.memref_slice %arg8[%add3A_294, %dma_start3A_332] : memref<50x80xi32, #tpu.memory_space<vmem>> -> memref<1x80xi32, #tpu.memory_space<vmem>>
            %dma_start3A_334 = tpu.memref_squeeze %dma_start3A_333 : memref<1x80xi32, #tpu.memory_space<vmem>> -> memref<80xi32, #tpu.memory_space<vmem>>
            %dma_start3A_335 = arith.constant 0 : i32
            %dma_start3A_336 = arith.constant 0 : i32
            %dma_start3A_337 = tpu.memref_slice %arg4[%dma_start3A_335, %dma_start3A_336] : memref<10000x64xf32, #tpu.memory_space<hbm>> -> memref<10000x64xf32, #tpu.memory_space<hbm>>
            tpu.enqueue_indirect_dma source(%dma_start3A_337 : memref<10000x64xf32, #tpu.memory_space<hbm>>) target(%dma_start3A_331 : memref<80x64xf32, #tpu.memory_space<vmem>>) offsets(%dma_start3A_334 : memref<80xi32, #tpu.memory_space<vmem>>) semaphore(%arg13 : memref<!tpu.dma_semaphore, #tpu.memory_space<semaphore_mem>>)
          } else {
          }
          %dma_wait3A_300 = arith.constant 0 : i32
          %dma_wait3A_301 = arith.constant 1 : i32
          %dma_wait3A_302 = arith.constant 0 : i32
          %dma_wait3A_303 = arith.constant 0 : i32
          %dma_wait3A_304 = tpu.memref_slice %arg10[%dma_wait3A_301, %dma_wait3A_302, %dma_wait3A_303] : memref<2x80x64xf32, #tpu.memory_space<vmem>> -> memref<1x80x64xf32, #tpu.memory_space<vmem>>
          %dma_wait3A_305 = tpu.memref_squeeze %dma_wait3A_304 : memref<1x80x64xf32, #tpu.memory_space<vmem>> -> memref<80x64xf32, #tpu.memory_space<vmem>>
          %dma_wait3A_306 = arith.constant 0 : i32
          %dma_wait3A_307 = tpu.memref_slice %arg8[%dma_wait3A_300, %dma_wait3A_306] : memref<50x80xi32, #tpu.memory_space<vmem>> -> memref<1x80xi32, #tpu.memory_space<vmem>>
          %dma_wait3A_308 = tpu.memref_squeeze %dma_wait3A_307 : memref<1x80xi32, #tpu.memory_space<vmem>> -> memref<80xi32, #tpu.memory_space<vmem>>
          %dma_wait3A_309 = arith.constant 0 : i32
          %dma_wait3A_310 = arith.constant 0 : i32
          %dma_wait3A_311 = tpu.memref_slice %arg4[%dma_wait3A_309, %dma_wait3A_310] : memref<10000x64xf32, #tpu.memory_space<hbm>> -> memref<10000x64xf32, #tpu.memory_space<hbm>>
          tpu.wait_indirect_dma semaphore(%arg14 : memref<!tpu.dma_semaphore, #tpu.memory_space<semaphore_mem>>) src(%dma_wait3A_311 : memref<10000x64xf32, #tpu.memory_space<hbm>>) dst(%dma_wait3A_305 : memref<80x64xf32, #tpu.memory_space<vmem>>)
          %dma_start3A_312 = arith.constant 1 : i32
          %dma_start3A_313 = arith.constant 0 : i32
          %dma_start3A_314 = arith.constant 0 : i32
          %dma_start3A_315 = tpu.memref_slice %arg10[%dma_start3A_312, %dma_start3A_313, %dma_start3A_314] : memref<2x80x64xf32, #tpu.memory_space<vmem>> -> memref<1x80x64xf32, #tpu.memory_space<vmem>>
          %dma_start3A_316 = tpu.memref_squeeze %dma_start3A_315 : memref<1x80x64xf32, #tpu.memory_space<vmem>> -> memref<80x64xf32, #tpu.memory_space<vmem>>
          %dma_start3A_317 = arith.constant 0 : i32
          %dma_start3A_318 = tpu.memref_slice %arg9[%add3A_292, %dma_start3A_317] : memref<50x80xi32, #tpu.memory_space<vmem>> -> memref<1x80xi32, #tpu.memory_space<vmem>>
          %dma_start3A_319 = tpu.memref_squeeze %dma_start3A_318 : memref<1x80xi32, #tpu.memory_space<vmem>> -> memref<80xi32, #tpu.memory_space<vmem>>
          %dma_start3A_320 = arith.constant 0 : i32
          %dma_start3A_321 = arith.constant 0 : i32
          %dma_start3A_322 = tpu.memref_slice %arg12[%dma_start3A_320, %dma_start3A_321] : memref<10240x64xf32, #tpu.memory_space<vmem_shared>> -> memref<10240x64xf32, #tpu.memory_space<vmem_shared>>
          tpu.enqueue_indirect_dma source(%dma_start3A_316 : memref<80x64xf32, #tpu.memory_space<vmem>>) target(%dma_start3A_322 : memref<10240x64xf32, #tpu.memory_space<vmem_shared>>) offsets(%dma_start3A_319 : memref<80xi32, #tpu.memory_space<vmem>>) semaphore(%arg16 : memref<!tpu.dma_semaphore, #tpu.memory_space<semaphore_mem>>) {add = true}
        }
        %scan3A_232 = arith.constant 25 : i32
        %dma_wait3A = arith.constant 0 : i32
        %dma_wait3A_233 = arith.constant 0 : i32
        %dma_wait3A_234 = arith.constant 0 : i32
        %dma_wait3A_235 = arith.constant 0 : i32
        %dma_wait3A_236 = tpu.memref_slice %arg10[%dma_wait3A, %dma_wait3A_234, %dma_wait3A_235] : memref<2x80x64xf32, #tpu.memory_space<vmem>> -> memref<1x80x64xf32, #tpu.memory_space<vmem>>
        %dma_wait3A_237 = tpu.memref_squeeze %dma_wait3A_236 : memref<1x80x64xf32, #tpu.memory_space<vmem>> -> memref<80x64xf32, #tpu.memory_space<vmem>>
        %dma_wait3A_238 = arith.constant 0 : i32
        %dma_wait3A_239 = tpu.memref_slice %arg9[%dma_wait3A_233, %dma_wait3A_238] : memref<50x80xi32, #tpu.memory_space<vmem>> -> memref<1x80xi32, #tpu.memory_space<vmem>>
        %dma_wait3A_240 = tpu.memref_squeeze %dma_wait3A_239 : memref<1x80xi32, #tpu.memory_space<vmem>> -> memref<80xi32, #tpu.memory_space<vmem>>
        %dma_wait3A_241 = arith.constant 0 : i32
        %dma_wait3A_242 = arith.constant 0 : i32
        %dma_wait3A_243 = tpu.memref_slice %arg12[%dma_wait3A_241, %dma_wait3A_242] : memref<10240x64xf32, #tpu.memory_space<vmem_shared>> -> memref<10240x64xf32, #tpu.memory_space<vmem_shared>>
        tpu.wait_indirect_dma semaphore(%arg15 : memref<!tpu.dma_semaphore, #tpu.memory_space<semaphore_mem>>) src(%dma_wait3A_237 : memref<80x64xf32, #tpu.memory_space<vmem>>) dst(%dma_wait3A_243 : memref<10240x64xf32, #tpu.memory_space<vmem_shared>>)
        %dma_wait3A_244 = arith.constant 1 : i32
        %dma_wait3A_245 = arith.constant 0 : i32
        %dma_wait3A_246 = arith.constant 0 : i32
        %dma_wait3A_247 = arith.constant 0 : i32
        %dma_wait3A_248 = tpu.memref_slice %arg10[%dma_wait3A_244, %dma_wait3A_246, %dma_wait3A_247] : memref<2x80x64xf32, #tpu.memory_space<vmem>> -> memref<1x80x64xf32, #tpu.memory_space<vmem>>
        %dma_wait3A_249 = tpu.memref_squeeze %dma_wait3A_248 : memref<1x80x64xf32, #tpu.memory_space<vmem>> -> memref<80x64xf32, #tpu.memory_space<vmem>>
        %dma_wait3A_250 = arith.constant 0 : i32
        %dma_wait3A_251 = tpu.memref_slice %arg9[%dma_wait3A_245, %dma_wait3A_250] : memref<50x80xi32, #tpu.memory_space<vmem>> -> memref<1x80xi32, #tpu.memory_space<vmem>>
        %dma_wait3A_252 = tpu.memref_squeeze %dma_wait3A_251 : memref<1x80xi32, #tpu.memory_space<vmem>> -> memref<80xi32, #tpu.memory_space<vmem>>
        %dma_wait3A_253 = arith.constant 0 : i32
        %dma_wait3A_254 = arith.constant 0 : i32
        %dma_wait3A_255 = tpu.memref_slice %arg12[%dma_wait3A_253, %dma_wait3A_254] : memref<10240x64xf32, #tpu.memory_space<vmem_shared>> -> memref<10240x64xf32, #tpu.memory_space<vmem_shared>>
        tpu.wait_indirect_dma semaphore(%arg16 : memref<!tpu.dma_semaphore, #tpu.memory_space<semaphore_mem>>) src(%dma_wait3A_249 : memref<80x64xf32, #tpu.memory_space<vmem>>) dst(%dma_wait3A_255 : memref<10240x64xf32, #tpu.memory_space<vmem_shared>>)
      }
      %scan3A_209 = arith.constant 5 : i32
      %barrier3A_210 = arith.constant 0 : index
      tpu.barrier barrier_id(%barrier3A_210)
      %mul3A = arith.constant 640 : i32
      %mul3A_211 = arith.muli %arg1, %mul3A : i32
      %multiple_of3A = tpu.assume_multiple %mul3A_211, 8 : i32
      "tpu.region"() ({
        %run_scoped3A = tpu.sem_alloc : memref<!tpu.dma_semaphore, #tpu.memory_space<semaphore_mem>>
        %dma_start3A = arith.constant 0 : i32
        %dma_start3A_212 = tpu.memref_slice %arg6[%multiple_of3A, %dma_start3A] : memref<10240x64xf32, #tpu.memory_space<hbm>> -> memref<640x64xf32, #tpu.memory_space<hbm>>
        %dma_start3A_213 = arith.constant 0 : i32
        %dma_start3A_214 = tpu.memref_slice %arg12[%multiple_of3A, %dma_start3A_213] : memref<10240x64xf32, #tpu.memory_space<vmem_shared>> -> memref<640x64xf32, #tpu.memory_space<vmem_shared>>
        tpu.enqueue_dma source(%dma_start3A_214 : memref<640x64xf32, #tpu.memory_space<vmem_shared>>) target(%dma_start3A_212 : memref<640x64xf32, #tpu.memory_space<hbm>>) target_semaphore(%run_scoped3A : memref<!tpu.dma_semaphore, #tpu.memory_space<semaphore_mem>>)
        %dma_wait3A = arith.constant 0 : i32
        %dma_wait3A_215 = tpu.memref_slice %arg6[%multiple_of3A, %dma_wait3A] : memref<10240x64xf32, #tpu.memory_space<hbm>> -> memref<640x64xf32, #tpu.memory_space<hbm>>
        %dma_wait3A_216 = arith.constant 0 : i32
        %dma_wait3A_217 = tpu.memref_slice %arg12[%multiple_of3A, %dma_wait3A_216] : memref<10240x64xf32, #tpu.memory_space<vmem_shared>> -> memref<640x64xf32, #tpu.memory_space<vmem_shared>>
        tpu.wait_dma2 semaphore(%run_scoped3A : memref<!tpu.dma_semaphore, #tpu.memory_space<semaphore_mem>>) src(%dma_wait3A_217 : memref<640x64xf32, #tpu.memory_space<vmem_shared>>) dst(%dma_wait3A_215 : memref<640x64xf32, #tpu.memory_space<hbm>>)
        tpu.yield
      }) : () -> ()
    } else {
    }
    %eq3A_199 = arith.constant 1 : i32
    %eq3A_200 = arith.cmpi eq, %arg0, %eq3A_199 : i32
    %convert_element_type3A_201 = arith.extui %eq3A_200 : i1 to i32
    %cond3A_202 = arith.constant 0 : i32
    %cond3A_203 = arith.cmpi ne, %convert_element_type3A_201, %cond3A_202 : i32
    scf.if %cond3A_203 {
      %scan3A_204 = arith.constant 0 : i32
      %scan3A_205 = arith.constant 0 : i32
      %scan3A_206 = arith.constant 5 : i32
      %scan3A_207 = arith.addi %scan3A_205, %scan3A_206 : i32
      %scan3A_208 = arith.constant 1 : i32
      scf.for %scan3A_212 = %scan3A_205 to %scan3A_207 step %scan3A_208  : i32 {
        %mul3A_213 = arith.constant 50 : i32
        %mul3A_214 = arith.muli %scan3A_212, %mul3A_213 : i32
        %multiple_of3A_215 = tpu.assume_multiple %mul3A_214, 2 : i32
        "tpu.region"() ({
          %run_scoped3A = tpu.sem_alloc : memref<!tpu.dma_semaphore, #tpu.memory_space<semaphore_mem>>
          %dma_start3A_256 = arith.constant 0 : i32
          %dma_start3A_257 = tpu.memref_slice %arg2[%arg1, %multiple_of3A_215, %dma_start3A_256] : memref<16x250x80xi32, #tpu.memory_space<hbm>> -> memref<1x50x80xi32, #tpu.memory_space<hbm>>
          %dma_start3A_258 = tpu.memref_squeeze %dma_start3A_257 : memref<1x50x80xi32, #tpu.memory_space<hbm>> -> memref<50x80xi32, #tpu.memory_space<hbm>>
          %dma_start3A_259 = arith.constant 0 : i32
          %dma_start3A_260 = tpu.memref_slice %arg2[%arg1, %multiple_of3A_215, %dma_start3A_259] : memref<16x250x80xi32, #tpu.memory_space<hbm>> -> memref<1x50x80xi32, #tpu.memory_space<hbm>>
          %dma_start3A_261 = tpu.memref_squeeze %dma_start3A_260 : memref<1x50x80xi32, #tpu.memory_space<hbm>> -> memref<50x80xi32, #tpu.memory_space<hbm>>
          tpu.enqueue_dma source(%dma_start3A_261 : memref<50x80xi32, #tpu.memory_space<hbm>>) target(%arg8 : memref<50x80xi32, #tpu.memory_space<vmem>>) target_semaphore(%run_scoped3A : memref<!tpu.dma_semaphore, #tpu.memory_space<semaphore_mem>>)
          %dma_wait3A_262 = arith.constant 0 : i32
          %dma_wait3A_263 = tpu.memref_slice %arg2[%arg1, %multiple_of3A_215, %dma_wait3A_262] : memref<16x250x80xi32, #tpu.memory_space<hbm>> -> memref<1x50x80xi32, #tpu.memory_space<hbm>>
          %dma_wait3A_264 = tpu.memref_squeeze %dma_wait3A_263 : memref<1x50x80xi32, #tpu.memory_space<hbm>> -> memref<50x80xi32, #tpu.memory_space<hbm>>
          %dma_wait3A_265 = arith.constant 0 : i32
          %dma_wait3A_266 = tpu.memref_slice %arg2[%arg1, %multiple_of3A_215, %dma_wait3A_265] : memref<16x250x80xi32, #tpu.memory_space<hbm>> -> memref<1x50x80xi32, #tpu.memory_space<hbm>>
          %dma_wait3A_267 = tpu.memref_squeeze %dma_wait3A_266 : memref<1x50x80xi32, #tpu.memory_space<hbm>> -> memref<50x80xi32, #tpu.memory_space<hbm>>
          tpu.wait_dma2 semaphore(%run_scoped3A : memref<!tpu.dma_semaphore, #tpu.memory_space<semaphore_mem>>) src(%dma_wait3A_267 : memref<50x80xi32, #tpu.memory_space<hbm>>) dst(%arg8 : memref<50x80xi32, #tpu.memory_space<vmem>>)
          tpu.yield
        }) : () -> ()
        "tpu.region"() ({
          %run_scoped3A = tpu.sem_alloc : memref<!tpu.dma_semaphore, #tpu.memory_space<semaphore_mem>>
          %dma_start3A_256 = arith.constant 0 : i32
          %dma_start3A_257 = tpu.memref_slice %arg3[%arg1, %multiple_of3A_215, %dma_start3A_256] : memref<16x250x80xi32, #tpu.memory_space<hbm>> -> memref<1x50x80xi32, #tpu.memory_space<hbm>>
          %dma_start3A_258 = tpu.memref_squeeze %dma_start3A_257 : memref<1x50x80xi32, #tpu.memory_space<hbm>> -> memref<50x80xi32, #tpu.memory_space<hbm>>
          %dma_start3A_259 = arith.constant 0 : i32
          %dma_start3A_260 = tpu.memref_slice %arg3[%arg1, %multiple_of3A_215, %dma_start3A_259] : memref<16x250x80xi32, #tpu.memory_space<hbm>> -> memref<1x50x80xi32, #tpu.memory_space<hbm>>
          %dma_start3A_261 = tpu.memref_squeeze %dma_start3A_260 : memref<1x50x80xi32, #tpu.memory_space<hbm>> -> memref<50x80xi32, #tpu.memory_space<hbm>>
          tpu.enqueue_dma source(%dma_start3A_261 : memref<50x80xi32, #tpu.memory_space<hbm>>) target(%arg9 : memref<50x80xi32, #tpu.memory_space<vmem>>) target_semaphore(%run_scoped3A : memref<!tpu.dma_semaphore, #tpu.memory_space<semaphore_mem>>)
          %dma_wait3A_262 = arith.constant 0 : i32
          %dma_wait3A_263 = tpu.memref_slice %arg3[%arg1, %multiple_of3A_215, %dma_wait3A_262] : memref<16x250x80xi32, #tpu.memory_space<hbm>> -> memref<1x50x80xi32, #tpu.memory_space<hbm>>
          %dma_wait3A_264 = tpu.memref_squeeze %dma_wait3A_263 : memref<1x50x80xi32, #tpu.memory_space<hbm>> -> memref<50x80xi32, #tpu.memory_space<hbm>>
          %dma_wait3A_265 = arith.constant 0 : i32
          %dma_wait3A_266 = tpu.memref_slice %arg3[%arg1, %multiple_of3A_215, %dma_wait3A_265] : memref<16x250x80xi32, #tpu.memory_space<hbm>> -> memref<1x50x80xi32, #tpu.memory_space<hbm>>
          %dma_wait3A_267 = tpu.memref_squeeze %dma_wait3A_266 : memref<1x50x80xi32, #tpu.memory_space<hbm>> -> memref<50x80xi32, #tpu.memory_space<hbm>>
          tpu.wait_dma2 semaphore(%run_scoped3A : memref<!tpu.dma_semaphore, #tpu.memory_space<semaphore_mem>>) src(%dma_wait3A_267 : memref<50x80xi32, #tpu.memory_space<hbm>>) dst(%arg9 : memref<50x80xi32, #tpu.memory_space<vmem>>)
          tpu.yield
        }) : () -> ()
        %dma_start3A = arith.constant 0 : i32
        %dma_start3A_216 = arith.constant 0 : i32
        %dma_start3A_217 = arith.constant 0 : i32
        %dma_start3A_218 = arith.constant 0 : i32
        %dma_start3A_219 = tpu.memref_slice %arg10[%dma_start3A_216, %dma_start3A_217, %dma_start3A_218] : memref<2x80x64xf32, #tpu.memory_space<vmem>> -> memref<1x80x64xf32, #tpu.memory_space<vmem>>
        %dma_start3A_220 = tpu.memref_squeeze %dma_start3A_219 : memref<1x80x64xf32, #tpu.memory_space<vmem>> -> memref<80x64xf32, #tpu.memory_space<vmem>>
        %dma_start3A_221 = arith.constant 0 : i32
        %dma_start3A_222 = tpu.memref_slice %arg8[%dma_start3A, %dma_start3A_221] : memref<50x80xi32, #tpu.memory_space<vmem>> -> memref<1x80xi32, #tpu.memory_space<vmem>>
        %dma_start3A_223 = tpu.memref_squeeze %dma_start3A_222 : memref<1x80xi32, #tpu.memory_space<vmem>> -> memref<80xi32, #tpu.memory_space<vmem>>
        %dma_start3A_224 = arith.constant 0 : i32
        %dma_start3A_225 = arith.constant 0 : i32
        %dma_start3A_226 = tpu.memref_slice %arg5[%dma_start3A_224, %dma_start3A_225] : memref<10000x64xf32, #tpu.memory_space<hbm>> -> memref<10000x64xf32, #tpu.memory_space<hbm>>
        tpu.enqueue_indirect_dma source(%dma_start3A_226 : memref<10000x64xf32, #tpu.memory_space<hbm>>) target(%dma_start3A_220 : memref<80x64xf32, #tpu.memory_space<vmem>>) offsets(%dma_start3A_223 : memref<80xi32, #tpu.memory_space<vmem>>) semaphore(%arg13 : memref<!tpu.dma_semaphore, #tpu.memory_space<semaphore_mem>>)
        %scan3A_227 = arith.constant 0 : i32
        %scan3A_228 = arith.constant 0 : i32
        %scan3A_229 = arith.constant 25 : i32
        %scan3A_230 = arith.addi %scan3A_228, %scan3A_229 : i32
        %scan3A_231 = arith.constant 1 : i32
        scf.for %scan3A_256 = %scan3A_228 to %scan3A_230 step %scan3A_231  : i32 {
          %mul3A_257 = arith.constant 2 : i32
          %mul3A_258 = arith.muli %scan3A_256, %mul3A_257 : i32
          %add3A = arith.constant 0 : i32
          %add3A_259 = arith.addi %mul3A_258, %add3A : i32
          %add3A_260 = arith.constant 1 : i32
          %add3A_261 = arith.addi %add3A_259, %add3A_260 : i32
          %lt3A = arith.constant 50 : i32
          %lt3A_262 = arith.cmpi slt, %add3A_261, %lt3A : i32
          %convert_element_type3A_263 = arith.extui %lt3A_262 : i1 to i32
          %cond3A_264 = arith.constant 0 : i32
          %cond3A_265 = arith.cmpi ne, %convert_element_type3A_263, %cond3A_264 : i32
          scf.if %cond3A_265 {
            %ge3A = arith.constant 1 : i32
            %ge3A_323 = arith.cmpi sge, %add3A_259, %ge3A : i32
            %convert_element_type3A_324 = arith.extui %ge3A_323 : i1 to i32
            %cond3A_325 = arith.constant 0 : i32
            %cond3A_326 = arith.cmpi ne, %convert_element_type3A_324, %cond3A_325 : i32
            scf.if %cond3A_326 {
              %dma_wait3A_338 = arith.constant 1 : i32
              %dma_wait3A_339 = arith.constant 0 : i32
              %dma_wait3A_340 = arith.constant 0 : i32
              %dma_wait3A_341 = arith.constant 0 : i32
              %dma_wait3A_342 = tpu.memref_slice %arg10[%dma_wait3A_338, %dma_wait3A_340, %dma_wait3A_341] : memref<2x80x64xf32, #tpu.memory_space<vmem>> -> memref<1x80x64xf32, #tpu.memory_space<vmem>>
              %dma_wait3A_343 = tpu.memref_squeeze %dma_wait3A_342 : memref<1x80x64xf32, #tpu.memory_space<vmem>> -> memref<80x64xf32, #tpu.memory_space<vmem>>
              %dma_wait3A_344 = arith.constant 0 : i32
              %dma_wait3A_345 = tpu.memref_slice %arg9[%dma_wait3A_339, %dma_wait3A_344] : memref<50x80xi32, #tpu.memory_space<vmem>> -> memref<1x80xi32, #tpu.memory_space<vmem>>
              %dma_wait3A_346 = tpu.memref_squeeze %dma_wait3A_345 : memref<1x80xi32, #tpu.memory_space<vmem>> -> memref<80xi32, #tpu.memory_space<vmem>>
              %dma_wait3A_347 = arith.constant 0 : i32
              %dma_wait3A_348 = arith.constant 0 : i32
              %dma_wait3A_349 = tpu.memref_slice %arg12[%dma_wait3A_347, %dma_wait3A_348] : memref<10240x64xf32, #tpu.memory_space<vmem_shared>> -> memref<10240x64xf32, #tpu.memory_space<vmem_shared>>
              tpu.wait_indirect_dma semaphore(%arg16 : memref<!tpu.dma_semaphore, #tpu.memory_space<semaphore_mem>>) src(%dma_wait3A_343 : memref<80x64xf32, #tpu.memory_space<vmem>>) dst(%dma_wait3A_349 : memref<10240x64xf32, #tpu.memory_space<vmem_shared>>)
            } else {
            }
            %dma_start3A_327 = arith.constant 1 : i32
            %dma_start3A_328 = arith.constant 0 : i32
            %dma_start3A_329 = arith.constant 0 : i32
            %dma_start3A_330 = tpu.memref_slice %arg10[%dma_start3A_327, %dma_start3A_328, %dma_start3A_329] : memref<2x80x64xf32, #tpu.memory_space<vmem>> -> memref<1x80x64xf32, #tpu.memory_space<vmem>>
            %dma_start3A_331 = tpu.memref_squeeze %dma_start3A_330 : memref<1x80x64xf32, #tpu.memory_space<vmem>> -> memref<80x64xf32, #tpu.memory_space<vmem>>
            %dma_start3A_332 = arith.constant 0 : i32
            %dma_start3A_333 = tpu.memref_slice %arg8[%add3A_261, %dma_start3A_332] : memref<50x80xi32, #tpu.memory_space<vmem>> -> memref<1x80xi32, #tpu.memory_space<vmem>>
            %dma_start3A_334 = tpu.memref_squeeze %dma_start3A_333 : memref<1x80xi32, #tpu.memory_space<vmem>> -> memref<80xi32, #tpu.memory_space<vmem>>
            %dma_start3A_335 = arith.constant 0 : i32
            %dma_start3A_336 = arith.constant 0 : i32
            %dma_start3A_337 = tpu.memref_slice %arg5[%dma_start3A_335, %dma_start3A_336] : memref<10000x64xf32, #tpu.memory_space<hbm>> -> memref<10000x64xf32, #tpu.memory_space<hbm>>
            tpu.enqueue_indirect_dma source(%dma_start3A_337 : memref<10000x64xf32, #tpu.memory_space<hbm>>) target(%dma_start3A_331 : memref<80x64xf32, #tpu.memory_space<vmem>>) offsets(%dma_start3A_334 : memref<80xi32, #tpu.memory_space<vmem>>) semaphore(%arg14 : memref<!tpu.dma_semaphore, #tpu.memory_space<semaphore_mem>>)
          } else {
          }
          %dma_wait3A_266 = arith.constant 0 : i32
          %dma_wait3A_267 = arith.constant 0 : i32
          %dma_wait3A_268 = arith.constant 0 : i32
          %dma_wait3A_269 = arith.constant 0 : i32
          %dma_wait3A_270 = tpu.memref_slice %arg10[%dma_wait3A_267, %dma_wait3A_268, %dma_wait3A_269] : memref<2x80x64xf32, #tpu.memory_space<vmem>> -> memref<1x80x64xf32, #tpu.memory_space<vmem>>
          %dma_wait3A_271 = tpu.memref_squeeze %dma_wait3A_270 : memref<1x80x64xf32, #tpu.memory_space<vmem>> -> memref<80x64xf32, #tpu.memory_space<vmem>>
          %dma_wait3A_272 = arith.constant 0 : i32
          %dma_wait3A_273 = tpu.memref_slice %arg8[%dma_wait3A_266, %dma_wait3A_272] : memref<50x80xi32, #tpu.memory_space<vmem>> -> memref<1x80xi32, #tpu.memory_space<vmem>>
          %dma_wait3A_274 = tpu.memref_squeeze %dma_wait3A_273 : memref<1x80xi32, #tpu.memory_space<vmem>> -> memref<80xi32, #tpu.memory_space<vmem>>
          %dma_wait3A_275 = arith.constant 0 : i32
          %dma_wait3A_276 = arith.constant 0 : i32
          %dma_wait3A_277 = tpu.memref_slice %arg5[%dma_wait3A_275, %dma_wait3A_276] : memref<10000x64xf32, #tpu.memory_space<hbm>> -> memref<10000x64xf32, #tpu.memory_space<hbm>>
          tpu.wait_indirect_dma semaphore(%arg13 : memref<!tpu.dma_semaphore, #tpu.memory_space<semaphore_mem>>) src(%dma_wait3A_277 : memref<10000x64xf32, #tpu.memory_space<hbm>>) dst(%dma_wait3A_271 : memref<80x64xf32, #tpu.memory_space<vmem>>)
          %dma_start3A_278 = arith.constant 0 : i32
          %dma_start3A_279 = arith.constant 0 : i32
          %dma_start3A_280 = arith.constant 0 : i32
          %dma_start3A_281 = tpu.memref_slice %arg10[%dma_start3A_278, %dma_start3A_279, %dma_start3A_280] : memref<2x80x64xf32, #tpu.memory_space<vmem>> -> memref<1x80x64xf32, #tpu.memory_space<vmem>>
          %dma_start3A_282 = tpu.memref_squeeze %dma_start3A_281 : memref<1x80x64xf32, #tpu.memory_space<vmem>> -> memref<80x64xf32, #tpu.memory_space<vmem>>
          %dma_start3A_283 = arith.constant 0 : i32
          %dma_start3A_284 = tpu.memref_slice %arg9[%add3A_259, %dma_start3A_283] : memref<50x80xi32, #tpu.memory_space<vmem>> -> memref<1x80xi32, #tpu.memory_space<vmem>>
          %dma_start3A_285 = tpu.memref_squeeze %dma_start3A_284 : memref<1x80xi32, #tpu.memory_space<vmem>> -> memref<80xi32, #tpu.memory_space<vmem>>
          %dma_start3A_286 = arith.constant 0 : i32
          %dma_start3A_287 = arith.constant 0 : i32
          %dma_start3A_288 = tpu.memref_slice %arg12[%dma_start3A_286, %dma_start3A_287] : memref<10240x64xf32, #tpu.memory_space<vmem_shared>> -> memref<10240x64xf32, #tpu.memory_space<vmem_shared>>
          tpu.enqueue_indirect_dma source(%dma_start3A_282 : memref<80x64xf32, #tpu.memory_space<vmem>>) target(%dma_start3A_288 : memref<10240x64xf32, #tpu.memory_space<vmem_shared>>) offsets(%dma_start3A_285 : memref<80xi32, #tpu.memory_space<vmem>>) semaphore(%arg15 : memref<!tpu.dma_semaphore, #tpu.memory_space<semaphore_mem>>) {add = true}
          %mul3A_289 = arith.constant 2 : i32
          %mul3A_290 = arith.muli %scan3A_256, %mul3A_289 : i32
          %add3A_291 = arith.constant 1 : i32
          %add3A_292 = arith.addi %mul3A_290, %add3A_291 : i32
          %add3A_293 = arith.constant 1 : i32
          %add3A_294 = arith.addi %add3A_292, %add3A_293 : i32
          %lt3A_295 = arith.constant 50 : i32
          %lt3A_296 = arith.cmpi slt, %add3A_294, %lt3A_295 : i32
          %convert_element_type3A_297 = arith.extui %lt3A_296 : i1 to i32
          %cond3A_298 = arith.constant 0 : i32
          %cond3A_299 = arith.cmpi ne, %convert_element_type3A_297, %cond3A_298 : i32
          scf.if %cond3A_299 {
            %ge3A = arith.constant 1 : i32
            %ge3A_323 = arith.cmpi sge, %add3A_292, %ge3A : i32
            %convert_element_type3A_324 = arith.extui %ge3A_323 : i1 to i32
            %cond3A_325 = arith.constant 0 : i32
            %cond3A_326 = arith.cmpi ne, %convert_element_type3A_324, %cond3A_325 : i32
            scf.if %cond3A_326 {
              %dma_wait3A_338 = arith.constant 0 : i32
              %dma_wait3A_339 = arith.constant 0 : i32
              %dma_wait3A_340 = arith.constant 0 : i32
              %dma_wait3A_341 = arith.constant 0 : i32
              %dma_wait3A_342 = tpu.memref_slice %arg10[%dma_wait3A_338, %dma_wait3A_340, %dma_wait3A_341] : memref<2x80x64xf32, #tpu.memory_space<vmem>> -> memref<1x80x64xf32, #tpu.memory_space<vmem>>
              %dma_wait3A_343 = tpu.memref_squeeze %dma_wait3A_342 : memref<1x80x64xf32, #tpu.memory_space<vmem>> -> memref<80x64xf32, #tpu.memory_space<vmem>>
              %dma_wait3A_344 = arith.constant 0 : i32
              %dma_wait3A_345 = tpu.memref_slice %arg9[%dma_wait3A_339, %dma_wait3A_344] : memref<50x80xi32, #tpu.memory_space<vmem>> -> memref<1x80xi32, #tpu.memory_space<vmem>>
              %dma_wait3A_346 = tpu.memref_squeeze %dma_wait3A_345 : memref<1x80xi32, #tpu.memory_space<vmem>> -> memref<80xi32, #tpu.memory_space<vmem>>
              %dma_wait3A_347 = arith.constant 0 : i32
              %dma_wait3A_348 = arith.constant 0 : i32
              %dma_wait3A_349 = tpu.memref_slice %arg12[%dma_wait3A_347, %dma_wait3A_348] : memref<10240x64xf32, #tpu.memory_space<vmem_shared>> -> memref<10240x64xf32, #tpu.memory_space<vmem_shared>>
              tpu.wait_indirect_dma semaphore(%arg15 : memref<!tpu.dma_semaphore, #tpu.memory_space<semaphore_mem>>) src(%dma_wait3A_343 : memref<80x64xf32, #tpu.memory_space<vmem>>) dst(%dma_wait3A_349 : memref<10240x64xf32, #tpu.memory_space<vmem_shared>>)
            } else {
            }
            %dma_start3A_327 = arith.constant 0 : i32
            %dma_start3A_328 = arith.constant 0 : i32
            %dma_start3A_329 = arith.constant 0 : i32
            %dma_start3A_330 = tpu.memref_slice %arg10[%dma_start3A_327, %dma_start3A_328, %dma_start3A_329] : memref<2x80x64xf32, #tpu.memory_space<vmem>> -> memref<1x80x64xf32, #tpu.memory_space<vmem>>
            %dma_start3A_331 = tpu.memref_squeeze %dma_start3A_330 : memref<1x80x64xf32, #tpu.memory_space<vmem>> -> memref<80x64xf32, #tpu.memory_space<vmem>>
            %dma_start3A_332 = arith.constant 0 : i32
            %dma_start3A_333 = tpu.memref_slice %arg8[%add3A_294, %dma_start3A_332] : memref<50x80xi32, #tpu.memory_space<vmem>> -> memref<1x80xi32, #tpu.memory_space<vmem>>
            %dma_start3A_334 = tpu.memref_squeeze %dma_start3A_333 : memref<1x80xi32, #tpu.memory_space<vmem>> -> memref<80xi32, #tpu.memory_space<vmem>>
            %dma_start3A_335 = arith.constant 0 : i32
            %dma_start3A_336 = arith.constant 0 : i32
            %dma_start3A_337 = tpu.memref_slice %arg5[%dma_start3A_335, %dma_start3A_336] : memref<10000x64xf32, #tpu.memory_space<hbm>> -> memref<10000x64xf32, #tpu.memory_space<hbm>>
            tpu.enqueue_indirect_dma source(%dma_start3A_337 : memref<10000x64xf32, #tpu.memory_space<hbm>>) target(%dma_start3A_331 : memref<80x64xf32, #tpu.memory_space<vmem>>) offsets(%dma_start3A_334 : memref<80xi32, #tpu.memory_space<vmem>>) semaphore(%arg13 : memref<!tpu.dma_semaphore, #tpu.memory_space<semaphore_mem>>)
          } else {
          }
          %dma_wait3A_300 = arith.constant 0 : i32
          %dma_wait3A_301 = arith.constant 1 : i32
          %dma_wait3A_302 = arith.constant 0 : i32
          %dma_wait3A_303 = arith.constant 0 : i32
          %dma_wait3A_304 = tpu.memref_slice %arg10[%dma_wait3A_301, %dma_wait3A_302, %dma_wait3A_303] : memref<2x80x64xf32, #tpu.memory_space<vmem>> -> memref<1x80x64xf32, #tpu.memory_space<vmem>>
          %dma_wait3A_305 = tpu.memref_squeeze %dma_wait3A_304 : memref<1x80x64xf32, #tpu.memory_space<vmem>> -> memref<80x64xf32, #tpu.memory_space<vmem>>
          %dma_wait3A_306 = arith.constant 0 : i32
          %dma_wait3A_307 = tpu.memref_slice %arg8[%dma_wait3A_300, %dma_wait3A_306] : memref<50x80xi32, #tpu.memory_space<vmem>> -> memref<1x80xi32, #tpu.memory_space<vmem>>
          %dma_wait3A_308 = tpu.memref_squeeze %dma_wait3A_307 : memref<1x80xi32, #tpu.memory_space<vmem>> -> memref<80xi32, #tpu.memory_space<vmem>>
          %dma_wait3A_309 = arith.constant 0 : i32
          %dma_wait3A_310 = arith.constant 0 : i32
          %dma_wait3A_311 = tpu.memref_slice %arg5[%dma_wait3A_309, %dma_wait3A_310] : memref<10000x64xf32, #tpu.memory_space<hbm>> -> memref<10000x64xf32, #tpu.memory_space<hbm>>
          tpu.wait_indirect_dma semaphore(%arg14 : memref<!tpu.dma_semaphore, #tpu.memory_space<semaphore_mem>>) src(%dma_wait3A_311 : memref<10000x64xf32, #tpu.memory_space<hbm>>) dst(%dma_wait3A_305 : memref<80x64xf32, #tpu.memory_space<vmem>>)
          %dma_start3A_312 = arith.constant 1 : i32
          %dma_start3A_313 = arith.constant 0 : i32
          %dma_start3A_314 = arith.constant 0 : i32
          %dma_start3A_315 = tpu.memref_slice %arg10[%dma_start3A_312, %dma_start3A_313, %dma_start3A_314] : memref<2x80x64xf32, #tpu.memory_space<vmem>> -> memref<1x80x64xf32, #tpu.memory_space<vmem>>
          %dma_start3A_316 = tpu.memref_squeeze %dma_start3A_315 : memref<1x80x64xf32, #tpu.memory_space<vmem>> -> memref<80x64xf32, #tpu.memory_space<vmem>>
          %dma_start3A_317 = arith.constant 0 : i32
          %dma_start3A_318 = tpu.memref_slice %arg9[%add3A_292, %dma_start3A_317] : memref<50x80xi32, #tpu.memory_space<vmem>> -> memref<1x80xi32, #tpu.memory_space<vmem>>
          %dma_start3A_319 = tpu.memref_squeeze %dma_start3A_318 : memref<1x80xi32, #tpu.memory_space<vmem>> -> memref<80xi32, #tpu.memory_space<vmem>>
          %dma_start3A_320 = arith.constant 0 : i32
          %dma_start3A_321 = arith.constant 0 : i32
          %dma_start3A_322 = tpu.memref_slice %arg12[%dma_start3A_320, %dma_start3A_321] : memref<10240x64xf32, #tpu.memory_space<vmem_shared>> -> memref<10240x64xf32, #tpu.memory_space<vmem_shared>>
          tpu.enqueue_indirect_dma source(%dma_start3A_316 : memref<80x64xf32, #tpu.memory_space<vmem>>) target(%dma_start3A_322 : memref<10240x64xf32, #tpu.memory_space<vmem_shared>>) offsets(%dma_start3A_319 : memref<80xi32, #tpu.memory_space<vmem>>) semaphore(%arg16 : memref<!tpu.dma_semaphore, #tpu.memory_space<semaphore_mem>>) {add = true}
        }
        %scan3A_232 = arith.constant 25 : i32
        %dma_wait3A = arith.constant 0 : i32
        %dma_wait3A_233 = arith.constant 0 : i32
        %dma_wait3A_234 = arith.constant 0 : i32
        %dma_wait3A_235 = arith.constant 0 : i32
        %dma_wait3A_236 = tpu.memref_slice %arg10[%dma_wait3A, %dma_wait3A_234, %dma_wait3A_235] : memref<2x80x64xf32, #tpu.memory_space<vmem>> -> memref<1x80x64xf32, #tpu.memory_space<vmem>>
        %dma_wait3A_237 = tpu.memref_squeeze %dma_wait3A_236 : memref<1x80x64xf32, #tpu.memory_space<vmem>> -> memref<80x64xf32, #tpu.memory_space<vmem>>
        %dma_wait3A_238 = arith.constant 0 : i32
        %dma_wait3A_239 = tpu.memref_slice %arg9[%dma_wait3A_233, %dma_wait3A_238] : memref<50x80xi32, #tpu.memory_space<vmem>> -> memref<1x80xi32, #tpu.memory_space<vmem>>
        %dma_wait3A_240 = tpu.memref_squeeze %dma_wait3A_239 : memref<1x80xi32, #tpu.memory_space<vmem>> -> memref<80xi32, #tpu.memory_space<vmem>>
        %dma_wait3A_241 = arith.constant 0 : i32
        %dma_wait3A_242 = arith.constant 0 : i32
        %dma_wait3A_243 = tpu.memref_slice %arg12[%dma_wait3A_241, %dma_wait3A_242] : memref<10240x64xf32, #tpu.memory_space<vmem_shared>> -> memref<10240x64xf32, #tpu.memory_space<vmem_shared>>
        tpu.wait_indirect_dma semaphore(%arg15 : memref<!tpu.dma_semaphore, #tpu.memory_space<semaphore_mem>>) src(%dma_wait3A_237 : memref<80x64xf32, #tpu.memory_space<vmem>>) dst(%dma_wait3A_243 : memref<10240x64xf32, #tpu.memory_space<vmem_shared>>)
        %dma_wait3A_244 = arith.constant 1 : i32
        %dma_wait3A_245 = arith.constant 0 : i32
        %dma_wait3A_246 = arith.constant 0 : i32
        %dma_wait3A_247 = arith.constant 0 : i32
        %dma_wait3A_248 = tpu.memref_slice %arg10[%dma_wait3A_244, %dma_wait3A_246, %dma_wait3A_247] : memref<2x80x64xf32, #tpu.memory_space<vmem>> -> memref<1x80x64xf32, #tpu.memory_space<vmem>>
        %dma_wait3A_249 = tpu.memref_squeeze %dma_wait3A_248 : memref<1x80x64xf32, #tpu.memory_space<vmem>> -> memref<80x64xf32, #tpu.memory_space<vmem>>
        %dma_wait3A_250 = arith.constant 0 : i32
        %dma_wait3A_251 = tpu.memref_slice %arg9[%dma_wait3A_245, %dma_wait3A_250] : memref<50x80xi32, #tpu.memory_space<vmem>> -> memref<1x80xi32, #tpu.memory_space<vmem>>
        %dma_wait3A_252 = tpu.memref_squeeze %dma_wait3A_251 : memref<1x80xi32, #tpu.memory_space<vmem>> -> memref<80xi32, #tpu.memory_space<vmem>>
        %dma_wait3A_253 = arith.constant 0 : i32
        %dma_wait3A_254 = arith.constant 0 : i32
        %dma_wait3A_255 = tpu.memref_slice %arg12[%dma_wait3A_253, %dma_wait3A_254] : memref<10240x64xf32, #tpu.memory_space<vmem_shared>> -> memref<10240x64xf32, #tpu.memory_space<vmem_shared>>
        tpu.wait_indirect_dma semaphore(%arg16 : memref<!tpu.dma_semaphore, #tpu.memory_space<semaphore_mem>>) src(%dma_wait3A_249 : memref<80x64xf32, #tpu.memory_space<vmem>>) dst(%dma_wait3A_255 : memref<10240x64xf32, #tpu.memory_space<vmem_shared>>)
      }
      %scan3A_209 = arith.constant 5 : i32
      %barrier3A_210 = arith.constant 0 : index
      tpu.barrier barrier_id(%barrier3A_210)
      %mul3A = arith.constant 640 : i32
      %mul3A_211 = arith.muli %arg1, %mul3A : i32
      %multiple_of3A = tpu.assume_multiple %mul3A_211, 8 : i32
      "tpu.region"() ({
        %run_scoped3A = tpu.sem_alloc : memref<!tpu.dma_semaphore, #tpu.memory_space<semaphore_mem>>
        %dma_start3A = arith.constant 0 : i32
        %dma_start3A_212 = tpu.memref_slice %arg7[%multiple_of3A, %dma_start3A] : memref<10240x64xf32, #tpu.memory_space<hbm>> -> memref<640x64xf32, #tpu.memory_space<hbm>>
        %dma_start3A_213 = arith.constant 0 : i32
        %dma_start3A_214 = tpu.memref_slice %arg12[%multiple_of3A, %dma_start3A_213] : memref<10240x64xf32, #tpu.memory_space<vmem_shared>> -> memref<640x64xf32, #tpu.memory_space<vmem_shared>>
        tpu.enqueue_dma source(%dma_start3A_214 : memref<640x64xf32, #tpu.memory_space<vmem_shared>>) target(%dma_start3A_212 : memref<640x64xf32, #tpu.memory_space<hbm>>) target_semaphore(%run_scoped3A : memref<!tpu.dma_semaphore, #tpu.memory_space<semaphore_mem>>)
        %dma_wait3A = arith.constant 0 : i32
        %dma_wait3A_215 = tpu.memref_slice %arg7[%multiple_of3A, %dma_wait3A] : memref<10240x64xf32, #tpu.memory_space<hbm>> -> memref<640x64xf32, #tpu.memory_space<hbm>>
        %dma_wait3A_216 = arith.constant 0 : i32
        %dma_wait3A_217 = tpu.memref_slice %arg12[%multiple_of3A, %dma_wait3A_216] : memref<10240x64xf32, #tpu.memory_space<vmem_shared>> -> memref<640x64xf32, #tpu.memory_space<vmem_shared>>
        tpu.wait_dma2 semaphore(%run_scoped3A : memref<!tpu.dma_semaphore, #tpu.memory_space<semaphore_mem>>) src(%dma_wait3A_217 : memref<640x64xf32, #tpu.memory_space<vmem_shared>>) dst(%dma_wait3A_215 : memref<640x64xf32, #tpu.memory_space<hbm>>)
        tpu.yield
      }) : () -> ()
    } else {
    }
    return
  }
}

#map = affine_map<(d0, d1) -> (0, 0, 0)>
#map1 = affine_map<(d0, d1) -> (0, 0)>
module attributes {stable_mosaic.version = 14 : i64} {
  func.func @_prop_kernel(%arg0: i32, %arg1: i32, %arg2: memref<16x250x80xi32, #tpu.memory_space<hbm>>, %arg3: memref<16x250x80xi32, #tpu.memory_space<hbm>>, %arg4: memref<10000x64xf32, #tpu.memory_space<hbm>>, %arg5: memref<10000x64xf32, #tpu.memory_space<hbm>>, %arg6: memref<10240x64xf32, #tpu.memory_space<hbm>>, %arg7: memref<10240x64xf32, #tpu.memory_space<hbm>>, %arg8: memref<50x80xi32, #tpu.memory_space<vmem>>, %arg9: memref<50x80xi32, #tpu.memory_space<vmem>>, %arg10: memref<2x80x64xf32, #tpu.memory_space<vmem>>, %arg11: memref<8x64xf32, #tpu.memory_space<vmem>>, %arg12: memref<10240x64xf32, #tpu.memory_space<vmem_shared>>, %arg13: memref<!tpu.dma_semaphore, #tpu.memory_space<semaphore_mem>>, %arg14: memref<!tpu.dma_semaphore, #tpu.memory_space<semaphore_mem>>, %arg15: memref<!tpu.dma_semaphore, #tpu.memory_space<semaphore_mem>>, %arg16: memref<!tpu.dma_semaphore, #tpu.memory_space<semaphore_mem>>) attributes {dimension_semantics = [#tpu.dimension_semantics<core_parallel>, #tpu.dimension_semantics<subcore_parallel>], iteration_bounds = array<i64: 2, 16>, scalar_prefetch = 0 : i64, scratch_operands = 9 : i64, tpu.core_type = #tpu.core_type<sc_vector_subcore>, window_params = [{transform_indices = #map}, {transform_indices = #map}, {transform_indices = #map1}, {transform_indices = #map1}, {transform_indices = #map1}, {transform_indices = #map1}]} {
    %broadcast_in_dim3A = arith.constant 0.000000e+00 : f32
    %broadcast_in_dim3A_0 = vector.broadcast %broadcast_in_dim3A : f32 to vector<16xf32>
    %swap3A = arith.constant 0 : i32
    %swap3A_1 = arith.index_cast %swap3A : i32 to index
    %swap3A_2 = arith.constant 0 : index
    %swap3A_3 = tpu.vector_load %arg11[%swap3A_1, %swap3A_2] {strides = array<i32>} : memref<8x64xf32, #tpu.memory_space<vmem>>, vector<1x16xf32>,
    %swap3A_4 = vector.shape_cast %swap3A_3 : vector<1x16xf32> to vector<16xf32>
    %swap3A_5 = vector.shape_cast %broadcast_in_dim3A_0 : vector<16xf32> to vector<1x16xf32>
    tpu.vector_store %arg11[%swap3A_1, %swap3A_2], %swap3A_5 {strides = array<i32>} : memref<8x64xf32, #tpu.memory_space<vmem>>, vector<1x16xf32>,
    %swap3A_6 = arith.constant 0 : i32
    %swap3A_7 = arith.index_cast %swap3A_6 : i32 to index
    %swap3A_8 = arith.constant 16 : index
    %swap3A_9 = tpu.vector_load %arg11[%swap3A_7, %swap3A_8] {strides = array<i32>} : memref<8x64xf32, #tpu.memory_space<vmem>>, vector<1x16xf32>,
    %swap3A_10 = vector.shape_cast %swap3A_9 : vector<1x16xf32> to vector<16xf32>
    %swap3A_11 = vector.shape_cast %broadcast_in_dim3A_0 : vector<16xf32> to vector<1x16xf32>
    tpu.vector_store %arg11[%swap3A_7, %swap3A_8], %swap3A_11 {strides = array<i32>} : memref<8x64xf32, #tpu.memory_space<vmem>>, vector<1x16xf32>,
    %swap3A_12 = arith.constant 0 : i32
    %swap3A_13 = arith.index_cast %swap3A_12 : i32 to index
    %swap3A_14 = arith.constant 32 : index
    %swap3A_15 = tpu.vector_load %arg11[%swap3A_13, %swap3A_14] {strides = array<i32>} : memref<8x64xf32, #tpu.memory_space<vmem>>, vector<1x16xf32>,
    %swap3A_16 = vector.shape_cast %swap3A_15 : vector<1x16xf32> to vector<16xf32>
    %swap3A_17 = vector.shape_cast %broadcast_in_dim3A_0 : vector<16xf32> to vector<1x16xf32>
    tpu.vector_store %arg11[%swap3A_13, %swap3A_14], %swap3A_17 {strides = array<i32>} : memref<8x64xf32, #tpu.memory_space<vmem>>, vector<1x16xf32>,
    %swap3A_18 = arith.constant 0 : i32
    %swap3A_19 = arith.index_cast %swap3A_18 : i32 to index
    %swap3A_20 = arith.constant 48 : index
    %swap3A_21 = tpu.vector_load %arg11[%swap3A_19, %swap3A_20] {strides = array<i32>} : memref<8x64xf32, #tpu.memory_space<vmem>>, vector<1x16xf32>,
    %swap3A_22 = vector.shape_cast %swap3A_21 : vector<1x16xf32> to vector<16xf32>
    %swap3A_23 = vector.shape_cast %broadcast_in_dim3A_0 : vector<16xf32> to vector<1x16xf32>
    tpu.vector_store %arg11[%swap3A_19, %swap3A_20], %swap3A_23 {strides = array<i32>} : memref<8x64xf32, #tpu.memory_space<vmem>>, vector<1x16xf32>,
    %swap3A_24 = arith.constant 1 : i32
    %swap3A_25 = arith.index_cast %swap3A_24 : i32 to index
    %swap3A_26 = arith.constant 0 : index
    %swap3A_27 = tpu.vector_load %arg11[%swap3A_25, %swap3A_26] {strides = array<i32>} : memref<8x64xf32, #tpu.memory_space<vmem>>, vector<1x16xf32>,
    %swap3A_28 = vector.shape_cast %swap3A_27 : vector<1x16xf32> to vector<16xf32>
    %swap3A_29 = vector.shape_cast %broadcast_in_dim3A_0 : vector<16xf32> to vector<1x16xf32>
    tpu.vector_store %arg11[%swap3A_25, %swap3A_26], %swap3A_29 {strides = array<i32>} : memref<8x64xf32, #tpu.memory_space<vmem>>, vector<1x16xf32>,
    %swap3A_30 = arith.constant 1 : i32
    %swap3A_31 = arith.index_cast %swap3A_30 : i32 to index
    %swap3A_32 = arith.constant 16 : index
    %swap3A_33 = tpu.vector_load %arg11[%swap3A_31, %swap3A_32] {strides = array<i32>} : memref<8x64xf32, #tpu.memory_space<vmem>>, vector<1x16xf32>,
    %swap3A_34 = vector.shape_cast %swap3A_33 : vector<1x16xf32> to vector<16xf32>
    %swap3A_35 = vector.shape_cast %broadcast_in_dim3A_0 : vector<16xf32> to vector<1x16xf32>
    tpu.vector_store %arg11[%swap3A_31, %swap3A_32], %swap3A_35 {strides = array<i32>} : memref<8x64xf32, #tpu.memory_space<vmem>>, vector<1x16xf32>,
    %swap3A_36 = arith.constant 1 : i32
    %swap3A_37 = arith.index_cast %swap3A_36 : i32 to index
    %swap3A_38 = arith.constant 32 : index
    %swap3A_39 = tpu.vector_load %arg11[%swap3A_37, %swap3A_38] {strides = array<i32>} : memref<8x64xf32, #tpu.memory_space<vmem>>, vector<1x16xf32>,
    %swap3A_40 = vector.shape_cast %swap3A_39 : vector<1x16xf32> to vector<16xf32>
    %swap3A_41 = vector.shape_cast %broadcast_in_dim3A_0 : vector<16xf32> to vector<1x16xf32>
    tpu.vector_store %arg11[%swap3A_37, %swap3A_38], %swap3A_41 {strides = array<i32>} : memref<8x64xf32, #tpu.memory_space<vmem>>, vector<1x16xf32>,
    %swap3A_42 = arith.constant 1 : i32
    %swap3A_43 = arith.index_cast %swap3A_42 : i32 to index
    %swap3A_44 = arith.constant 48 : index
    %swap3A_45 = tpu.vector_load %arg11[%swap3A_43, %swap3A_44] {strides = array<i32>} : memref<8x64xf32, #tpu.memory_space<vmem>>, vector<1x16xf32>,
    %swap3A_46 = vector.shape_cast %swap3A_45 : vector<1x16xf32> to vector<16xf32>
    %swap3A_47 = vector.shape_cast %broadcast_in_dim3A_0 : vector<16xf32> to vector<1x16xf32>
    tpu.vector_store %arg11[%swap3A_43, %swap3A_44], %swap3A_47 {strides = array<i32>} : memref<8x64xf32, #tpu.memory_space<vmem>>, vector<1x16xf32>,
    %swap3A_48 = arith.constant 2 : i32
    %swap3A_49 = arith.index_cast %swap3A_48 : i32 to index
    %swap3A_50 = arith.constant 0 : index
    %swap3A_51 = tpu.vector_load %arg11[%swap3A_49, %swap3A_50] {strides = array<i32>} : memref<8x64xf32, #tpu.memory_space<vmem>>, vector<1x16xf32>,
    %swap3A_52 = vector.shape_cast %swap3A_51 : vector<1x16xf32> to vector<16xf32>
    %swap3A_53 = vector.shape_cast %broadcast_in_dim3A_0 : vector<16xf32> to vector<1x16xf32>
    tpu.vector_store %arg11[%swap3A_49, %swap3A_50], %swap3A_53 {strides = array<i32>} : memref<8x64xf32, #tpu.memory_space<vmem>>, vector<1x16xf32>,
    %swap3A_54 = arith.constant 2 : i32
    %swap3A_55 = arith.index_cast %swap3A_54 : i32 to index
    %swap3A_56 = arith.constant 16 : index
    %swap3A_57 = tpu.vector_load %arg11[%swap3A_55, %swap3A_56] {strides = array<i32>} : memref<8x64xf32, #tpu.memory_space<vmem>>, vector<1x16xf32>,
    %swap3A_58 = vector.shape_cast %swap3A_57 : vector<1x16xf32> to vector<16xf32>
    %swap3A_59 = vector.shape_cast %broadcast_in_dim3A_0 : vector<16xf32> to vector<1x16xf32>
    tpu.vector_store %arg11[%swap3A_55, %swap3A_56], %swap3A_59 {strides = array<i32>} : memref<8x64xf32, #tpu.memory_space<vmem>>, vector<1x16xf32>,
    %swap3A_60 = arith.constant 2 : i32
    %swap3A_61 = arith.index_cast %swap3A_60 : i32 to index
    %swap3A_62 = arith.constant 32 : index
    %swap3A_63 = tpu.vector_load %arg11[%swap3A_61, %swap3A_62] {strides = array<i32>} : memref<8x64xf32, #tpu.memory_space<vmem>>, vector<1x16xf32>,
    %swap3A_64 = vector.shape_cast %swap3A_63 : vector<1x16xf32> to vector<16xf32>
    %swap3A_65 = vector.shape_cast %broadcast_in_dim3A_0 : vector<16xf32> to vector<1x16xf32>
    tpu.vector_store %arg11[%swap3A_61, %swap3A_62], %swap3A_65 {strides = array<i32>} : memref<8x64xf32, #tpu.memory_space<vmem>>, vector<1x16xf32>,
    %swap3A_66 = arith.constant 2 : i32
    %swap3A_67 = arith.index_cast %swap3A_66 : i32 to index
    %swap3A_68 = arith.constant 48 : index
    %swap3A_69 = tpu.vector_load %arg11[%swap3A_67, %swap3A_68] {strides = array<i32>} : memref<8x64xf32, #tpu.memory_space<vmem>>, vector<1x16xf32>,
    %swap3A_70 = vector.shape_cast %swap3A_69 : vector<1x16xf32> to vector<16xf32>
    %swap3A_71 = vector.shape_cast %broadcast_in_dim3A_0 : vector<16xf32> to vector<1x16xf32>
    tpu.vector_store %arg11[%swap3A_67, %swap3A_68], %swap3A_71 {strides = array<i32>} : memref<8x64xf32, #tpu.memory_space<vmem>>, vector<1x16xf32>,
    %swap3A_72 = arith.constant 3 : i32
    %swap3A_73 = arith.index_cast %swap3A_72 : i32 to index
    %swap3A_74 = arith.constant 0 : index
    %swap3A_75 = tpu.vector_load %arg11[%swap3A_73, %swap3A_74] {strides = array<i32>} : memref<8x64xf32, #tpu.memory_space<vmem>>, vector<1x16xf32>,
    %swap3A_76 = vector.shape_cast %swap3A_75 : vector<1x16xf32> to vector<16xf32>
    %swap3A_77 = vector.shape_cast %broadcast_in_dim3A_0 : vector<16xf32> to vector<1x16xf32>
    tpu.vector_store %arg11[%swap3A_73, %swap3A_74], %swap3A_77 {strides = array<i32>} : memref<8x64xf32, #tpu.memory_space<vmem>>, vector<1x16xf32>,
    %swap3A_78 = arith.constant 3 : i32
    %swap3A_79 = arith.index_cast %swap3A_78 : i32 to index
    %swap3A_80 = arith.constant 16 : index
    %swap3A_81 = tpu.vector_load %arg11[%swap3A_79, %swap3A_80] {strides = array<i32>} : memref<8x64xf32, #tpu.memory_space<vmem>>, vector<1x16xf32>,
    %swap3A_82 = vector.shape_cast %swap3A_81 : vector<1x16xf32> to vector<16xf32>
    %swap3A_83 = vector.shape_cast %broadcast_in_dim3A_0 : vector<16xf32> to vector<1x16xf32>
    tpu.vector_store %arg11[%swap3A_79, %swap3A_80], %swap3A_83 {strides = array<i32>} : memref<8x64xf32, #tpu.memory_space<vmem>>, vector<1x16xf32>,
    %swap3A_84 = arith.constant 3 : i32
    %swap3A_85 = arith.index_cast %swap3A_84 : i32 to index
    %swap3A_86 = arith.constant 32 : index
    %swap3A_87 = tpu.vector_load %arg11[%swap3A_85, %swap3A_86] {strides = array<i32>} : memref<8x64xf32, #tpu.memory_space<vmem>>, vector<1x16xf32>,
    %swap3A_88 = vector.shape_cast %swap3A_87 : vector<1x16xf32> to vector<16xf32>
    %swap3A_89 = vector.shape_cast %broadcast_in_dim3A_0 : vector<16xf32> to vector<1x16xf32>
    tpu.vector_store %arg11[%swap3A_85, %swap3A_86], %swap3A_89 {strides = array<i32>} : memref<8x64xf32, #tpu.memory_space<vmem>>, vector<1x16xf32>,
    %swap3A_90 = arith.constant 3 : i32
    %swap3A_91 = arith.index_cast %swap3A_90 : i32 to index
    %swap3A_92 = arith.constant 48 : index
    %swap3A_93 = tpu.vector_load %arg11[%swap3A_91, %swap3A_92] {strides = array<i32>} : memref<8x64xf32, #tpu.memory_space<vmem>>, vector<1x16xf32>,
    %swap3A_94 = vector.shape_cast %swap3A_93 : vector<1x16xf32> to vector<16xf32>
    %swap3A_95 = vector.shape_cast %broadcast_in_dim3A_0 : vector<16xf32> to vector<1x16xf32>
    tpu.vector_store %arg11[%swap3A_91, %swap3A_92], %swap3A_95 {strides = array<i32>} : memref<8x64xf32, #tpu.memory_space<vmem>>, vector<1x16xf32>,
    %swap3A_96 = arith.constant 4 : i32
    %swap3A_97 = arith.index_cast %swap3A_96 : i32 to index
    %swap3A_98 = arith.constant 0 : index
    %swap3A_99 = tpu.vector_load %arg11[%swap3A_97, %swap3A_98] {strides = array<i32>} : memref<8x64xf32, #tpu.memory_space<vmem>>, vector<1x16xf32>,
    %swap3A_100 = vector.shape_cast %swap3A_99 : vector<1x16xf32> to vector<16xf32>
    %swap3A_101 = vector.shape_cast %broadcast_in_dim3A_0 : vector<16xf32> to vector<1x16xf32>
    tpu.vector_store %arg11[%swap3A_97, %swap3A_98], %swap3A_101 {strides = array<i32>} : memref<8x64xf32, #tpu.memory_space<vmem>>, vector<1x16xf32>,
    %swap3A_102 = arith.constant 4 : i32
    %swap3A_103 = arith.index_cast %swap3A_102 : i32 to index
    %swap3A_104 = arith.constant 16 : index
    %swap3A_105 = tpu.vector_load %arg11[%swap3A_103, %swap3A_104] {strides = array<i32>} : memref<8x64xf32, #tpu.memory_space<vmem>>, vector<1x16xf32>,
    %swap3A_106 = vector.shape_cast %swap3A_105 : vector<1x16xf32> to vector<16xf32>
    %swap3A_107 = vector.shape_cast %broadcast_in_dim3A_0 : vector<16xf32> to vector<1x16xf32>
    tpu.vector_store %arg11[%swap3A_103, %swap3A_104], %swap3A_107 {strides = array<i32>} : memref<8x64xf32, #tpu.memory_space<vmem>>, vector<1x16xf32>,
    %swap3A_108 = arith.constant 4 : i32
    %swap3A_109 = arith.index_cast %swap3A_108 : i32 to index
    %swap3A_110 = arith.constant 32 : index
    %swap3A_111 = tpu.vector_load %arg11[%swap3A_109, %swap3A_110] {strides = array<i32>} : memref<8x64xf32, #tpu.memory_space<vmem>>, vector<1x16xf32>,
    %swap3A_112 = vector.shape_cast %swap3A_111 : vector<1x16xf32> to vector<16xf32>
    %swap3A_113 = vector.shape_cast %broadcast_in_dim3A_0 : vector<16xf32> to vector<1x16xf32>
    tpu.vector_store %arg11[%swap3A_109, %swap3A_110], %swap3A_113 {strides = array<i32>} : memref<8x64xf32, #tpu.memory_space<vmem>>, vector<1x16xf32>,
    %swap3A_114 = arith.constant 4 : i32
    %swap3A_115 = arith.index_cast %swap3A_114 : i32 to index
    %swap3A_116 = arith.constant 48 : index
    %swap3A_117 = tpu.vector_load %arg11[%swap3A_115, %swap3A_116] {strides = array<i32>} : memref<8x64xf32, #tpu.memory_space<vmem>>, vector<1x16xf32>,
    %swap3A_118 = vector.shape_cast %swap3A_117 : vector<1x16xf32> to vector<16xf32>
    %swap3A_119 = vector.shape_cast %broadcast_in_dim3A_0 : vector<16xf32> to vector<1x16xf32>
    tpu.vector_store %arg11[%swap3A_115, %swap3A_116], %swap3A_119 {strides = array<i32>} : memref<8x64xf32, #tpu.memory_space<vmem>>, vector<1x16xf32>,
    %swap3A_120 = arith.constant 5 : i32
    %swap3A_121 = arith.index_cast %swap3A_120 : i32 to index
    %swap3A_122 = arith.constant 0 : index
    %swap3A_123 = tpu.vector_load %arg11[%swap3A_121, %swap3A_122] {strides = array<i32>} : memref<8x64xf32, #tpu.memory_space<vmem>>, vector<1x16xf32>,
    %swap3A_124 = vector.shape_cast %swap3A_123 : vector<1x16xf32> to vector<16xf32>
    %swap3A_125 = vector.shape_cast %broadcast_in_dim3A_0 : vector<16xf32> to vector<1x16xf32>
    tpu.vector_store %arg11[%swap3A_121, %swap3A_122], %swap3A_125 {strides = array<i32>} : memref<8x64xf32, #tpu.memory_space<vmem>>, vector<1x16xf32>,
    %swap3A_126 = arith.constant 5 : i32
    %swap3A_127 = arith.index_cast %swap3A_126 : i32 to index
    %swap3A_128 = arith.constant 16 : index
    %swap3A_129 = tpu.vector_load %arg11[%swap3A_127, %swap3A_128] {strides = array<i32>} : memref<8x64xf32, #tpu.memory_space<vmem>>, vector<1x16xf32>,
    %swap3A_130 = vector.shape_cast %swap3A_129 : vector<1x16xf32> to vector<16xf32>
    %swap3A_131 = vector.shape_cast %broadcast_in_dim3A_0 : vector<16xf32> to vector<1x16xf32>
    tpu.vector_store %arg11[%swap3A_127, %swap3A_128], %swap3A_131 {strides = array<i32>} : memref<8x64xf32, #tpu.memory_space<vmem>>, vector<1x16xf32>,
    %swap3A_132 = arith.constant 5 : i32
    %swap3A_133 = arith.index_cast %swap3A_132 : i32 to index
    %swap3A_134 = arith.constant 32 : index
    %swap3A_135 = tpu.vector_load %arg11[%swap3A_133, %swap3A_134] {strides = array<i32>} : memref<8x64xf32, #tpu.memory_space<vmem>>, vector<1x16xf32>,
    %swap3A_136 = vector.shape_cast %swap3A_135 : vector<1x16xf32> to vector<16xf32>
    %swap3A_137 = vector.shape_cast %broadcast_in_dim3A_0 : vector<16xf32> to vector<1x16xf32>
    tpu.vector_store %arg11[%swap3A_133, %swap3A_134], %swap3A_137 {strides = array<i32>} : memref<8x64xf32, #tpu.memory_space<vmem>>, vector<1x16xf32>,
    %swap3A_138 = arith.constant 5 : i32
    %swap3A_139 = arith.index_cast %swap3A_138 : i32 to index
    %swap3A_140 = arith.constant 48 : index
    %swap3A_141 = tpu.vector_load %arg11[%swap3A_139, %swap3A_140] {strides = array<i32>} : memref<8x64xf32, #tpu.memory_space<vmem>>, vector<1x16xf32>,
    %swap3A_142 = vector.shape_cast %swap3A_141 : vector<1x16xf32> to vector<16xf32>
    %swap3A_143 = vector.shape_cast %broadcast_in_dim3A_0 : vector<16xf32> to vector<1x16xf32>
    tpu.vector_store %arg11[%swap3A_139, %swap3A_140], %swap3A_143 {strides = array<i32>} : memref<8x64xf32, #tpu.memory_space<vmem>>, vector<1x16xf32>,
    %swap3A_144 = arith.constant 6 : i32
    %swap3A_145 = arith.index_cast %swap3A_144 : i32 to index
    %swap3A_146 = arith.constant 0 : index
    %swap3A_147 = tpu.vector_load %arg11[%swap3A_145, %swap3A_146] {strides = array<i32>} : memref<8x64xf32, #tpu.memory_space<vmem>>, vector<1x16xf32>,
    %swap3A_148 = vector.shape_cast %swap3A_147 : vector<1x16xf32> to vector<16xf32>
    %swap3A_149 = vector.shape_cast %broadcast_in_dim3A_0 : vector<16xf32> to vector<1x16xf32>
    tpu.vector_store %arg11[%swap3A_145, %swap3A_146], %swap3A_149 {strides = array<i32>} : memref<8x64xf32, #tpu.memory_space<vmem>>, vector<1x16xf32>,
    %swap3A_150 = arith.constant 6 : i32
    %swap3A_151 = arith.index_cast %swap3A_150 : i32 to index
    %swap3A_152 = arith.constant 16 : index
    %swap3A_153 = tpu.vector_load %arg11[%swap3A_151, %swap3A_152] {strides = array<i32>} : memref<8x64xf32, #tpu.memory_space<vmem>>, vector<1x16xf32>,
    %swap3A_154 = vector.shape_cast %swap3A_153 : vector<1x16xf32> to vector<16xf32>
    %swap3A_155 = vector.shape_cast %broadcast_in_dim3A_0 : vector<16xf32> to vector<1x16xf32>
    tpu.vector_store %arg11[%swap3A_151, %swap3A_152], %swap3A_155 {strides = array<i32>} : memref<8x64xf32, #tpu.memory_space<vmem>>, vector<1x16xf32>,
    %swap3A_156 = arith.constant 6 : i32
    %swap3A_157 = arith.index_cast %swap3A_156 : i32 to index
    %swap3A_158 = arith.constant 32 : index
    %swap3A_159 = tpu.vector_load %arg11[%swap3A_157, %swap3A_158] {strides = array<i32>} : memref<8x64xf32, #tpu.memory_space<vmem>>, vector<1x16xf32>,
    %swap3A_160 = vector.shape_cast %swap3A_159 : vector<1x16xf32> to vector<16xf32>
    %swap3A_161 = vector.shape_cast %broadcast_in_dim3A_0 : vector<16xf32> to vector<1x16xf32>
    tpu.vector_store %arg11[%swap3A_157, %swap3A_158], %swap3A_161 {strides = array<i32>} : memref<8x64xf32, #tpu.memory_space<vmem>>, vector<1x16xf32>,
    %swap3A_162 = arith.constant 6 : i32
    %swap3A_163 = arith.index_cast %swap3A_162 : i32 to index
    %swap3A_164 = arith.constant 48 : index
    %swap3A_165 = tpu.vector_load %arg11[%swap3A_163, %swap3A_164] {strides = array<i32>} : memref<8x64xf32, #tpu.memory_space<vmem>>, vector<1x16xf32>,
    %swap3A_166 = vector.shape_cast %swap3A_165 : vector<1x16xf32> to vector<16xf32>
    %swap3A_167 = vector.shape_cast %broadcast_in_dim3A_0 : vector<16xf32> to vector<1x16xf32>
    tpu.vector_store %arg11[%swap3A_163, %swap3A_164], %swap3A_167 {strides = array<i32>} : memref<8x64xf32, #tpu.memory_space<vmem>>, vector<1x16xf32>,
    %swap3A_168 = arith.constant 7 : i32
    %swap3A_169 = arith.index_cast %swap3A_168 : i32 to index
    %swap3A_170 = arith.constant 0 : index
    %swap3A_171 = tpu.vector_load %arg11[%swap3A_169, %swap3A_170] {strides = array<i32>} : memref<8x64xf32, #tpu.memory_space<vmem>>, vector<1x16xf32>,
    %swap3A_172 = vector.shape_cast %swap3A_171 : vector<1x16xf32> to vector<16xf32>
    %swap3A_173 = vector.shape_cast %broadcast_in_dim3A_0 : vector<16xf32> to vector<1x16xf32>
    tpu.vector_store %arg11[%swap3A_169, %swap3A_170], %swap3A_173 {strides = array<i32>} : memref<8x64xf32, #tpu.memory_space<vmem>>, vector<1x16xf32>,
    %swap3A_174 = arith.constant 7 : i32
    %swap3A_175 = arith.index_cast %swap3A_174 : i32 to index
    %swap3A_176 = arith.constant 16 : index
    %swap3A_177 = tpu.vector_load %arg11[%swap3A_175, %swap3A_176] {strides = array<i32>} : memref<8x64xf32, #tpu.memory_space<vmem>>, vector<1x16xf32>,
    %swap3A_178 = vector.shape_cast %swap3A_177 : vector<1x16xf32> to vector<16xf32>
    %swap3A_179 = vector.shape_cast %broadcast_in_dim3A_0 : vector<16xf32> to vector<1x16xf32>
    tpu.vector_store %arg11[%swap3A_175, %swap3A_176], %swap3A_179 {strides = array<i32>} : memref<8x64xf32, #tpu.memory_space<vmem>>, vector<1x16xf32>,
    %swap3A_180 = arith.constant 7 : i32
    %swap3A_181 = arith.index_cast %swap3A_180 : i32 to index
    %swap3A_182 = arith.constant 32 : index
    %swap3A_183 = tpu.vector_load %arg11[%swap3A_181, %swap3A_182] {strides = array<i32>} : memref<8x64xf32, #tpu.memory_space<vmem>>, vector<1x16xf32>,
    %swap3A_184 = vector.shape_cast %swap3A_183 : vector<1x16xf32> to vector<16xf32>
    %swap3A_185 = vector.shape_cast %broadcast_in_dim3A_0 : vector<16xf32> to vector<1x16xf32>
    tpu.vector_store %arg11[%swap3A_181, %swap3A_182], %swap3A_185 {strides = array<i32>} : memref<8x64xf32, #tpu.memory_space<vmem>>, vector<1x16xf32>,
    %swap3A_186 = arith.constant 7 : i32
    %swap3A_187 = arith.index_cast %swap3A_186 : i32 to index
    %swap3A_188 = arith.constant 48 : index
    %swap3A_189 = tpu.vector_load %arg11[%swap3A_187, %swap3A_188] {strides = array<i32>} : memref<8x64xf32, #tpu.memory_space<vmem>>, vector<1x16xf32>,
    %swap3A_190 = vector.shape_cast %swap3A_189 : vector<1x16xf32> to vector<16xf32>
    %swap3A_191 = vector.shape_cast %broadcast_in_dim3A_0 : vector<16xf32> to vector<1x16xf32>
    tpu.vector_store %arg11[%swap3A_187, %swap3A_188], %swap3A_191 {strides = array<i32>} : memref<8x64xf32, #tpu.memory_space<vmem>>, vector<1x16xf32>,
    %scan3A = arith.constant 0 : i32
    %scan3A_192 = arith.constant 0 : i32
    %scan3A_193 = arith.constant 80 : i32
    %scan3A_194 = arith.addi %scan3A_192, %scan3A_193 : i32
    %scan3A_195 = arith.constant 1 : i32
    scf.for %scan3A_204 = %scan3A_192 to %scan3A_194 step %scan3A_195  : i32 {
      %mul3A = arith.constant 640 : i32
      %mul3A_205 = arith.muli %arg1, %mul3A : i32
      %mul3A_206 = arith.constant 8 : i32
      %mul3A_207 = arith.muli %scan3A_204, %mul3A_206 : i32
      %add3A = arith.addi %mul3A_205, %mul3A_207 : i32
      %multiple_of3A = tpu.assume_multiple %add3A, 8 : i32
      "tpu.region"() ({
        %run_scoped3A = tpu.sem_alloc : memref<!tpu.dma_semaphore, #tpu.memory_space<semaphore_mem>>
        %dma_start3A = arith.constant 0 : i32
        %dma_start3A_208 = tpu.memref_slice %arg12[%multiple_of3A, %dma_start3A] : memref<10240x64xf32, #tpu.memory_space<vmem_shared>> -> memref<8x64xf32, #tpu.memory_space<vmem_shared>>
        %dma_start3A_209 = arith.constant 0 : i32
        %dma_start3A_210 = tpu.memref_slice %arg12[%multiple_of3A, %dma_start3A_209] : memref<10240x64xf32, #tpu.memory_space<vmem_shared>> -> memref<8x64xf32, #tpu.memory_space<vmem_shared>>
        tpu.enqueue_dma source(%arg11 : memref<8x64xf32, #tpu.memory_space<vmem>>) target(%dma_start3A_210 : memref<8x64xf32, #tpu.memory_space<vmem_shared>>) target_semaphore(%run_scoped3A : memref<!tpu.dma_semaphore, #tpu.memory_space<semaphore_mem>>)
        %dma_wait3A = arith.constant 0 : i32
        %dma_wait3A_211 = tpu.memref_slice %arg12[%multiple_of3A, %dma_wait3A] : memref<10240x64xf32, #tpu.memory_space<vmem_shared>> -> memref<8x64xf32, #tpu.memory_space<vmem_shared>>
        %dma_wait3A_212 = arith.constant 0 : i32
        %dma_wait3A_213 = tpu.memref_slice %arg12[%multiple_of3A, %dma_wait3A_212] : memref<10240x64xf32, #tpu.memory_space<vmem_shared>> -> memref<8x64xf32, #tpu.memory_space<vmem_shared>>
        tpu.wait_dma2 semaphore(%run_scoped3A : memref<!tpu.dma_semaphore, #tpu.memory_space<semaphore_mem>>) src(%arg11 : memref<8x64xf32, #tpu.memory_space<vmem>>) dst(%dma_wait3A_213 : memref<8x64xf32, #tpu.memory_space<vmem_shared>>)
        tpu.yield
      }) : () -> ()
    }
    %scan3A_196 = arith.constant 80 : i32
    %barrier3A = arith.constant 0 : index
    tpu.barrier barrier_id(%barrier3A)
    %eq3A = arith.constant 0 : i32
    %eq3A_197 = arith.cmpi eq, %arg0, %eq3A : i32
    %convert_element_type3A = arith.extui %eq3A_197 : i1 to i32
    %cond3A = arith.constant 0 : i32
    %cond3A_198 = arith.cmpi ne, %convert_element_type3A, %cond3A : i32
    scf.if %cond3A_198 {
      %scan3A_204 = arith.constant 0 : i32
      %scan3A_205 = arith.constant 0 : i32
      %scan3A_206 = arith.constant 5 : i32
      %scan3A_207 = arith.addi %scan3A_205, %scan3A_206 : i32
      %scan3A_208 = arith.constant 1 : i32
      scf.for %scan3A_212 = %scan3A_205 to %scan3A_207 step %scan3A_208  : i32 {
        %mul3A_213 = arith.constant 50 : i32
        %mul3A_214 = arith.muli %scan3A_212, %mul3A_213 : i32
        %multiple_of3A_215 = tpu.assume_multiple %mul3A_214, 2 : i32
        "tpu.region"() ({
          %run_scoped3A = tpu.sem_alloc : memref<!tpu.dma_semaphore, #tpu.memory_space<semaphore_mem>>
          %dma_start3A_256 = arith.constant 0 : i32
          %dma_start3A_257 = tpu.memref_slice %arg2[%arg1, %multiple_of3A_215, %dma_start3A_256] : memref<16x250x80xi32, #tpu.memory_space<hbm>> -> memref<1x50x80xi32, #tpu.memory_space<hbm>>
          %dma_start3A_258 = tpu.memref_squeeze %dma_start3A_257 : memref<1x50x80xi32, #tpu.memory_space<hbm>> -> memref<50x80xi32, #tpu.memory_space<hbm>>
          %dma_start3A_259 = arith.constant 0 : i32
          %dma_start3A_260 = tpu.memref_slice %arg2[%arg1, %multiple_of3A_215, %dma_start3A_259] : memref<16x250x80xi32, #tpu.memory_space<hbm>> -> memref<1x50x80xi32, #tpu.memory_space<hbm>>
          %dma_start3A_261 = tpu.memref_squeeze %dma_start3A_260 : memref<1x50x80xi32, #tpu.memory_space<hbm>> -> memref<50x80xi32, #tpu.memory_space<hbm>>
          tpu.enqueue_dma source(%dma_start3A_261 : memref<50x80xi32, #tpu.memory_space<hbm>>) target(%arg8 : memref<50x80xi32, #tpu.memory_space<vmem>>) target_semaphore(%run_scoped3A : memref<!tpu.dma_semaphore, #tpu.memory_space<semaphore_mem>>)
          %dma_wait3A_262 = arith.constant 0 : i32
          %dma_wait3A_263 = tpu.memref_slice %arg2[%arg1, %multiple_of3A_215, %dma_wait3A_262] : memref<16x250x80xi32, #tpu.memory_space<hbm>> -> memref<1x50x80xi32, #tpu.memory_space<hbm>>
          %dma_wait3A_264 = tpu.memref_squeeze %dma_wait3A_263 : memref<1x50x80xi32, #tpu.memory_space<hbm>> -> memref<50x80xi32, #tpu.memory_space<hbm>>
          %dma_wait3A_265 = arith.constant 0 : i32
          %dma_wait3A_266 = tpu.memref_slice %arg2[%arg1, %multiple_of3A_215, %dma_wait3A_265] : memref<16x250x80xi32, #tpu.memory_space<hbm>> -> memref<1x50x80xi32, #tpu.memory_space<hbm>>
          %dma_wait3A_267 = tpu.memref_squeeze %dma_wait3A_266 : memref<1x50x80xi32, #tpu.memory_space<hbm>> -> memref<50x80xi32, #tpu.memory_space<hbm>>
          tpu.wait_dma2 semaphore(%run_scoped3A : memref<!tpu.dma_semaphore, #tpu.memory_space<semaphore_mem>>) src(%dma_wait3A_267 : memref<50x80xi32, #tpu.memory_space<hbm>>) dst(%arg8 : memref<50x80xi32, #tpu.memory_space<vmem>>)
          tpu.yield
        }) : () -> ()
        "tpu.region"() ({
          %run_scoped3A = tpu.sem_alloc : memref<!tpu.dma_semaphore, #tpu.memory_space<semaphore_mem>>
          %dma_start3A_256 = arith.constant 0 : i32
          %dma_start3A_257 = tpu.memref_slice %arg3[%arg1, %multiple_of3A_215, %dma_start3A_256] : memref<16x250x80xi32, #tpu.memory_space<hbm>> -> memref<1x50x80xi32, #tpu.memory_space<hbm>>
          %dma_start3A_258 = tpu.memref_squeeze %dma_start3A_257 : memref<1x50x80xi32, #tpu.memory_space<hbm>> -> memref<50x80xi32, #tpu.memory_space<hbm>>
          %dma_start3A_259 = arith.constant 0 : i32
          %dma_start3A_260 = tpu.memref_slice %arg3[%arg1, %multiple_of3A_215, %dma_start3A_259] : memref<16x250x80xi32, #tpu.memory_space<hbm>> -> memref<1x50x80xi32, #tpu.memory_space<hbm>>
          %dma_start3A_261 = tpu.memref_squeeze %dma_start3A_260 : memref<1x50x80xi32, #tpu.memory_space<hbm>> -> memref<50x80xi32, #tpu.memory_space<hbm>>
          tpu.enqueue_dma source(%dma_start3A_261 : memref<50x80xi32, #tpu.memory_space<hbm>>) target(%arg9 : memref<50x80xi32, #tpu.memory_space<vmem>>) target_semaphore(%run_scoped3A : memref<!tpu.dma_semaphore, #tpu.memory_space<semaphore_mem>>)
          %dma_wait3A_262 = arith.constant 0 : i32
          %dma_wait3A_263 = tpu.memref_slice %arg3[%arg1, %multiple_of3A_215, %dma_wait3A_262] : memref<16x250x80xi32, #tpu.memory_space<hbm>> -> memref<1x50x80xi32, #tpu.memory_space<hbm>>
          %dma_wait3A_264 = tpu.memref_squeeze %dma_wait3A_263 : memref<1x50x80xi32, #tpu.memory_space<hbm>> -> memref<50x80xi32, #tpu.memory_space<hbm>>
          %dma_wait3A_265 = arith.constant 0 : i32
          %dma_wait3A_266 = tpu.memref_slice %arg3[%arg1, %multiple_of3A_215, %dma_wait3A_265] : memref<16x250x80xi32, #tpu.memory_space<hbm>> -> memref<1x50x80xi32, #tpu.memory_space<hbm>>
          %dma_wait3A_267 = tpu.memref_squeeze %dma_wait3A_266 : memref<1x50x80xi32, #tpu.memory_space<hbm>> -> memref<50x80xi32, #tpu.memory_space<hbm>>
          tpu.wait_dma2 semaphore(%run_scoped3A : memref<!tpu.dma_semaphore, #tpu.memory_space<semaphore_mem>>) src(%dma_wait3A_267 : memref<50x80xi32, #tpu.memory_space<hbm>>) dst(%arg9 : memref<50x80xi32, #tpu.memory_space<vmem>>)
          tpu.yield
        }) : () -> ()
        %dma_start3A = arith.constant 0 : i32
        %dma_start3A_216 = arith.constant 0 : i32
        %dma_start3A_217 = arith.constant 0 : i32
        %dma_start3A_218 = arith.constant 0 : i32
        %dma_start3A_219 = tpu.memref_slice %arg10[%dma_start3A_216, %dma_start3A_217, %dma_start3A_218] : memref<2x80x64xf32, #tpu.memory_space<vmem>> -> memref<1x80x64xf32, #tpu.memory_space<vmem>>
        %dma_start3A_220 = tpu.memref_squeeze %dma_start3A_219 : memref<1x80x64xf32, #tpu.memory_space<vmem>> -> memref<80x64xf32, #tpu.memory_space<vmem>>
        %dma_start3A_221 = arith.constant 0 : i32
        %dma_start3A_222 = tpu.memref_slice %arg8[%dma_start3A, %dma_start3A_221] : memref<50x80xi32, #tpu.memory_space<vmem>> -> memref<1x80xi32, #tpu.memory_space<vmem>>
        %dma_start3A_223 = tpu.memref_squeeze %dma_start3A_222 : memref<1x80xi32, #tpu.memory_space<vmem>> -> memref<80xi32, #tpu.memory_space<vmem>>
        %dma_start3A_224 = arith.constant 0 : i32
        %dma_start3A_225 = arith.constant 0 : i32
        %dma_start3A_226 = tpu.memref_slice %arg4[%dma_start3A_224, %dma_start3A_225] : memref<10000x64xf32, #tpu.memory_space<hbm>> -> memref<10000x64xf32, #tpu.memory_space<hbm>>
        tpu.enqueue_indirect_dma source(%dma_start3A_226 : memref<10000x64xf32, #tpu.memory_space<hbm>>) target(%dma_start3A_220 : memref<80x64xf32, #tpu.memory_space<vmem>>) offsets(%dma_start3A_223 : memref<80xi32, #tpu.memory_space<vmem>>) semaphore(%arg13 : memref<!tpu.dma_semaphore, #tpu.memory_space<semaphore_mem>>)
        %scan3A_227 = arith.constant 0 : i32
        %scan3A_228 = arith.constant 0 : i32
        %scan3A_229 = arith.constant 25 : i32
        %scan3A_230 = arith.addi %scan3A_228, %scan3A_229 : i32
        %scan3A_231 = arith.constant 1 : i32
        scf.for %scan3A_256 = %scan3A_228 to %scan3A_230 step %scan3A_231  : i32 {
          %mul3A_257 = arith.constant 2 : i32
          %mul3A_258 = arith.muli %scan3A_256, %mul3A_257 : i32
          %add3A = arith.constant 0 : i32
          %add3A_259 = arith.addi %mul3A_258, %add3A : i32
          %add3A_260 = arith.constant 1 : i32
          %add3A_261 = arith.addi %add3A_259, %add3A_260 : i32
          %lt3A = arith.constant 50 : i32
          %lt3A_262 = arith.cmpi slt, %add3A_261, %lt3A : i32
          %convert_element_type3A_263 = arith.extui %lt3A_262 : i1 to i32
          %cond3A_264 = arith.constant 0 : i32
          %cond3A_265 = arith.cmpi ne, %convert_element_type3A_263, %cond3A_264 : i32
          scf.if %cond3A_265 {
            %ge3A = arith.constant 1 : i32
            %ge3A_323 = arith.cmpi sge, %add3A_259, %ge3A : i32
            %convert_element_type3A_324 = arith.extui %ge3A_323 : i1 to i32
            %cond3A_325 = arith.constant 0 : i32
            %cond3A_326 = arith.cmpi ne, %convert_element_type3A_324, %cond3A_325 : i32
            scf.if %cond3A_326 {
              %dma_wait3A_338 = arith.constant 1 : i32
              %dma_wait3A_339 = arith.constant 0 : i32
              %dma_wait3A_340 = arith.constant 0 : i32
              %dma_wait3A_341 = arith.constant 0 : i32
              %dma_wait3A_342 = tpu.memref_slice %arg10[%dma_wait3A_338, %dma_wait3A_340, %dma_wait3A_341] : memref<2x80x64xf32, #tpu.memory_space<vmem>> -> memref<1x80x64xf32, #tpu.memory_space<vmem>>
              %dma_wait3A_343 = tpu.memref_squeeze %dma_wait3A_342 : memref<1x80x64xf32, #tpu.memory_space<vmem>> -> memref<80x64xf32, #tpu.memory_space<vmem>>
              %dma_wait3A_344 = arith.constant 0 : i32
              %dma_wait3A_345 = tpu.memref_slice %arg9[%dma_wait3A_339, %dma_wait3A_344] : memref<50x80xi32, #tpu.memory_space<vmem>> -> memref<1x80xi32, #tpu.memory_space<vmem>>
              %dma_wait3A_346 = tpu.memref_squeeze %dma_wait3A_345 : memref<1x80xi32, #tpu.memory_space<vmem>> -> memref<80xi32, #tpu.memory_space<vmem>>
              %dma_wait3A_347 = arith.constant 0 : i32
              %dma_wait3A_348 = arith.constant 0 : i32
              %dma_wait3A_349 = tpu.memref_slice %arg12[%dma_wait3A_347, %dma_wait3A_348] : memref<10240x64xf32, #tpu.memory_space<vmem_shared>> -> memref<10240x64xf32, #tpu.memory_space<vmem_shared>>
              tpu.wait_indirect_dma semaphore(%arg16 : memref<!tpu.dma_semaphore, #tpu.memory_space<semaphore_mem>>) src(%dma_wait3A_343 : memref<80x64xf32, #tpu.memory_space<vmem>>) dst(%dma_wait3A_349 : memref<10240x64xf32, #tpu.memory_space<vmem_shared>>)
            } else {
            }
            %dma_start3A_327 = arith.constant 1 : i32
            %dma_start3A_328 = arith.constant 0 : i32
            %dma_start3A_329 = arith.constant 0 : i32
            %dma_start3A_330 = tpu.memref_slice %arg10[%dma_start3A_327, %dma_start3A_328, %dma_start3A_329] : memref<2x80x64xf32, #tpu.memory_space<vmem>> -> memref<1x80x64xf32, #tpu.memory_space<vmem>>
            %dma_start3A_331 = tpu.memref_squeeze %dma_start3A_330 : memref<1x80x64xf32, #tpu.memory_space<vmem>> -> memref<80x64xf32, #tpu.memory_space<vmem>>
            %dma_start3A_332 = arith.constant 0 : i32
            %dma_start3A_333 = tpu.memref_slice %arg8[%add3A_261, %dma_start3A_332] : memref<50x80xi32, #tpu.memory_space<vmem>> -> memref<1x80xi32, #tpu.memory_space<vmem>>
            %dma_start3A_334 = tpu.memref_squeeze %dma_start3A_333 : memref<1x80xi32, #tpu.memory_space<vmem>> -> memref<80xi32, #tpu.memory_space<vmem>>
            %dma_start3A_335 = arith.constant 0 : i32
            %dma_start3A_336 = arith.constant 0 : i32
            %dma_start3A_337 = tpu.memref_slice %arg4[%dma_start3A_335, %dma_start3A_336] : memref<10000x64xf32, #tpu.memory_space<hbm>> -> memref<10000x64xf32, #tpu.memory_space<hbm>>
            tpu.enqueue_indirect_dma source(%dma_start3A_337 : memref<10000x64xf32, #tpu.memory_space<hbm>>) target(%dma_start3A_331 : memref<80x64xf32, #tpu.memory_space<vmem>>) offsets(%dma_start3A_334 : memref<80xi32, #tpu.memory_space<vmem>>) semaphore(%arg14 : memref<!tpu.dma_semaphore, #tpu.memory_space<semaphore_mem>>)
          } else {
          }
          %dma_wait3A_266 = arith.constant 0 : i32
          %dma_wait3A_267 = arith.constant 0 : i32
          %dma_wait3A_268 = arith.constant 0 : i32
          %dma_wait3A_269 = arith.constant 0 : i32
          %dma_wait3A_270 = tpu.memref_slice %arg10[%dma_wait3A_267, %dma_wait3A_268, %dma_wait3A_269] : memref<2x80x64xf32, #tpu.memory_space<vmem>> -> memref<1x80x64xf32, #tpu.memory_space<vmem>>
          %dma_wait3A_271 = tpu.memref_squeeze %dma_wait3A_270 : memref<1x80x64xf32, #tpu.memory_space<vmem>> -> memref<80x64xf32, #tpu.memory_space<vmem>>
          %dma_wait3A_272 = arith.constant 0 : i32
          %dma_wait3A_273 = tpu.memref_slice %arg8[%dma_wait3A_266, %dma_wait3A_272] : memref<50x80xi32, #tpu.memory_space<vmem>> -> memref<1x80xi32, #tpu.memory_space<vmem>>
          %dma_wait3A_274 = tpu.memref_squeeze %dma_wait3A_273 : memref<1x80xi32, #tpu.memory_space<vmem>> -> memref<80xi32, #tpu.memory_space<vmem>>
          %dma_wait3A_275 = arith.constant 0 : i32
          %dma_wait3A_276 = arith.constant 0 : i32
          %dma_wait3A_277 = tpu.memref_slice %arg4[%dma_wait3A_275, %dma_wait3A_276] : memref<10000x64xf32, #tpu.memory_space<hbm>> -> memref<10000x64xf32, #tpu.memory_space<hbm>>
          tpu.wait_indirect_dma semaphore(%arg13 : memref<!tpu.dma_semaphore, #tpu.memory_space<semaphore_mem>>) src(%dma_wait3A_277 : memref<10000x64xf32, #tpu.memory_space<hbm>>) dst(%dma_wait3A_271 : memref<80x64xf32, #tpu.memory_space<vmem>>)
          %dma_start3A_278 = arith.constant 0 : i32
          %dma_start3A_279 = arith.constant 0 : i32
          %dma_start3A_280 = arith.constant 0 : i32
          %dma_start3A_281 = tpu.memref_slice %arg10[%dma_start3A_278, %dma_start3A_279, %dma_start3A_280] : memref<2x80x64xf32, #tpu.memory_space<vmem>> -> memref<1x80x64xf32, #tpu.memory_space<vmem>>
          %dma_start3A_282 = tpu.memref_squeeze %dma_start3A_281 : memref<1x80x64xf32, #tpu.memory_space<vmem>> -> memref<80x64xf32, #tpu.memory_space<vmem>>
          %dma_start3A_283 = arith.constant 0 : i32
          %dma_start3A_284 = tpu.memref_slice %arg9[%add3A_259, %dma_start3A_283] : memref<50x80xi32, #tpu.memory_space<vmem>> -> memref<1x80xi32, #tpu.memory_space<vmem>>
          %dma_start3A_285 = tpu.memref_squeeze %dma_start3A_284 : memref<1x80xi32, #tpu.memory_space<vmem>> -> memref<80xi32, #tpu.memory_space<vmem>>
          %dma_start3A_286 = arith.constant 0 : i32
          %dma_start3A_287 = arith.constant 0 : i32
          %dma_start3A_288 = tpu.memref_slice %arg12[%dma_start3A_286, %dma_start3A_287] : memref<10240x64xf32, #tpu.memory_space<vmem_shared>> -> memref<10240x64xf32, #tpu.memory_space<vmem_shared>>
          tpu.enqueue_indirect_dma source(%dma_start3A_282 : memref<80x64xf32, #tpu.memory_space<vmem>>) target(%dma_start3A_288 : memref<10240x64xf32, #tpu.memory_space<vmem_shared>>) offsets(%dma_start3A_285 : memref<80xi32, #tpu.memory_space<vmem>>) semaphore(%arg15 : memref<!tpu.dma_semaphore, #tpu.memory_space<semaphore_mem>>) {add = true}
          %mul3A_289 = arith.constant 2 : i32
          %mul3A_290 = arith.muli %scan3A_256, %mul3A_289 : i32
          %add3A_291 = arith.constant 1 : i32
          %add3A_292 = arith.addi %mul3A_290, %add3A_291 : i32
          %add3A_293 = arith.constant 1 : i32
          %add3A_294 = arith.addi %add3A_292, %add3A_293 : i32
          %lt3A_295 = arith.constant 50 : i32
          %lt3A_296 = arith.cmpi slt, %add3A_294, %lt3A_295 : i32
          %convert_element_type3A_297 = arith.extui %lt3A_296 : i1 to i32
          %cond3A_298 = arith.constant 0 : i32
          %cond3A_299 = arith.cmpi ne, %convert_element_type3A_297, %cond3A_298 : i32
          scf.if %cond3A_299 {
            %ge3A = arith.constant 1 : i32
            %ge3A_323 = arith.cmpi sge, %add3A_292, %ge3A : i32
            %convert_element_type3A_324 = arith.extui %ge3A_323 : i1 to i32
            %cond3A_325 = arith.constant 0 : i32
            %cond3A_326 = arith.cmpi ne, %convert_element_type3A_324, %cond3A_325 : i32
            scf.if %cond3A_326 {
              %dma_wait3A_338 = arith.constant 0 : i32
              %dma_wait3A_339 = arith.constant 0 : i32
              %dma_wait3A_340 = arith.constant 0 : i32
              %dma_wait3A_341 = arith.constant 0 : i32
              %dma_wait3A_342 = tpu.memref_slice %arg10[%dma_wait3A_338, %dma_wait3A_340, %dma_wait3A_341] : memref<2x80x64xf32, #tpu.memory_space<vmem>> -> memref<1x80x64xf32, #tpu.memory_space<vmem>>
              %dma_wait3A_343 = tpu.memref_squeeze %dma_wait3A_342 : memref<1x80x64xf32, #tpu.memory_space<vmem>> -> memref<80x64xf32, #tpu.memory_space<vmem>>
              %dma_wait3A_344 = arith.constant 0 : i32
              %dma_wait3A_345 = tpu.memref_slice %arg9[%dma_wait3A_339, %dma_wait3A_344] : memref<50x80xi32, #tpu.memory_space<vmem>> -> memref<1x80xi32, #tpu.memory_space<vmem>>
              %dma_wait3A_346 = tpu.memref_squeeze %dma_wait3A_345 : memref<1x80xi32, #tpu.memory_space<vmem>> -> memref<80xi32, #tpu.memory_space<vmem>>
              %dma_wait3A_347 = arith.constant 0 : i32
              %dma_wait3A_348 = arith.constant 0 : i32
              %dma_wait3A_349 = tpu.memref_slice %arg12[%dma_wait3A_347, %dma_wait3A_348] : memref<10240x64xf32, #tpu.memory_space<vmem_shared>> -> memref<10240x64xf32, #tpu.memory_space<vmem_shared>>
              tpu.wait_indirect_dma semaphore(%arg15 : memref<!tpu.dma_semaphore, #tpu.memory_space<semaphore_mem>>) src(%dma_wait3A_343 : memref<80x64xf32, #tpu.memory_space<vmem>>) dst(%dma_wait3A_349 : memref<10240x64xf32, #tpu.memory_space<vmem_shared>>)
            } else {
            }
            %dma_start3A_327 = arith.constant 0 : i32
            %dma_start3A_328 = arith.constant 0 : i32
            %dma_start3A_329 = arith.constant 0 : i32
            %dma_start3A_330 = tpu.memref_slice %arg10[%dma_start3A_327, %dma_start3A_328, %dma_start3A_329] : memref<2x80x64xf32, #tpu.memory_space<vmem>> -> memref<1x80x64xf32, #tpu.memory_space<vmem>>
            %dma_start3A_331 = tpu.memref_squeeze %dma_start3A_330 : memref<1x80x64xf32, #tpu.memory_space<vmem>> -> memref<80x64xf32, #tpu.memory_space<vmem>>
            %dma_start3A_332 = arith.constant 0 : i32
            %dma_start3A_333 = tpu.memref_slice %arg8[%add3A_294, %dma_start3A_332] : memref<50x80xi32, #tpu.memory_space<vmem>> -> memref<1x80xi32, #tpu.memory_space<vmem>>
            %dma_start3A_334 = tpu.memref_squeeze %dma_start3A_333 : memref<1x80xi32, #tpu.memory_space<vmem>> -> memref<80xi32, #tpu.memory_space<vmem>>
            %dma_start3A_335 = arith.constant 0 : i32
            %dma_start3A_336 = arith.constant 0 : i32
            %dma_start3A_337 = tpu.memref_slice %arg4[%dma_start3A_335, %dma_start3A_336] : memref<10000x64xf32, #tpu.memory_space<hbm>> -> memref<10000x64xf32, #tpu.memory_space<hbm>>
            tpu.enqueue_indirect_dma source(%dma_start3A_337 : memref<10000x64xf32, #tpu.memory_space<hbm>>) target(%dma_start3A_331 : memref<80x64xf32, #tpu.memory_space<vmem>>) offsets(%dma_start3A_334 : memref<80xi32, #tpu.memory_space<vmem>>) semaphore(%arg13 : memref<!tpu.dma_semaphore, #tpu.memory_space<semaphore_mem>>)
          } else {
          }
          %dma_wait3A_300 = arith.constant 0 : i32
          %dma_wait3A_301 = arith.constant 1 : i32
          %dma_wait3A_302 = arith.constant 0 : i32
          %dma_wait3A_303 = arith.constant 0 : i32
          %dma_wait3A_304 = tpu.memref_slice %arg10[%dma_wait3A_301, %dma_wait3A_302, %dma_wait3A_303] : memref<2x80x64xf32, #tpu.memory_space<vmem>> -> memref<1x80x64xf32, #tpu.memory_space<vmem>>
          %dma_wait3A_305 = tpu.memref_squeeze %dma_wait3A_304 : memref<1x80x64xf32, #tpu.memory_space<vmem>> -> memref<80x64xf32, #tpu.memory_space<vmem>>
          %dma_wait3A_306 = arith.constant 0 : i32
          %dma_wait3A_307 = tpu.memref_slice %arg8[%dma_wait3A_300, %dma_wait3A_306] : memref<50x80xi32, #tpu.memory_space<vmem>> -> memref<1x80xi32, #tpu.memory_space<vmem>>
          %dma_wait3A_308 = tpu.memref_squeeze %dma_wait3A_307 : memref<1x80xi32, #tpu.memory_space<vmem>> -> memref<80xi32, #tpu.memory_space<vmem>>
          %dma_wait3A_309 = arith.constant 0 : i32
          %dma_wait3A_310 = arith.constant 0 : i32
          %dma_wait3A_311 = tpu.memref_slice %arg4[%dma_wait3A_309, %dma_wait3A_310] : memref<10000x64xf32, #tpu.memory_space<hbm>> -> memref<10000x64xf32, #tpu.memory_space<hbm>>
          tpu.wait_indirect_dma semaphore(%arg14 : memref<!tpu.dma_semaphore, #tpu.memory_space<semaphore_mem>>) src(%dma_wait3A_311 : memref<10000x64xf32, #tpu.memory_space<hbm>>) dst(%dma_wait3A_305 : memref<80x64xf32, #tpu.memory_space<vmem>>)
          %dma_start3A_312 = arith.constant 1 : i32
          %dma_start3A_313 = arith.constant 0 : i32
          %dma_start3A_314 = arith.constant 0 : i32
          %dma_start3A_315 = tpu.memref_slice %arg10[%dma_start3A_312, %dma_start3A_313, %dma_start3A_314] : memref<2x80x64xf32, #tpu.memory_space<vmem>> -> memref<1x80x64xf32, #tpu.memory_space<vmem>>
          %dma_start3A_316 = tpu.memref_squeeze %dma_start3A_315 : memref<1x80x64xf32, #tpu.memory_space<vmem>> -> memref<80x64xf32, #tpu.memory_space<vmem>>
          %dma_start3A_317 = arith.constant 0 : i32
          %dma_start3A_318 = tpu.memref_slice %arg9[%add3A_292, %dma_start3A_317] : memref<50x80xi32, #tpu.memory_space<vmem>> -> memref<1x80xi32, #tpu.memory_space<vmem>>
          %dma_start3A_319 = tpu.memref_squeeze %dma_start3A_318 : memref<1x80xi32, #tpu.memory_space<vmem>> -> memref<80xi32, #tpu.memory_space<vmem>>
          %dma_start3A_320 = arith.constant 0 : i32
          %dma_start3A_321 = arith.constant 0 : i32
          %dma_start3A_322 = tpu.memref_slice %arg12[%dma_start3A_320, %dma_start3A_321] : memref<10240x64xf32, #tpu.memory_space<vmem_shared>> -> memref<10240x64xf32, #tpu.memory_space<vmem_shared>>
          tpu.enqueue_indirect_dma source(%dma_start3A_316 : memref<80x64xf32, #tpu.memory_space<vmem>>) target(%dma_start3A_322 : memref<10240x64xf32, #tpu.memory_space<vmem_shared>>) offsets(%dma_start3A_319 : memref<80xi32, #tpu.memory_space<vmem>>) semaphore(%arg16 : memref<!tpu.dma_semaphore, #tpu.memory_space<semaphore_mem>>) {add = true}
        }
        %scan3A_232 = arith.constant 25 : i32
        %dma_wait3A = arith.constant 0 : i32
        %dma_wait3A_233 = arith.constant 0 : i32
        %dma_wait3A_234 = arith.constant 0 : i32
        %dma_wait3A_235 = arith.constant 0 : i32
        %dma_wait3A_236 = tpu.memref_slice %arg10[%dma_wait3A, %dma_wait3A_234, %dma_wait3A_235] : memref<2x80x64xf32, #tpu.memory_space<vmem>> -> memref<1x80x64xf32, #tpu.memory_space<vmem>>
        %dma_wait3A_237 = tpu.memref_squeeze %dma_wait3A_236 : memref<1x80x64xf32, #tpu.memory_space<vmem>> -> memref<80x64xf32, #tpu.memory_space<vmem>>
        %dma_wait3A_238 = arith.constant 0 : i32
        %dma_wait3A_239 = tpu.memref_slice %arg9[%dma_wait3A_233, %dma_wait3A_238] : memref<50x80xi32, #tpu.memory_space<vmem>> -> memref<1x80xi32, #tpu.memory_space<vmem>>
        %dma_wait3A_240 = tpu.memref_squeeze %dma_wait3A_239 : memref<1x80xi32, #tpu.memory_space<vmem>> -> memref<80xi32, #tpu.memory_space<vmem>>
        %dma_wait3A_241 = arith.constant 0 : i32
        %dma_wait3A_242 = arith.constant 0 : i32
        %dma_wait3A_243 = tpu.memref_slice %arg12[%dma_wait3A_241, %dma_wait3A_242] : memref<10240x64xf32, #tpu.memory_space<vmem_shared>> -> memref<10240x64xf32, #tpu.memory_space<vmem_shared>>
        tpu.wait_indirect_dma semaphore(%arg15 : memref<!tpu.dma_semaphore, #tpu.memory_space<semaphore_mem>>) src(%dma_wait3A_237 : memref<80x64xf32, #tpu.memory_space<vmem>>) dst(%dma_wait3A_243 : memref<10240x64xf32, #tpu.memory_space<vmem_shared>>)
        %dma_wait3A_244 = arith.constant 1 : i32
        %dma_wait3A_245 = arith.constant 0 : i32
        %dma_wait3A_246 = arith.constant 0 : i32
        %dma_wait3A_247 = arith.constant 0 : i32
        %dma_wait3A_248 = tpu.memref_slice %arg10[%dma_wait3A_244, %dma_wait3A_246, %dma_wait3A_247] : memref<2x80x64xf32, #tpu.memory_space<vmem>> -> memref<1x80x64xf32, #tpu.memory_space<vmem>>
        %dma_wait3A_249 = tpu.memref_squeeze %dma_wait3A_248 : memref<1x80x64xf32, #tpu.memory_space<vmem>> -> memref<80x64xf32, #tpu.memory_space<vmem>>
        %dma_wait3A_250 = arith.constant 0 : i32
        %dma_wait3A_251 = tpu.memref_slice %arg9[%dma_wait3A_245, %dma_wait3A_250] : memref<50x80xi32, #tpu.memory_space<vmem>> -> memref<1x80xi32, #tpu.memory_space<vmem>>
        %dma_wait3A_252 = tpu.memref_squeeze %dma_wait3A_251 : memref<1x80xi32, #tpu.memory_space<vmem>> -> memref<80xi32, #tpu.memory_space<vmem>>
        %dma_wait3A_253 = arith.constant 0 : i32
        %dma_wait3A_254 = arith.constant 0 : i32
        %dma_wait3A_255 = tpu.memref_slice %arg12[%dma_wait3A_253, %dma_wait3A_254] : memref<10240x64xf32, #tpu.memory_space<vmem_shared>> -> memref<10240x64xf32, #tpu.memory_space<vmem_shared>>
        tpu.wait_indirect_dma semaphore(%arg16 : memref<!tpu.dma_semaphore, #tpu.memory_space<semaphore_mem>>) src(%dma_wait3A_249 : memref<80x64xf32, #tpu.memory_space<vmem>>) dst(%dma_wait3A_255 : memref<10240x64xf32, #tpu.memory_space<vmem_shared>>)
      }
      %scan3A_209 = arith.constant 5 : i32
      %barrier3A_210 = arith.constant 0 : index
      tpu.barrier barrier_id(%barrier3A_210)
      %mul3A = arith.constant 640 : i32
      %mul3A_211 = arith.muli %arg1, %mul3A : i32
      %multiple_of3A = tpu.assume_multiple %mul3A_211, 8 : i32
      "tpu.region"() ({
        %run_scoped3A = tpu.sem_alloc : memref<!tpu.dma_semaphore, #tpu.memory_space<semaphore_mem>>
        %dma_start3A = arith.constant 0 : i32
        %dma_start3A_212 = tpu.memref_slice %arg6[%multiple_of3A, %dma_start3A] : memref<10240x64xf32, #tpu.memory_space<hbm>> -> memref<640x64xf32, #tpu.memory_space<hbm>>
        %dma_start3A_213 = arith.constant 0 : i32
        %dma_start3A_214 = tpu.memref_slice %arg12[%multiple_of3A, %dma_start3A_213] : memref<10240x64xf32, #tpu.memory_space<vmem_shared>> -> memref<640x64xf32, #tpu.memory_space<vmem_shared>>
        tpu.enqueue_dma source(%dma_start3A_214 : memref<640x64xf32, #tpu.memory_space<vmem_shared>>) target(%dma_start3A_212 : memref<640x64xf32, #tpu.memory_space<hbm>>) target_semaphore(%run_scoped3A : memref<!tpu.dma_semaphore, #tpu.memory_space<semaphore_mem>>)
        %dma_wait3A = arith.constant 0 : i32
        %dma_wait3A_215 = tpu.memref_slice %arg6[%multiple_of3A, %dma_wait3A] : memref<10240x64xf32, #tpu.memory_space<hbm>> -> memref<640x64xf32, #tpu.memory_space<hbm>>
        %dma_wait3A_216 = arith.constant 0 : i32
        %dma_wait3A_217 = tpu.memref_slice %arg12[%multiple_of3A, %dma_wait3A_216] : memref<10240x64xf32, #tpu.memory_space<vmem_shared>> -> memref<640x64xf32, #tpu.memory_space<vmem_shared>>
        tpu.wait_dma2 semaphore(%run_scoped3A : memref<!tpu.dma_semaphore, #tpu.memory_space<semaphore_mem>>) src(%dma_wait3A_217 : memref<640x64xf32, #tpu.memory_space<vmem_shared>>) dst(%dma_wait3A_215 : memref<640x64xf32, #tpu.memory_space<hbm>>)
        tpu.yield
      }) : () -> ()
    } else {
    }
    %eq3A_199 = arith.constant 1 : i32
    %eq3A_200 = arith.cmpi eq, %arg0, %eq3A_199 : i32
    %convert_element_type3A_201 = arith.extui %eq3A_200 : i1 to i32
    %cond3A_202 = arith.constant 0 : i32
    %cond3A_203 = arith.cmpi ne, %convert_element_type3A_201, %cond3A_202 : i32
    scf.if %cond3A_203 {
      %scan3A_204 = arith.constant 0 : i32
      %scan3A_205 = arith.constant 0 : i32
      %scan3A_206 = arith.constant 5 : i32
      %scan3A_207 = arith.addi %scan3A_205, %scan3A_206 : i32
      %scan3A_208 = arith.constant 1 : i32
      scf.for %scan3A_212 = %scan3A_205 to %scan3A_207 step %scan3A_208  : i32 {
        %mul3A_213 = arith.constant 50 : i32
        %mul3A_214 = arith.muli %scan3A_212, %mul3A_213 : i32
        %multiple_of3A_215 = tpu.assume_multiple %mul3A_214, 2 : i32
        "tpu.region"() ({
          %run_scoped3A = tpu.sem_alloc : memref<!tpu.dma_semaphore, #tpu.memory_space<semaphore_mem>>
          %dma_start3A_256 = arith.constant 0 : i32
          %dma_start3A_257 = tpu.memref_slice %arg2[%arg1, %multiple_of3A_215, %dma_start3A_256] : memref<16x250x80xi32, #tpu.memory_space<hbm>> -> memref<1x50x80xi32, #tpu.memory_space<hbm>>
          %dma_start3A_258 = tpu.memref_squeeze %dma_start3A_257 : memref<1x50x80xi32, #tpu.memory_space<hbm>> -> memref<50x80xi32, #tpu.memory_space<hbm>>
          %dma_start3A_259 = arith.constant 0 : i32
          %dma_start3A_260 = tpu.memref_slice %arg2[%arg1, %multiple_of3A_215, %dma_start3A_259] : memref<16x250x80xi32, #tpu.memory_space<hbm>> -> memref<1x50x80xi32, #tpu.memory_space<hbm>>
          %dma_start3A_261 = tpu.memref_squeeze %dma_start3A_260 : memref<1x50x80xi32, #tpu.memory_space<hbm>> -> memref<50x80xi32, #tpu.memory_space<hbm>>
          tpu.enqueue_dma source(%dma_start3A_261 : memref<50x80xi32, #tpu.memory_space<hbm>>) target(%arg8 : memref<50x80xi32, #tpu.memory_space<vmem>>) target_semaphore(%run_scoped3A : memref<!tpu.dma_semaphore, #tpu.memory_space<semaphore_mem>>)
          %dma_wait3A_262 = arith.constant 0 : i32
          %dma_wait3A_263 = tpu.memref_slice %arg2[%arg1, %multiple_of3A_215, %dma_wait3A_262] : memref<16x250x80xi32, #tpu.memory_space<hbm>> -> memref<1x50x80xi32, #tpu.memory_space<hbm>>
          %dma_wait3A_264 = tpu.memref_squeeze %dma_wait3A_263 : memref<1x50x80xi32, #tpu.memory_space<hbm>> -> memref<50x80xi32, #tpu.memory_space<hbm>>
          %dma_wait3A_265 = arith.constant 0 : i32
          %dma_wait3A_266 = tpu.memref_slice %arg2[%arg1, %multiple_of3A_215, %dma_wait3A_265] : memref<16x250x80xi32, #tpu.memory_space<hbm>> -> memref<1x50x80xi32, #tpu.memory_space<hbm>>
          %dma_wait3A_267 = tpu.memref_squeeze %dma_wait3A_266 : memref<1x50x80xi32, #tpu.memory_space<hbm>> -> memref<50x80xi32, #tpu.memory_space<hbm>>
          tpu.wait_dma2 semaphore(%run_scoped3A : memref<!tpu.dma_semaphore, #tpu.memory_space<semaphore_mem>>) src(%dma_wait3A_267 : memref<50x80xi32, #tpu.memory_space<hbm>>) dst(%arg8 : memref<50x80xi32, #tpu.memory_space<vmem>>)
          tpu.yield
        }) : () -> ()
        "tpu.region"() ({
          %run_scoped3A = tpu.sem_alloc : memref<!tpu.dma_semaphore, #tpu.memory_space<semaphore_mem>>
          %dma_start3A_256 = arith.constant 0 : i32
          %dma_start3A_257 = tpu.memref_slice %arg3[%arg1, %multiple_of3A_215, %dma_start3A_256] : memref<16x250x80xi32, #tpu.memory_space<hbm>> -> memref<1x50x80xi32, #tpu.memory_space<hbm>>
          %dma_start3A_258 = tpu.memref_squeeze %dma_start3A_257 : memref<1x50x80xi32, #tpu.memory_space<hbm>> -> memref<50x80xi32, #tpu.memory_space<hbm>>
          %dma_start3A_259 = arith.constant 0 : i32
          %dma_start3A_260 = tpu.memref_slice %arg3[%arg1, %multiple_of3A_215, %dma_start3A_259] : memref<16x250x80xi32, #tpu.memory_space<hbm>> -> memref<1x50x80xi32, #tpu.memory_space<hbm>>
          %dma_start3A_261 = tpu.memref_squeeze %dma_start3A_260 : memref<1x50x80xi32, #tpu.memory_space<hbm>> -> memref<50x80xi32, #tpu.memory_space<hbm>>
          tpu.enqueue_dma source(%dma_start3A_261 : memref<50x80xi32, #tpu.memory_space<hbm>>) target(%arg9 : memref<50x80xi32, #tpu.memory_space<vmem>>) target_semaphore(%run_scoped3A : memref<!tpu.dma_semaphore, #tpu.memory_space<semaphore_mem>>)
          %dma_wait3A_262 = arith.constant 0 : i32
          %dma_wait3A_263 = tpu.memref_slice %arg3[%arg1, %multiple_of3A_215, %dma_wait3A_262] : memref<16x250x80xi32, #tpu.memory_space<hbm>> -> memref<1x50x80xi32, #tpu.memory_space<hbm>>
          %dma_wait3A_264 = tpu.memref_squeeze %dma_wait3A_263 : memref<1x50x80xi32, #tpu.memory_space<hbm>> -> memref<50x80xi32, #tpu.memory_space<hbm>>
          %dma_wait3A_265 = arith.constant 0 : i32
          %dma_wait3A_266 = tpu.memref_slice %arg3[%arg1, %multiple_of3A_215, %dma_wait3A_265] : memref<16x250x80xi32, #tpu.memory_space<hbm>> -> memref<1x50x80xi32, #tpu.memory_space<hbm>>
          %dma_wait3A_267 = tpu.memref_squeeze %dma_wait3A_266 : memref<1x50x80xi32, #tpu.memory_space<hbm>> -> memref<50x80xi32, #tpu.memory_space<hbm>>
          tpu.wait_dma2 semaphore(%run_scoped3A : memref<!tpu.dma_semaphore, #tpu.memory_space<semaphore_mem>>) src(%dma_wait3A_267 : memref<50x80xi32, #tpu.memory_space<hbm>>) dst(%arg9 : memref<50x80xi32, #tpu.memory_space<vmem>>)
          tpu.yield
        }) : () -> ()
        %dma_start3A = arith.constant 0 : i32
        %dma_start3A_216 = arith.constant 0 : i32
        %dma_start3A_217 = arith.constant 0 : i32
        %dma_start3A_218 = arith.constant 0 : i32
        %dma_start3A_219 = tpu.memref_slice %arg10[%dma_start3A_216, %dma_start3A_217, %dma_start3A_218] : memref<2x80x64xf32, #tpu.memory_space<vmem>> -> memref<1x80x64xf32, #tpu.memory_space<vmem>>
        %dma_start3A_220 = tpu.memref_squeeze %dma_start3A_219 : memref<1x80x64xf32, #tpu.memory_space<vmem>> -> memref<80x64xf32, #tpu.memory_space<vmem>>
        %dma_start3A_221 = arith.constant 0 : i32
        %dma_start3A_222 = tpu.memref_slice %arg8[%dma_start3A, %dma_start3A_221] : memref<50x80xi32, #tpu.memory_space<vmem>> -> memref<1x80xi32, #tpu.memory_space<vmem>>
        %dma_start3A_223 = tpu.memref_squeeze %dma_start3A_222 : memref<1x80xi32, #tpu.memory_space<vmem>> -> memref<80xi32, #tpu.memory_space<vmem>>
        %dma_start3A_224 = arith.constant 0 : i32
        %dma_start3A_225 = arith.constant 0 : i32
        %dma_start3A_226 = tpu.memref_slice %arg5[%dma_start3A_224, %dma_start3A_225] : memref<10000x64xf32, #tpu.memory_space<hbm>> -> memref<10000x64xf32, #tpu.memory_space<hbm>>
        tpu.enqueue_indirect_dma source(%dma_start3A_226 : memref<10000x64xf32, #tpu.memory_space<hbm>>) target(%dma_start3A_220 : memref<80x64xf32, #tpu.memory_space<vmem>>) offsets(%dma_start3A_223 : memref<80xi32, #tpu.memory_space<vmem>>) semaphore(%arg13 : memref<!tpu.dma_semaphore, #tpu.memory_space<semaphore_mem>>)
        %scan3A_227 = arith.constant 0 : i32
        %scan3A_228 = arith.constant 0 : i32
        %scan3A_229 = arith.constant 25 : i32
        %scan3A_230 = arith.addi %scan3A_228, %scan3A_229 : i32
        %scan3A_231 = arith.constant 1 : i32
        scf.for %scan3A_256 = %scan3A_228 to %scan3A_230 step %scan3A_231  : i32 {
          %mul3A_257 = arith.constant 2 : i32
          %mul3A_258 = arith.muli %scan3A_256, %mul3A_257 : i32
          %add3A = arith.constant 0 : i32
          %add3A_259 = arith.addi %mul3A_258, %add3A : i32
          %add3A_260 = arith.constant 1 : i32
          %add3A_261 = arith.addi %add3A_259, %add3A_260 : i32
          %lt3A = arith.constant 50 : i32
          %lt3A_262 = arith.cmpi slt, %add3A_261, %lt3A : i32
          %convert_element_type3A_263 = arith.extui %lt3A_262 : i1 to i32
          %cond3A_264 = arith.constant 0 : i32
          %cond3A_265 = arith.cmpi ne, %convert_element_type3A_263, %cond3A_264 : i32
          scf.if %cond3A_265 {
            %ge3A = arith.constant 1 : i32
            %ge3A_323 = arith.cmpi sge, %add3A_259, %ge3A : i32
            %convert_element_type3A_324 = arith.extui %ge3A_323 : i1 to i32
            %cond3A_325 = arith.constant 0 : i32
            %cond3A_326 = arith.cmpi ne, %convert_element_type3A_324, %cond3A_325 : i32
            scf.if %cond3A_326 {
              %dma_wait3A_338 = arith.constant 1 : i32
              %dma_wait3A_339 = arith.constant 0 : i32
              %dma_wait3A_340 = arith.constant 0 : i32
              %dma_wait3A_341 = arith.constant 0 : i32
              %dma_wait3A_342 = tpu.memref_slice %arg10[%dma_wait3A_338, %dma_wait3A_340, %dma_wait3A_341] : memref<2x80x64xf32, #tpu.memory_space<vmem>> -> memref<1x80x64xf32, #tpu.memory_space<vmem>>
              %dma_wait3A_343 = tpu.memref_squeeze %dma_wait3A_342 : memref<1x80x64xf32, #tpu.memory_space<vmem>> -> memref<80x64xf32, #tpu.memory_space<vmem>>
              %dma_wait3A_344 = arith.constant 0 : i32
              %dma_wait3A_345 = tpu.memref_slice %arg9[%dma_wait3A_339, %dma_wait3A_344] : memref<50x80xi32, #tpu.memory_space<vmem>> -> memref<1x80xi32, #tpu.memory_space<vmem>>
              %dma_wait3A_346 = tpu.memref_squeeze %dma_wait3A_345 : memref<1x80xi32, #tpu.memory_space<vmem>> -> memref<80xi32, #tpu.memory_space<vmem>>
              %dma_wait3A_347 = arith.constant 0 : i32
              %dma_wait3A_348 = arith.constant 0 : i32
              %dma_wait3A_349 = tpu.memref_slice %arg12[%dma_wait3A_347, %dma_wait3A_348] : memref<10240x64xf32, #tpu.memory_space<vmem_shared>> -> memref<10240x64xf32, #tpu.memory_space<vmem_shared>>
              tpu.wait_indirect_dma semaphore(%arg16 : memref<!tpu.dma_semaphore, #tpu.memory_space<semaphore_mem>>) src(%dma_wait3A_343 : memref<80x64xf32, #tpu.memory_space<vmem>>) dst(%dma_wait3A_349 : memref<10240x64xf32, #tpu.memory_space<vmem_shared>>)
            } else {
            }
            %dma_start3A_327 = arith.constant 1 : i32
            %dma_start3A_328 = arith.constant 0 : i32
            %dma_start3A_329 = arith.constant 0 : i32
            %dma_start3A_330 = tpu.memref_slice %arg10[%dma_start3A_327, %dma_start3A_328, %dma_start3A_329] : memref<2x80x64xf32, #tpu.memory_space<vmem>> -> memref<1x80x64xf32, #tpu.memory_space<vmem>>
            %dma_start3A_331 = tpu.memref_squeeze %dma_start3A_330 : memref<1x80x64xf32, #tpu.memory_space<vmem>> -> memref<80x64xf32, #tpu.memory_space<vmem>>
            %dma_start3A_332 = arith.constant 0 : i32
            %dma_start3A_333 = tpu.memref_slice %arg8[%add3A_261, %dma_start3A_332] : memref<50x80xi32, #tpu.memory_space<vmem>> -> memref<1x80xi32, #tpu.memory_space<vmem>>
            %dma_start3A_334 = tpu.memref_squeeze %dma_start3A_333 : memref<1x80xi32, #tpu.memory_space<vmem>> -> memref<80xi32, #tpu.memory_space<vmem>>
            %dma_start3A_335 = arith.constant 0 : i32
            %dma_start3A_336 = arith.constant 0 : i32
            %dma_start3A_337 = tpu.memref_slice %arg5[%dma_start3A_335, %dma_start3A_336] : memref<10000x64xf32, #tpu.memory_space<hbm>> -> memref<10000x64xf32, #tpu.memory_space<hbm>>
            tpu.enqueue_indirect_dma source(%dma_start3A_337 : memref<10000x64xf32, #tpu.memory_space<hbm>>) target(%dma_start3A_331 : memref<80x64xf32, #tpu.memory_space<vmem>>) offsets(%dma_start3A_334 : memref<80xi32, #tpu.memory_space<vmem>>) semaphore(%arg14 : memref<!tpu.dma_semaphore, #tpu.memory_space<semaphore_mem>>)
          } else {
          }
          %dma_wait3A_266 = arith.constant 0 : i32
          %dma_wait3A_267 = arith.constant 0 : i32
          %dma_wait3A_268 = arith.constant 0 : i32
          %dma_wait3A_269 = arith.constant 0 : i32
          %dma_wait3A_270 = tpu.memref_slice %arg10[%dma_wait3A_267, %dma_wait3A_268, %dma_wait3A_269] : memref<2x80x64xf32, #tpu.memory_space<vmem>> -> memref<1x80x64xf32, #tpu.memory_space<vmem>>
          %dma_wait3A_271 = tpu.memref_squeeze %dma_wait3A_270 : memref<1x80x64xf32, #tpu.memory_space<vmem>> -> memref<80x64xf32, #tpu.memory_space<vmem>>
          %dma_wait3A_272 = arith.constant 0 : i32
          %dma_wait3A_273 = tpu.memref_slice %arg8[%dma_wait3A_266, %dma_wait3A_272] : memref<50x80xi32, #tpu.memory_space<vmem>> -> memref<1x80xi32, #tpu.memory_space<vmem>>
          %dma_wait3A_274 = tpu.memref_squeeze %dma_wait3A_273 : memref<1x80xi32, #tpu.memory_space<vmem>> -> memref<80xi32, #tpu.memory_space<vmem>>
          %dma_wait3A_275 = arith.constant 0 : i32
          %dma_wait3A_276 = arith.constant 0 : i32
          %dma_wait3A_277 = tpu.memref_slice %arg5[%dma_wait3A_275, %dma_wait3A_276] : memref<10000x64xf32, #tpu.memory_space<hbm>> -> memref<10000x64xf32, #tpu.memory_space<hbm>>
          tpu.wait_indirect_dma semaphore(%arg13 : memref<!tpu.dma_semaphore, #tpu.memory_space<semaphore_mem>>) src(%dma_wait3A_277 : memref<10000x64xf32, #tpu.memory_space<hbm>>) dst(%dma_wait3A_271 : memref<80x64xf32, #tpu.memory_space<vmem>>)
          %dma_start3A_278 = arith.constant 0 : i32
          %dma_start3A_279 = arith.constant 0 : i32
          %dma_start3A_280 = arith.constant 0 : i32
          %dma_start3A_281 = tpu.memref_slice %arg10[%dma_start3A_278, %dma_start3A_279, %dma_start3A_280] : memref<2x80x64xf32, #tpu.memory_space<vmem>> -> memref<1x80x64xf32, #tpu.memory_space<vmem>>
          %dma_start3A_282 = tpu.memref_squeeze %dma_start3A_281 : memref<1x80x64xf32, #tpu.memory_space<vmem>> -> memref<80x64xf32, #tpu.memory_space<vmem>>
          %dma_start3A_283 = arith.constant 0 : i32
          %dma_start3A_284 = tpu.memref_slice %arg9[%add3A_259, %dma_start3A_283] : memref<50x80xi32, #tpu.memory_space<vmem>> -> memref<1x80xi32, #tpu.memory_space<vmem>>
          %dma_start3A_285 = tpu.memref_squeeze %dma_start3A_284 : memref<1x80xi32, #tpu.memory_space<vmem>> -> memref<80xi32, #tpu.memory_space<vmem>>
          %dma_start3A_286 = arith.constant 0 : i32
          %dma_start3A_287 = arith.constant 0 : i32
          %dma_start3A_288 = tpu.memref_slice %arg12[%dma_start3A_286, %dma_start3A_287] : memref<10240x64xf32, #tpu.memory_space<vmem_shared>> -> memref<10240x64xf32, #tpu.memory_space<vmem_shared>>
          tpu.enqueue_indirect_dma source(%dma_start3A_282 : memref<80x64xf32, #tpu.memory_space<vmem>>) target(%dma_start3A_288 : memref<10240x64xf32, #tpu.memory_space<vmem_shared>>) offsets(%dma_start3A_285 : memref<80xi32, #tpu.memory_space<vmem>>) semaphore(%arg15 : memref<!tpu.dma_semaphore, #tpu.memory_space<semaphore_mem>>) {add = true}
          %mul3A_289 = arith.constant 2 : i32
          %mul3A_290 = arith.muli %scan3A_256, %mul3A_289 : i32
          %add3A_291 = arith.constant 1 : i32
          %add3A_292 = arith.addi %mul3A_290, %add3A_291 : i32
          %add3A_293 = arith.constant 1 : i32
          %add3A_294 = arith.addi %add3A_292, %add3A_293 : i32
          %lt3A_295 = arith.constant 50 : i32
          %lt3A_296 = arith.cmpi slt, %add3A_294, %lt3A_295 : i32
          %convert_element_type3A_297 = arith.extui %lt3A_296 : i1 to i32
          %cond3A_298 = arith.constant 0 : i32
          %cond3A_299 = arith.cmpi ne, %convert_element_type3A_297, %cond3A_298 : i32
          scf.if %cond3A_299 {
            %ge3A = arith.constant 1 : i32
            %ge3A_323 = arith.cmpi sge, %add3A_292, %ge3A : i32
            %convert_element_type3A_324 = arith.extui %ge3A_323 : i1 to i32
            %cond3A_325 = arith.constant 0 : i32
            %cond3A_326 = arith.cmpi ne, %convert_element_type3A_324, %cond3A_325 : i32
            scf.if %cond3A_326 {
              %dma_wait3A_338 = arith.constant 0 : i32
              %dma_wait3A_339 = arith.constant 0 : i32
              %dma_wait3A_340 = arith.constant 0 : i32
              %dma_wait3A_341 = arith.constant 0 : i32
              %dma_wait3A_342 = tpu.memref_slice %arg10[%dma_wait3A_338, %dma_wait3A_340, %dma_wait3A_341] : memref<2x80x64xf32, #tpu.memory_space<vmem>> -> memref<1x80x64xf32, #tpu.memory_space<vmem>>
              %dma_wait3A_343 = tpu.memref_squeeze %dma_wait3A_342 : memref<1x80x64xf32, #tpu.memory_space<vmem>> -> memref<80x64xf32, #tpu.memory_space<vmem>>
              %dma_wait3A_344 = arith.constant 0 : i32
              %dma_wait3A_345 = tpu.memref_slice %arg9[%dma_wait3A_339, %dma_wait3A_344] : memref<50x80xi32, #tpu.memory_space<vmem>> -> memref<1x80xi32, #tpu.memory_space<vmem>>
              %dma_wait3A_346 = tpu.memref_squeeze %dma_wait3A_345 : memref<1x80xi32, #tpu.memory_space<vmem>> -> memref<80xi32, #tpu.memory_space<vmem>>
              %dma_wait3A_347 = arith.constant 0 : i32
              %dma_wait3A_348 = arith.constant 0 : i32
              %dma_wait3A_349 = tpu.memref_slice %arg12[%dma_wait3A_347, %dma_wait3A_348] : memref<10240x64xf32, #tpu.memory_space<vmem_shared>> -> memref<10240x64xf32, #tpu.memory_space<vmem_shared>>
              tpu.wait_indirect_dma semaphore(%arg15 : memref<!tpu.dma_semaphore, #tpu.memory_space<semaphore_mem>>) src(%dma_wait3A_343 : memref<80x64xf32, #tpu.memory_space<vmem>>) dst(%dma_wait3A_349 : memref<10240x64xf32, #tpu.memory_space<vmem_shared>>)
            } else {
            }
            %dma_start3A_327 = arith.constant 0 : i32
            %dma_start3A_328 = arith.constant 0 : i32
            %dma_start3A_329 = arith.constant 0 : i32
            %dma_start3A_330 = tpu.memref_slice %arg10[%dma_start3A_327, %dma_start3A_328, %dma_start3A_329] : memref<2x80x64xf32, #tpu.memory_space<vmem>> -> memref<1x80x64xf32, #tpu.memory_space<vmem>>
            %dma_start3A_331 = tpu.memref_squeeze %dma_start3A_330 : memref<1x80x64xf32, #tpu.memory_space<vmem>> -> memref<80x64xf32, #tpu.memory_space<vmem>>
            %dma_start3A_332 = arith.constant 0 : i32
            %dma_start3A_333 = tpu.memref_slice %arg8[%add3A_294, %dma_start3A_332] : memref<50x80xi32, #tpu.memory_space<vmem>> -> memref<1x80xi32, #tpu.memory_space<vmem>>
            %dma_start3A_334 = tpu.memref_squeeze %dma_start3A_333 : memref<1x80xi32, #tpu.memory_space<vmem>> -> memref<80xi32, #tpu.memory_space<vmem>>
            %dma_start3A_335 = arith.constant 0 : i32
            %dma_start3A_336 = arith.constant 0 : i32
            %dma_start3A_337 = tpu.memref_slice %arg5[%dma_start3A_335, %dma_start3A_336] : memref<10000x64xf32, #tpu.memory_space<hbm>> -> memref<10000x64xf32, #tpu.memory_space<hbm>>
            tpu.enqueue_indirect_dma source(%dma_start3A_337 : memref<10000x64xf32, #tpu.memory_space<hbm>>) target(%dma_start3A_331 : memref<80x64xf32, #tpu.memory_space<vmem>>) offsets(%dma_start3A_334 : memref<80xi32, #tpu.memory_space<vmem>>) semaphore(%arg13 : memref<!tpu.dma_semaphore, #tpu.memory_space<semaphore_mem>>)
          } else {
          }
          %dma_wait3A_300 = arith.constant 0 : i32
          %dma_wait3A_301 = arith.constant 1 : i32
          %dma_wait3A_302 = arith.constant 0 : i32
          %dma_wait3A_303 = arith.constant 0 : i32
          %dma_wait3A_304 = tpu.memref_slice %arg10[%dma_wait3A_301, %dma_wait3A_302, %dma_wait3A_303] : memref<2x80x64xf32, #tpu.memory_space<vmem>> -> memref<1x80x64xf32, #tpu.memory_space<vmem>>
          %dma_wait3A_305 = tpu.memref_squeeze %dma_wait3A_304 : memref<1x80x64xf32, #tpu.memory_space<vmem>> -> memref<80x64xf32, #tpu.memory_space<vmem>>
          %dma_wait3A_306 = arith.constant 0 : i32
          %dma_wait3A_307 = tpu.memref_slice %arg8[%dma_wait3A_300, %dma_wait3A_306] : memref<50x80xi32, #tpu.memory_space<vmem>> -> memref<1x80xi32, #tpu.memory_space<vmem>>
          %dma_wait3A_308 = tpu.memref_squeeze %dma_wait3A_307 : memref<1x80xi32, #tpu.memory_space<vmem>> -> memref<80xi32, #tpu.memory_space<vmem>>
          %dma_wait3A_309 = arith.constant 0 : i32
          %dma_wait3A_310 = arith.constant 0 : i32
          %dma_wait3A_311 = tpu.memref_slice %arg5[%dma_wait3A_309, %dma_wait3A_310] : memref<10000x64xf32, #tpu.memory_space<hbm>> -> memref<10000x64xf32, #tpu.memory_space<hbm>>
          tpu.wait_indirect_dma semaphore(%arg14 : memref<!tpu.dma_semaphore, #tpu.memory_space<semaphore_mem>>) src(%dma_wait3A_311 : memref<10000x64xf32, #tpu.memory_space<hbm>>) dst(%dma_wait3A_305 : memref<80x64xf32, #tpu.memory_space<vmem>>)
          %dma_start3A_312 = arith.constant 1 : i32
          %dma_start3A_313 = arith.constant 0 : i32
          %dma_start3A_314 = arith.constant 0 : i32
          %dma_start3A_315 = tpu.memref_slice %arg10[%dma_start3A_312, %dma_start3A_313, %dma_start3A_314] : memref<2x80x64xf32, #tpu.memory_space<vmem>> -> memref<1x80x64xf32, #tpu.memory_space<vmem>>
          %dma_start3A_316 = tpu.memref_squeeze %dma_start3A_315 : memref<1x80x64xf32, #tpu.memory_space<vmem>> -> memref<80x64xf32, #tpu.memory_space<vmem>>
          %dma_start3A_317 = arith.constant 0 : i32
          %dma_start3A_318 = tpu.memref_slice %arg9[%add3A_292, %dma_start3A_317] : memref<50x80xi32, #tpu.memory_space<vmem>> -> memref<1x80xi32, #tpu.memory_space<vmem>>
          %dma_start3A_319 = tpu.memref_squeeze %dma_start3A_318 : memref<1x80xi32, #tpu.memory_space<vmem>> -> memref<80xi32, #tpu.memory_space<vmem>>
          %dma_start3A_320 = arith.constant 0 : i32
          %dma_start3A_321 = arith.constant 0 : i32
          %dma_start3A_322 = tpu.memref_slice %arg12[%dma_start3A_320, %dma_start3A_321] : memref<10240x64xf32, #tpu.memory_space<vmem_shared>> -> memref<10240x64xf32, #tpu.memory_space<vmem_shared>>
          tpu.enqueue_indirect_dma source(%dma_start3A_316 : memref<80x64xf32, #tpu.memory_space<vmem>>) target(%dma_start3A_322 : memref<10240x64xf32, #tpu.memory_space<vmem_shared>>) offsets(%dma_start3A_319 : memref<80xi32, #tpu.memory_space<vmem>>) semaphore(%arg16 : memref<!tpu.dma_semaphore, #tpu.memory_space<semaphore_mem>>) {add = true}
        }
        %scan3A_232 = arith.constant 25 : i32
        %dma_wait3A = arith.constant 0 : i32
        %dma_wait3A_233 = arith.constant 0 : i32
        %dma_wait3A_234 = arith.constant 0 : i32
        %dma_wait3A_235 = arith.constant 0 : i32
        %dma_wait3A_236 = tpu.memref_slice %arg10[%dma_wait3A, %dma_wait3A_234, %dma_wait3A_235] : memref<2x80x64xf32, #tpu.memory_space<vmem>> -> memref<1x80x64xf32, #tpu.memory_space<vmem>>
        %dma_wait3A_237 = tpu.memref_squeeze %dma_wait3A_236 : memref<1x80x64xf32, #tpu.memory_space<vmem>> -> memref<80x64xf32, #tpu.memory_space<vmem>>
        %dma_wait3A_238 = arith.constant 0 : i32
        %dma_wait3A_239 = tpu.memref_slice %arg9[%dma_wait3A_233, %dma_wait3A_238] : memref<50x80xi32, #tpu.memory_space<vmem>> -> memref<1x80xi32, #tpu.memory_space<vmem>>
        %dma_wait3A_240 = tpu.memref_squeeze %dma_wait3A_239 : memref<1x80xi32, #tpu.memory_space<vmem>> -> memref<80xi32, #tpu.memory_space<vmem>>
        %dma_wait3A_241 = arith.constant 0 : i32
        %dma_wait3A_242 = arith.constant 0 : i32
        %dma_wait3A_243 = tpu.memref_slice %arg12[%dma_wait3A_241, %dma_wait3A_242] : memref<10240x64xf32, #tpu.memory_space<vmem_shared>> -> memref<10240x64xf32, #tpu.memory_space<vmem_shared>>
        tpu.wait_indirect_dma semaphore(%arg15 : memref<!tpu.dma_semaphore, #tpu.memory_space<semaphore_mem>>) src(%dma_wait3A_237 : memref<80x64xf32, #tpu.memory_space<vmem>>) dst(%dma_wait3A_243 : memref<10240x64xf32, #tpu.memory_space<vmem_shared>>)
        %dma_wait3A_244 = arith.constant 1 : i32
        %dma_wait3A_245 = arith.constant 0 : i32
        %dma_wait3A_246 = arith.constant 0 : i32
        %dma_wait3A_247 = arith.constant 0 : i32
        %dma_wait3A_248 = tpu.memref_slice %arg10[%dma_wait3A_244, %dma_wait3A_246, %dma_wait3A_247] : memref<2x80x64xf32, #tpu.memory_space<vmem>> -> memref<1x80x64xf32, #tpu.memory_space<vmem>>
        %dma_wait3A_249 = tpu.memref_squeeze %dma_wait3A_248 : memref<1x80x64xf32, #tpu.memory_space<vmem>> -> memref<80x64xf32, #tpu.memory_space<vmem>>
        %dma_wait3A_250 = arith.constant 0 : i32
        %dma_wait3A_251 = tpu.memref_slice %arg9[%dma_wait3A_245, %dma_wait3A_250] : memref<50x80xi32, #tpu.memory_space<vmem>> -> memref<1x80xi32, #tpu.memory_space<vmem>>
        %dma_wait3A_252 = tpu.memref_squeeze %dma_wait3A_251 : memref<1x80xi32, #tpu.memory_space<vmem>> -> memref<80xi32, #tpu.memory_space<vmem>>
        %dma_wait3A_253 = arith.constant 0 : i32
        %dma_wait3A_254 = arith.constant 0 : i32
        %dma_wait3A_255 = tpu.memref_slice %arg12[%dma_wait3A_253, %dma_wait3A_254] : memref<10240x64xf32, #tpu.memory_space<vmem_shared>> -> memref<10240x64xf32, #tpu.memory_space<vmem_shared>>
        tpu.wait_indirect_dma semaphore(%arg16 : memref<!tpu.dma_semaphore, #tpu.memory_space<semaphore_mem>>) src(%dma_wait3A_249 : memref<80x64xf32, #tpu.memory_space<vmem>>) dst(%dma_wait3A_255 : memref<10240x64xf32, #tpu.memory_space<vmem_shared>>)
      }
      %scan3A_209 = arith.constant 5 : i32
      %barrier3A_210 = arith.constant 0 : index
      tpu.barrier barrier_id(%barrier3A_210)
      %mul3A = arith.constant 640 : i32
      %mul3A_211 = arith.muli %arg1, %mul3A : i32
      %multiple_of3A = tpu.assume_multiple %mul3A_211, 8 : i32
      "tpu.region"() ({
        %run_scoped3A = tpu.sem_alloc : memref<!tpu.dma_semaphore, #tpu.memory_space<semaphore_mem>>
        %dma_start3A = arith.constant 0 : i32
        %dma_start3A_212 = tpu.memref_slice %arg7[%multiple_of3A, %dma_start3A] : memref<10240x64xf32, #tpu.memory_space<hbm>> -> memref<640x64xf32, #tpu.memory_space<hbm>>
        %dma_start3A_213 = arith.constant 0 : i32
        %dma_start3A_214 = tpu.memref_slice %arg12[%multiple_of3A, %dma_start3A_213] : memref<10240x64xf32, #tpu.memory_space<vmem_shared>> -> memref<640x64xf32, #tpu.memory_space<vmem_shared>>
        tpu.enqueue_dma source(%dma_start3A_214 : memref<640x64xf32, #tpu.memory_space<vmem_shared>>) target(%dma_start3A_212 : memref<640x64xf32, #tpu.memory_space<hbm>>) target_semaphore(%run_scoped3A : memref<!tpu.dma_semaphore, #tpu.memory_space<semaphore_mem>>)
        %dma_wait3A = arith.constant 0 : i32
        %dma_wait3A_215 = tpu.memref_slice %arg7[%multiple_of3A, %dma_wait3A] : memref<10240x64xf32, #tpu.memory_space<hbm>> -> memref<640x64xf32, #tpu.memory_space<hbm>>
        %dma_wait3A_216 = arith.constant 0 : i32
        %dma_wait3A_217 = tpu.memref_slice %arg12[%multiple_of3A, %dma_wait3A_216] : memref<10240x64xf32, #tpu.memory_space<vmem_shared>> -> memref<640x64xf32, #tpu.memory_space<vmem_shared>>
        tpu.wait_dma2 semaphore(%run_scoped3A : memref<!tpu.dma_semaphore, #tpu.memory_space<semaphore_mem>>) src(%dma_wait3A_217 : memref<640x64xf32, #tpu.memory_space<vmem_shared>>) dst(%dma_wait3A_215 : memref<640x64xf32, #tpu.memory_space<hbm>>)
        tpu.yield
      }) : () -> ()
    } else {
    }
    return
  }
}

module attributes {stable_mosaic.version = 14 : i64} {
  func.func @_dinv_body(%arg0: memref<32x10000xf32, #tpu.memory_space<vmem>>, %arg1: memref<10000xf32, #tpu.memory_space<vmem>>, %arg2: memref<10000xf32, #tpu.memory_space<vmem>>) attributes {dimension_semantics = [], scalar_prefetch = 0 : i64, scratch_operands = 0 : i64, tpu.core_type = #tpu.core_type<tc>} {
    %get3A = arith.constant 0 : index
    %get3A_0 = arith.constant 0 : index
    %get3A_1 = vector.load %arg0[%get3A, %get3A_0] : memref<32x10000xf32, #tpu.memory_space<vmem>>, vector<32x10000xf32>
    %reduce_sum3A = arith.constant dense<0.000000e+00> : vector<10000xf32>
    %reduce_sum3A_2 = vector.multi_reduction <add>, %get3A_1, %reduce_sum3A [0] : vector<32x10000xf32> to vector<10000xf32>
    %jit3A = arith.constant 1.000000e+00 : f32
    %max3A = vector.broadcast %jit3A : f32 to vector<10000xf32>
    %max3A_3 = arith.maximumf %max3A, %reduce_sum3A_2 : vector<10000xf32>
    %rsqrt3A = math.rsqrt %max3A_3 : vector<10000xf32>
    %swap3A = arith.constant 0 : index
    %swap3A_4 = vector.load %arg1[%swap3A] : memref<10000xf32, #tpu.memory_space<vmem>>, vector<10000xf32>
    tpu.vector_store %arg1[%swap3A], %rsqrt3A {strides = array<i32>} : memref<10000xf32, #tpu.memory_space<vmem>>, vector<10000xf32>,
    %mul3A = arith.mulf %rsqrt3A, %rsqrt3A : vector<10000xf32>
    %swap3A_5 = arith.constant 0 : index
    %swap3A_6 = vector.load %arg2[%swap3A_5] : memref<10000xf32, #tpu.memory_space<vmem>>, vector<10000xf32>
    tpu.vector_store %arg2[%swap3A_5], %mul3A {strides = array<i32>} : memref<10000xf32, #tpu.memory_space<vmem>>, vector<10000xf32>,
    return
  }
}

module attributes {stable_mosaic.version = 14 : i64} {
  func.func @_scale_x_body(%arg0: i32, %arg1: memref<2000x128xf32, #tpu.memory_space<vmem>>, %arg2: memref<2000x1xf32, #tpu.memory_space<vmem>>, %arg3: memref<2000x64xf32, #tpu.memory_space<vmem>>, %arg4: memref<2000x64xf32, #tpu.memory_space<vmem>>) attributes {dimension_semantics = [#tpu.dimension_semantics<arbitrary>], iteration_bounds = array<i64: 5>, scalar_prefetch = 0 : i64, scratch_operands = 0 : i64, tpu.core_type = #tpu.core_type<tc>, window_params = [{transform_indices = @transform_0, window_bounds = array<i64: 2000, 128>}, {transform_indices = @transform_1, window_bounds = array<i64: 2000, 1>}, {transform_indices = @transform_2, window_bounds = array<i64: 2000, 64>}, {transform_indices = @transform_3, window_bounds = array<i64: 2000, 64>}]} {
    %get3A = arith.constant 0 : index
    %get3A_0 = arith.constant 0 : index
    %get3A_1 = vector.load %arg1[%get3A, %get3A_0] : memref<2000x128xf32, #tpu.memory_space<vmem>>, vector<2000x128xf32>
    %get3A_2 = arith.constant 0 : index
    %get3A_3 = arith.constant 0 : index
    %get3A_4 = vector.load %arg2[%get3A_2, %get3A_3] : memref<2000x1xf32, #tpu.memory_space<vmem>>, vector<2000x1xf32>
    %mul3A = vector.broadcast %get3A_4 : vector<2000x1xf32> to vector<2000x128xf32>
    %mul3A_5 = arith.mulf %get3A_1, %mul3A : vector<2000x128xf32>
    %slice3A = vector.extract_strided_slice %mul3A_5 {offsets = [0, 0], sizes = [2000, 64], strides = [1, 1]} : vector<2000x128xf32> to vector<2000x64xf32>
    %swap3A = arith.constant 0 : index
    %swap3A_6 = arith.constant 0 : index
    %swap3A_7 = vector.load %arg3[%swap3A, %swap3A_6] : memref<2000x64xf32, #tpu.memory_space<vmem>>, vector<2000x64xf32>
    tpu.vector_store %arg3[%swap3A, %swap3A_6], %slice3A {strides = array<i32>} : memref<2000x64xf32, #tpu.memory_space<vmem>>, vector<2000x64xf32>,
    %slice3A_8 = vector.extract_strided_slice %mul3A_5 {offsets = [0, 64], sizes = [2000, 64], strides = [1, 1]} : vector<2000x128xf32> to vector<2000x64xf32>
    %swap3A_9 = arith.constant 0 : index
    %swap3A_10 = arith.constant 0 : index
    %swap3A_11 = vector.load %arg4[%swap3A_9, %swap3A_10] : memref<2000x64xf32, #tpu.memory_space<vmem>>, vector<2000x64xf32>
    tpu.vector_store %arg4[%swap3A_9, %swap3A_10], %slice3A_8 {strides = array<i32>} : memref<2000x64xf32, #tpu.memory_space<vmem>>, vector<2000x64xf32>,
    return
  }
  func.func @transform_0(%arg0: i32) -> (i32, i32) {
    %c0_i32 = arith.constant 0 : i32
    %c0_i32_0 = arith.constant 0 : i32
    return %arg0, %c0_i32 : i32, i32
  }
  func.func @transform_1(%arg0: i32) -> (i32, i32) {
    %c0_i32 = arith.constant 0 : i32
    %c0_i32_0 = arith.constant 0 : i32
    return %arg0, %c0_i32 : i32, i32
  }
  func.func @transform_2(%arg0: i32) -> (i32, i32) {
    %c0_i32 = arith.constant 0 : i32
    %c0_i32_0 = arith.constant 0 : i32
    return %arg0, %c0_i32 : i32, i32
  }
  func.func @transform_3(%arg0: i32) -> (i32, i32) {
    %c0_i32 = arith.constant 0 : i32
    %c0_i32_0 = arith.constant 0 : i32
    return %arg0, %c0_i32 : i32, i32
  }
}

module attributes {stable_mosaic.version = 14 : i64} {
  func.func @_scale_s_body(%arg0: i32, %arg1: memref<2000x64xf32, #tpu.memory_space<vmem>>, %arg2: memref<2000x64xf32, #tpu.memory_space<vmem>>, %arg3: memref<2000x1xf32, #tpu.memory_space<vmem>>, %arg4: memref<2000x64xf32, #tpu.memory_space<vmem>>, %arg5: memref<2000x64xf32, #tpu.memory_space<vmem>>) attributes {dimension_semantics = [#tpu.dimension_semantics<arbitrary>], iteration_bounds = array<i64: 5>, scalar_prefetch = 0 : i64, scratch_operands = 0 : i64, tpu.core_type = #tpu.core_type<tc>, window_params = [{transform_indices = @transform_0, window_bounds = array<i64: 2000, 64>}, {transform_indices = @transform_1, window_bounds = array<i64: 2000, 64>}, {transform_indices = @transform_2, window_bounds = array<i64: 2000, 1>}, {transform_indices = @transform_3, window_bounds = array<i64: 2000, 64>}, {transform_indices = @transform_4, window_bounds = array<i64: 2000, 64>}]} {
    %get3A = arith.constant 0 : index
    %get3A_0 = arith.constant 0 : index
    %get3A_1 = vector.load %arg3[%get3A, %get3A_0] : memref<2000x1xf32, #tpu.memory_space<vmem>>, vector<2000x1xf32>
    %get3A_2 = arith.constant 0 : index
    %get3A_3 = arith.constant 0 : index
    %get3A_4 = vector.load %arg1[%get3A_2, %get3A_3] : memref<2000x64xf32, #tpu.memory_space<vmem>>, vector<2000x64xf32>
    %mul3A = vector.broadcast %get3A_1 : vector<2000x1xf32> to vector<2000x64xf32>
    %mul3A_5 = arith.mulf %get3A_4, %mul3A : vector<2000x64xf32>
    %swap3A = arith.constant 0 : index
    %swap3A_6 = arith.constant 0 : index
    %swap3A_7 = vector.load %arg4[%swap3A, %swap3A_6] : memref<2000x64xf32, #tpu.memory_space<vmem>>, vector<2000x64xf32>
    tpu.vector_store %arg4[%swap3A, %swap3A_6], %mul3A_5 {strides = array<i32>} : memref<2000x64xf32, #tpu.memory_space<vmem>>, vector<2000x64xf32>,
    %get3A_8 = arith.constant 0 : index
    %get3A_9 = arith.constant 0 : index
    %get3A_10 = vector.load %arg2[%get3A_8, %get3A_9] : memref<2000x64xf32, #tpu.memory_space<vmem>>, vector<2000x64xf32>
    %mul3A_11 = vector.broadcast %get3A_1 : vector<2000x1xf32> to vector<2000x64xf32>
    %mul3A_12 = arith.mulf %get3A_10, %mul3A_11 : vector<2000x64xf32>
    %swap3A_13 = arith.constant 0 : index
    %swap3A_14 = arith.constant 0 : index
    %swap3A_15 = vector.load %arg5[%swap3A_13, %swap3A_14] : memref<2000x64xf32, #tpu.memory_space<vmem>>, vector<2000x64xf32>
    tpu.vector_store %arg5[%swap3A_13, %swap3A_14], %mul3A_12 {strides = array<i32>} : memref<2000x64xf32, #tpu.memory_space<vmem>>, vector<2000x64xf32>,
    return
  }
  func.func @transform_0(%arg0: i32) -> (i32, i32) {
    %c0_i32 = arith.constant 0 : i32
    %c0_i32_0 = arith.constant 0 : i32
    return %arg0, %c0_i32 : i32, i32
  }
  func.func @transform_1(%arg0: i32) -> (i32, i32) {
    %c0_i32 = arith.constant 0 : i32
    %c0_i32_0 = arith.constant 0 : i32
    return %arg0, %c0_i32 : i32, i32
  }
  func.func @transform_2(%arg0: i32) -> (i32, i32) {
    %c0_i32 = arith.constant 0 : i32
    %c0_i32_0 = arith.constant 0 : i32
    return %arg0, %c0_i32 : i32, i32
  }
  func.func @transform_3(%arg0: i32) -> (i32, i32) {
    %c0_i32 = arith.constant 0 : i32
    %c0_i32_0 = arith.constant 0 : i32
    return %arg0, %c0_i32 : i32, i32
  }
  func.func @transform_4(%arg0: i32) -> (i32, i32) {
    %c0_i32 = arith.constant 0 : i32
    %c0_i32_0 = arith.constant 0 : i32
    return %arg0, %c0_i32 : i32, i32
  }
}

module attributes {stable_mosaic.version = 14 : i64} {
  func.func @_final_body(%arg0: i32, %arg1: memref<2000x64xf32, #tpu.memory_space<vmem>>, %arg2: memref<2000x64xf32, #tpu.memory_space<vmem>>, %arg3: memref<2000x64xf32, #tpu.memory_space<vmem>>, %arg4: memref<2000x64xf32, #tpu.memory_space<vmem>>, %arg5: memref<2000x64xf32, #tpu.memory_space<vmem>>, %arg6: memref<2000x64xf32, #tpu.memory_space<vmem>>, %arg7: memref<2000x1xf32, #tpu.memory_space<vmem>>, %arg8: memref<128x128xf32, #tpu.memory_space<vmem>>, %arg9: memref<128x128xf32, #tpu.memory_space<vmem>>, %arg10: memref<128x128xf32, #tpu.memory_space<vmem>>, %arg11: memref<384x64xf32, #tpu.memory_space<vmem>>, %arg12: memref<1x64xf32, #tpu.memory_space<vmem>>, %arg13: memref<2000x64xf32, #tpu.memory_space<vmem>>) attributes {dimension_semantics = [#tpu.dimension_semantics<arbitrary>], iteration_bounds = array<i64: 5>, scalar_prefetch = 0 : i64, scratch_operands = 0 : i64, tpu.core_type = #tpu.core_type<tc>, window_params = [{transform_indices = @transform_0, window_bounds = array<i64: 2000, 64>}, {transform_indices = @transform_1, window_bounds = array<i64: 2000, 64>}, {transform_indices = @transform_2, window_bounds = array<i64: 2000, 64>}, {transform_indices = @transform_3, window_bounds = array<i64: 2000, 64>}, {transform_indices = @transform_4, window_bounds = array<i64: 2000, 64>}, {transform_indices = @transform_5, window_bounds = array<i64: 2000, 64>}, {transform_indices = @transform_6, window_bounds = array<i64: 2000, 1>}, {pipeline_mode = #tpu.pipeline_mode<synchronous>, transform_indices = @transform_7, window_bounds = array<i64: 128, 128>}, {pipeline_mode = #tpu.pipeline_mode<synchronous>, transform_indices = @transform_8, window_bounds = array<i64: 128, 128>}, {pipeline_mode = #tpu.pipeline_mode<synchronous>, transform_indices = @transform_9, window_bounds = array<i64: 128, 128>}, {pipeline_mode = #tpu.pipeline_mode<synchronous>, transform_indices = @transform_10, window_bounds = array<i64: 384, 64>}, {pipeline_mode = #tpu.pipeline_mode<synchronous>, transform_indices = @transform_11, window_bounds = array<i64: 1, 64>}, {transform_indices = @transform_12, window_bounds = array<i64: 2000, 64>}]} {
    %get3A = arith.constant 0 : index
    %get3A_0 = arith.constant 0 : index
    %get3A_1 = vector.load %arg7[%get3A, %get3A_0] : memref<2000x1xf32, #tpu.memory_space<vmem>>, vector<2000x1xf32>
    %get3A_2 = arith.constant 0 : index
    %get3A_3 = arith.constant 0 : index
    %get3A_4 = vector.load %arg1[%get3A_2, %get3A_3] : memref<2000x64xf32, #tpu.memory_space<vmem>>, vector<2000x64xf32>
    %mul3A = vector.broadcast %get3A_1 : vector<2000x1xf32> to vector<2000x64xf32>
    %mul3A_5 = arith.mulf %get3A_4, %mul3A : vector<2000x64xf32>
    %get3A_6 = arith.constant 0 : index
    %get3A_7 = arith.constant 0 : index
    %get3A_8 = vector.load %arg8[%get3A_6, %get3A_7] : memref<128x128xf32, #tpu.memory_space<vmem>>, vector<64x128xf32>
    %dot_general3A = arith.constant dense<0.000000e+00> : vector<2000x128xf32>
    %dot_general3A_9 = tpu.matmul %mul3A_5, %get3A_8, %dot_general3A {dimension_numbers = #tpu.dot_dimension_numbers<[1], [0], [0], [1], [0, 0, 1, 1], [], []>, precision = #tpu.contract_precision<fp32>, transpose_lhs_hint = false} : vector<2000x64xf32>, vector<64x128xf32>, vector<2000x128xf32> -> vector<2000x128xf32>
    %get3A_10 = arith.constant 0 : index
    %get3A_11 = arith.constant 0 : index
    %get3A_12 = vector.load %arg2[%get3A_10, %get3A_11] : memref<2000x64xf32, #tpu.memory_space<vmem>>, vector<2000x64xf32>
    %mul3A_13 = vector.broadcast %get3A_1 : vector<2000x1xf32> to vector<2000x64xf32>
    %mul3A_14 = arith.mulf %get3A_12, %mul3A_13 : vector<2000x64xf32>
    %get3A_15 = arith.constant 64 : index
    %get3A_16 = arith.constant 0 : index
    %get3A_17 = vector.load %arg8[%get3A_15, %get3A_16] : memref<128x128xf32, #tpu.memory_space<vmem>>, vector<64x128xf32>
    %dot_general3A_18 = arith.constant dense<0.000000e+00> : vector<2000x128xf32>
    %dot_general3A_19 = tpu.matmul %mul3A_14, %get3A_17, %dot_general3A_18 {dimension_numbers = #tpu.dot_dimension_numbers<[1], [0], [0], [1], [0, 0, 1, 1], [], []>, precision = #tpu.contract_precision<fp32>, transpose_lhs_hint = false} : vector<2000x64xf32>, vector<64x128xf32>, vector<2000x128xf32> -> vector<2000x128xf32>
    %add3A = arith.addf %dot_general3A_9, %dot_general3A_19 : vector<2000x128xf32>
    %max3A = arith.constant 0.000000e+00 : f32
    %max3A_20 = vector.broadcast %max3A : f32 to vector<2000x128xf32>
    %max3A_21 = arith.maximumf %add3A, %max3A_20 : vector<2000x128xf32>
    %get3A_22 = arith.constant 0 : index
    %get3A_23 = arith.constant 0 : index
    %get3A_24 = vector.load %arg11[%get3A_22, %get3A_23] : memref<384x64xf32, #tpu.memory_space<vmem>>, vector<128x64xf32>
    %dot_general3A_25 = arith.constant dense<0.000000e+00> : vector<2000x64xf32>
    %dot_general3A_26 = tpu.matmul %max3A_21, %get3A_24, %dot_general3A_25 {dimension_numbers = #tpu.dot_dimension_numbers<[1], [0], [0], [1], [0, 0, 1, 1], [], []>, precision = #tpu.contract_precision<fp32>, transpose_lhs_hint = false} : vector<2000x128xf32>, vector<128x64xf32>, vector<2000x64xf32> -> vector<2000x64xf32>
    %get3A_27 = arith.constant 0 : index
    %get3A_28 = arith.constant 0 : index
    %get3A_29 = vector.load %arg3[%get3A_27, %get3A_28] : memref<2000x64xf32, #tpu.memory_space<vmem>>, vector<2000x64xf32>
    %mul3A_30 = vector.broadcast %get3A_1 : vector<2000x1xf32> to vector<2000x64xf32>
    %mul3A_31 = arith.mulf %get3A_29, %mul3A_30 : vector<2000x64xf32>
    %get3A_32 = arith.constant 0 : index
    %get3A_33 = arith.constant 0 : index
    %get3A_34 = vector.load %arg9[%get3A_32, %get3A_33] : memref<128x128xf32, #tpu.memory_space<vmem>>, vector<64x128xf32>
    %dot_general3A_35 = arith.constant dense<0.000000e+00> : vector<2000x128xf32>
    %dot_general3A_36 = tpu.matmul %mul3A_31, %get3A_34, %dot_general3A_35 {dimension_numbers = #tpu.dot_dimension_numbers<[1], [0], [0], [1], [0, 0, 1, 1], [], []>, precision = #tpu.contract_precision<fp32>, transpose_lhs_hint = false} : vector<2000x64xf32>, vector<64x128xf32>, vector<2000x128xf32> -> vector<2000x128xf32>
    %get3A_37 = arith.constant 0 : index
    %get3A_38 = arith.constant 0 : index
    %get3A_39 = vector.load %arg4[%get3A_37, %get3A_38] : memref<2000x64xf32, #tpu.memory_space<vmem>>, vector<2000x64xf32>
    %mul3A_40 = vector.broadcast %get3A_1 : vector<2000x1xf32> to vector<2000x64xf32>
    %mul3A_41 = arith.mulf %get3A_39, %mul3A_40 : vector<2000x64xf32>
    %get3A_42 = arith.constant 64 : index
    %get3A_43 = arith.constant 0 : index
    %get3A_44 = vector.load %arg9[%get3A_42, %get3A_43] : memref<128x128xf32, #tpu.memory_space<vmem>>, vector<64x128xf32>
    %dot_general3A_45 = arith.constant dense<0.000000e+00> : vector<2000x128xf32>
    %dot_general3A_46 = tpu.matmul %mul3A_41, %get3A_44, %dot_general3A_45 {dimension_numbers = #tpu.dot_dimension_numbers<[1], [0], [0], [1], [0, 0, 1, 1], [], []>, precision = #tpu.contract_precision<fp32>, transpose_lhs_hint = false} : vector<2000x64xf32>, vector<64x128xf32>, vector<2000x128xf32> -> vector<2000x128xf32>
    %add3A_47 = arith.addf %dot_general3A_36, %dot_general3A_46 : vector<2000x128xf32>
    %max3A_48 = arith.constant 0.000000e+00 : f32
    %max3A_49 = vector.broadcast %max3A_48 : f32 to vector<2000x128xf32>
    %max3A_50 = arith.maximumf %add3A_47, %max3A_49 : vector<2000x128xf32>
    %get3A_51 = arith.constant 128 : index
    %get3A_52 = arith.constant 0 : index
    %get3A_53 = vector.load %arg11[%get3A_51, %get3A_52] : memref<384x64xf32, #tpu.memory_space<vmem>>, vector<128x64xf32>
    %dot_general3A_54 = arith.constant dense<0.000000e+00> : vector<2000x64xf32>
    %dot_general3A_55 = tpu.matmul %max3A_50, %get3A_53, %dot_general3A_54 {dimension_numbers = #tpu.dot_dimension_numbers<[1], [0], [0], [1], [0, 0, 1, 1], [], []>, precision = #tpu.contract_precision<fp32>, transpose_lhs_hint = false} : vector<2000x128xf32>, vector<128x64xf32>, vector<2000x64xf32> -> vector<2000x64xf32>
    %add3A_56 = arith.addf %dot_general3A_26, %dot_general3A_55 : vector<2000x64xf32>
    %get3A_57 = arith.constant 0 : index
    %get3A_58 = arith.constant 0 : index
    %get3A_59 = vector.load %arg5[%get3A_57, %get3A_58] : memref<2000x64xf32, #tpu.memory_space<vmem>>, vector<2000x64xf32>
    %mul3A_60 = vector.broadcast %get3A_1 : vector<2000x1xf32> to vector<2000x64xf32>
    %mul3A_61 = arith.mulf %get3A_59, %mul3A_60 : vector<2000x64xf32>
    %get3A_62 = arith.constant 0 : index
    %get3A_63 = arith.constant 0 : index
    %get3A_64 = vector.load %arg10[%get3A_62, %get3A_63] : memref<128x128xf32, #tpu.memory_space<vmem>>, vector<64x128xf32>
    %dot_general3A_65 = arith.constant dense<0.000000e+00> : vector<2000x128xf32>
    %dot_general3A_66 = tpu.matmul %mul3A_61, %get3A_64, %dot_general3A_65 {dimension_numbers = #tpu.dot_dimension_numbers<[1], [0], [0], [1], [0, 0, 1, 1], [], []>, precision = #tpu.contract_precision<fp32>, transpose_lhs_hint = false} : vector<2000x64xf32>, vector<64x128xf32>, vector<2000x128xf32> -> vector<2000x128xf32>
    %get3A_67 = arith.constant 0 : index
    %get3A_68 = arith.constant 0 : index
    %get3A_69 = vector.load %arg6[%get3A_67, %get3A_68] : memref<2000x64xf32, #tpu.memory_space<vmem>>, vector<2000x64xf32>
    %mul3A_70 = vector.broadcast %get3A_1 : vector<2000x1xf32> to vector<2000x64xf32>
    %mul3A_71 = arith.mulf %get3A_69, %mul3A_70 : vector<2000x64xf32>
    %get3A_72 = arith.constant 64 : index
    %get3A_73 = arith.constant 0 : index
    %get3A_74 = vector.load %arg10[%get3A_72, %get3A_73] : memref<128x128xf32, #tpu.memory_space<vmem>>, vector<64x128xf32>
    %dot_general3A_75 = arith.constant dense<0.000000e+00> : vector<2000x128xf32>
    %dot_general3A_76 = tpu.matmul %mul3A_71, %get3A_74, %dot_general3A_75 {dimension_numbers = #tpu.dot_dimension_numbers<[1], [0], [0], [1], [0, 0, 1, 1], [], []>, precision = #tpu.contract_precision<fp32>, transpose_lhs_hint = false} : vector<2000x64xf32>, vector<64x128xf32>, vector<2000x128xf32> -> vector<2000x128xf32>
    %add3A_77 = arith.addf %dot_general3A_66, %dot_general3A_76 : vector<2000x128xf32>
    %max3A_78 = arith.constant 0.000000e+00 : f32
    %max3A_79 = vector.broadcast %max3A_78 : f32 to vector<2000x128xf32>
    %max3A_80 = arith.maximumf %add3A_77, %max3A_79 : vector<2000x128xf32>
    %get3A_81 = arith.constant 256 : index
    %get3A_82 = arith.constant 0 : index
    %get3A_83 = vector.load %arg11[%get3A_81, %get3A_82] : memref<384x64xf32, #tpu.memory_space<vmem>>, vector<128x64xf32>
    %dot_general3A_84 = arith.constant dense<0.000000e+00> : vector<2000x64xf32>
    %dot_general3A_85 = tpu.matmul %max3A_80, %get3A_83, %dot_general3A_84 {dimension_numbers = #tpu.dot_dimension_numbers<[1], [0], [0], [1], [0, 0, 1, 1], [], []>, precision = #tpu.contract_precision<fp32>, transpose_lhs_hint = false} : vector<2000x128xf32>, vector<128x64xf32>, vector<2000x64xf32> -> vector<2000x64xf32>
    %add3A_86 = arith.addf %add3A_56, %dot_general3A_85 : vector<2000x64xf32>
    %get3A_87 = arith.constant 0 : index
    %get3A_88 = arith.constant 0 : index
    %get3A_89 = vector.load %arg12[%get3A_87, %get3A_88] : memref<1x64xf32, #tpu.memory_space<vmem>>, vector<1x64xf32>
    %add3A_90 = vector.broadcast %get3A_89 : vector<1x64xf32> to vector<2000x64xf32>
    %add3A_91 = arith.addf %add3A_86, %add3A_90 : vector<2000x64xf32>
    %swap3A = arith.constant 0 : index
    %swap3A_92 = arith.constant 0 : index
    %swap3A_93 = vector.load %arg13[%swap3A, %swap3A_92] : memref<2000x64xf32, #tpu.memory_space<vmem>>, vector<2000x64xf32>
    tpu.vector_store %arg13[%swap3A, %swap3A_92], %add3A_91 {strides = array<i32>} : memref<2000x64xf32, #tpu.memory_space<vmem>>, vector<2000x64xf32>,
    return
  }
  func.func @transform_0(%arg0: i32) -> (i32, i32) {
    %c0_i32 = arith.constant 0 : i32
    %c0_i32_0 = arith.constant 0 : i32
    return %arg0, %c0_i32 : i32, i32
  }
  func.func @transform_1(%arg0: i32) -> (i32, i32) {
    %c0_i32 = arith.constant 0 : i32
    %c0_i32_0 = arith.constant 0 : i32
    return %arg0, %c0_i32 : i32, i32
  }
  func.func @transform_2(%arg0: i32) -> (i32, i32) {
    %c0_i32 = arith.constant 0 : i32
    %c0_i32_0 = arith.constant 0 : i32
    return %arg0, %c0_i32 : i32, i32
  }
  func.func @transform_3(%arg0: i32) -> (i32, i32) {
    %c0_i32 = arith.constant 0 : i32
    %c0_i32_0 = arith.constant 0 : i32
    return %arg0, %c0_i32 : i32, i32
  }
  func.func @transform_4(%arg0: i32) -> (i32, i32) {
    %c0_i32 = arith.constant 0 : i32
    %c0_i32_0 = arith.constant 0 : i32
    return %arg0, %c0_i32 : i32, i32
  }
  func.func @transform_5(%arg0: i32) -> (i32, i32) {
    %c0_i32 = arith.constant 0 : i32
    %c0_i32_0 = arith.constant 0 : i32
    return %arg0, %c0_i32 : i32, i32
  }
  func.func @transform_6(%arg0: i32) -> (i32, i32) {
    %c0_i32 = arith.constant 0 : i32
    %c0_i32_0 = arith.constant 0 : i32
    return %arg0, %c0_i32 : i32, i32
  }
  func.func @transform_7(%arg0: i32) -> (i32, i32) {
    %c0_i32 = arith.constant 0 : i32
    %c0_i32_0 = arith.constant 0 : i32
    %c0_i32_1 = arith.constant 0 : i32
    return %c0_i32, %c0_i32_0 : i32, i32
  }
  func.func @transform_8(%arg0: i32) -> (i32, i32) {
    %c0_i32 = arith.constant 0 : i32
    %c0_i32_0 = arith.constant 0 : i32
    %c0_i32_1 = arith.constant 0 : i32
    return %c0_i32, %c0_i32_0 : i32, i32
  }
  func.func @transform_9(%arg0: i32) -> (i32, i32) {
    %c0_i32 = arith.constant 0 : i32
    %c0_i32_0 = arith.constant 0 : i32
    %c0_i32_1 = arith.constant 0 : i32
    return %c0_i32, %c0_i32_0 : i32, i32
  }
  func.func @transform_10(%arg0: i32) -> (i32, i32) {
    %c0_i32 = arith.constant 0 : i32
    %c0_i32_0 = arith.constant 0 : i32
    %c0_i32_1 = arith.constant 0 : i32
    return %c0_i32, %c0_i32_0 : i32, i32
  }
  func.func @transform_11(%arg0: i32) -> (i32, i32) {
    %c0_i32 = arith.constant 0 : i32
    %c0_i32_0 = arith.constant 0 : i32
    %c0_i32_1 = arith.constant 0 : i32
    return %c0_i32, %c0_i32_0 : i32, i32
  }
  func.func @transform_12(%arg0: i32) -> (i32, i32) {
    %c0_i32 = arith.constant 0 : i32
    %c0_i32_0 = arith.constant 0 : i32
    return %arg0, %c0_i32 : i32, i32
  }
}

</mosaic_0001>

<sc_bundles>
// kernel: kernel.11.cloned.1.call-start
scs
__scs_entry_jumppad:
0x0: {  	(pc) =	sbr.rel $0x88, $3  }
0x1: {  	(tag) =	ssettag $0x0;
	lr =	simm.s32 $0x1  }
0x2: {  	[smem:$0x3F9A] =	sst lr;
	_ =	strace $0xD0000000  }
0x3: {  	_ = 	snop  }
0x4: {  	_ = 	snop  }
0x5: {  	_ = 	snop  }
0x6: {  	_ = 	snop  }
0x7: {  	_ = 	snop  }
__scs_overlays_trampoline_lowered:
0x8: {  	[smem:$0x3FA9] =	sst s0  }
0x9: {  	[smem:$0x3FAA] =	sst s1  }
0xa: {  	[smem:$0x3FAB] =	sst s2  }
0xb: {  	[smem:$0x3FAC] =	sst s3  }
0xc: {  	[smem:$0x3FAD] =	sst s4  }
0xd: {  	[smem:$0x3FAE] =	sst s5  }
0xe: {  	[smem:$0x3FAF] =	sst s6  }
0xf: {  	[smem:$0x3FB0] =	sst s7  }
0x10: {  	[smem:$0x3FB1] =	sst s8  }
0x11: {  	[smem:$0x3FB2] =	sst s9;
	s0 =	simm.s32 @!p0 $0x0  }
0x12: {  	s1 =	sld [smem:$0x3F98];
	s0 =	simm.s32 @p0 $0x1  }
0x13: {  	[smem:$0x3FB3] =	sst s0;
	s0 =	simm.s32 @!p1 $0x0  }
0x14: {  	s2 =	sld [smem:$0x3F97];
	s0 =	simm.s32 @p1 $0x1  }
0x15: {  	[smem:$0x3FB4] =	sst s0;
	s0 =	simm.s32 @!p2 $0x0  }
0x16: {  	s3 =	sld [smem:$0x3FDB];
	s0 =	simm.s32 @p2 $0x1  }
0x17: {  	s4 =	simm.s32 $0x1BF5;
	[smem:$0x3FB6] =	sst s0  }
0x18: {  	s0 =	sld [smem:$0x3F99];
	_ =	swait.ge [sflag:s4], $0x0  }
0x19: {  	s7 =	sld [smem:$0x3F9A]  }
0x1a: {  	s8 =	sadd.s32 $0xFFFFE003, lr  }
0x1b: {  	s9 =	sadd.s32 $0xFFFFFEF7, lr;
	s5 =	simm.s32 $0xFFFFFFFF;
	p2 =	slt.u32 s8, $0xFFFFF086  }
0x1c: {  	p1 =	slt.u32 s9, $0xF7A;
	s5 =	simm.s32 @!p2 $0x0  }
0x1d: {  	s5 =	simm.s32 @p1 $0x1;
	p0 =	seq.s32 s7, s2  }
0x1e: {  	s7 =	smul.u32 @!p0 $0xF7A, s2;
	p2 =	seq.s32 @!p0 s5, $0x0  }
0x1f: {  	s9 =	smul.u32 $0xF7A, s1;
	s8 =	simm.s32 @!p0 $0x1BF5;
	p2 =	por !p2, p0  }
0x20: {  	[sflag:s8] =	ssyncset.s32 @!p0 $0xFFFFF086;
	s6 =	sadd.s32 @!p0 s3, s7;
	s7 =	simm.s32 @!p0 $0x108  }
0x21: {  	s3 =	sadd.s32 s3, s9;
	s6 =	sadd.s32 @!p0 $0x88, s6;
	s7 =	simm.s32 @p2 $0x1082  }
0x22: {  	[simem:s7], [sflag:s8] =	dma.local @!p0 [hbm:s6], $0xF7A  }
0x23: {  	s9 =	sor.u32 $0xD0000000, s2;
	s6 =	simm.s32 $0x108;
	_ =	swait.ge @!p0 [sflag:s8], $0x0  }
0x24: {  	s3 =	sadd.s32 $0x88, s3;
	s6 =	simm.s32 @!p1 $0x1082;
	[sflag:s4] =	ssyncset.s32 $0xFFFFF086  }
0x25: {  	[simem:s6], [sflag:s4] =	dma.local [hbm:s3], $0xF7A  }
0x26: {  	[smem:$0x3F9A] =	sst s1;
	(tag) =	ssettag s2;
	_ =	strace s9  }
0x27: {  	s1 =	sld [smem:$0x3FAA]  }
0x28: {  	s2 =	sld [smem:$0x3FAB]  }
0x29: {  	s4 =	sld [smem:$0x3FAD]  }
0x2a: {  	p0 =	seq.s32 s5, $0x0;
	s5 =	sld [smem:$0x3FAE]  }
0x2b: {  	s6 =	sld [smem:$0x3FAF]  }
0x2c: {  	s7 =	sld [smem:$0x3FB0]  }
0x2d: {  	s3 =	simm.s32 $0x108;
	s8 =	sld [smem:$0x3FB1]  }
0x2e: {  	s3 =	simm.s32 @!p0 $0x1082;
	s9 =	sld [smem:$0x3FB2]  }
0x2f: {  	lr =	sadd.s32 s0, s3;
	s0 =	sld [smem:$0x3FA9]  }
0x30: {  	s3 =	sld [smem:$0x3FAC]  }
0x31: {  	[smem:$0x3FB5] =	sst s10  }
0x32: {  	s10 =	sld [smem:$0x3FB3];
	_ =	sdelay $0x3  }
0x33: {  	p0 =	seq.s32 s10, $0x1;
	s10 =	sld [smem:$0x3FB5];
	_ =	sdelay $0x3  }
0x34: {  	[smem:$0x3FB5] =	sst s10  }
0x35: {  	s10 =	sld [smem:$0x3FB4];
	_ =	sdelay $0x3  }
0x36: {  	p1 =	seq.s32 s10, $0x1;
	s10 =	sld [smem:$0x3FB5];
	_ =	sdelay $0x3  }
0x37: {  	[smem:$0x3FB5] =	sst s10  }
0x38: {  	s10 =	sld [smem:$0x3FB6]  }
0x39: {  	_ = 	snop;
	(pc) =	sbr.ind lr, $3  }
0x3a: {  	_ = 	snop  }
0x3b: {  	_ = 	snop  }
0x3c: {  	p2 =	seq.s32 s10, $0x1;
	s10 =	sld [smem:$0x3FB5]  }
0x3d: {  	_ =	shalt  }
0x3e: {  	_ =	shalt  }
0x3f: {  	_ =	shalt  }
0x40: {  	_ =	shalt  }
0x41: {  	_ =	shalt  }
0x42: {  	_ =	shalt  }
0x43: {  	_ =	shalt  }
0x44: {  	_ =	shalt  }
0x45: {  	_ =	shalt  }
0x46: {  	_ =	shalt  }
0x47: {  	_ =	shalt  }
0x48: {  	_ =	shalt  }
0x49: {  	_ =	shalt  }
0x4a: {  	_ =	shalt  }
0x4b: {  	_ =	shalt  }
0x4c: {  	_ =	shalt  }
0x4d: {  	_ =	shalt  }
0x4e: {  	_ =	shalt  }
0x4f: {  	_ =	shalt  }
0x50: {  	_ =	shalt  }
0x51: {  	_ =	shalt  }
0x52: {  	_ =	shalt  }
0x53: {  	_ =	shalt  }
0x54: {  	_ =	shalt  }
0x55: {  	_ =	shalt  }
0x56: {  	_ =	shalt  }
0x57: {  	_ =	shalt  }
0x58: {  	_ =	shalt  }
0x59: {  	_ =	shalt  }
0x5a: {  	_ =	shalt  }
0x5b: {  	_ =	shalt  }
0x5c: {  	_ =	shalt  }
0x5d: {  	_ =	shalt  }
0x5e: {  	_ =	shalt  }
0x5f: {  	_ =	shalt  }
0x60: {  	_ =	shalt  }
0x61: {  	_ =	shalt  }
0x62: {  	_ =	shalt  }
0x63: {  	_ =	shalt  }
0x64: {  	_ =	shalt  }
0x65: {  	_ =	shalt  }
0x66: {  	_ =	shalt  }
0x67: {  	_ =	shalt  }
0x68: {  	_ =	shalt  }
0x69: {  	_ =	shalt  }
0x6a: {  	_ =	shalt  }
0x6b: {  	_ =	shalt  }
0x6c: {  	_ =	shalt  }
0x6d: {  	_ =	shalt  }
0x6e: {  	_ =	shalt  }
0x6f: {  	_ =	shalt  }
0x70: {  	_ =	shalt  }
0x71: {  	_ =	shalt  }
0x72: {  	_ =	shalt  }
0x73: {  	_ =	shalt  }
0x74: {  	_ =	shalt  }
0x75: {  	_ =	shalt  }
0x76: {  	_ =	shalt  }
0x77: {  	_ =	shalt  }
0x78: {  	_ =	shalt  }
0x79: {  	_ =	shalt  }
0x7a: {  	_ =	shalt  }
0x7b: {  	_ =	shalt  }
0x7c: {  	_ =	shalt  }
0x7d: {  	_ =	shalt  }
0x7e: {  	_ =	shalt  }
0x7f: {  	_ =	shalt  }
0x80: {  	_ =	shalt  }
0x81: {  	_ =	shalt  }
0x82: {  	_ =	shalt  }
0x83: {  	_ =	shalt  }
0x84: {  	_ =	shalt  }
0x85: {  	_ =	shalt  }
0x86: {  	_ =	shalt  }
0x87: {  	_ =	shalt  }
.Lfunc_end0:
.L_simem_size_0:
called_computation_lowered:
.L_overlay_start_0:
0x88: {  	s2 =	sld [smem:$0x3FD9]  }
0x89: {  	s3 =	sld [smem:$0x3FFE];
	_ =	sdelay $0x1  }
0x8a: {  	s1 =	srdreg.scid  }
0x8b: {  	s0 =	sand.u32 $0x1, s1  }
0x8c: {  	s17 =	sshll.u32 s0, $0xA;
	s2 =	sadd.s32 s3, s2  }
0x8d: {  	s2 =	sadd.s32 s2, s17  }
0x8e: {  	[smem:$0x3FC1] =	sst s2  }
0x8f: {  	_ = 	snop  }
0x90: {  	s2 =	sld [smem:$0x3FD0];
	(tm) =	ssettm $0x1  }
0x91: {  	s18 =	sld [smem:$0x3FFB];
	_ =	sdelay $0x3  }
0x92: {  	_ =	strace s18  }
0x93: {  	s3 =	sld [smem:$0x3FFC];
	_ =	sdelay $0x3  }
0x94: {  	_ =	strace s3  }
0x95: {  	s3 =	sld [smem:$0x3FFD];
	_ =	sdelay $0x3  }
0x96: {  	_ =	strace s3  }
0x97: {  	_ =	strace $0x8FFFFFFF  }
0x98: {  	s19 =	sld [smem:$0x3FDB];
	_ =	sdelay $0x1  }
0x99: {  	s4 =	simm.s32 $_scs_section_size  }
0x9a: {  	s5 =	simm.s32 $_size__tile_overlayer_lowered;
	s6 =	simm.s32 $_tile_overlayer_lowered  }
0x9b: {  	s22 =	simm.s32 $0x1BFF;
	s21 =	sshll.u32 s6, $0x1;
	s3 =	sadd.s32 s4, s19  }
0x9c: {  	s7 =	simm.s32 $0x0;
	s20 =	sshll.u32 s5, $0x1;
	s5 =	sadd.s32 s21, s3  }
0x9d: {  	[timem:s7], [sflag:s22] =	dma.local [hbm:s5], s20  }
0x9e: {  	_ =	swait.ge [sflag:s22], s20  }
0x9f: {  	s4 =	ssub.s32 $0x0, s20;
	[sflag:s22] =	ssyncset.done $0x0  }
0xa0: {  	[sflag:s22] =	ssyncadd.s32 s4;
	_ =	sdelay $0x1  }
0xa1: {  	s23 =	simm.s32 $0x1B8B  }
0xa2: {  	_ =	swait.ge [sflag:s23], $0x1  }
0xa3: {  	[sflag:s23] =	ssyncset.done $0x0  }
0xa4: {  	s25 =	simm.s32 $0x1B8E;
	s24 =	sld [smem:$0x3FFE];
	[sflag:s23] =	ssyncadd.s32 $0xFFFFFFFF  }
0xa5: {  	s26 =	simm.s32 $execute0_lowered;
	[smem:$0x3FD2] =	sst s25  }
0xa6: {  	s5 =	sshll.u32 s26, $0x1;
	_ =	strace $0x80000046;
	[dreg:$0x1] =	wrdreg $0xFFFFFFFF  }
0xa7: {  	s28 =	simm.s32 $_size_execute0_lowered;
	s3 =	sadd.s32 s3, s5;
	[dreg:$0x0] =	wrdreg $0x0  }
0xa8: {  	s5 =	sshll.u32 s28, $0x1;
	[dreg:$0x2] =	wrdreg s3  }
0xa9: {  	[dreg:$0x3] =	wrdreg s5  }
0xaa: {  	[dreg:$0x4] =	wrdreg $0xC0  }
0xab: {  	_ =	task [dreg:s7], $0x5FFFF  }
0xac: {  	[dreg:$0x1] =	wrdreg $0xFFFFFFFF  }
0xad: {  	[dreg:$0x0] =	wrdreg $0x60  }
0xae: {  	[dreg:$0x2] =	wrdreg s2  }
0xaf: {  	[dreg:$0x3] =	wrdreg s24  }
0xb0: {  	[dreg:$0x4] =	wrdreg $0x9  }
0xb1: {  	_ =	task.clear_ibuf [dreg:s7], $0x5FFFF;
	_ =	strace $0x90000046  }
0xb2: {  	s29 =	simm.s32 $0x9;
	_ =	strace $0x80000048  }
0xb3: {  	_ =	swait.ge [sflag:s29], $0x1  }
0xb4: {  	[sflag:s29] =	ssyncadd.s32 $0xFFFFFFFF  }
0xb5: {  	_ =	strace $0x90000048  }
0xb6: {  	_ =	sfence  }
0xb7: {  	s30 =	sld [smem:$0x0];
	_ =	sdelay $0x2  }
0xb8: {  	s31 =	sshll.u32 s1, $0xD;
	s1 =	sshrl.u32 s1, $0x2  }
0xb9: {  	s3 =	sand.u32 $0x4000, s31;
	s1 =	sadd.s32 s1, s30  }
0xba: {  	s0 =	sor.u32 s3, s0;
	s1 =	sshll.u32 s1, $0x11  }
0xbb: {  	s0 =	sor.u32 s1, s0  }
0xbc: {  	s0 =	sadd.s32 $0x8F2B, s0  }
0xbd: {  	[sflag:s0] =	ssyncadd.remote.s32 $0x1  }
0xbe: {  	_ =	sfence.sel $0xFFFF  }
0xbf: {  	[dreg:$0x0] =	wrdreg $0xFFFFFFFF;
	(pc) =	sbr.abs _section_cstart, $3  }
0xc0: {  	[dreg:$0x1] =	wrdreg $0xFFFFFFFF  }
0xc1: {  	_ =	task.clear_ibuf [dreg:s7], $0x2FFFF;
	_ =	strace $0x9FFFFFFF  }
0xc2: {  	(tm) =	ssettm $0x7FFFFFFF  }
0xc3: {  	_ =	shalt  }
tec
execute0_lowered:
.L_overlay_start_1:
0x0: {  	(tag) =	ssettag $0x1  }
0x1: {  	s0 =	srdreg.scid  }
0x2: {  	s3 =	rddreg [dreg:$0x0];
	s4 =	sand.u32 $0x1, s0  }
0x3: {  	s5 =	rddreg [dreg:$0x1];
	s1 =	stileid.u32;
	s2 =	sshll.u32 s4, $0x4  }
0x4: {  	s0 =	rddreg [dreg:$0x2];
	s6 =	sor.u32 s1, s2  }
0x5: {  	s4 =	ssub.s32 $0x2, s4;
	s2 =	simm.s32 $0x0;
	s7 =	smul.u32 $0x4E2, s6  }
0x6: {  	s8 =	sshrl.u32 s4, $0x1;
	[smem:$0x7FF] =	sst s2;
	s6 =	smul.u32 $0x9C4, s6  }
0x7: {  	s31 =	ssub.s32 s4, s8;
	s8 =	simm.s32 $0x0;
	_ =	strace $0x80000047  }
0x8: {  	s5 =	sadd.s32 s7, s5;
	s3 =	sadd.s32 s3, s6;
	s6 =	simm.s32 $0x1  }
0x9: {  	v0 =	vimm.f32 $0.0e+00;
	v1 =	vimm.f32 $1.000000000e+00;
	s7 =	simm.s32 $0x4E80;
	s4 =	sadd.s32 $0x18800, s5;
	s5 =	smax.u32 s31, $0x1  }
.LBB2_1:
0xa: {  	[tilespmem:s2], [sflag:$0x1] =	stream.linear.gather [hbm4b:s3+s2], $0x4E20, $0x38;
	[tilespmem:$0x7600] =	vst v63  }
0xb: {  	_ =	swait.ge [sflag:s6], $0x4E20  }
0xc: {  	[sflag:s6] =	ssyncset.done $0x0  }
0xd: {  	s9 =	simm.s32 $0x0;
	[sflag:s6] =	ssyncadd.s32 $0xFFFFB1E0  }
.LBB2_2:
0xe: {  	p0 =	sne.s32 s9, $0x9C00  }
.Ltmp0:
0xf: {  	_ = 	snop;
	(pc) =	sbr.rel @p0 .LBB2_2-.Ltmp0, $3  }
0x10: {  	_ =	sdelay $0x1  }
0x11: {  	s10 =	sshra.s32 s9, $0x2  }
0x12: {  	s9 =	sadd.s32 $0x40, s9;
	[tilespmem:s10+$0x4E80] =	vst v0  }
0x13: {  	s10 =	simm.s32 $0x0;
	s9 =	simm.s32 $0x40  }
.LBB2_4:
0x14: {  	p0 =	sne.s32 s9, $0x13840;
	v2 =	vld [tilespmem:s10+$0x0];
	_ =	sdelay $0x3  }
.Ltmp1:
0x15: {  	(pc) =	sbr.rel @p0 .LBB2_4-.Ltmp1, $2  }
0x16: {  	_ =	sdelay $0x2  }
0x17: {  	s10 =	sshra.s32 s9, $0x2;
	s9 =	sadd.s32 $0x40, s9;
	[tilespmem:v2+s7+$0x0] =	vst.idx.add.f32.msk $0xffff, v1  }
0x18: {  	v2 =	vld [tilespmem:s10+$0x0];
	_ =	sdelay $0x5  }
0x19: {  	s8 =	sadd.s32 $0x1, s8  }
0x1a: {  	p0 =	sne.s32 s8, s5  }
.Ltmp2:
0x1b: {  	[tilespmem:v2+s7+$0x0] =	vst.idx.add.f32.msk $0xffff, v1;
	(pc) =	sbr.rel @p0 .LBB2_1-.Ltmp2, $4  }
0x1c: {  	[hbm4b:s4+s2] =	stream.linear.scatter [tilespmem:s7], [sflag:$0x1], $0x2710, $0x38;
	[tilespmem:$0x7600] =	vst v63  }
0x1d: {  	_ =	swait.ge [sflag:s6], $0x2710  }
0x1e: {  	[sflag:s6] =	ssyncset.done $0x0  }
0x1f: {  	[sflag:s6] =	ssyncadd.s32 $0xFFFFD8F0  }
0x20: {  	_ =	sfence.sel $0x180000  }
0x21: {  	[bflag:$0x0] =	sbarrier.arrive $0xFFFF  }
0x22: {  	p0 =	sne.s32 s1, $0x0;
	_ =	strace $0x90000047  }
0x23: {  	s0 =	sadd.s32 @!p0 $0x100000, s0;
	[bflag:$0x2] =	sbarrier.arrive $0xFFFF  }
0x24: {  	[sflag:s0] =	ssyncadd.tile.s32 @!p0 $0x1;
	_ =	shalt  }
.Lfunc_end2:
_tile_overlayer_lowered:
.L_overlay_start_2:
0x25: {  	(tag) =	ssettag $0x2  }
0x26: {  	s0 =	rddreg [dreg:$0x0];
	s2 =	stileid.u32  }
0x27: {  	s1 =	rddreg [dreg:$0x1];
	p0 =	sne.s32 s2, $0x0  }
0x28: {  	s3 =	rddreg [dreg:$0x2];
	[bflag:$0x3] =	sbarrier.arrive $0xFFFF;
	s2 =	simm.s32 @!p0 $0x1C01  }
0x29: {  	[timem:s3], [sflag:s2] =	dma.local @!p0 [hbm:s0], s1  }
0x2a: {  	s0 =	simm.s32 @!p0 $0x1  }
0x2b: {  	_ =	swait.ge @!p0 [sflag:s0], s1  }
0x2c: {  	s1 =	ssub.s32 @!p0 $0x0, s1;
	[sflag:s0] =	ssyncset.done @!p0 $0x0  }
0x2d: {  	[sflag:s0] =	ssyncadd.s32 @!p0 s1  }
0x2e: {  	[bflag:$0x3] =	sbarrier.arrive $0xFFFF  }
0x2f: {  	_ =	shalt  }

// kernel: kernel.14.cloned.1.call-start
scs
__scs_entry_jumppad:
0x0: {  	(pc) =	sbr.rel $0x88, $3  }
0x1: {  	(tag) =	ssettag $0x0;
	lr =	simm.s32 $0x1  }
0x2: {  	[smem:$0x3F9A] =	sst lr;
	_ =	strace $0xD0000000  }
0x3: {  	_ = 	snop  }
0x4: {  	_ = 	snop  }
0x5: {  	_ = 	snop  }
0x6: {  	_ = 	snop  }
0x7: {  	_ = 	snop  }
__scs_overlays_trampoline_lowered:
0x8: {  	[smem:$0x3FA9] =	sst s0  }
0x9: {  	[smem:$0x3FAA] =	sst s1  }
0xa: {  	[smem:$0x3FAB] =	sst s2  }
0xb: {  	[smem:$0x3FAC] =	sst s3  }
0xc: {  	[smem:$0x3FAD] =	sst s4  }
0xd: {  	[smem:$0x3FAE] =	sst s5  }
0xe: {  	[smem:$0x3FAF] =	sst s6  }
0xf: {  	[smem:$0x3FB0] =	sst s7  }
0x10: {  	[smem:$0x3FB1] =	sst s8  }
0x11: {  	[smem:$0x3FB2] =	sst s9;
	s0 =	simm.s32 @!p0 $0x0  }
0x12: {  	s1 =	sld [smem:$0x3F98];
	s0 =	simm.s32 @p0 $0x1  }
0x13: {  	[smem:$0x3FB3] =	sst s0;
	s0 =	simm.s32 @!p1 $0x0  }
0x14: {  	s2 =	sld [smem:$0x3F97];
	s0 =	simm.s32 @p1 $0x1  }
0x15: {  	[smem:$0x3FB4] =	sst s0;
	s0 =	simm.s32 @!p2 $0x0  }
0x16: {  	s3 =	sld [smem:$0x3FDB];
	s0 =	simm.s32 @p2 $0x1  }
0x17: {  	s4 =	simm.s32 $0x1BF5;
	[smem:$0x3FB6] =	sst s0  }
0x18: {  	s0 =	sld [smem:$0x3F99];
	_ =	swait.ge [sflag:s4], $0x0  }
0x19: {  	s7 =	sld [smem:$0x3F9A]  }
0x1a: {  	s8 =	sadd.s32 $0xFFFFE003, lr  }
0x1b: {  	s9 =	sadd.s32 $0xFFFFFEF7, lr;
	s5 =	simm.s32 $0xFFFFFFFF;
	p2 =	slt.u32 s8, $0xFFFFF086  }
0x1c: {  	p1 =	slt.u32 s9, $0xF7A;
	s5 =	simm.s32 @!p2 $0x0  }
0x1d: {  	s5 =	simm.s32 @p1 $0x1;
	p0 =	seq.s32 s7, s2  }
0x1e: {  	s7 =	smul.u32 @!p0 $0xF7A, s2;
	p2 =	seq.s32 @!p0 s5, $0x0  }
0x1f: {  	s9 =	smul.u32 $0xF7A, s1;
	s8 =	simm.s32 @!p0 $0x1BF5;
	p2 =	por !p2, p0  }
0x20: {  	[sflag:s8] =	ssyncset.s32 @!p0 $0xFFFFF086;
	s6 =	sadd.s32 @!p0 s3, s7;
	s7 =	simm.s32 @!p0 $0x108  }
0x21: {  	s3 =	sadd.s32 s3, s9;
	s6 =	sadd.s32 @!p0 $0x88, s6;
	s7 =	simm.s32 @p2 $0x1082  }
0x22: {  	[simem:s7], [sflag:s8] =	dma.local @!p0 [hbm:s6], $0xF7A  }
0x23: {  	s9 =	sor.u32 $0xD0000000, s2;
	s6 =	simm.s32 $0x108;
	_ =	swait.ge @!p0 [sflag:s8], $0x0  }
0x24: {  	s3 =	sadd.s32 $0x88, s3;
	s6 =	simm.s32 @!p1 $0x1082;
	[sflag:s4] =	ssyncset.s32 $0xFFFFF086  }
0x25: {  	[simem:s6], [sflag:s4] =	dma.local [hbm:s3], $0xF7A  }
0x26: {  	[smem:$0x3F9A] =	sst s1;
	(tag) =	ssettag s2;
	_ =	strace s9  }
0x27: {  	s1 =	sld [smem:$0x3FAA]  }
0x28: {  	s2 =	sld [smem:$0x3FAB]  }
0x29: {  	s4 =	sld [smem:$0x3FAD]  }
0x2a: {  	p0 =	seq.s32 s5, $0x0;
	s5 =	sld [smem:$0x3FAE]  }
0x2b: {  	s6 =	sld [smem:$0x3FAF]  }
0x2c: {  	s7 =	sld [smem:$0x3FB0]  }
0x2d: {  	s3 =	simm.s32 $0x108;
	s8 =	sld [smem:$0x3FB1]  }
0x2e: {  	s3 =	simm.s32 @!p0 $0x1082;
	s9 =	sld [smem:$0x3FB2]  }
0x2f: {  	lr =	sadd.s32 s0, s3;
	s0 =	sld [smem:$0x3FA9]  }
0x30: {  	s3 =	sld [smem:$0x3FAC]  }
0x31: {  	[smem:$0x3FB5] =	sst s10  }
0x32: {  	s10 =	sld [smem:$0x3FB3];
	_ =	sdelay $0x3  }
0x33: {  	p0 =	seq.s32 s10, $0x1;
	s10 =	sld [smem:$0x3FB5];
	_ =	sdelay $0x3  }
0x34: {  	[smem:$0x3FB5] =	sst s10  }
0x35: {  	s10 =	sld [smem:$0x3FB4];
	_ =	sdelay $0x3  }
0x36: {  	p1 =	seq.s32 s10, $0x1;
	s10 =	sld [smem:$0x3FB5];
	_ =	sdelay $0x3  }
0x37: {  	[smem:$0x3FB5] =	sst s10  }
0x38: {  	s10 =	sld [smem:$0x3FB6]  }
0x39: {  	_ = 	snop;
	(pc) =	sbr.ind lr, $3  }
0x3a: {  	_ = 	snop  }
0x3b: {  	_ = 	snop  }
0x3c: {  	p2 =	seq.s32 s10, $0x1;
	s10 =	sld [smem:$0x3FB5]  }
0x3d: {  	_ =	shalt  }
0x3e: {  	_ =	shalt  }
0x3f: {  	_ =	shalt  }
0x40: {  	_ =	shalt  }
0x41: {  	_ =	shalt  }
0x42: {  	_ =	shalt  }
0x43: {  	_ =	shalt  }
0x44: {  	_ =	shalt  }
0x45: {  	_ =	shalt  }
0x46: {  	_ =	shalt  }
0x47: {  	_ =	shalt  }
0x48: {  	_ =	shalt  }
0x49: {  	_ =	shalt  }
0x4a: {  	_ =	shalt  }
0x4b: {  	_ =	shalt  }
0x4c: {  	_ =	shalt  }
0x4d: {  	_ =	shalt  }
0x4e: {  	_ =	shalt  }
0x4f: {  	_ =	shalt  }
0x50: {  	_ =	shalt  }
0x51: {  	_ =	shalt  }
0x52: {  	_ =	shalt  }
0x53: {  	_ =	shalt  }
0x54: {  	_ =	shalt  }
0x55: {  	_ =	shalt  }
0x56: {  	_ =	shalt  }
0x57: {  	_ =	shalt  }
0x58: {  	_ =	shalt  }
0x59: {  	_ =	shalt  }
0x5a: {  	_ =	shalt  }
0x5b: {  	_ =	shalt  }
0x5c: {  	_ =	shalt  }
0x5d: {  	_ =	shalt  }
0x5e: {  	_ =	shalt  }
0x5f: {  	_ =	shalt  }
0x60: {  	_ =	shalt  }
0x61: {  	_ =	shalt  }
0x62: {  	_ =	shalt  }
0x63: {  	_ =	shalt  }
0x64: {  	_ =	shalt  }
0x65: {  	_ =	shalt  }
0x66: {  	_ =	shalt  }
0x67: {  	_ =	shalt  }
0x68: {  	_ =	shalt  }
0x69: {  	_ =	shalt  }
0x6a: {  	_ =	shalt  }
0x6b: {  	_ =	shalt  }
0x6c: {  	_ =	shalt  }
0x6d: {  	_ =	shalt  }
0x6e: {  	_ =	shalt  }
0x6f: {  	_ =	shalt  }
0x70: {  	_ =	shalt  }
0x71: {  	_ =	shalt  }
0x72: {  	_ =	shalt  }
0x73: {  	_ =	shalt  }
0x74: {  	_ =	shalt  }
0x75: {  	_ =	shalt  }
0x76: {  	_ =	shalt  }
0x77: {  	_ =	shalt  }
0x78: {  	_ =	shalt  }
0x79: {  	_ =	shalt  }
0x7a: {  	_ =	shalt  }
0x7b: {  	_ =	shalt  }
0x7c: {  	_ =	shalt  }
0x7d: {  	_ =	shalt  }
0x7e: {  	_ =	shalt  }
0x7f: {  	_ =	shalt  }
0x80: {  	_ =	shalt  }
0x81: {  	_ =	shalt  }
0x82: {  	_ =	shalt  }
0x83: {  	_ =	shalt  }
0x84: {  	_ =	shalt  }
0x85: {  	_ =	shalt  }
0x86: {  	_ =	shalt  }
0x87: {  	_ =	shalt  }
.Lfunc_end0:
.L_simem_size_0:
called_computation.1_lowered:
.L_overlay_start_0:
0x88: {  	s2 =	sld [smem:$0x3FD9]  }
0x89: {  	s3 =	sld [smem:$0x3FFE];
	_ =	sdelay $0x1  }
0x8a: {  	s1 =	srdreg.scid  }
0x8b: {  	s0 =	sand.u32 $0x1, s1  }
0x8c: {  	s17 =	sshll.u32 s0, $0xA;
	s2 =	sadd.s32 s3, s2  }
0x8d: {  	s2 =	sadd.s32 s2, s17  }
0x8e: {  	[smem:$0x3FC1] =	sst s2  }
0x8f: {  	_ = 	snop  }
0x90: {  	s2 =	sld [smem:$0x3FD0];
	(tm) =	ssettm $0x1  }
0x91: {  	s18 =	sld [smem:$0x3FFB];
	_ =	sdelay $0x3  }
0x92: {  	_ =	strace s18  }
0x93: {  	s3 =	sld [smem:$0x3FFC];
	_ =	sdelay $0x3  }
0x94: {  	_ =	strace s3  }
0x95: {  	s3 =	sld [smem:$0x3FFD];
	_ =	sdelay $0x3  }
0x96: {  	_ =	strace s3  }
0x97: {  	_ =	strace $0x8FFFFFFF  }
0x98: {  	s19 =	sld [smem:$0x3FDB];
	_ =	sdelay $0x1  }
0x99: {  	s4 =	simm.s32 $_scs_section_size  }
0x9a: {  	s5 =	simm.s32 $_size__tile_overlayer_lowered;
	s6 =	simm.s32 $_tile_overlayer_lowered  }
0x9b: {  	s22 =	simm.s32 $0x1BFF;
	s21 =	sshll.u32 s6, $0x1;
	s3 =	sadd.s32 s4, s19  }
0x9c: {  	s7 =	simm.s32 $0x0;
	s20 =	sshll.u32 s5, $0x1;
	s5 =	sadd.s32 s21, s3  }
0x9d: {  	[timem:s7], [sflag:s22] =	dma.local [hbm:s5], s20  }
0x9e: {  	_ =	swait.ge [sflag:s22], s20  }
0x9f: {  	s4 =	ssub.s32 $0x0, s20;
	[sflag:s22] =	ssyncset.done $0x0  }
0xa0: {  	[sflag:s22] =	ssyncadd.s32 s4;
	_ =	sdelay $0x1  }
0xa1: {  	s23 =	simm.s32 $0x1B8B  }
0xa2: {  	_ =	swait.ge [sflag:s23], $0x1  }
0xa3: {  	[sflag:s23] =	ssyncset.done $0x0  }
0xa4: {  	s25 =	simm.s32 $0x1B8E;
	s24 =	sld [smem:$0x3FFE];
	[sflag:s23] =	ssyncadd.s32 $0xFFFFFFFF  }
0xa5: {  	s26 =	simm.s32 $execute0_lowered;
	[smem:$0x3FD2] =	sst s25  }
0xa6: {  	s5 =	sshll.u32 s26, $0x1;
	_ =	strace $0x80000049;
	[dreg:$0x1] =	wrdreg $0xFFFFFFFF  }
0xa7: {  	s28 =	simm.s32 $_size_execute0_lowered;
	s3 =	sadd.s32 s3, s5;
	[dreg:$0x0] =	wrdreg $0x0  }
0xa8: {  	s5 =	sshll.u32 s28, $0x1;
	[dreg:$0x2] =	wrdreg s3  }
0xa9: {  	[dreg:$0x3] =	wrdreg s5  }
0xaa: {  	[dreg:$0x4] =	wrdreg $0xC0  }
0xab: {  	_ =	task [dreg:s7], $0x5FFFF  }
0xac: {  	[dreg:$0x1] =	wrdreg $0xFFFFFFFF  }
0xad: {  	[dreg:$0x0] =	wrdreg $0x60  }
0xae: {  	[dreg:$0x2] =	wrdreg s24  }
0xaf: {  	[dreg:$0x3] =	wrdreg s2  }
0xb0: {  	[dreg:$0x4] =	wrdreg $0x49400  }
0xb1: {  	[dreg:$0x5] =	wrdreg $0x9  }
0xb2: {  	_ =	task.clear_ibuf [dreg:s7], $0x6FFFF;
	_ =	strace $0x90000049  }
0xb3: {  	s29 =	simm.s32 $0x9;
	_ =	strace $0x8000004B  }
0xb4: {  	_ =	swait.ge [sflag:s29], $0x1  }
0xb5: {  	[sflag:s29] =	ssyncadd.s32 $0xFFFFFFFF  }
0xb6: {  	_ =	strace $0x9000004B  }
0xb7: {  	_ =	sfence  }
0xb8: {  	s30 =	sld [smem:$0x0];
	_ =	sdelay $0x2  }
0xb9: {  	s31 =	sshll.u32 s1, $0xD;
	s1 =	sshrl.u32 s1, $0x2  }
0xba: {  	s3 =	sand.u32 $0x4000, s31;
	s1 =	sadd.s32 s1, s30  }
0xbb: {  	s0 =	sor.u32 s3, s0;
	s1 =	sshll.u32 s1, $0x11  }
0xbc: {  	s0 =	sor.u32 s1, s0  }
0xbd: {  	s0 =	sadd.s32 $0x8F2B, s0  }
0xbe: {  	[sflag:s0] =	ssyncadd.remote.s32 $0x1  }
0xbf: {  	_ =	sfence.sel $0xFFFF  }
0xc0: {  	[dreg:$0x0] =	wrdreg $0xFFFFFFFF;
	(pc) =	sbr.abs _section_cstart, $3  }
0xc1: {  	[dreg:$0x1] =	wrdreg $0xFFFFFFFF  }
0xc2: {  	_ =	task.clear_ibuf [dreg:s7], $0x2FFFF;
	_ =	strace $0x9FFFFFFF  }
0xc3: {  	(tm) =	ssettm $0x7FFFFFFF  }
tec
execute0_lowered:
.L_overlay_start_1:
0x0: {  	(tag) =	ssettag $0x1  }
0x1: {  	s0 =	rddreg [dreg:$0x0]  }
0x2: {  	s1 =	rddreg [dreg:$0x1]  }
0x3: {  	s2 =	rddreg [dreg:$0x2]  }
0x4: {  	s3 =	simm.s32 $0x0;
	s7 =	srdreg.scid;
	s4 =	stileid.u32  }
0x5: {  	s14 =	simm.s32 $0x4740;
	s15 =	simm.s32 $0x5;
	s16 =	simm.s32 $0xFA0  }
0x6: {  	s17 =	simm.s32 $0x50;
	s18 =	simm.s32 $0x1F40;
	s19 =	simm.s32 $0x3340  }
0x7: {  	s20 =	simm.s32 $0x1;
	s21 =	simm.s32 $0x3;
	s22 =	simm.s32 $0xA0  }
0x8: {  	s23 =	simm.s32 $0x2;
	s24 =	simm.s32 $0xFF0;
	s28 =	simm.s32 $0xF50  }
0x9: {  	s29 =	simm.s32 $0x1EF0;
	s30 =	simm.s32 $0x0;
	[smem:$0x7FF] =	sst s3  }
0xa: {  	s5 =	sadd.s32 $0x4C00, s0;
	s6 =	sadd.s32 $0xEA00, s0;
	s8 =	sand.u32 $0x1, s7  }
0xb: {  	s9 =	smul.u32 $0x28000, s4;
	s7 =	sadd.s32 $0x3FA00, s0;
	s10 =	sadd.s32 $0x67400, s0  }
0xc: {  	s13 =	smul.u32 $0xA000, s4;
	s0 =	sadd.s32 $0x53400, s0;
	_ =	strace $0x8000004A  }
.Ltmp0:
0xd: {  	[dreg:$0x4] =	wrdreg s10;
	s25 =	ssub.s32 $0x2, s8;
	(pc) =	sbr.rel .LBB2_1-.Ltmp0, $4  }
0xe: {  	[dreg:$0x5] =	wrdreg s0;
	p0 =	seq.s32 s8, $0x1;
	s11 =	sshrl.u32 s25, $0x1  }
0xf: {  	s12 =	sshrl.u32 s9, $0x2;
	s31 =	sadd.s32 s13, s2;
	s26 =	ssub.s32 s25, s11  }
0x10: {  	s10 =	sadd.s32 s12, s2;
	s11 =	smul.u32 $0x4E20, s4;
	s12 =	sshrl.u32 s13, $0x3  }
0x11: {  	v0 =	vimm.f32 $0.0e+00;
	s25 =	sshrl.u32 s31, $0x3;
	s13 =	smax.u32 s26, $0x1;
	s26 =	simm.s32 $0x4  }
.LBB2_12:
0x12: {  	s30 =	sadd.s32 $0x1, s30  }
0x13: {  	s8 =	sshll.u32 s4, $0x6;
	s0 =	sadd.s32 s0, s12;
	p1 =	sne.s32 s30, s13  }
.Ltmp1:
0x14: {  	[bflag:$0x0] =	sbarrier.arrive $0xFFFF;
	s8 =	sor.u32 $0x1C05, s8;
	(pc) =	sbr.rel @!p1 .LBB2_13-.Ltmp1, $4  }
0x15: {  	[hbm:s0], [sflag:s8] =	dma.local [spmem:s25], $0x1400  }
0x16: {  	_ =	swait.ge [sflag:s15], $0x1400  }
0x17: {  	[sflag:s15] =	ssyncset.done $0x0  }
0x18: {  	[sflag:s15] =	ssyncadd.s32 $0xFFFFEC00  }
.LBB2_1:
0x19: {  	[tilespmem:$0x4740] =	vst v0  }
0x1a: {  	[tilespmem:$0x4750] =	vst v0  }
0x1b: {  	[tilespmem:$0x4760] =	vst v0  }
0x1c: {  	[tilespmem:$0x4770] =	vst v0  }
0x1d: {  	[tilespmem:$0x4780] =	vst v0  }
0x1e: {  	[tilespmem:$0x4790] =	vst v0  }
0x1f: {  	[tilespmem:$0x47A0] =	vst v0  }
0x20: {  	[tilespmem:$0x47B0] =	vst v0  }
0x21: {  	[tilespmem:$0x47C0] =	vst v0  }
0x22: {  	[tilespmem:$0x47D0] =	vst v0  }
0x23: {  	[tilespmem:$0x47E0] =	vst v0  }
0x24: {  	[tilespmem:$0x47F0] =	vst v0  }
0x25: {  	[tilespmem:$0x4800] =	vst v0  }
0x26: {  	[tilespmem:$0x4810] =	vst v0  }
0x27: {  	[tilespmem:$0x4820] =	vst v0  }
0x28: {  	[tilespmem:$0x4830] =	vst v0  }
0x29: {  	[tilespmem:$0x4840] =	vst v0  }
0x2a: {  	[tilespmem:$0x4850] =	vst v0  }
0x2b: {  	[tilespmem:$0x4860] =	vst v0  }
0x2c: {  	[tilespmem:$0x4870] =	vst v0  }
0x2d: {  	[tilespmem:$0x4880] =	vst v0  }
0x2e: {  	[tilespmem:$0x4890] =	vst v0  }
0x2f: {  	[tilespmem:$0x48A0] =	vst v0  }
0x30: {  	[tilespmem:$0x48B0] =	vst v0  }
0x31: {  	[tilespmem:$0x48C0] =	vst v0  }
0x32: {  	[tilespmem:$0x48D0] =	vst v0  }
0x33: {  	[tilespmem:$0x48E0] =	vst v0  }
0x34: {  	[tilespmem:$0x48F0] =	vst v0  }
0x35: {  	[tilespmem:$0x4900] =	vst v0  }
0x36: {  	[tilespmem:$0x4910] =	vst v0  }
0x37: {  	[tilespmem:$0x4920] =	vst v0  }
0x38: {  	[tilespmem:$0x4930] =	vst v0;
	s0 =	sadd.s32 $0x0, s10  }
0x39: {  	[spmem:s0] =	stream.linear.scatter [tilespmem:s14], [sflag:$0x5], $0x200, $0x38;
	[tilespmem:$0xE940] =	vst v63  }
0x3a: {  	s0 =	simm.s32 $0x800;
	_ =	swait.ge [sflag:s15], $0x200  }
.LBB2_2:
0x3b: {  	s8 =	sshra.s32 s0, $0x2;
	[sflag:s15] =	ssyncset.done $0x0;
	p1 =	sne.s32 s0, $0x27800  }
.Ltmp2:
0x3c: {  	s8 =	sadd.s32 s8, s10;
	[sflag:s15] =	ssyncadd.s32 $0xFFFFFE00;
	(pc) =	sbr.rel @p1 .LBB2_2-.Ltmp2, $3  }
0x3d: {  	[spmem:s8] =	stream.linear.scatter [tilespmem:s14], [sflag:$0x5], $0x200, $0x38;
	[tilespmem:$0xE940] =	vst v63  }
0x3e: {  	s0 =	sadd.s32 $0x800, s0;
	_ =	sdelay $0x1  }
0x3f: {  	_ =	swait.ge [sflag:s15], $0x200  }
.Ltmp3:
0x40: {  	(pc) =	sbr.rel @!p0 .LBB2_4-.Ltmp3, $4  }
0x41: {  	[sflag:s15] =	ssyncset.done $0x0  }
0x42: {  	[sflag:s15] =	ssyncadd.s32 $0xFFFFFE00  }
0x43: {  	[bflag:$0x0] =	sbarrier.arrive $0xFFFF  }
0x44: {  	s31 =	simm.s32 $0x0  }
.LBB2_8:
0x45: {  	s0 =	smul.u32 $0xFA0, s31;
	_ =	sdelay $0x1  }
0x46: {  	s0 =	sadd.s32 s11, s0  }
0x47: {  	s0 =	sshrl.u32 s0, $0x3  }
0x48: {  	s8 =	sadd.s32 s5, s0  }
0x49: {  	[tilespmem:s3], [sflag:$0x5] =	stream.linear.gather [hbm4b:s8+s3], $0xFA0, $0x38;
	[tilespmem:$0xE940] =	vst v63  }
0x4a: {  	_ =	swait.ge [sflag:s15], $0xFA0  }
0x4b: {  	[sflag:s15] =	ssyncset.done $0x0  }
0x4c: {  	s0 =	sadd.s32 s6, s0;
	[sflag:s15] =	ssyncadd.s32 $0xFFFFF060  }
0x4d: {  	[tilespmem:s16], [sflag:$0x5] =	stream.linear.gather [hbm4b:s0+s3], $0xFA0, $0x38;
	[tilespmem:$0xE940] =	vst v63  }
0x4e: {  	_ =	swait.ge [sflag:s15], $0xFA0  }
0x4f: {  	[sflag:s15] =	ssyncset.done $0x0  }
0x50: {  	[sflag:s15] =	ssyncadd.s32 $0xFFFFF060  }
0x51: {  	[tilespmem:s18], [sflag:$0x1] =	stream.indirect.gather [hbm4b:s7+s17], $0x40, s3, s17, $0xb8;
	[tilespmem:$0xE940] =	vst v63  }
0x52: {  	_ = 	snop  }
0x53: {  	[tilespmem:s19], [sflag:$0x2] =	stream.indirect.gather [hbm4b:s7+s17], $0x40, s17, s17, $0xb8;
	[tilespmem:$0xE940] =	vst v63  }
0x54: {  	_ =	swait.ge [sflag:s20], $0x1400  }
0x55: {  	[sflag:s20] =	ssyncset.done $0x0  }
0x56: {  	[sflag:s20] =	ssyncadd.s32 $0xFFFFEC00  }
0x57: {  	[spmem:s2] =	stream.indirect.scatter.add.f32 [tilespmem:s18], [sflag:$0x3], $0x40, s16, s17, $0xb8;
	[tilespmem:$0xE940] =	vst v63  }
0x58: {  	_ =	swait.ge [sflag:s21], $0x1400  }
0x59: {  	[sflag:s21] =	ssyncset.done $0x0  }
0x5a: {  	[sflag:s21] =	ssyncadd.s32 $0xFFFFEC00  }
0x5b: {  	[tilespmem:s18], [sflag:$0x1] =	stream.indirect.gather [hbm4b:s7+s17], $0x40, s22, s17, $0xb8;
	[tilespmem:$0xE940] =	vst v63  }
0x5c: {  	_ =	swait.ge [sflag:s23], $0x1400  }
0x5d: {  	[sflag:s23] =	ssyncset.done $0x0  }
0x5e: {  	[sflag:s23] =	ssyncadd.s32 $0xFFFFEC00  }
0x5f: {  	[spmem:s2] =	stream.indirect.scatter.add.f32 [tilespmem:s19], [sflag:$0x4], $0x40, s24, s17, $0xb8;
	[tilespmem:$0xE940] =	vst v63  }
0x60: {  	_ =	swait.ge [sflag:s26], $0x1400  }
0x61: {  	[sflag:s26] =	ssyncset.done $0x0  }
0x62: {  	s9 =	simm.s32 $0xF0;
	[sflag:s26] =	ssyncadd.s32 $0xFFFFEC00  }
0x63: {  	[tilespmem:s19], [sflag:$0x2] =	stream.indirect.gather [hbm4b:s7+s17], $0x40, s9, s17, $0xb8;
	[tilespmem:$0xE940] =	vst v63  }
0x64: {  	_ =	swait.ge [sflag:s20], $0x1400  }
0x65: {  	[sflag:s20] =	ssyncset.done $0x0  }
0x66: {  	s8 =	simm.s32 $0x1040;
	[sflag:s20] =	ssyncadd.s32 $0xFFFFEC00  }
0x67: {  	[spmem:s2] =	stream.indirect.scatter.add.f32 [tilespmem:s18], [sflag:$0x3], $0x40, s8, s17, $0xb8;
	[tilespmem:$0xE940] =	vst v63  }
0x68: {  	_ =	swait.ge [sflag:s21], $0x1400  }
0x69: {  	[sflag:s21] =	ssyncset.done $0x0  }
0x6a: {  	s9 =	simm.s32 $0x140;
	[sflag:s21] =	ssyncadd.s32 $0xFFFFEC00  }
0x6b: {  	[tilespmem:s18], [sflag:$0x1] =	stream.indirect.gather [hbm4b:s7+s17], $0x40, s9, s17, $0xb8;
	[tilespmem:$0xE940] =	vst v63  }
0x6c: {  	_ =	swait.ge [sflag:s23], $0x1400  }
0x6d: {  	[sflag:s23] =	ssyncset.done $0x0  }
0x6e: {  	s0 =	simm.s32 $0xFFFFC900;
	s8 =	simm.s32 $0x1090;
	[sflag:s23] =	ssyncadd.s32 $0xFFFFEC00  }
.LBB2_9:
0x6f: {  	[spmem:s2] =	stream.indirect.scatter.add.f32 [tilespmem:s19], [sflag:$0x4], $0x40, s8, s17, $0xb8;
	[tilespmem:$0xE940] =	vst v63  }
0x70: {  	s8 =	smov.u32 s0;
	s0 =	sadd.s32 $0x280, s0;
	_ =	swait.ge [sflag:s26], $0x1400  }
0x71: {  	s8 =	sshra.s32 s8, $0x2;
	p1 =	sne.s32 s0, $0x0;
	[sflag:s26] =	ssyncset.done $0x0  }
0x72: {  	s9 =	sadd.s32 $0xF50, s8;
	[sflag:s26] =	ssyncadd.s32 $0xFFFFEC00  }
0x73: {  	[tilespmem:s19], [sflag:$0x2] =	stream.indirect.gather [hbm4b:s7+s17], $0x40, s9, s17, $0xb8;
	[tilespmem:$0xE940] =	vst v63  }
0x74: {  	_ =	swait.ge [sflag:s20], $0x1400  }
0x75: {  	[sflag:s20] =	ssyncset.done $0x0  }
0x76: {  	s9 =	sadd.s32 $0x1EA0, s8;
	[sflag:s20] =	ssyncadd.s32 $0xFFFFEC00  }
0x77: {  	[spmem:s2] =	stream.indirect.scatter.add.f32 [tilespmem:s18], [sflag:$0x3], $0x40, s9, s17, $0xb8;
	[tilespmem:$0xE940] =	vst v63  }
0x78: {  	_ =	swait.ge [sflag:s21], $0x1400  }
0x79: {  	[sflag:s21] =	ssyncset.done $0x0  }
.Ltmp4:
0x7a: {  	s9 =	sadd.s32 $0xFA0, s8;
	[sflag:s21] =	ssyncadd.s32 $0xFFFFEC00;
	(pc) =	sbr.rel @p1 .LBB2_9-.Ltmp4, $4  }
0x7b: {  	[tilespmem:s18], [sflag:$0x1] =	stream.indirect.gather [hbm4b:s7+s17], $0x40, s9, s17, $0xb8;
	[tilespmem:$0xE940] =	vst v63  }
0x7c: {  	_ =	swait.ge [sflag:s23], $0x1400  }
0x7d: {  	[sflag:s23] =	ssyncset.done $0x0  }
0x7e: {  	s8 =	sadd.s32 $0x1EF0, s8;
	[sflag:s23] =	ssyncadd.s32 $0xFFFFEC00  }
0x7f: {  	[spmem:s2] =	stream.indirect.scatter.add.f32 [tilespmem:s19], [sflag:$0x4], $0x40, s8, s17, $0xb8;
	[tilespmem:$0xE940] =	vst v63  }
0x80: {  	_ =	swait.ge [sflag:s26], $0x1400  }
0x81: {  	[sflag:s26] =	ssyncset.done $0x0  }
0x82: {  	[sflag:s26] =	ssyncadd.s32 $0xFFFFEC00  }
0x83: {  	[tilespmem:s19], [sflag:$0x2] =	stream.indirect.gather [hbm4b:s7+s17], $0x40, s28, s17, $0xb8;
	[tilespmem:$0xE940] =	vst v63  }
0x84: {  	_ =	swait.ge [sflag:s20], $0x1400  }
0x85: {  	s0 =	sshra.s32 s0, $0x2;
	[sflag:s20] =	ssyncset.done $0x0  }
0x86: {  	s0 =	sadd.s32 $0x1EA0, s0;
	[sflag:s20] =	ssyncadd.s32 $0xFFFFEC00  }
0x87: {  	[spmem:s2] =	stream.indirect.scatter.add.f32 [tilespmem:s18], [sflag:$0x3], $0x40, s0, s17, $0xb8;
	[tilespmem:$0xE940] =	vst v63  }
0x88: {  	_ =	swait.ge [sflag:s23], $0x1400  }
0x89: {  	[sflag:s23] =	ssyncset.done $0x0  }
0x8a: {  	s31 =	sadd.s32 $0x1, s31;
	[sflag:s23] =	ssyncadd.s32 $0xFFFFEC00  }
0x8b: {  	[spmem:s2] =	stream.indirect.scatter.add.f32 [tilespmem:s19], [sflag:$0x4], $0x40, s29, s17, $0xb8;
	[tilespmem:$0xE940] =	vst v63  }
0x8c: {  	p1 =	sne.s32 s31, $0x5;
	_ =	swait.ge [sflag:s21], $0x1400  }
.Ltmp5:
0x8d: {  	[sflag:s21] =	ssyncset.done $0x0;
	(pc) =	sbr.rel @p1 .LBB2_8-.Ltmp5, $4  }
0x8e: {  	[sflag:s21] =	ssyncadd.s32 $0xFFFFEC00  }
0x8f: {  	_ =	swait.ge [sflag:s26], $0x1400  }
0x90: {  	[sflag:s26] =	ssyncset.done $0x0  }
0x91: {  	[sflag:s26] =	ssyncadd.s32 $0xFFFFEC00  }
.Ltmp6:
0x92: {  	(pc) =	sbr.rel .LBB2_12-.Ltmp6, $2  }
0x93: {  	_ =	sdelay $0x2  }
0x94: {  	s0 =	rddreg [dreg:$0x5]  }
.LBB2_4:
0x95: {  	s0 =	smul.u32 $0xFA0, s31;
	_ =	sdelay $0x1  }
0x96: {  	s0 =	sadd.s32 s11, s0  }
0x97: {  	s0 =	sshrl.u32 s0, $0x3  }
0x98: {  	s8 =	sadd.s32 s5, s0  }
0x99: {  	[tilespmem:s3], [sflag:$0x5] =	stream.linear.gather [hbm4b:s8+s3], $0xFA0, $0x38;
	[tilespmem:$0xE940] =	vst v63  }
0x9a: {  	_ =	swait.ge [sflag:s15], $0xFA0  }
0x9b: {  	[sflag:s15] =	ssyncset.done $0x0  }
0x9c: {  	s0 =	sadd.s32 s6, s0;
	[sflag:s15] =	ssyncadd.s32 $0xFFFFF060  }
0x9d: {  	[tilespmem:s16], [sflag:$0x5] =	stream.linear.gather [hbm4b:s0+s3], $0xFA0, $0x38;
	[tilespmem:$0xE940] =	vst v63  }
0x9e: {  	_ =	swait.ge [sflag:s15], $0xFA0  }
0x9f: {  	[sflag:s15] =	ssyncset.done $0x0  }
0xa0: {  	[sflag:s15] =	ssyncadd.s32 $0xFFFFF060  }
0xa1: {  	[tilespmem:s18], [sflag:$0x1] =	stream.indirect.gather [hbm4b:s1+s17], $0x40, s3, s17, $0xb8;
	[tilespmem:$0xE940] =	vst v63  }
0xa2: {  	_ = 	snop  }
0xa3: {  	[tilespmem:s19], [sflag:$0x2] =	stream.indirect.gather [hbm4b:s1+s17], $0x40, s17, s17, $0xb8;
	[tilespmem:$0xE940] =	vst v63  }
0xa4: {  	_ =	swait.ge [sflag:s20], $0x1400  }
0xa5: {  	[sflag:s20] =	ssyncset.done $0x0  }
0xa6: {  	[sflag:s20] =	ssyncadd.s32 $0xFFFFEC00  }
0xa7: {  	[spmem:s2] =	stream.indirect.scatter.add.f32 [tilespmem:s18], [sflag:$0x3], $0x40, s16, s17, $0xb8;
	[tilespmem:$0xE940] =	vst v63  }
0xa8: {  	_ =	swait.ge [sflag:s21], $0x1400  }
0xa9: {  	[sflag:s21] =	ssyncset.done $0x0  }
0xaa: {  	[sflag:s21] =	ssyncadd.s32 $0xFFFFEC00  }
0xab: {  	[tilespmem:s18], [sflag:$0x1] =	stream.indirect.gather [hbm4b:s1+s17], $0x40, s22, s17, $0xb8;
	[tilespmem:$0xE940] =	vst v63  }
0xac: {  	_ =	swait.ge [sflag:s23], $0x1400  }
0xad: {  	[sflag:s23] =	ssyncset.done $0x0  }
0xae: {  	[sflag:s23] =	ssyncadd.s32 $0xFFFFEC00  }
0xaf: {  	[spmem:s2] =	stream.indirect.scatter.add.f32 [tilespmem:s19], [sflag:$0x4], $0x40, s24, s17, $0xb8;
	[tilespmem:$0xE940] =	vst v63  }
0xb0: {  	_ =	swait.ge [sflag:s26], $0x1400  }
0xb1: {  	[sflag:s26] =	ssyncset.done $0x0  }
0xb2: {  	s9 =	simm.s32 $0xF0;
	[sflag:s26] =	ssyncadd.s32 $0xFFFFEC00  }
0xb3: {  	[tilespmem:s19], [sflag:$0x2] =	stream.indirect.gather [hbm4b:s1+s17], $0x40, s9, s17, $0xb8;
	[tilespmem:$0xE940] =	vst v63  }
0xb4: {  	_ =	swait.ge [sflag:s20], $0x1400  }
0xb5: {  	[sflag:s20] =	ssyncset.done $0x0  }
0xb6: {  	s8 =	simm.s32 $0x1040;
	[sflag:s20] =	ssyncadd.s32 $0xFFFFEC00  }
0xb7: {  	[spmem:s2] =	stream.indirect.scatter.add.f32 [tilespmem:s18], [sflag:$0x3], $0x40, s8, s17, $0xb8;
	[tilespmem:$0xE940] =	vst v63  }
0xb8: {  	_ =	swait.ge [sflag:s21], $0x1400  }
0xb9: {  	[sflag:s21] =	ssyncset.done $0x0  }
0xba: {  	s9 =	simm.s32 $0x140;
	[sflag:s21] =	ssyncadd.s32 $0xFFFFEC00  }
0xbb: {  	[tilespmem:s18], [sflag:$0x1] =	stream.indirect.gather [hbm4b:s1+s17], $0x40, s9, s17, $0xb8;
	[tilespmem:$0xE940] =	vst v63  }
0xbc: {  	_ =	swait.ge [sflag:s23], $0x1400  }
0xbd: {  	[sflag:s23] =	ssyncset.done $0x0  }
0xbe: {  	s0 =	simm.s32 $0xFFFFC900;
	s8 =	simm.s32 $0x1090;
	[sflag:s23] =	ssyncadd.s32 $0xFFFFEC00  }
.LBB2_5:
0xbf: {  	[spmem:s2] =	stream.indirect.scatter.add.f32 [tilespmem:s19], [sflag:$0x4], $0x40, s8, s17, $0xb8;
	[tilespmem:$0xE940] =	vst v63  }
0xc0: {  	s8 =	smov.u32 s0;
	s0 =	sadd.s32 $0x280, s0;
	_ =	swait.ge [sflag:s26], $0x1400  }
0xc1: {  	s8 =	sshra.s32 s8, $0x2;
	p1 =	sne.s32 s0, $0x0;
	[sflag:s26] =	ssyncset.done $0x0  }
0xc2: {  	s9 =	sadd.s32 $0xF50, s8;
	[sflag:s26] =	ssyncadd.s32 $0xFFFFEC00  }
0xc3: {  	[tilespmem:s19], [sflag:$0x2] =	stream.indirect.gather [hbm4b:s1+s17], $0x40, s9, s17, $0xb8;
	[tilespmem:$0xE940] =	vst v63  }
0xc4: {  	_ =	swait.ge [sflag:s20], $0x1400  }
0xc5: {  	[sflag:s20] =	ssyncset.done $0x0  }
0xc6: {  	s9 =	sadd.s32 $0x1EA0, s8;
	[sflag:s20] =	ssyncadd.s32 $0xFFFFEC00  }
0xc7: {  	[spmem:s2] =	stream.indirect.scatter.add.f32 [tilespmem:s18], [sflag:$0x3], $0x40, s9, s17, $0xb8;
	[tilespmem:$0xE940] =	vst v63  }
0xc8: {  	_ =	swait.ge [sflag:s21], $0x1400  }
0xc9: {  	[sflag:s21] =	ssyncset.done $0x0  }
.Ltmp7:
0xca: {  	s9 =	sadd.s32 $0xFA0, s8;
	[sflag:s21] =	ssyncadd.s32 $0xFFFFEC00;
	(pc) =	sbr.rel @p1 .LBB2_5-.Ltmp7, $4  }
0xcb: {  	[tilespmem:s18], [sflag:$0x1] =	stream.indirect.gather [hbm4b:s1+s17], $0x40, s9, s17, $0xb8;
	[tilespmem:$0xE940] =	vst v63  }
0xcc: {  	_ =	swait.ge [sflag:s23], $0x1400  }
0xcd: {  	[sflag:s23] =	ssyncset.done $0x0  }
0xce: {  	s8 =	sadd.s32 $0x1EF0, s8;
	[sflag:s23] =	ssyncadd.s32 $0xFFFFEC00  }
0xcf: {  	[spmem:s2] =	stream.indirect.scatter.add.f32 [tilespmem:s19], [sflag:$0x4], $0x40, s8, s17, $0xb8;
	[tilespmem:$0xE940] =	vst v63  }
0xd0: {  	_ =	swait.ge [sflag:s26], $0x1400  }
0xd1: {  	[sflag:s26] =	ssyncset.done $0x0  }
0xd2: {  	[sflag:s26] =	ssyncadd.s32 $0xFFFFEC00  }
0xd3: {  	[tilespmem:s19], [sflag:$0x2] =	stream.indirect.gather [hbm4b:s1+s17], $0x40, s28, s17, $0xb8;
	[tilespmem:$0xE940] =	vst v63  }
0xd4: {  	_ =	swait.ge [sflag:s20], $0x1400  }
0xd5: {  	s0 =	sshra.s32 s0, $0x2;
	[sflag:s20] =	ssyncset.done $0x0  }
0xd6: {  	s0 =	sadd.s32 $0x1EA0, s0;
	[sflag:s20] =	ssyncadd.s32 $0xFFFFEC00  }
0xd7: {  	[spmem:s2] =	stream.indirect.scatter.add.f32 [tilespmem:s18], [sflag:$0x3], $0x40, s0, s17, $0xb8;
	[tilespmem:$0xE940] =	vst v63  }
0xd8: {  	_ =	swait.ge [sflag:s23], $0x1400  }
0xd9: {  	[sflag:s23] =	ssyncset.done $0x0  }
0xda: {  	s31 =	sadd.s32 $0x1, s31;
	[sflag:s23] =	ssyncadd.s32 $0xFFFFEC00  }
0xdb: {  	[spmem:s2] =	stream.indirect.scatter.add.f32 [tilespmem:s19], [sflag:$0x4], $0x40, s29, s17, $0xb8;
	[tilespmem:$0xE940] =	vst v63  }
0xdc: {  	p1 =	seq.s32 s31, $0x5;
	_ =	swait.ge [sflag:s21], $0x1400  }
.Ltmp8:
0xdd: {  	[sflag:s21] =	ssyncset.done $0x0;
	(pc) =	sbr.rel @!p1 .LBB2_4-.Ltmp8, $4  }
0xde: {  	[sflag:s21] =	ssyncadd.s32 $0xFFFFEC00  }
0xdf: {  	_ =	swait.ge [sflag:s26], $0x1400  }
0xe0: {  	[sflag:s26] =	ssyncset.done $0x0  }
0xe1: {  	[sflag:s26] =	ssyncadd.s32 $0xFFFFEC00  }
.Ltmp9:
0xe2: {  	(pc) =	sbr.rel .LBB2_12-.Ltmp9, $2  }
0xe3: {  	_ =	sdelay $0x2  }
0xe4: {  	s0 =	rddreg [dreg:$0x4]  }
.LBB2_13:
0xe5: {  	_ =	sfence.sel $0x180000  }
0xe6: {  	[bflag:$0x0] =	sbarrier.arrive $0xFFFF  }
0xe7: {  	_ =	strace $0x9000004A  }
0xe8: {  	[bflag:$0x2] =	sbarrier.arrive $0xFFFF  }
0xe9: {  	p0 =	sne.s32 s4, $0x0;
	s0 =	rddreg [dreg:$0x3]  }
0xea: {  	s0 =	sadd.s32 @!p0 $0x100000, s0  }
0xeb: {  	[sflag:s0] =	ssyncadd.tile.s32 @!p0 $0x1;
	_ =	shalt  }
.Lfunc_end2:
_tile_overlayer_lowered:
.L_overlay_start_2:
0xec: {  	(tag) =	ssettag $0x2  }
0xed: {  	s0 =	rddreg [dreg:$0x0];
	s2 =	stileid.u32  }
0xee: {  	s1 =	rddreg [dreg:$0x1];
	p0 =	sne.s32 s2, $0x0  }
0xef: {  	s3 =	rddreg [dreg:$0x2];
	[bflag:$0x3] =	sbarrier.arrive $0xFFFF;
	s2 =	simm.s32 @!p0 $0x1C05  }
0xf0: {  	[timem:s3], [sflag:s2] =	dma.local @!p0 [hbm:s0], s1  }
0xf1: {  	s0 =	simm.s32 @!p0 $0x5  }
0xf2: {  	_ =	swait.ge @!p0 [sflag:s0], s1  }
0xf3: {  	s1 =	ssub.s32 @!p0 $0x0, s1;
	[sflag:s0] =	ssyncset.done @!p0 $0x0  }
0xf4: {  	[sflag:s0] =	ssyncadd.s32 @!p0 s1  }
0xf5: {  	[bflag:$0x3] =	sbarrier.arrive $0xFFFF  }
0xf6: {  	_ =	shalt  }

// kernel: kernel.17.cloned.1.call-start
scs
__scs_entry_jumppad:
0x0: {  	(pc) =	sbr.rel $0x88, $3  }
0x1: {  	(tag) =	ssettag $0x0;
	lr =	simm.s32 $0x1  }
0x2: {  	[smem:$0x3F9A] =	sst lr;
	_ =	strace $0xD0000000  }
0x3: {  	_ = 	snop  }
0x4: {  	_ = 	snop  }
0x5: {  	_ = 	snop  }
0x6: {  	_ = 	snop  }
0x7: {  	_ = 	snop  }
__scs_overlays_trampoline_lowered:
0x8: {  	[smem:$0x3FA9] =	sst s0  }
0x9: {  	[smem:$0x3FAA] =	sst s1  }
0xa: {  	[smem:$0x3FAB] =	sst s2  }
0xb: {  	[smem:$0x3FAC] =	sst s3  }
0xc: {  	[smem:$0x3FAD] =	sst s4  }
0xd: {  	[smem:$0x3FAE] =	sst s5  }
0xe: {  	[smem:$0x3FAF] =	sst s6  }
0xf: {  	[smem:$0x3FB0] =	sst s7  }
0x10: {  	[smem:$0x3FB1] =	sst s8  }
0x11: {  	[smem:$0x3FB2] =	sst s9;
	s0 =	simm.s32 @!p0 $0x0  }
0x12: {  	s1 =	sld [smem:$0x3F98];
	s0 =	simm.s32 @p0 $0x1  }
0x13: {  	[smem:$0x3FB3] =	sst s0;
	s0 =	simm.s32 @!p1 $0x0  }
0x14: {  	s2 =	sld [smem:$0x3F97];
	s0 =	simm.s32 @p1 $0x1  }
0x15: {  	[smem:$0x3FB4] =	sst s0;
	s0 =	simm.s32 @!p2 $0x0  }
0x16: {  	s3 =	sld [smem:$0x3FDB];
	s0 =	simm.s32 @p2 $0x1  }
0x17: {  	s4 =	simm.s32 $0x1BF5;
	[smem:$0x3FB6] =	sst s0  }
0x18: {  	s0 =	sld [smem:$0x3F99];
	_ =	swait.ge [sflag:s4], $0x0  }
0x19: {  	s7 =	sld [smem:$0x3F9A]  }
0x1a: {  	s8 =	sadd.s32 $0xFFFFE003, lr  }
0x1b: {  	s9 =	sadd.s32 $0xFFFFFEF7, lr;
	s5 =	simm.s32 $0xFFFFFFFF;
	p2 =	slt.u32 s8, $0xFFFFF086  }
0x1c: {  	p1 =	slt.u32 s9, $0xF7A;
	s5 =	simm.s32 @!p2 $0x0  }
0x1d: {  	s5 =	simm.s32 @p1 $0x1;
	p0 =	seq.s32 s7, s2  }
0x1e: {  	s7 =	smul.u32 @!p0 $0xF7A, s2;
	p2 =	seq.s32 @!p0 s5, $0x0  }
0x1f: {  	s9 =	smul.u32 $0xF7A, s1;
	s8 =	simm.s32 @!p0 $0x1BF5;
	p2 =	por !p2, p0  }
0x20: {  	[sflag:s8] =	ssyncset.s32 @!p0 $0xFFFFF086;
	s6 =	sadd.s32 @!p0 s3, s7;
	s7 =	simm.s32 @!p0 $0x108  }
0x21: {  	s3 =	sadd.s32 s3, s9;
	s6 =	sadd.s32 @!p0 $0x88, s6;
	s7 =	simm.s32 @p2 $0x1082  }
0x22: {  	[simem:s7], [sflag:s8] =	dma.local @!p0 [hbm:s6], $0xF7A  }
0x23: {  	s9 =	sor.u32 $0xD0000000, s2;
	s6 =	simm.s32 $0x108;
	_ =	swait.ge @!p0 [sflag:s8], $0x0  }
0x24: {  	s3 =	sadd.s32 $0x88, s3;
	s6 =	simm.s32 @!p1 $0x1082;
	[sflag:s4] =	ssyncset.s32 $0xFFFFF086  }
0x25: {  	[simem:s6], [sflag:s4] =	dma.local [hbm:s3], $0xF7A  }
0x26: {  	[smem:$0x3F9A] =	sst s1;
	(tag) =	ssettag s2;
	_ =	strace s9  }
0x27: {  	s1 =	sld [smem:$0x3FAA]  }
0x28: {  	s2 =	sld [smem:$0x3FAB]  }
0x29: {  	s4 =	sld [smem:$0x3FAD]  }
0x2a: {  	p0 =	seq.s32 s5, $0x0;
	s5 =	sld [smem:$0x3FAE]  }
0x2b: {  	s6 =	sld [smem:$0x3FAF]  }
0x2c: {  	s7 =	sld [smem:$0x3FB0]  }
0x2d: {  	s3 =	simm.s32 $0x108;
	s8 =	sld [smem:$0x3FB1]  }
0x2e: {  	s3 =	simm.s32 @!p0 $0x1082;
	s9 =	sld [smem:$0x3FB2]  }
0x2f: {  	lr =	sadd.s32 s0, s3;
	s0 =	sld [smem:$0x3FA9]  }
0x30: {  	s3 =	sld [smem:$0x3FAC]  }
0x31: {  	[smem:$0x3FB5] =	sst s10  }
0x32: {  	s10 =	sld [smem:$0x3FB3];
	_ =	sdelay $0x3  }
0x33: {  	p0 =	seq.s32 s10, $0x1;
	s10 =	sld [smem:$0x3FB5];
	_ =	sdelay $0x3  }
0x34: {  	[smem:$0x3FB5] =	sst s10  }
0x35: {  	s10 =	sld [smem:$0x3FB4];
	_ =	sdelay $0x3  }
0x36: {  	p1 =	seq.s32 s10, $0x1;
	s10 =	sld [smem:$0x3FB5];
	_ =	sdelay $0x3  }
0x37: {  	[smem:$0x3FB5] =	sst s10  }
0x38: {  	s10 =	sld [smem:$0x3FB6]  }
0x39: {  	_ = 	snop;
	(pc) =	sbr.ind lr, $3  }
0x3a: {  	_ = 	snop  }
0x3b: {  	_ = 	snop  }
0x3c: {  	p2 =	seq.s32 s10, $0x1;
	s10 =	sld [smem:$0x3FB5]  }
0x3d: {  	_ =	shalt  }
0x3e: {  	_ =	shalt  }
0x3f: {  	_ =	shalt  }
0x40: {  	_ =	shalt  }
0x41: {  	_ =	shalt  }
0x42: {  	_ =	shalt  }
0x43: {  	_ =	shalt  }
0x44: {  	_ =	shalt  }
0x45: {  	_ =	shalt  }
0x46: {  	_ =	shalt  }
0x47: {  	_ =	shalt  }
0x48: {  	_ =	shalt  }
0x49: {  	_ =	shalt  }
0x4a: {  	_ =	shalt  }
0x4b: {  	_ =	shalt  }
0x4c: {  	_ =	shalt  }
0x4d: {  	_ =	shalt  }
0x4e: {  	_ =	shalt  }
0x4f: {  	_ =	shalt  }
0x50: {  	_ =	shalt  }
0x51: {  	_ =	shalt  }
0x52: {  	_ =	shalt  }
0x53: {  	_ =	shalt  }
0x54: {  	_ =	shalt  }
0x55: {  	_ =	shalt  }
0x56: {  	_ =	shalt  }
0x57: {  	_ =	shalt  }
0x58: {  	_ =	shalt  }
0x59: {  	_ =	shalt  }
0x5a: {  	_ =	shalt  }
0x5b: {  	_ =	shalt  }
0x5c: {  	_ =	shalt  }
0x5d: {  	_ =	shalt  }
0x5e: {  	_ =	shalt  }
0x5f: {  	_ =	shalt  }
0x60: {  	_ =	shalt  }
0x61: {  	_ =	shalt  }
0x62: {  	_ =	shalt  }
0x63: {  	_ =	shalt  }
0x64: {  	_ =	shalt  }
0x65: {  	_ =	shalt  }
0x66: {  	_ =	shalt  }
0x67: {  	_ =	shalt  }
0x68: {  	_ =	shalt  }
0x69: {  	_ =	shalt  }
0x6a: {  	_ =	shalt  }
0x6b: {  	_ =	shalt  }
0x6c: {  	_ =	shalt  }
0x6d: {  	_ =	shalt  }
0x6e: {  	_ =	shalt  }
0x6f: {  	_ =	shalt  }
0x70: {  	_ =	shalt  }
0x71: {  	_ =	shalt  }
0x72: {  	_ =	shalt  }
0x73: {  	_ =	shalt  }
0x74: {  	_ =	shalt  }
0x75: {  	_ =	shalt  }
0x76: {  	_ =	shalt  }
0x77: {  	_ =	shalt  }
0x78: {  	_ =	shalt  }
0x79: {  	_ =	shalt  }
0x7a: {  	_ =	shalt  }
0x7b: {  	_ =	shalt  }
0x7c: {  	_ =	shalt  }
0x7d: {  	_ =	shalt  }
0x7e: {  	_ =	shalt  }
0x7f: {  	_ =	shalt  }
0x80: {  	_ =	shalt  }
0x81: {  	_ =	shalt  }
0x82: {  	_ =	shalt  }
0x83: {  	_ =	shalt  }
0x84: {  	_ =	shalt  }
0x85: {  	_ =	shalt  }
0x86: {  	_ =	shalt  }
0x87: {  	_ =	shalt  }
.Lfunc_end0:
.L_simem_size_0:
called_computation.2_lowered:
.L_overlay_start_0:
0x88: {  	s2 =	sld [smem:$0x3FD9]  }
0x89: {  	s3 =	sld [smem:$0x3FFE];
	_ =	sdelay $0x1  }
0x8a: {  	s1 =	srdreg.scid  }
0x8b: {  	s0 =	sand.u32 $0x1, s1  }
0x8c: {  	s17 =	sshll.u32 s0, $0xA;
	s2 =	sadd.s32 s3, s2  }
0x8d: {  	s2 =	sadd.s32 s2, s17  }
0x8e: {  	[smem:$0x3FC1] =	sst s2  }
0x8f: {  	_ = 	snop  }
0x90: {  	s2 =	sld [smem:$0x3FD0];
	(tm) =	ssettm $0x1  }
0x91: {  	s18 =	sld [smem:$0x3FFB];
	_ =	sdelay $0x3  }
0x92: {  	_ =	strace s18  }
0x93: {  	s3 =	sld [smem:$0x3FFC];
	_ =	sdelay $0x3  }
0x94: {  	_ =	strace s3  }
0x95: {  	s3 =	sld [smem:$0x3FFD];
	_ =	sdelay $0x3  }
0x96: {  	_ =	strace s3  }
0x97: {  	_ =	strace $0x8FFFFFFF  }
0x98: {  	s19 =	sld [smem:$0x3FDB];
	_ =	sdelay $0x1  }
0x99: {  	s4 =	simm.s32 $_scs_section_size  }
0x9a: {  	s5 =	simm.s32 $_size__tile_overlayer_lowered;
	s6 =	simm.s32 $_tile_overlayer_lowered  }
0x9b: {  	s22 =	simm.s32 $0x1BFF;
	s21 =	sshll.u32 s6, $0x1;
	s3 =	sadd.s32 s4, s19  }
0x9c: {  	s7 =	simm.s32 $0x0;
	s20 =	sshll.u32 s5, $0x1;
	s5 =	sadd.s32 s21, s3  }
0x9d: {  	[timem:s7], [sflag:s22] =	dma.local [hbm:s5], s20  }
0x9e: {  	_ =	swait.ge [sflag:s22], s20  }
0x9f: {  	s4 =	ssub.s32 $0x0, s20;
	[sflag:s22] =	ssyncset.done $0x0  }
0xa0: {  	[sflag:s22] =	ssyncadd.s32 s4;
	_ =	sdelay $0x1  }
0xa1: {  	s23 =	simm.s32 $0x1B8B  }
0xa2: {  	_ =	swait.ge [sflag:s23], $0x1  }
0xa3: {  	[sflag:s23] =	ssyncset.done $0x0  }
0xa4: {  	s25 =	simm.s32 $0x1B8E;
	s24 =	sld [smem:$0x3FFE];
	[sflag:s23] =	ssyncadd.s32 $0xFFFFFFFF  }
0xa5: {  	s26 =	simm.s32 $execute0_lowered;
	[smem:$0x3FD2] =	sst s25  }
0xa6: {  	s5 =	sshll.u32 s26, $0x1;
	_ =	strace $0x8000004C;
	[dreg:$0x1] =	wrdreg $0xFFFFFFFF  }
0xa7: {  	s28 =	simm.s32 $_size_execute0_lowered;
	s3 =	sadd.s32 s3, s5;
	[dreg:$0x0] =	wrdreg $0x0  }
0xa8: {  	s5 =	sshll.u32 s28, $0x1;
	[dreg:$0x2] =	wrdreg s3  }
0xa9: {  	[dreg:$0x3] =	wrdreg s5  }
0xaa: {  	[dreg:$0x4] =	wrdreg $0xC0  }
0xab: {  	_ =	task [dreg:s7], $0x5FFFF  }
0xac: {  	[dreg:$0x1] =	wrdreg $0xFFFFFFFF  }
0xad: {  	[dreg:$0x0] =	wrdreg $0x60  }
0xae: {  	[dreg:$0x2] =	wrdreg s24  }
0xaf: {  	[dreg:$0x3] =	wrdreg s2  }
0xb0: {  	[dreg:$0x4] =	wrdreg $0x49400  }
0xb1: {  	[dreg:$0x5] =	wrdreg $0x9  }
0xb2: {  	_ =	task.clear_ibuf [dreg:s7], $0x6FFFF;
	_ =	strace $0x9000004C  }
0xb3: {  	s29 =	simm.s32 $0x9;
	_ =	strace $0x8000004E  }
0xb4: {  	_ =	swait.ge [sflag:s29], $0x1  }
0xb5: {  	[sflag:s29] =	ssyncadd.s32 $0xFFFFFFFF  }
0xb6: {  	_ =	strace $0x9000004E  }
0xb7: {  	_ =	sfence  }
0xb8: {  	s30 =	sld [smem:$0x0];
	_ =	sdelay $0x2  }
0xb9: {  	s31 =	sshll.u32 s1, $0xD;
	s1 =	sshrl.u32 s1, $0x2  }
0xba: {  	s3 =	sand.u32 $0x4000, s31;
	s1 =	sadd.s32 s1, s30  }
0xbb: {  	s0 =	sor.u32 s3, s0;
	s1 =	sshll.u32 s1, $0x11  }
0xbc: {  	s0 =	sor.u32 s1, s0  }
0xbd: {  	s0 =	sadd.s32 $0x8F2B, s0  }
0xbe: {  	[sflag:s0] =	ssyncadd.remote.s32 $0x1  }
0xbf: {  	_ =	sfence.sel $0xFFFF  }
0xc0: {  	[dreg:$0x0] =	wrdreg $0xFFFFFFFF;
	(pc) =	sbr.abs _section_cstart, $3  }
0xc1: {  	[dreg:$0x1] =	wrdreg $0xFFFFFFFF  }
0xc2: {  	_ =	task.clear_ibuf [dreg:s7], $0x2FFFF;
	_ =	strace $0x9FFFFFFF  }
0xc3: {  	(tm) =	ssettm $0x7FFFFFFF  }
tec
execute0_lowered:
.L_overlay_start_1:
0x0: {  	(tag) =	ssettag $0x1  }
0x1: {  	s0 =	rddreg [dreg:$0x0]  }
0x2: {  	s1 =	rddreg [dreg:$0x1]  }
0x3: {  	s2 =	rddreg [dreg:$0x2]  }
0x4: {  	s3 =	simm.s32 $0x0;
	s7 =	srdreg.scid;
	s4 =	stileid.u32  }
0x5: {  	s14 =	simm.s32 $0x4740;
	s15 =	simm.s32 $0x5;
	s16 =	simm.s32 $0xFA0  }
0x6: {  	s17 =	simm.s32 $0x50;
	s18 =	simm.s32 $0x1F40;
	s19 =	simm.s32 $0x3340  }
0x7: {  	s20 =	simm.s32 $0x1;
	s21 =	simm.s32 $0x3;
	s22 =	simm.s32 $0xA0  }
0x8: {  	s23 =	simm.s32 $0x2;
	s24 =	simm.s32 $0xFF0;
	s28 =	simm.s32 $0xF50  }
0x9: {  	s29 =	simm.s32 $0x1EF0;
	s30 =	simm.s32 $0x0;
	[smem:$0x7FF] =	sst s3  }
0xa: {  	s5 =	sadd.s32 $0x4C00, s0;
	s6 =	sadd.s32 $0xEA00, s0;
	s8 =	sand.u32 $0x1, s7  }
0xb: {  	s9 =	smul.u32 $0x28000, s4;
	s7 =	sadd.s32 $0x3FA00, s0;
	s10 =	sadd.s32 $0x67400, s0  }
0xc: {  	s13 =	smul.u32 $0xA000, s4;
	s0 =	sadd.s32 $0x53400, s0;
	_ =	strace $0x8000004D  }
.Ltmp0:
0xd: {  	[dreg:$0x4] =	wrdreg s10;
	s25 =	ssub.s32 $0x2, s8;
	(pc) =	sbr.rel .LBB2_1-.Ltmp0, $4  }
0xe: {  	[dreg:$0x5] =	wrdreg s0;
	p0 =	seq.s32 s8, $0x1;
	s11 =	sshrl.u32 s25, $0x1  }
0xf: {  	s12 =	sshrl.u32 s9, $0x2;
	s31 =	sadd.s32 s13, s2;
	s26 =	ssub.s32 s25, s11  }
0x10: {  	s10 =	sadd.s32 s12, s2;
	s11 =	smul.u32 $0x4E20, s4;
	s12 =	sshrl.u32 s13, $0x3  }
0x11: {  	v0 =	vimm.f32 $0.0e+00;
	s25 =	sshrl.u32 s31, $0x3;
	s13 =	smax.u32 s26, $0x1;
	s26 =	simm.s32 $0x4  }
.LBB2_12:
0x12: {  	s30 =	sadd.s32 $0x1, s30  }
0x13: {  	s8 =	sshll.u32 s4, $0x6;
	s0 =	sadd.s32 s0, s12;
	p1 =	sne.s32 s30, s13  }
.Ltmp1:
0x14: {  	[bflag:$0x0] =	sbarrier.arrive $0xFFFF;
	s8 =	sor.u32 $0x1C05, s8;
	(pc) =	sbr.rel @!p1 .LBB2_13-.Ltmp1, $4  }
0x15: {  	[hbm:s0], [sflag:s8] =	dma.local [spmem:s25], $0x1400  }
0x16: {  	_ =	swait.ge [sflag:s15], $0x1400  }
0x17: {  	[sflag:s15] =	ssyncset.done $0x0  }
0x18: {  	[sflag:s15] =	ssyncadd.s32 $0xFFFFEC00  }
.LBB2_1:
0x19: {  	[tilespmem:$0x4740] =	vst v0  }
0x1a: {  	[tilespmem:$0x4750] =	vst v0  }
0x1b: {  	[tilespmem:$0x4760] =	vst v0  }
0x1c: {  	[tilespmem:$0x4770] =	vst v0  }
0x1d: {  	[tilespmem:$0x4780] =	vst v0  }
0x1e: {  	[tilespmem:$0x4790] =	vst v0  }
0x1f: {  	[tilespmem:$0x47A0] =	vst v0  }
0x20: {  	[tilespmem:$0x47B0] =	vst v0  }
0x21: {  	[tilespmem:$0x47C0] =	vst v0  }
0x22: {  	[tilespmem:$0x47D0] =	vst v0  }
0x23: {  	[tilespmem:$0x47E0] =	vst v0  }
0x24: {  	[tilespmem:$0x47F0] =	vst v0  }
0x25: {  	[tilespmem:$0x4800] =	vst v0  }
0x26: {  	[tilespmem:$0x4810] =	vst v0  }
0x27: {  	[tilespmem:$0x4820] =	vst v0  }
0x28: {  	[tilespmem:$0x4830] =	vst v0  }
0x29: {  	[tilespmem:$0x4840] =	vst v0  }
0x2a: {  	[tilespmem:$0x4850] =	vst v0  }
0x2b: {  	[tilespmem:$0x4860] =	vst v0  }
0x2c: {  	[tilespmem:$0x4870] =	vst v0  }
0x2d: {  	[tilespmem:$0x4880] =	vst v0  }
0x2e: {  	[tilespmem:$0x4890] =	vst v0  }
0x2f: {  	[tilespmem:$0x48A0] =	vst v0  }
0x30: {  	[tilespmem:$0x48B0] =	vst v0  }
0x31: {  	[tilespmem:$0x48C0] =	vst v0  }
0x32: {  	[tilespmem:$0x48D0] =	vst v0  }
0x33: {  	[tilespmem:$0x48E0] =	vst v0  }
0x34: {  	[tilespmem:$0x48F0] =	vst v0  }
0x35: {  	[tilespmem:$0x4900] =	vst v0  }
0x36: {  	[tilespmem:$0x4910] =	vst v0  }
0x37: {  	[tilespmem:$0x4920] =	vst v0  }
0x38: {  	[tilespmem:$0x4930] =	vst v0;
	s0 =	sadd.s32 $0x0, s10  }
0x39: {  	[spmem:s0] =	stream.linear.scatter [tilespmem:s14], [sflag:$0x5], $0x200, $0x38;
	[tilespmem:$0xE940] =	vst v63  }
0x3a: {  	s0 =	simm.s32 $0x800;
	_ =	swait.ge [sflag:s15], $0x200  }
.LBB2_2:
0x3b: {  	s8 =	sshra.s32 s0, $0x2;
	[sflag:s15] =	ssyncset.done $0x0;
	p1 =	sne.s32 s0, $0x27800  }
.Ltmp2:
0x3c: {  	s8 =	sadd.s32 s8, s10;
	[sflag:s15] =	ssyncadd.s32 $0xFFFFFE00;
	(pc) =	sbr.rel @p1 .LBB2_2-.Ltmp2, $3  }
0x3d: {  	[spmem:s8] =	stream.linear.scatter [tilespmem:s14], [sflag:$0x5], $0x200, $0x38;
	[tilespmem:$0xE940] =	vst v63  }
0x3e: {  	s0 =	sadd.s32 $0x800, s0;
	_ =	sdelay $0x1  }
0x3f: {  	_ =	swait.ge [sflag:s15], $0x200  }
.Ltmp3:
0x40: {  	(pc) =	sbr.rel @!p0 .LBB2_4-.Ltmp3, $4  }
0x41: {  	[sflag:s15] =	ssyncset.done $0x0  }
0x42: {  	[sflag:s15] =	ssyncadd.s32 $0xFFFFFE00  }
0x43: {  	[bflag:$0x0] =	sbarrier.arrive $0xFFFF  }
0x44: {  	s31 =	simm.s32 $0x0  }
.LBB2_8:
0x45: {  	s0 =	smul.u32 $0xFA0, s31;
	_ =	sdelay $0x1  }
0x46: {  	s0 =	sadd.s32 s11, s0  }
0x47: {  	s0 =	sshrl.u32 s0, $0x3  }
0x48: {  	s8 =	sadd.s32 s5, s0  }
0x49: {  	[tilespmem:s3], [sflag:$0x5] =	stream.linear.gather [hbm4b:s8+s3], $0xFA0, $0x38;
	[tilespmem:$0xE940] =	vst v63  }
0x4a: {  	_ =	swait.ge [sflag:s15], $0xFA0  }
0x4b: {  	[sflag:s15] =	ssyncset.done $0x0  }
0x4c: {  	s0 =	sadd.s32 s6, s0;
	[sflag:s15] =	ssyncadd.s32 $0xFFFFF060  }
0x4d: {  	[tilespmem:s16], [sflag:$0x5] =	stream.linear.gather [hbm4b:s0+s3], $0xFA0, $0x38;
	[tilespmem:$0xE940] =	vst v63  }
0x4e: {  	_ =	swait.ge [sflag:s15], $0xFA0  }
0x4f: {  	[sflag:s15] =	ssyncset.done $0x0  }
0x50: {  	[sflag:s15] =	ssyncadd.s32 $0xFFFFF060  }
0x51: {  	[tilespmem:s18], [sflag:$0x1] =	stream.indirect.gather [hbm4b:s7+s17], $0x40, s3, s17, $0xb8;
	[tilespmem:$0xE940] =	vst v63  }
0x52: {  	_ = 	snop  }
0x53: {  	[tilespmem:s19], [sflag:$0x2] =	stream.indirect.gather [hbm4b:s7+s17], $0x40, s17, s17, $0xb8;
	[tilespmem:$0xE940] =	vst v63  }
0x54: {  	_ =	swait.ge [sflag:s20], $0x1400  }
0x55: {  	[sflag:s20] =	ssyncset.done $0x0  }
0x56: {  	[sflag:s20] =	ssyncadd.s32 $0xFFFFEC00  }
0x57: {  	[spmem:s2] =	stream.indirect.scatter.add.f32 [tilespmem:s18], [sflag:$0x3], $0x40, s16, s17, $0xb8;
	[tilespmem:$0xE940] =	vst v63  }
0x58: {  	_ =	swait.ge [sflag:s21], $0x1400  }
0x59: {  	[sflag:s21] =	ssyncset.done $0x0  }
0x5a: {  	[sflag:s21] =	ssyncadd.s32 $0xFFFFEC00  }
0x5b: {  	[tilespmem:s18], [sflag:$0x1] =	stream.indirect.gather [hbm4b:s7+s17], $0x40, s22, s17, $0xb8;
	[tilespmem:$0xE940] =	vst v63  }
0x5c: {  	_ =	swait.ge [sflag:s23], $0x1400  }
0x5d: {  	[sflag:s23] =	ssyncset.done $0x0  }
0x5e: {  	[sflag:s23] =	ssyncadd.s32 $0xFFFFEC00  }
0x5f: {  	[spmem:s2] =	stream.indirect.scatter.add.f32 [tilespmem:s19], [sflag:$0x4], $0x40, s24, s17, $0xb8;
	[tilespmem:$0xE940] =	vst v63  }
0x60: {  	_ =	swait.ge [sflag:s26], $0x1400  }
0x61: {  	[sflag:s26] =	ssyncset.done $0x0  }
0x62: {  	s9 =	simm.s32 $0xF0;
	[sflag:s26] =	ssyncadd.s32 $0xFFFFEC00  }
0x63: {  	[tilespmem:s19], [sflag:$0x2] =	stream.indirect.gather [hbm4b:s7+s17], $0x40, s9, s17, $0xb8;
	[tilespmem:$0xE940] =	vst v63  }
0x64: {  	_ =	swait.ge [sflag:s20], $0x1400  }
0x65: {  	[sflag:s20] =	ssyncset.done $0x0  }
0x66: {  	s8 =	simm.s32 $0x1040;
	[sflag:s20] =	ssyncadd.s32 $0xFFFFEC00  }
0x67: {  	[spmem:s2] =	stream.indirect.scatter.add.f32 [tilespmem:s18], [sflag:$0x3], $0x40, s8, s17, $0xb8;
	[tilespmem:$0xE940] =	vst v63  }
0x68: {  	_ =	swait.ge [sflag:s21], $0x1400  }
0x69: {  	[sflag:s21] =	ssyncset.done $0x0  }
0x6a: {  	s9 =	simm.s32 $0x140;
	[sflag:s21] =	ssyncadd.s32 $0xFFFFEC00  }
0x6b: {  	[tilespmem:s18], [sflag:$0x1] =	stream.indirect.gather [hbm4b:s7+s17], $0x40, s9, s17, $0xb8;
	[tilespmem:$0xE940] =	vst v63  }
0x6c: {  	_ =	swait.ge [sflag:s23], $0x1400  }
0x6d: {  	[sflag:s23] =	ssyncset.done $0x0  }
0x6e: {  	s0 =	simm.s32 $0xFFFFC900;
	s8 =	simm.s32 $0x1090;
	[sflag:s23] =	ssyncadd.s32 $0xFFFFEC00  }
.LBB2_9:
0x6f: {  	[spmem:s2] =	stream.indirect.scatter.add.f32 [tilespmem:s19], [sflag:$0x4], $0x40, s8, s17, $0xb8;
	[tilespmem:$0xE940] =	vst v63  }
0x70: {  	s8 =	smov.u32 s0;
	s0 =	sadd.s32 $0x280, s0;
	_ =	swait.ge [sflag:s26], $0x1400  }
0x71: {  	s8 =	sshra.s32 s8, $0x2;
	p1 =	sne.s32 s0, $0x0;
	[sflag:s26] =	ssyncset.done $0x0  }
0x72: {  	s9 =	sadd.s32 $0xF50, s8;
	[sflag:s26] =	ssyncadd.s32 $0xFFFFEC00  }
0x73: {  	[tilespmem:s19], [sflag:$0x2] =	stream.indirect.gather [hbm4b:s7+s17], $0x40, s9, s17, $0xb8;
	[tilespmem:$0xE940] =	vst v63  }
0x74: {  	_ =	swait.ge [sflag:s20], $0x1400  }
0x75: {  	[sflag:s20] =	ssyncset.done $0x0  }
0x76: {  	s9 =	sadd.s32 $0x1EA0, s8;
	[sflag:s20] =	ssyncadd.s32 $0xFFFFEC00  }
0x77: {  	[spmem:s2] =	stream.indirect.scatter.add.f32 [tilespmem:s18], [sflag:$0x3], $0x40, s9, s17, $0xb8;
	[tilespmem:$0xE940] =	vst v63  }
0x78: {  	_ =	swait.ge [sflag:s21], $0x1400  }
0x79: {  	[sflag:s21] =	ssyncset.done $0x0  }
.Ltmp4:
0x7a: {  	s9 =	sadd.s32 $0xFA0, s8;
	[sflag:s21] =	ssyncadd.s32 $0xFFFFEC00;
	(pc) =	sbr.rel @p1 .LBB2_9-.Ltmp4, $4  }
0x7b: {  	[tilespmem:s18], [sflag:$0x1] =	stream.indirect.gather [hbm4b:s7+s17], $0x40, s9, s17, $0xb8;
	[tilespmem:$0xE940] =	vst v63  }
0x7c: {  	_ =	swait.ge [sflag:s23], $0x1400  }
0x7d: {  	[sflag:s23] =	ssyncset.done $0x0  }
0x7e: {  	s8 =	sadd.s32 $0x1EF0, s8;
	[sflag:s23] =	ssyncadd.s32 $0xFFFFEC00  }
0x7f: {  	[spmem:s2] =	stream.indirect.scatter.add.f32 [tilespmem:s19], [sflag:$0x4], $0x40, s8, s17, $0xb8;
	[tilespmem:$0xE940] =	vst v63  }
0x80: {  	_ =	swait.ge [sflag:s26], $0x1400  }
0x81: {  	[sflag:s26] =	ssyncset.done $0x0  }
0x82: {  	[sflag:s26] =	ssyncadd.s32 $0xFFFFEC00  }
0x83: {  	[tilespmem:s19], [sflag:$0x2] =	stream.indirect.gather [hbm4b:s7+s17], $0x40, s28, s17, $0xb8;
	[tilespmem:$0xE940] =	vst v63  }
0x84: {  	_ =	swait.ge [sflag:s20], $0x1400  }
0x85: {  	s0 =	sshra.s32 s0, $0x2;
	[sflag:s20] =	ssyncset.done $0x0  }
0x86: {  	s0 =	sadd.s32 $0x1EA0, s0;
	[sflag:s20] =	ssyncadd.s32 $0xFFFFEC00  }
0x87: {  	[spmem:s2] =	stream.indirect.scatter.add.f32 [tilespmem:s18], [sflag:$0x3], $0x40, s0, s17, $0xb8;
	[tilespmem:$0xE940] =	vst v63  }
0x88: {  	_ =	swait.ge [sflag:s23], $0x1400  }
0x89: {  	[sflag:s23] =	ssyncset.done $0x0  }
0x8a: {  	s31 =	sadd.s32 $0x1, s31;
	[sflag:s23] =	ssyncadd.s32 $0xFFFFEC00  }
0x8b: {  	[spmem:s2] =	stream.indirect.scatter.add.f32 [tilespmem:s19], [sflag:$0x4], $0x40, s29, s17, $0xb8;
	[tilespmem:$0xE940] =	vst v63  }
0x8c: {  	p1 =	sne.s32 s31, $0x5;
	_ =	swait.ge [sflag:s21], $0x1400  }
.Ltmp5:
0x8d: {  	[sflag:s21] =	ssyncset.done $0x0;
	(pc) =	sbr.rel @p1 .LBB2_8-.Ltmp5, $4  }
0x8e: {  	[sflag:s21] =	ssyncadd.s32 $0xFFFFEC00  }
0x8f: {  	_ =	swait.ge [sflag:s26], $0x1400  }
0x90: {  	[sflag:s26] =	ssyncset.done $0x0  }
0x91: {  	[sflag:s26] =	ssyncadd.s32 $0xFFFFEC00  }
.Ltmp6:
0x92: {  	(pc) =	sbr.rel .LBB2_12-.Ltmp6, $2  }
0x93: {  	_ =	sdelay $0x2  }
0x94: {  	s0 =	rddreg [dreg:$0x5]  }
.LBB2_4:
0x95: {  	s0 =	smul.u32 $0xFA0, s31;
	_ =	sdelay $0x1  }
0x96: {  	s0 =	sadd.s32 s11, s0  }
0x97: {  	s0 =	sshrl.u32 s0, $0x3  }
0x98: {  	s8 =	sadd.s32 s5, s0  }
0x99: {  	[tilespmem:s3], [sflag:$0x5] =	stream.linear.gather [hbm4b:s8+s3], $0xFA0, $0x38;
	[tilespmem:$0xE940] =	vst v63  }
0x9a: {  	_ =	swait.ge [sflag:s15], $0xFA0  }
0x9b: {  	[sflag:s15] =	ssyncset.done $0x0  }
0x9c: {  	s0 =	sadd.s32 s6, s0;
	[sflag:s15] =	ssyncadd.s32 $0xFFFFF060  }
0x9d: {  	[tilespmem:s16], [sflag:$0x5] =	stream.linear.gather [hbm4b:s0+s3], $0xFA0, $0x38;
	[tilespmem:$0xE940] =	vst v63  }
0x9e: {  	_ =	swait.ge [sflag:s15], $0xFA0  }
0x9f: {  	[sflag:s15] =	ssyncset.done $0x0  }
0xa0: {  	[sflag:s15] =	ssyncadd.s32 $0xFFFFF060  }
0xa1: {  	[tilespmem:s18], [sflag:$0x1] =	stream.indirect.gather [hbm4b:s1+s17], $0x40, s3, s17, $0xb8;
	[tilespmem:$0xE940] =	vst v63  }
0xa2: {  	_ = 	snop  }
0xa3: {  	[tilespmem:s19], [sflag:$0x2] =	stream.indirect.gather [hbm4b:s1+s17], $0x40, s17, s17, $0xb8;
	[tilespmem:$0xE940] =	vst v63  }
0xa4: {  	_ =	swait.ge [sflag:s20], $0x1400  }
0xa5: {  	[sflag:s20] =	ssyncset.done $0x0  }
0xa6: {  	[sflag:s20] =	ssyncadd.s32 $0xFFFFEC00  }
0xa7: {  	[spmem:s2] =	stream.indirect.scatter.add.f32 [tilespmem:s18], [sflag:$0x3], $0x40, s16, s17, $0xb8;
	[tilespmem:$0xE940] =	vst v63  }
0xa8: {  	_ =	swait.ge [sflag:s21], $0x1400  }
0xa9: {  	[sflag:s21] =	ssyncset.done $0x0  }
0xaa: {  	[sflag:s21] =	ssyncadd.s32 $0xFFFFEC00  }
0xab: {  	[tilespmem:s18], [sflag:$0x1] =	stream.indirect.gather [hbm4b:s1+s17], $0x40, s22, s17, $0xb8;
	[tilespmem:$0xE940] =	vst v63  }
0xac: {  	_ =	swait.ge [sflag:s23], $0x1400  }
0xad: {  	[sflag:s23] =	ssyncset.done $0x0  }
0xae: {  	[sflag:s23] =	ssyncadd.s32 $0xFFFFEC00  }
0xaf: {  	[spmem:s2] =	stream.indirect.scatter.add.f32 [tilespmem:s19], [sflag:$0x4], $0x40, s24, s17, $0xb8;
	[tilespmem:$0xE940] =	vst v63  }
0xb0: {  	_ =	swait.ge [sflag:s26], $0x1400  }
0xb1: {  	[sflag:s26] =	ssyncset.done $0x0  }
0xb2: {  	s9 =	simm.s32 $0xF0;
	[sflag:s26] =	ssyncadd.s32 $0xFFFFEC00  }
0xb3: {  	[tilespmem:s19], [sflag:$0x2] =	stream.indirect.gather [hbm4b:s1+s17], $0x40, s9, s17, $0xb8;
	[tilespmem:$0xE940] =	vst v63  }
0xb4: {  	_ =	swait.ge [sflag:s20], $0x1400  }
0xb5: {  	[sflag:s20] =	ssyncset.done $0x0  }
0xb6: {  	s8 =	simm.s32 $0x1040;
	[sflag:s20] =	ssyncadd.s32 $0xFFFFEC00  }
0xb7: {  	[spmem:s2] =	stream.indirect.scatter.add.f32 [tilespmem:s18], [sflag:$0x3], $0x40, s8, s17, $0xb8;
	[tilespmem:$0xE940] =	vst v63  }
0xb8: {  	_ =	swait.ge [sflag:s21], $0x1400  }
0xb9: {  	[sflag:s21] =	ssyncset.done $0x0  }
0xba: {  	s9 =	simm.s32 $0x140;
	[sflag:s21] =	ssyncadd.s32 $0xFFFFEC00  }
0xbb: {  	[tilespmem:s18], [sflag:$0x1] =	stream.indirect.gather [hbm4b:s1+s17], $0x40, s9, s17, $0xb8;
	[tilespmem:$0xE940] =	vst v63  }
0xbc: {  	_ =	swait.ge [sflag:s23], $0x1400  }
0xbd: {  	[sflag:s23] =	ssyncset.done $0x0  }
0xbe: {  	s0 =	simm.s32 $0xFFFFC900;
	s8 =	simm.s32 $0x1090;
	[sflag:s23] =	ssyncadd.s32 $0xFFFFEC00  }
.LBB2_5:
0xbf: {  	[spmem:s2] =	stream.indirect.scatter.add.f32 [tilespmem:s19], [sflag:$0x4], $0x40, s8, s17, $0xb8;
	[tilespmem:$0xE940] =	vst v63  }
0xc0: {  	s8 =	smov.u32 s0;
	s0 =	sadd.s32 $0x280, s0;
	_ =	swait.ge [sflag:s26], $0x1400  }
0xc1: {  	s8 =	sshra.s32 s8, $0x2;
	p1 =	sne.s32 s0, $0x0;
	[sflag:s26] =	ssyncset.done $0x0  }
0xc2: {  	s9 =	sadd.s32 $0xF50, s8;
	[sflag:s26] =	ssyncadd.s32 $0xFFFFEC00  }
0xc3: {  	[tilespmem:s19], [sflag:$0x2] =	stream.indirect.gather [hbm4b:s1+s17], $0x40, s9, s17, $0xb8;
	[tilespmem:$0xE940] =	vst v63  }
0xc4: {  	_ =	swait.ge [sflag:s20], $0x1400  }
0xc5: {  	[sflag:s20] =	ssyncset.done $0x0  }
0xc6: {  	s9 =	sadd.s32 $0x1EA0, s8;
	[sflag:s20] =	ssyncadd.s32 $0xFFFFEC00  }
0xc7: {  	[spmem:s2] =	stream.indirect.scatter.add.f32 [tilespmem:s18], [sflag:$0x3], $0x40, s9, s17, $0xb8;
	[tilespmem:$0xE940] =	vst v63  }
0xc8: {  	_ =	swait.ge [sflag:s21], $0x1400  }
0xc9: {  	[sflag:s21] =	ssyncset.done $0x0  }
.Ltmp7:
0xca: {  	s9 =	sadd.s32 $0xFA0, s8;
	[sflag:s21] =	ssyncadd.s32 $0xFFFFEC00;
	(pc) =	sbr.rel @p1 .LBB2_5-.Ltmp7, $4  }
0xcb: {  	[tilespmem:s18], [sflag:$0x1] =	stream.indirect.gather [hbm4b:s1+s17], $0x40, s9, s17, $0xb8;
	[tilespmem:$0xE940] =	vst v63  }
0xcc: {  	_ =	swait.ge [sflag:s23], $0x1400  }
0xcd: {  	[sflag:s23] =	ssyncset.done $0x0  }
0xce: {  	s8 =	sadd.s32 $0x1EF0, s8;
	[sflag:s23] =	ssyncadd.s32 $0xFFFFEC00  }
0xcf: {  	[spmem:s2] =	stream.indirect.scatter.add.f32 [tilespmem:s19], [sflag:$0x4], $0x40, s8, s17, $0xb8;
	[tilespmem:$0xE940] =	vst v63  }
0xd0: {  	_ =	swait.ge [sflag:s26], $0x1400  }
0xd1: {  	[sflag:s26] =	ssyncset.done $0x0  }
0xd2: {  	[sflag:s26] =	ssyncadd.s32 $0xFFFFEC00  }
0xd3: {  	[tilespmem:s19], [sflag:$0x2] =	stream.indirect.gather [hbm4b:s1+s17], $0x40, s28, s17, $0xb8;
	[tilespmem:$0xE940] =	vst v63  }
0xd4: {  	_ =	swait.ge [sflag:s20], $0x1400  }
0xd5: {  	s0 =	sshra.s32 s0, $0x2;
	[sflag:s20] =	ssyncset.done $0x0  }
0xd6: {  	s0 =	sadd.s32 $0x1EA0, s0;
	[sflag:s20] =	ssyncadd.s32 $0xFFFFEC00  }
0xd7: {  	[spmem:s2] =	stream.indirect.scatter.add.f32 [tilespmem:s18], [sflag:$0x3], $0x40, s0, s17, $0xb8;
	[tilespmem:$0xE940] =	vst v63  }
0xd8: {  	_ =	swait.ge [sflag:s23], $0x1400  }
0xd9: {  	[sflag:s23] =	ssyncset.done $0x0  }
0xda: {  	s31 =	sadd.s32 $0x1, s31;
	[sflag:s23] =	ssyncadd.s32 $0xFFFFEC00  }
0xdb: {  	[spmem:s2] =	stream.indirect.scatter.add.f32 [tilespmem:s19], [sflag:$0x4], $0x40, s29, s17, $0xb8;
	[tilespmem:$0xE940] =	vst v63  }
0xdc: {  	p1 =	seq.s32 s31, $0x5;
	_ =	swait.ge [sflag:s21], $0x1400  }
.Ltmp8:
0xdd: {  	[sflag:s21] =	ssyncset.done $0x0;
	(pc) =	sbr.rel @!p1 .LBB2_4-.Ltmp8, $4  }
0xde: {  	[sflag:s21] =	ssyncadd.s32 $0xFFFFEC00  }
0xdf: {  	_ =	swait.ge [sflag:s26], $0x1400  }
0xe0: {  	[sflag:s26] =	ssyncset.done $0x0  }
0xe1: {  	[sflag:s26] =	ssyncadd.s32 $0xFFFFEC00  }
.Ltmp9:
0xe2: {  	(pc) =	sbr.rel .LBB2_12-.Ltmp9, $2  }
0xe3: {  	_ =	sdelay $0x2  }
0xe4: {  	s0 =	rddreg [dreg:$0x4]  }
.LBB2_13:
0xe5: {  	_ =	sfence.sel $0x180000  }
0xe6: {  	[bflag:$0x0] =	sbarrier.arrive $0xFFFF  }
0xe7: {  	_ =	strace $0x9000004D  }
0xe8: {  	[bflag:$0x2] =	sbarrier.arrive $0xFFFF  }
0xe9: {  	p0 =	sne.s32 s4, $0x0;
	s0 =	rddreg [dreg:$0x3]  }
0xea: {  	s0 =	sadd.s32 @!p0 $0x100000, s0  }
0xeb: {  	[sflag:s0] =	ssyncadd.tile.s32 @!p0 $0x1;
	_ =	shalt  }
.Lfunc_end2:
_tile_overlayer_lowered:
.L_overlay_start_2:
0xec: {  	(tag) =	ssettag $0x2  }
0xed: {  	s0 =	rddreg [dreg:$0x0];
	s2 =	stileid.u32  }
0xee: {  	s1 =	rddreg [dreg:$0x1];
	p0 =	sne.s32 s2, $0x0  }
0xef: {  	s3 =	rddreg [dreg:$0x2];
	[bflag:$0x3] =	sbarrier.arrive $0xFFFF;
	s2 =	simm.s32 @!p0 $0x1C05  }
0xf0: {  	[timem:s3], [sflag:s2] =	dma.local @!p0 [hbm:s0], s1  }
0xf1: {  	s0 =	simm.s32 @!p0 $0x5  }
0xf2: {  	_ =	swait.ge @!p0 [sflag:s0], s1  }
0xf3: {  	s1 =	ssub.s32 @!p0 $0x0, s1;
	[sflag:s0] =	ssyncset.done @!p0 $0x0  }
0xf4: {  	[sflag:s0] =	ssyncadd.s32 @!p0 s1  }
0xf5: {  	[bflag:$0x3] =	sbarrier.arrive $0xFFFF  }
0xf6: {  	_ =	shalt  }

// kernel: kernel.20.cloned.1.call-start
scs
__scs_entry_jumppad:
0x0: {  	(pc) =	sbr.rel $0x88, $3  }
0x1: {  	(tag) =	ssettag $0x0;
	lr =	simm.s32 $0x1  }
0x2: {  	[smem:$0x3F9A] =	sst lr;
	_ =	strace $0xD0000000  }
0x3: {  	_ = 	snop  }
0x4: {  	_ = 	snop  }
0x5: {  	_ = 	snop  }
0x6: {  	_ = 	snop  }
0x7: {  	_ = 	snop  }
__scs_overlays_trampoline_lowered:
0x8: {  	[smem:$0x3FA9] =	sst s0  }
0x9: {  	[smem:$0x3FAA] =	sst s1  }
0xa: {  	[smem:$0x3FAB] =	sst s2  }
0xb: {  	[smem:$0x3FAC] =	sst s3  }
0xc: {  	[smem:$0x3FAD] =	sst s4  }
0xd: {  	[smem:$0x3FAE] =	sst s5  }
0xe: {  	[smem:$0x3FAF] =	sst s6  }
0xf: {  	[smem:$0x3FB0] =	sst s7  }
0x10: {  	[smem:$0x3FB1] =	sst s8  }
0x11: {  	[smem:$0x3FB2] =	sst s9;
	s0 =	simm.s32 @!p0 $0x0  }
0x12: {  	s1 =	sld [smem:$0x3F98];
	s0 =	simm.s32 @p0 $0x1  }
0x13: {  	[smem:$0x3FB3] =	sst s0;
	s0 =	simm.s32 @!p1 $0x0  }
0x14: {  	s2 =	sld [smem:$0x3F97];
	s0 =	simm.s32 @p1 $0x1  }
0x15: {  	[smem:$0x3FB4] =	sst s0;
	s0 =	simm.s32 @!p2 $0x0  }
0x16: {  	s3 =	sld [smem:$0x3FDB];
	s0 =	simm.s32 @p2 $0x1  }
0x17: {  	s4 =	simm.s32 $0x1BF5;
	[smem:$0x3FB6] =	sst s0  }
0x18: {  	s0 =	sld [smem:$0x3F99];
	_ =	swait.ge [sflag:s4], $0x0  }
0x19: {  	s7 =	sld [smem:$0x3F9A]  }
0x1a: {  	s8 =	sadd.s32 $0xFFFFE003, lr  }
0x1b: {  	s9 =	sadd.s32 $0xFFFFFEF7, lr;
	s5 =	simm.s32 $0xFFFFFFFF;
	p2 =	slt.u32 s8, $0xFFFFF086  }
0x1c: {  	p1 =	slt.u32 s9, $0xF7A;
	s5 =	simm.s32 @!p2 $0x0  }
0x1d: {  	s5 =	simm.s32 @p1 $0x1;
	p0 =	seq.s32 s7, s2  }
0x1e: {  	s7 =	smul.u32 @!p0 $0xF7A, s2;
	p2 =	seq.s32 @!p0 s5, $0x0  }
0x1f: {  	s9 =	smul.u32 $0xF7A, s1;
	s8 =	simm.s32 @!p0 $0x1BF5;
	p2 =	por !p2, p0  }
0x20: {  	[sflag:s8] =	ssyncset.s32 @!p0 $0xFFFFF086;
	s6 =	sadd.s32 @!p0 s3, s7;
	s7 =	simm.s32 @!p0 $0x108  }
0x21: {  	s3 =	sadd.s32 s3, s9;
	s6 =	sadd.s32 @!p0 $0x88, s6;
	s7 =	simm.s32 @p2 $0x1082  }
0x22: {  	[simem:s7], [sflag:s8] =	dma.local @!p0 [hbm:s6], $0xF7A  }
0x23: {  	s9 =	sor.u32 $0xD0000000, s2;
	s6 =	simm.s32 $0x108;
	_ =	swait.ge @!p0 [sflag:s8], $0x0  }
0x24: {  	s3 =	sadd.s32 $0x88, s3;
	s6 =	simm.s32 @!p1 $0x1082;
	[sflag:s4] =	ssyncset.s32 $0xFFFFF086  }
0x25: {  	[simem:s6], [sflag:s4] =	dma.local [hbm:s3], $0xF7A  }
0x26: {  	[smem:$0x3F9A] =	sst s1;
	(tag) =	ssettag s2;
	_ =	strace s9  }
0x27: {  	s1 =	sld [smem:$0x3FAA]  }
0x28: {  	s2 =	sld [smem:$0x3FAB]  }
0x29: {  	s4 =	sld [smem:$0x3FAD]  }
0x2a: {  	p0 =	seq.s32 s5, $0x0;
	s5 =	sld [smem:$0x3FAE]  }
0x2b: {  	s6 =	sld [smem:$0x3FAF]  }
0x2c: {  	s7 =	sld [smem:$0x3FB0]  }
0x2d: {  	s3 =	simm.s32 $0x108;
	s8 =	sld [smem:$0x3FB1]  }
0x2e: {  	s3 =	simm.s32 @!p0 $0x1082;
	s9 =	sld [smem:$0x3FB2]  }
0x2f: {  	lr =	sadd.s32 s0, s3;
	s0 =	sld [smem:$0x3FA9]  }
0x30: {  	s3 =	sld [smem:$0x3FAC]  }
0x31: {  	[smem:$0x3FB5] =	sst s10  }
0x32: {  	s10 =	sld [smem:$0x3FB3];
	_ =	sdelay $0x3  }
0x33: {  	p0 =	seq.s32 s10, $0x1;
	s10 =	sld [smem:$0x3FB5];
	_ =	sdelay $0x3  }
0x34: {  	[smem:$0x3FB5] =	sst s10  }
0x35: {  	s10 =	sld [smem:$0x3FB4];
	_ =	sdelay $0x3  }
0x36: {  	p1 =	seq.s32 s10, $0x1;
	s10 =	sld [smem:$0x3FB5];
	_ =	sdelay $0x3  }
0x37: {  	[smem:$0x3FB5] =	sst s10  }
0x38: {  	s10 =	sld [smem:$0x3FB6]  }
0x39: {  	_ = 	snop;
	(pc) =	sbr.ind lr, $3  }
0x3a: {  	_ = 	snop  }
0x3b: {  	_ = 	snop  }
0x3c: {  	p2 =	seq.s32 s10, $0x1;
	s10 =	sld [smem:$0x3FB5]  }
0x3d: {  	_ =	shalt  }
0x3e: {  	_ =	shalt  }
0x3f: {  	_ =	shalt  }
0x40: {  	_ =	shalt  }
0x41: {  	_ =	shalt  }
0x42: {  	_ =	shalt  }
0x43: {  	_ =	shalt  }
0x44: {  	_ =	shalt  }
0x45: {  	_ =	shalt  }
0x46: {  	_ =	shalt  }
0x47: {  	_ =	shalt  }
0x48: {  	_ =	shalt  }
0x49: {  	_ =	shalt  }
0x4a: {  	_ =	shalt  }
0x4b: {  	_ =	shalt  }
0x4c: {  	_ =	shalt  }
0x4d: {  	_ =	shalt  }
0x4e: {  	_ =	shalt  }
0x4f: {  	_ =	shalt  }
0x50: {  	_ =	shalt  }
0x51: {  	_ =	shalt  }
0x52: {  	_ =	shalt  }
0x53: {  	_ =	shalt  }
0x54: {  	_ =	shalt  }
0x55: {  	_ =	shalt  }
0x56: {  	_ =	shalt  }
0x57: {  	_ =	shalt  }
0x58: {  	_ =	shalt  }
0x59: {  	_ =	shalt  }
0x5a: {  	_ =	shalt  }
0x5b: {  	_ =	shalt  }
0x5c: {  	_ =	shalt  }
0x5d: {  	_ =	shalt  }
0x5e: {  	_ =	shalt  }
0x5f: {  	_ =	shalt  }
0x60: {  	_ =	shalt  }
0x61: {  	_ =	shalt  }
0x62: {  	_ =	shalt  }
0x63: {  	_ =	shalt  }
0x64: {  	_ =	shalt  }
0x65: {  	_ =	shalt  }
0x66: {  	_ =	shalt  }
0x67: {  	_ =	shalt  }
0x68: {  	_ =	shalt  }
0x69: {  	_ =	shalt  }
0x6a: {  	_ =	shalt  }
0x6b: {  	_ =	shalt  }
0x6c: {  	_ =	shalt  }
0x6d: {  	_ =	shalt  }
0x6e: {  	_ =	shalt  }
0x6f: {  	_ =	shalt  }
0x70: {  	_ =	shalt  }
0x71: {  	_ =	shalt  }
0x72: {  	_ =	shalt  }
0x73: {  	_ =	shalt  }
0x74: {  	_ =	shalt  }
0x75: {  	_ =	shalt  }
0x76: {  	_ =	shalt  }
0x77: {  	_ =	shalt  }
0x78: {  	_ =	shalt  }
0x79: {  	_ =	shalt  }
0x7a: {  	_ =	shalt  }
0x7b: {  	_ =	shalt  }
0x7c: {  	_ =	shalt  }
0x7d: {  	_ =	shalt  }
0x7e: {  	_ =	shalt  }
0x7f: {  	_ =	shalt  }
0x80: {  	_ =	shalt  }
0x81: {  	_ =	shalt  }
0x82: {  	_ =	shalt  }
0x83: {  	_ =	shalt  }
0x84: {  	_ =	shalt  }
0x85: {  	_ =	shalt  }
0x86: {  	_ =	shalt  }
0x87: {  	_ =	shalt  }
.Lfunc_end0:
.L_simem_size_0:
called_computation.3_lowered:
.L_overlay_start_0:
0x88: {  	s2 =	sld [smem:$0x3FD9]  }
0x89: {  	s3 =	sld [smem:$0x3FFE];
	_ =	sdelay $0x1  }
0x8a: {  	s1 =	srdreg.scid  }
0x8b: {  	s0 =	sand.u32 $0x1, s1  }
0x8c: {  	s17 =	sshll.u32 s0, $0xA;
	s2 =	sadd.s32 s3, s2  }
0x8d: {  	s2 =	sadd.s32 s2, s17  }
0x8e: {  	[smem:$0x3FC1] =	sst s2  }
0x8f: {  	_ = 	snop  }
0x90: {  	s2 =	sld [smem:$0x3FD0];
	(tm) =	ssettm $0x1  }
0x91: {  	s18 =	sld [smem:$0x3FFB];
	_ =	sdelay $0x3  }
0x92: {  	_ =	strace s18  }
0x93: {  	s3 =	sld [smem:$0x3FFC];
	_ =	sdelay $0x3  }
0x94: {  	_ =	strace s3  }
0x95: {  	s3 =	sld [smem:$0x3FFD];
	_ =	sdelay $0x3  }
0x96: {  	_ =	strace s3  }
0x97: {  	_ =	strace $0x8FFFFFFF  }
0x98: {  	s19 =	sld [smem:$0x3FDB];
	_ =	sdelay $0x1  }
0x99: {  	s4 =	simm.s32 $_scs_section_size  }
0x9a: {  	s5 =	simm.s32 $_size__tile_overlayer_lowered;
	s6 =	simm.s32 $_tile_overlayer_lowered  }
0x9b: {  	s22 =	simm.s32 $0x1BFF;
	s21 =	sshll.u32 s6, $0x1;
	s3 =	sadd.s32 s4, s19  }
0x9c: {  	s7 =	simm.s32 $0x0;
	s20 =	sshll.u32 s5, $0x1;
	s5 =	sadd.s32 s21, s3  }
0x9d: {  	[timem:s7], [sflag:s22] =	dma.local [hbm:s5], s20  }
0x9e: {  	_ =	swait.ge [sflag:s22], s20  }
0x9f: {  	s4 =	ssub.s32 $0x0, s20;
	[sflag:s22] =	ssyncset.done $0x0  }
0xa0: {  	[sflag:s22] =	ssyncadd.s32 s4;
	_ =	sdelay $0x1  }
0xa1: {  	s23 =	simm.s32 $0x1B8B  }
0xa2: {  	_ =	swait.ge [sflag:s23], $0x1  }
0xa3: {  	[sflag:s23] =	ssyncset.done $0x0  }
0xa4: {  	s25 =	simm.s32 $0x1B8E;
	s24 =	sld [smem:$0x3FFE];
	[sflag:s23] =	ssyncadd.s32 $0xFFFFFFFF  }
0xa5: {  	s26 =	simm.s32 $execute0_lowered;
	[smem:$0x3FD2] =	sst s25  }
0xa6: {  	s5 =	sshll.u32 s26, $0x1;
	_ =	strace $0x8000004F;
	[dreg:$0x1] =	wrdreg $0xFFFFFFFF  }
0xa7: {  	s28 =	simm.s32 $_size_execute0_lowered;
	s3 =	sadd.s32 s3, s5;
	[dreg:$0x0] =	wrdreg $0x0  }
0xa8: {  	s5 =	sshll.u32 s28, $0x1;
	[dreg:$0x2] =	wrdreg s3  }
0xa9: {  	[dreg:$0x3] =	wrdreg s5  }
0xaa: {  	[dreg:$0x4] =	wrdreg $0xC0  }
0xab: {  	_ =	task [dreg:s7], $0x5FFFF  }
0xac: {  	[dreg:$0x1] =	wrdreg $0xFFFFFFFF  }
0xad: {  	[dreg:$0x0] =	wrdreg $0x60  }
0xae: {  	[dreg:$0x2] =	wrdreg s24  }
0xaf: {  	[dreg:$0x3] =	wrdreg s2  }
0xb0: {  	[dreg:$0x4] =	wrdreg $0x49400  }
0xb1: {  	[dreg:$0x5] =	wrdreg $0x9  }
0xb2: {  	_ =	task.clear_ibuf [dreg:s7], $0x6FFFF;
	_ =	strace $0x9000004F  }
0xb3: {  	s29 =	simm.s32 $0x9;
	_ =	strace $0x80000051  }
0xb4: {  	_ =	swait.ge [sflag:s29], $0x1  }
0xb5: {  	[sflag:s29] =	ssyncadd.s32 $0xFFFFFFFF  }
0xb6: {  	_ =	strace $0x90000051  }
0xb7: {  	_ =	sfence  }
0xb8: {  	s30 =	sld [smem:$0x0];
	_ =	sdelay $0x2  }
0xb9: {  	s31 =	sshll.u32 s1, $0xD;
	s1 =	sshrl.u32 s1, $0x2  }
0xba: {  	s3 =	sand.u32 $0x4000, s31;
	s1 =	sadd.s32 s1, s30  }
0xbb: {  	s0 =	sor.u32 s3, s0;
	s1 =	sshll.u32 s1, $0x11  }
0xbc: {  	s0 =	sor.u32 s1, s0  }
0xbd: {  	s0 =	sadd.s32 $0x8F2B, s0  }
0xbe: {  	[sflag:s0] =	ssyncadd.remote.s32 $0x1  }
0xbf: {  	_ =	sfence.sel $0xFFFF  }
0xc0: {  	[dreg:$0x0] =	wrdreg $0xFFFFFFFF;
	(pc) =	sbr.abs _section_cstart, $3  }
0xc1: {  	[dreg:$0x1] =	wrdreg $0xFFFFFFFF  }
0xc2: {  	_ =	task.clear_ibuf [dreg:s7], $0x2FFFF;
	_ =	strace $0x9FFFFFFF  }
0xc3: {  	(tm) =	ssettm $0x7FFFFFFF  }
tec
execute0_lowered:
.L_overlay_start_1:
0x0: {  	(tag) =	ssettag $0x1  }
0x1: {  	s0 =	rddreg [dreg:$0x0]  }
0x2: {  	s1 =	rddreg [dreg:$0x1]  }
0x3: {  	s2 =	rddreg [dreg:$0x2]  }
0x4: {  	s3 =	simm.s32 $0x0;
	s7 =	srdreg.scid;
	s4 =	stileid.u32  }
0x5: {  	s14 =	simm.s32 $0x4740;
	s15 =	simm.s32 $0x5;
	s16 =	simm.s32 $0xFA0  }
0x6: {  	s17 =	simm.s32 $0x50;
	s18 =	simm.s32 $0x1F40;
	s19 =	simm.s32 $0x3340  }
0x7: {  	s20 =	simm.s32 $0x1;
	s21 =	simm.s32 $0x3;
	s22 =	simm.s32 $0xA0  }
0x8: {  	s23 =	simm.s32 $0x2;
	s24 =	simm.s32 $0xFF0;
	s28 =	simm.s32 $0xF50  }
0x9: {  	s29 =	simm.s32 $0x1EF0;
	s30 =	simm.s32 $0x0;
	[smem:$0x7FF] =	sst s3  }
0xa: {  	s5 =	sadd.s32 $0x4C00, s0;
	s6 =	sadd.s32 $0xEA00, s0;
	s8 =	sand.u32 $0x1, s7  }
0xb: {  	s9 =	smul.u32 $0x28000, s4;
	s7 =	sadd.s32 $0x67A00, s0;
	s10 =	sadd.s32 $0xDF400, s0  }
0xc: {  	s13 =	smul.u32 $0xA000, s4;
	s0 =	sadd.s32 $0xCB400, s0;
	_ =	strace $0x80000050  }
.Ltmp0:
0xd: {  	[dreg:$0x4] =	wrdreg s10;
	s25 =	ssub.s32 $0x2, s8;
	(pc) =	sbr.rel .LBB2_1-.Ltmp0, $4  }
0xe: {  	[dreg:$0x5] =	wrdreg s0;
	p0 =	seq.s32 s8, $0x1;
	s11 =	sshrl.u32 s25, $0x1  }
0xf: {  	s12 =	sshrl.u32 s9, $0x2;
	s31 =	sadd.s32 s13, s2;
	s26 =	ssub.s32 s25, s11  }
0x10: {  	s10 =	sadd.s32 s12, s2;
	s11 =	smul.u32 $0x4E20, s4;
	s12 =	sshrl.u32 s13, $0x3  }
0x11: {  	v0 =	vimm.f32 $0.0e+00;
	s25 =	sshrl.u32 s31, $0x3;
	s13 =	smax.u32 s26, $0x1;
	s26 =	simm.s32 $0x4  }
.LBB2_12:
0x12: {  	s30 =	sadd.s32 $0x1, s30  }
0x13: {  	s8 =	sshll.u32 s4, $0x6;
	s0 =	sadd.s32 s0, s12;
	p1 =	sne.s32 s30, s13  }
.Ltmp1:
0x14: {  	[bflag:$0x0] =	sbarrier.arrive $0xFFFF;
	s8 =	sor.u32 $0x1C05, s8;
	(pc) =	sbr.rel @!p1 .LBB2_13-.Ltmp1, $4  }
0x15: {  	[hbm:s0], [sflag:s8] =	dma.local [spmem:s25], $0x1400  }
0x16: {  	_ =	swait.ge [sflag:s15], $0x1400  }
0x17: {  	[sflag:s15] =	ssyncset.done $0x0  }
0x18: {  	[sflag:s15] =	ssyncadd.s32 $0xFFFFEC00  }
.LBB2_1:
0x19: {  	[tilespmem:$0x4740] =	vst v0  }
0x1a: {  	[tilespmem:$0x4750] =	vst v0  }
0x1b: {  	[tilespmem:$0x4760] =	vst v0  }
0x1c: {  	[tilespmem:$0x4770] =	vst v0  }
0x1d: {  	[tilespmem:$0x4780] =	vst v0  }
0x1e: {  	[tilespmem:$0x4790] =	vst v0  }
0x1f: {  	[tilespmem:$0x47A0] =	vst v0  }
0x20: {  	[tilespmem:$0x47B0] =	vst v0  }
0x21: {  	[tilespmem:$0x47C0] =	vst v0  }
0x22: {  	[tilespmem:$0x47D0] =	vst v0  }
0x23: {  	[tilespmem:$0x47E0] =	vst v0  }
0x24: {  	[tilespmem:$0x47F0] =	vst v0  }
0x25: {  	[tilespmem:$0x4800] =	vst v0  }
0x26: {  	[tilespmem:$0x4810] =	vst v0  }
0x27: {  	[tilespmem:$0x4820] =	vst v0  }
0x28: {  	[tilespmem:$0x4830] =	vst v0  }
0x29: {  	[tilespmem:$0x4840] =	vst v0  }
0x2a: {  	[tilespmem:$0x4850] =	vst v0  }
0x2b: {  	[tilespmem:$0x4860] =	vst v0  }
0x2c: {  	[tilespmem:$0x4870] =	vst v0  }
0x2d: {  	[tilespmem:$0x4880] =	vst v0  }
0x2e: {  	[tilespmem:$0x4890] =	vst v0  }
0x2f: {  	[tilespmem:$0x48A0] =	vst v0  }
0x30: {  	[tilespmem:$0x48B0] =	vst v0  }
0x31: {  	[tilespmem:$0x48C0] =	vst v0  }
0x32: {  	[tilespmem:$0x48D0] =	vst v0  }
0x33: {  	[tilespmem:$0x48E0] =	vst v0  }
0x34: {  	[tilespmem:$0x48F0] =	vst v0  }
0x35: {  	[tilespmem:$0x4900] =	vst v0  }
0x36: {  	[tilespmem:$0x4910] =	vst v0  }
0x37: {  	[tilespmem:$0x4920] =	vst v0  }
0x38: {  	[tilespmem:$0x4930] =	vst v0;
	s0 =	sadd.s32 $0x0, s10  }
0x39: {  	[spmem:s0] =	stream.linear.scatter [tilespmem:s14], [sflag:$0x5], $0x200, $0x38;
	[tilespmem:$0xE940] =	vst v63  }
0x3a: {  	s0 =	simm.s32 $0x800;
	_ =	swait.ge [sflag:s15], $0x200  }
.LBB2_2:
0x3b: {  	s8 =	sshra.s32 s0, $0x2;
	[sflag:s15] =	ssyncset.done $0x0;
	p1 =	sne.s32 s0, $0x27800  }
.Ltmp2:
0x3c: {  	s8 =	sadd.s32 s8, s10;
	[sflag:s15] =	ssyncadd.s32 $0xFFFFFE00;
	(pc) =	sbr.rel @p1 .LBB2_2-.Ltmp2, $3  }
0x3d: {  	[spmem:s8] =	stream.linear.scatter [tilespmem:s14], [sflag:$0x5], $0x200, $0x38;
	[tilespmem:$0xE940] =	vst v63  }
0x3e: {  	s0 =	sadd.s32 $0x800, s0;
	_ =	sdelay $0x1  }
0x3f: {  	_ =	swait.ge [sflag:s15], $0x200  }
.Ltmp3:
0x40: {  	(pc) =	sbr.rel @!p0 .LBB2_4-.Ltmp3, $4  }
0x41: {  	[sflag:s15] =	ssyncset.done $0x0  }
0x42: {  	[sflag:s15] =	ssyncadd.s32 $0xFFFFFE00  }
0x43: {  	[bflag:$0x0] =	sbarrier.arrive $0xFFFF  }
0x44: {  	s31 =	simm.s32 $0x0  }
.LBB2_8:
0x45: {  	s0 =	smul.u32 $0xFA0, s31;
	_ =	sdelay $0x1  }
0x46: {  	s0 =	sadd.s32 s11, s0  }
0x47: {  	s0 =	sshrl.u32 s0, $0x3  }
0x48: {  	s8 =	sadd.s32 s5, s0  }
0x49: {  	[tilespmem:s3], [sflag:$0x5] =	stream.linear.gather [hbm4b:s8+s3], $0xFA0, $0x38;
	[tilespmem:$0xE940] =	vst v63  }
0x4a: {  	_ =	swait.ge [sflag:s15], $0xFA0  }
0x4b: {  	[sflag:s15] =	ssyncset.done $0x0  }
0x4c: {  	s0 =	sadd.s32 s6, s0;
	[sflag:s15] =	ssyncadd.s32 $0xFFFFF060  }
0x4d: {  	[tilespmem:s16], [sflag:$0x5] =	stream.linear.gather [hbm4b:s0+s3], $0xFA0, $0x38;
	[tilespmem:$0xE940] =	vst v63  }
0x4e: {  	_ =	swait.ge [sflag:s15], $0xFA0  }
0x4f: {  	[sflag:s15] =	ssyncset.done $0x0  }
0x50: {  	[sflag:s15] =	ssyncadd.s32 $0xFFFFF060  }
0x51: {  	[tilespmem:s18], [sflag:$0x1] =	stream.indirect.gather [hbm4b:s7+s17], $0x40, s3, s17, $0xb8;
	[tilespmem:$0xE940] =	vst v63  }
0x52: {  	_ = 	snop  }
0x53: {  	[tilespmem:s19], [sflag:$0x2] =	stream.indirect.gather [hbm4b:s7+s17], $0x40, s17, s17, $0xb8;
	[tilespmem:$0xE940] =	vst v63  }
0x54: {  	_ =	swait.ge [sflag:s20], $0x1400  }
0x55: {  	[sflag:s20] =	ssyncset.done $0x0  }
0x56: {  	[sflag:s20] =	ssyncadd.s32 $0xFFFFEC00  }
0x57: {  	[spmem:s2] =	stream.indirect.scatter.add.f32 [tilespmem:s18], [sflag:$0x3], $0x40, s16, s17, $0xb8;
	[tilespmem:$0xE940] =	vst v63  }
0x58: {  	_ =	swait.ge [sflag:s21], $0x1400  }
0x59: {  	[sflag:s21] =	ssyncset.done $0x0  }
0x5a: {  	[sflag:s21] =	ssyncadd.s32 $0xFFFFEC00  }
0x5b: {  	[tilespmem:s18], [sflag:$0x1] =	stream.indirect.gather [hbm4b:s7+s17], $0x40, s22, s17, $0xb8;
	[tilespmem:$0xE940] =	vst v63  }
0x5c: {  	_ =	swait.ge [sflag:s23], $0x1400  }
0x5d: {  	[sflag:s23] =	ssyncset.done $0x0  }
0x5e: {  	[sflag:s23] =	ssyncadd.s32 $0xFFFFEC00  }
0x5f: {  	[spmem:s2] =	stream.indirect.scatter.add.f32 [tilespmem:s19], [sflag:$0x4], $0x40, s24, s17, $0xb8;
	[tilespmem:$0xE940] =	vst v63  }
0x60: {  	_ =	swait.ge [sflag:s26], $0x1400  }
0x61: {  	[sflag:s26] =	ssyncset.done $0x0  }
0x62: {  	s9 =	simm.s32 $0xF0;
	[sflag:s26] =	ssyncadd.s32 $0xFFFFEC00  }
0x63: {  	[tilespmem:s19], [sflag:$0x2] =	stream.indirect.gather [hbm4b:s7+s17], $0x40, s9, s17, $0xb8;
	[tilespmem:$0xE940] =	vst v63  }
0x64: {  	_ =	swait.ge [sflag:s20], $0x1400  }
0x65: {  	[sflag:s20] =	ssyncset.done $0x0  }
0x66: {  	s8 =	simm.s32 $0x1040;
	[sflag:s20] =	ssyncadd.s32 $0xFFFFEC00  }
0x67: {  	[spmem:s2] =	stream.indirect.scatter.add.f32 [tilespmem:s18], [sflag:$0x3], $0x40, s8, s17, $0xb8;
	[tilespmem:$0xE940] =	vst v63  }
0x68: {  	_ =	swait.ge [sflag:s21], $0x1400  }
0x69: {  	[sflag:s21] =	ssyncset.done $0x0  }
0x6a: {  	s9 =	simm.s32 $0x140;
	[sflag:s21] =	ssyncadd.s32 $0xFFFFEC00  }
0x6b: {  	[tilespmem:s18], [sflag:$0x1] =	stream.indirect.gather [hbm4b:s7+s17], $0x40, s9, s17, $0xb8;
	[tilespmem:$0xE940] =	vst v63  }
0x6c: {  	_ =	swait.ge [sflag:s23], $0x1400  }
0x6d: {  	[sflag:s23] =	ssyncset.done $0x0  }
0x6e: {  	s0 =	simm.s32 $0xFFFFC900;
	s8 =	simm.s32 $0x1090;
	[sflag:s23] =	ssyncadd.s32 $0xFFFFEC00  }
.LBB2_9:
0x6f: {  	[spmem:s2] =	stream.indirect.scatter.add.f32 [tilespmem:s19], [sflag:$0x4], $0x40, s8, s17, $0xb8;
	[tilespmem:$0xE940] =	vst v63  }
0x70: {  	s8 =	smov.u32 s0;
	s0 =	sadd.s32 $0x280, s0;
	_ =	swait.ge [sflag:s26], $0x1400  }
0x71: {  	s8 =	sshra.s32 s8, $0x2;
	p1 =	sne.s32 s0, $0x0;
	[sflag:s26] =	ssyncset.done $0x0  }
0x72: {  	s9 =	sadd.s32 $0xF50, s8;
	[sflag:s26] =	ssyncadd.s32 $0xFFFFEC00  }
0x73: {  	[tilespmem:s19], [sflag:$0x2] =	stream.indirect.gather [hbm4b:s7+s17], $0x40, s9, s17, $0xb8;
	[tilespmem:$0xE940] =	vst v63  }
0x74: {  	_ =	swait.ge [sflag:s20], $0x1400  }
0x75: {  	[sflag:s20] =	ssyncset.done $0x0  }
0x76: {  	s9 =	sadd.s32 $0x1EA0, s8;
	[sflag:s20] =	ssyncadd.s32 $0xFFFFEC00  }
0x77: {  	[spmem:s2] =	stream.indirect.scatter.add.f32 [tilespmem:s18], [sflag:$0x3], $0x40, s9, s17, $0xb8;
	[tilespmem:$0xE940] =	vst v63  }
0x78: {  	_ =	swait.ge [sflag:s21], $0x1400  }
0x79: {  	[sflag:s21] =	ssyncset.done $0x0  }
.Ltmp4:
0x7a: {  	s9 =	sadd.s32 $0xFA0, s8;
	[sflag:s21] =	ssyncadd.s32 $0xFFFFEC00;
	(pc) =	sbr.rel @p1 .LBB2_9-.Ltmp4, $4  }
0x7b: {  	[tilespmem:s18], [sflag:$0x1] =	stream.indirect.gather [hbm4b:s7+s17], $0x40, s9, s17, $0xb8;
	[tilespmem:$0xE940] =	vst v63  }
0x7c: {  	_ =	swait.ge [sflag:s23], $0x1400  }
0x7d: {  	[sflag:s23] =	ssyncset.done $0x0  }
0x7e: {  	s8 =	sadd.s32 $0x1EF0, s8;
	[sflag:s23] =	ssyncadd.s32 $0xFFFFEC00  }
0x7f: {  	[spmem:s2] =	stream.indirect.scatter.add.f32 [tilespmem:s19], [sflag:$0x4], $0x40, s8, s17, $0xb8;
	[tilespmem:$0xE940] =	vst v63  }
0x80: {  	_ =	swait.ge [sflag:s26], $0x1400  }
0x81: {  	[sflag:s26] =	ssyncset.done $0x0  }
0x82: {  	[sflag:s26] =	ssyncadd.s32 $0xFFFFEC00  }
0x83: {  	[tilespmem:s19], [sflag:$0x2] =	stream.indirect.gather [hbm4b:s7+s17], $0x40, s28, s17, $0xb8;
	[tilespmem:$0xE940] =	vst v63  }
0x84: {  	_ =	swait.ge [sflag:s20], $0x1400  }
0x85: {  	s0 =	sshra.s32 s0, $0x2;
	[sflag:s20] =	ssyncset.done $0x0  }
0x86: {  	s0 =	sadd.s32 $0x1EA0, s0;
	[sflag:s20] =	ssyncadd.s32 $0xFFFFEC00  }
0x87: {  	[spmem:s2] =	stream.indirect.scatter.add.f32 [tilespmem:s18], [sflag:$0x3], $0x40, s0, s17, $0xb8;
	[tilespmem:$0xE940] =	vst v63  }
0x88: {  	_ =	swait.ge [sflag:s23], $0x1400  }
0x89: {  	[sflag:s23] =	ssyncset.done $0x0  }
0x8a: {  	s31 =	sadd.s32 $0x1, s31;
	[sflag:s23] =	ssyncadd.s32 $0xFFFFEC00  }
0x8b: {  	[spmem:s2] =	stream.indirect.scatter.add.f32 [tilespmem:s19], [sflag:$0x4], $0x40, s29, s17, $0xb8;
	[tilespmem:$0xE940] =	vst v63  }
0x8c: {  	p1 =	sne.s32 s31, $0x5;
	_ =	swait.ge [sflag:s21], $0x1400  }
.Ltmp5:
0x8d: {  	[sflag:s21] =	ssyncset.done $0x0;
	(pc) =	sbr.rel @p1 .LBB2_8-.Ltmp5, $4  }
0x8e: {  	[sflag:s21] =	ssyncadd.s32 $0xFFFFEC00  }
0x8f: {  	_ =	swait.ge [sflag:s26], $0x1400  }
0x90: {  	[sflag:s26] =	ssyncset.done $0x0  }
0x91: {  	[sflag:s26] =	ssyncadd.s32 $0xFFFFEC00  }
.Ltmp6:
0x92: {  	(pc) =	sbr.rel .LBB2_12-.Ltmp6, $2  }
0x93: {  	_ =	sdelay $0x2  }
0x94: {  	s0 =	rddreg [dreg:$0x5]  }
.LBB2_4:
0x95: {  	s0 =	smul.u32 $0xFA0, s31;
	_ =	sdelay $0x1  }
0x96: {  	s0 =	sadd.s32 s11, s0  }
0x97: {  	s0 =	sshrl.u32 s0, $0x3  }
0x98: {  	s8 =	sadd.s32 s5, s0  }
0x99: {  	[tilespmem:s3], [sflag:$0x5] =	stream.linear.gather [hbm4b:s8+s3], $0xFA0, $0x38;
	[tilespmem:$0xE940] =	vst v63  }
0x9a: {  	_ =	swait.ge [sflag:s15], $0xFA0  }
0x9b: {  	[sflag:s15] =	ssyncset.done $0x0  }
0x9c: {  	s0 =	sadd.s32 s6, s0;
	[sflag:s15] =	ssyncadd.s32 $0xFFFFF060  }
0x9d: {  	[tilespmem:s16], [sflag:$0x5] =	stream.linear.gather [hbm4b:s0+s3], $0xFA0, $0x38;
	[tilespmem:$0xE940] =	vst v63  }
0x9e: {  	_ =	swait.ge [sflag:s15], $0xFA0  }
0x9f: {  	[sflag:s15] =	ssyncset.done $0x0  }
0xa0: {  	[sflag:s15] =	ssyncadd.s32 $0xFFFFF060  }
0xa1: {  	[tilespmem:s18], [sflag:$0x1] =	stream.indirect.gather [hbm4b:s1+s17], $0x40, s3, s17, $0xb8;
	[tilespmem:$0xE940] =	vst v63  }
0xa2: {  	_ = 	snop  }
0xa3: {  	[tilespmem:s19], [sflag:$0x2] =	stream.indirect.gather [hbm4b:s1+s17], $0x40, s17, s17, $0xb8;
	[tilespmem:$0xE940] =	vst v63  }
0xa4: {  	_ =	swait.ge [sflag:s20], $0x1400  }
0xa5: {  	[sflag:s20] =	ssyncset.done $0x0  }
0xa6: {  	[sflag:s20] =	ssyncadd.s32 $0xFFFFEC00  }
0xa7: {  	[spmem:s2] =	stream.indirect.scatter.add.f32 [tilespmem:s18], [sflag:$0x3], $0x40, s16, s17, $0xb8;
	[tilespmem:$0xE940] =	vst v63  }
0xa8: {  	_ =	swait.ge [sflag:s21], $0x1400  }
0xa9: {  	[sflag:s21] =	ssyncset.done $0x0  }
0xaa: {  	[sflag:s21] =	ssyncadd.s32 $0xFFFFEC00  }
0xab: {  	[tilespmem:s18], [sflag:$0x1] =	stream.indirect.gather [hbm4b:s1+s17], $0x40, s22, s17, $0xb8;
	[tilespmem:$0xE940] =	vst v63  }
0xac: {  	_ =	swait.ge [sflag:s23], $0x1400  }
0xad: {  	[sflag:s23] =	ssyncset.done $0x0  }
0xae: {  	[sflag:s23] =	ssyncadd.s32 $0xFFFFEC00  }
0xaf: {  	[spmem:s2] =	stream.indirect.scatter.add.f32 [tilespmem:s19], [sflag:$0x4], $0x40, s24, s17, $0xb8;
	[tilespmem:$0xE940] =	vst v63  }
0xb0: {  	_ =	swait.ge [sflag:s26], $0x1400  }
0xb1: {  	[sflag:s26] =	ssyncset.done $0x0  }
0xb2: {  	s9 =	simm.s32 $0xF0;
	[sflag:s26] =	ssyncadd.s32 $0xFFFFEC00  }
0xb3: {  	[tilespmem:s19], [sflag:$0x2] =	stream.indirect.gather [hbm4b:s1+s17], $0x40, s9, s17, $0xb8;
	[tilespmem:$0xE940] =	vst v63  }
0xb4: {  	_ =	swait.ge [sflag:s20], $0x1400  }
0xb5: {  	[sflag:s20] =	ssyncset.done $0x0  }
0xb6: {  	s8 =	simm.s32 $0x1040;
	[sflag:s20] =	ssyncadd.s32 $0xFFFFEC00  }
0xb7: {  	[spmem:s2] =	stream.indirect.scatter.add.f32 [tilespmem:s18], [sflag:$0x3], $0x40, s8, s17, $0xb8;
	[tilespmem:$0xE940] =	vst v63  }
0xb8: {  	_ =	swait.ge [sflag:s21], $0x1400  }
0xb9: {  	[sflag:s21] =	ssyncset.done $0x0  }
0xba: {  	s9 =	simm.s32 $0x140;
	[sflag:s21] =	ssyncadd.s32 $0xFFFFEC00  }
0xbb: {  	[tilespmem:s18], [sflag:$0x1] =	stream.indirect.gather [hbm4b:s1+s17], $0x40, s9, s17, $0xb8;
	[tilespmem:$0xE940] =	vst v63  }
0xbc: {  	_ =	swait.ge [sflag:s23], $0x1400  }
0xbd: {  	[sflag:s23] =	ssyncset.done $0x0  }
0xbe: {  	s0 =	simm.s32 $0xFFFFC900;
	s8 =	simm.s32 $0x1090;
	[sflag:s23] =	ssyncadd.s32 $0xFFFFEC00  }
.LBB2_5:
0xbf: {  	[spmem:s2] =	stream.indirect.scatter.add.f32 [tilespmem:s19], [sflag:$0x4], $0x40, s8, s17, $0xb8;
	[tilespmem:$0xE940] =	vst v63  }
0xc0: {  	s8 =	smov.u32 s0;
	s0 =	sadd.s32 $0x280, s0;
	_ =	swait.ge [sflag:s26], $0x1400  }
0xc1: {  	s8 =	sshra.s32 s8, $0x2;
	p1 =	sne.s32 s0, $0x0;
	[sflag:s26] =	ssyncset.done $0x0  }
0xc2: {  	s9 =	sadd.s32 $0xF50, s8;
	[sflag:s26] =	ssyncadd.s32 $0xFFFFEC00  }
0xc3: {  	[tilespmem:s19], [sflag:$0x2] =	stream.indirect.gather [hbm4b:s1+s17], $0x40, s9, s17, $0xb8;
	[tilespmem:$0xE940] =	vst v63  }
0xc4: {  	_ =	swait.ge [sflag:s20], $0x1400  }
0xc5: {  	[sflag:s20] =	ssyncset.done $0x0  }
0xc6: {  	s9 =	sadd.s32 $0x1EA0, s8;
	[sflag:s20] =	ssyncadd.s32 $0xFFFFEC00  }
0xc7: {  	[spmem:s2] =	stream.indirect.scatter.add.f32 [tilespmem:s18], [sflag:$0x3], $0x40, s9, s17, $0xb8;
	[tilespmem:$0xE940] =	vst v63  }
0xc8: {  	_ =	swait.ge [sflag:s21], $0x1400  }
0xc9: {  	[sflag:s21] =	ssyncset.done $0x0  }
.Ltmp7:
0xca: {  	s9 =	sadd.s32 $0xFA0, s8;
	[sflag:s21] =	ssyncadd.s32 $0xFFFFEC00;
	(pc) =	sbr.rel @p1 .LBB2_5-.Ltmp7, $4  }
0xcb: {  	[tilespmem:s18], [sflag:$0x1] =	stream.indirect.gather [hbm4b:s1+s17], $0x40, s9, s17, $0xb8;
	[tilespmem:$0xE940] =	vst v63  }
0xcc: {  	_ =	swait.ge [sflag:s23], $0x1400  }
0xcd: {  	[sflag:s23] =	ssyncset.done $0x0  }
0xce: {  	s8 =	sadd.s32 $0x1EF0, s8;
	[sflag:s23] =	ssyncadd.s32 $0xFFFFEC00  }
0xcf: {  	[spmem:s2] =	stream.indirect.scatter.add.f32 [tilespmem:s19], [sflag:$0x4], $0x40, s8, s17, $0xb8;
	[tilespmem:$0xE940] =	vst v63  }
0xd0: {  	_ =	swait.ge [sflag:s26], $0x1400  }
0xd1: {  	[sflag:s26] =	ssyncset.done $0x0  }
0xd2: {  	[sflag:s26] =	ssyncadd.s32 $0xFFFFEC00  }
0xd3: {  	[tilespmem:s19], [sflag:$0x2] =	stream.indirect.gather [hbm4b:s1+s17], $0x40, s28, s17, $0xb8;
	[tilespmem:$0xE940] =	vst v63  }
0xd4: {  	_ =	swait.ge [sflag:s20], $0x1400  }
0xd5: {  	s0 =	sshra.s32 s0, $0x2;
	[sflag:s20] =	ssyncset.done $0x0  }
0xd6: {  	s0 =	sadd.s32 $0x1EA0, s0;
	[sflag:s20] =	ssyncadd.s32 $0xFFFFEC00  }
0xd7: {  	[spmem:s2] =	stream.indirect.scatter.add.f32 [tilespmem:s18], [sflag:$0x3], $0x40, s0, s17, $0xb8;
	[tilespmem:$0xE940] =	vst v63  }
0xd8: {  	_ =	swait.ge [sflag:s23], $0x1400  }
0xd9: {  	[sflag:s23] =	ssyncset.done $0x0  }
0xda: {  	s31 =	sadd.s32 $0x1, s31;
	[sflag:s23] =	ssyncadd.s32 $0xFFFFEC00  }
0xdb: {  	[spmem:s2] =	stream.indirect.scatter.add.f32 [tilespmem:s19], [sflag:$0x4], $0x40, s29, s17, $0xb8;
	[tilespmem:$0xE940] =	vst v63  }
0xdc: {  	p1 =	seq.s32 s31, $0x5;
	_ =	swait.ge [sflag:s21], $0x1400  }
.Ltmp8:
0xdd: {  	[sflag:s21] =	ssyncset.done $0x0;
	(pc) =	sbr.rel @!p1 .LBB2_4-.Ltmp8, $4  }
0xde: {  	[sflag:s21] =	ssyncadd.s32 $0xFFFFEC00  }
0xdf: {  	_ =	swait.ge [sflag:s26], $0x1400  }
0xe0: {  	[sflag:s26] =	ssyncset.done $0x0  }
0xe1: {  	[sflag:s26] =	ssyncadd.s32 $0xFFFFEC00  }
.Ltmp9:
0xe2: {  	(pc) =	sbr.rel .LBB2_12-.Ltmp9, $2  }
0xe3: {  	_ =	sdelay $0x2  }
0xe4: {  	s0 =	rddreg [dreg:$0x4]  }
.LBB2_13:
0xe5: {  	_ =	sfence.sel $0x180000  }
0xe6: {  	[bflag:$0x0] =	sbarrier.arrive $0xFFFF  }
0xe7: {  	_ =	strace $0x90000050  }
0xe8: {  	[bflag:$0x2] =	sbarrier.arrive $0xFFFF  }
0xe9: {  	p0 =	sne.s32 s4, $0x0;
	s0 =	rddreg [dreg:$0x3]  }
0xea: {  	s0 =	sadd.s32 @!p0 $0x100000, s0  }
0xeb: {  	[sflag:s0] =	ssyncadd.tile.s32 @!p0 $0x1;
	_ =	shalt  }
.Lfunc_end2:
_tile_overlayer_lowered:
.L_overlay_start_2:
0xec: {  	(tag) =	ssettag $0x2  }
0xed: {  	s0 =	rddreg [dreg:$0x0];
	s2 =	stileid.u32  }
0xee: {  	s1 =	rddreg [dreg:$0x1];
	p0 =	sne.s32 s2, $0x0  }
0xef: {  	s3 =	rddreg [dreg:$0x2];
	[bflag:$0x3] =	sbarrier.arrive $0xFFFF;
	s2 =	simm.s32 @!p0 $0x1C05  }
0xf0: {  	[timem:s3], [sflag:s2] =	dma.local @!p0 [hbm:s0], s1  }
0xf1: {  	s0 =	simm.s32 @!p0 $0x5  }
0xf2: {  	_ =	swait.ge @!p0 [sflag:s0], s1  }
0xf3: {  	s1 =	ssub.s32 @!p0 $0x0, s1;
	[sflag:s0] =	ssyncset.done @!p0 $0x0  }
0xf4: {  	[sflag:s0] =	ssyncadd.s32 @!p0 s1  }
0xf5: {  	[bflag:$0x3] =	sbarrier.arrive $0xFFFF  }
0xf6: {  	_ =	shalt  }

</sc_bundles>
